<compile_context>
chip_gen: v7x
topology: tpu7x:2x2x1
jax: 0.10.2.dev20260603
libtpu: 0.0.44.dev20260713+nightly
codegen_flags: <defaults>
</compile_context>

<pallas_src>
import jax
import jax.numpy as jnp
from jax import lax
from jax.experimental import pallas as pl
from jax.experimental.pallas import tpu as pltpu
from jax.experimental.pallas import tpu_sc as plsc

_BATCH = 16384
_EMB = 64
_L = 16
_NC = 2
_NS = 16
_NW = _NC * _NS
_N_PER = _BATCH // _NW


def _sc_body(u_hbm, v_hbm, table_hbm, out_hbm,
             uidx_v, vidx_v, ublk, vblk, out_v, sem_u, sem_v):
    wid = lax.axis_index("s") * _NC + lax.axis_index("c")
    base = wid * _N_PER

    pltpu.sync_copy(u_hbm.at[pl.ds(base, _N_PER)], uidx_v)
    pltpu.sync_copy(v_hbm.at[pl.ds(base, _N_PER)], vidx_v)

    lane = lax.iota(jnp.int32, _L)

    def fire(g, b):
        sl = pl.ds(g * _L, _L)
        ubase = jnp.bitwise_and(uidx_v[sl], ~7)
        vbase = jnp.bitwise_and(vidx_v[sl], ~7)
        for k in range(_L):
            ub = pl.multiple_of(ubase[k], 8)
            vb = pl.multiple_of(vbase[k], 8)
            pltpu.async_copy(table_hbm.at[pl.ds(ub, 8), :],
                             ublk.at[b, k], sem_u.at[b])
            pltpu.async_copy(table_hbm.at[pl.ds(vb, 8), :],
                             vblk.at[b, k], sem_v.at[b])

    def drain(b):
        for k in range(_L):
            pltpu.make_async_copy(table_hbm.at[pl.ds(0, 8), :],
                                  ublk.at[b, k], sem_u.at[b]).wait()
            pltpu.make_async_copy(table_hbm.at[pl.ds(0, 8), :],
                                  vblk.at[b, k], sem_v.at[b]).wait()

    def compute(g, b):
        sl = pl.ds(g * _L, _L)
        uoff = jnp.bitwise_and(uidx_v[sl], 7)
        voff = jnp.bitwise_and(vidx_v[sl], 7)
        acc = jnp.zeros((_L,), jnp.float32)
        for j in range(_EMB):
            jc = jnp.full((_L,), j, jnp.int32)
            uu = plsc.load_gather(ublk.at[b], [lane, uoff, jc])
            vv = plsc.load_gather(vblk.at[b], [lane, voff, jc])
            acc = acc + uu * vv
        out_v[sl] = 1.0 / (1.0 + jnp.exp(-acc))

    ngroups = _N_PER // _L
    fire(jnp.int32(0), jnp.int32(0))
    fire(jnp.int32(1), jnp.int32(1))

    def gbody(g, carry):
        b = lax.rem(g, 3)

        @pl.when(g + 2 < ngroups)
        def _():
            fire(g + 2, lax.rem(g + 2, 3))

        drain(b)
        compute(g, b)
        return carry

    lax.fori_loop(0, ngroups, gbody, 0)

    pltpu.sync_copy(out_v, out_hbm.at[pl.ds(base, _N_PER)])


@jax.jit
def _dist_mult(u, v, emb_weight):
    mesh = plsc.VectorSubcoreMesh(
        core_axis_name="c", subcore_axis_name="s",
        num_cores=_NC, num_subcores=_NS)
    run = pl.kernel(
        _sc_body,
        out_type=jax.ShapeDtypeStruct((_BATCH,), jnp.float32),
        mesh=mesh,
        scratch_types=[
            pltpu.VMEM((_N_PER,), jnp.int32),
            pltpu.VMEM((_N_PER,), jnp.int32),
            pltpu.VMEM((3, _L, 8, _EMB), jnp.float32),
            pltpu.VMEM((3, _L, 8, _EMB), jnp.float32),
            pltpu.VMEM((_N_PER,), jnp.float32),
            pltpu.SemaphoreType.DMA((3,)),
            pltpu.SemaphoreType.DMA((3,)),
        ],
        compiler_params=pltpu.CompilerParams(
            needs_layout_passes=False, use_tc_tiling_on_sc=True),
    )
    return run(u, v, emb_weight)


def kernel(u, v, emb_weight):
    return _dist_mult(u.astype(jnp.int32), v.astype(jnp.int32), emb_weight)

# --- scband reference (transcript-rebuilt; emitter-appended) ---
"""Pipeline reference for scband-dist-mult-model-17119739642387 (READ-ONLY COPY).

The authoritative reference and input builder live on the scoring server;
editing this copy changes nothing except your own understanding.
"""

import jax, jax.numpy as jnp
import numpy as np


def setup_inputs(seed: int = 0) -> dict:
    key = jax.random.key(seed)
    k1, k2, k3 = jax.random.split(key, 3)
    n_entities = 1000000
    emb_dim = 64
    batch = 16384
    u = jax.random.randint(k1, (batch,), 0, n_entities, dtype=jnp.int64 if jax.config.jax_enable_x64 else jnp.int32)
    v = jax.random.randint(k2, (batch,), 0, n_entities, dtype=jnp.int64 if jax.config.jax_enable_x64 else jnp.int32)
    # xavier_uniform for embedding weight [n_entities, emb_dim]
    limit = float(np.sqrt(6.0 / (n_entities + emb_dim)))
    emb_weight = jax.random.uniform(k3, (n_entities, emb_dim), dtype=jnp.float32, minval=-limit, maxval=limit)
    return {"u": u, "v": v, "emb_weight": emb_weight}


def reference(u, v, emb_weight):
    e_u = jnp.take(emb_weight, u, axis=0)
    e_v = jnp.take(emb_weight, v, axis=0)
    score = jnp.sum(e_u * e_v, axis=-1)
    return jax.nn.sigmoid(score)

if __name__ == "__main__":
    import jax
    _d = setup_inputs()
    print(jax.jit(kernel)(*tuple(_d.values())))

</pallas_src>

<mosaic_0001>
#map = affine_map<(d0, d1) -> (0)>
#map1 = affine_map<(d0, d1) -> (0, 0)>
module attributes {stable_mosaic.version = 14 : i64} {
  func.func @_sc_body(%arg0: i32, %arg1: i32, %arg2: memref<16384xi32, #tpu.memory_space<hbm>>, %arg3: memref<16384xi32, #tpu.memory_space<hbm>>, %arg4: memref<1000000x64xf32, #tpu.memory_space<hbm>>, %arg5: memref<16384xf32, #tpu.memory_space<hbm>>, %arg6: memref<512xi32, #tpu.memory_space<vmem>>, %arg7: memref<512xi32, #tpu.memory_space<vmem>>, %arg8: memref<3x16x8x64xf32, #tpu.memory_space<vmem>>, %arg9: memref<3x16x8x64xf32, #tpu.memory_space<vmem>>, %arg10: memref<512xf32, #tpu.memory_space<vmem>>, %arg11: memref<3x!tpu.dma_semaphore, #tpu.memory_space<semaphore_mem>>, %arg12: memref<3x!tpu.dma_semaphore, #tpu.memory_space<semaphore_mem>>) attributes {dimension_semantics = [#tpu.dimension_semantics<core_parallel>, #tpu.dimension_semantics<subcore_parallel>], iteration_bounds = array<i64: 2, 16>, scalar_prefetch = 0 : i64, scratch_operands = 7 : i64, tpu.core_type = #tpu.core_type<sc_vector_subcore>, window_params = [{transform_indices = #map}, {transform_indices = #map}, {transform_indices = #map1}, {transform_indices = #map}]} {
    %mul3A = arith.constant 2 : i32
    %mul3A_0 = arith.muli %arg1, %mul3A : i32
    %add3A = arith.addi %mul3A_0, %arg0 : i32
    %mul3A_1 = arith.constant 512 : i32
    %mul3A_2 = arith.muli %add3A, %mul3A_1 : i32
    "tpu.region"() ({
      %run_scoped3A = tpu.sem_alloc : memref<!tpu.dma_semaphore, #tpu.memory_space<semaphore_mem>>
      %dma_start3A_1308 = tpu.memref_slice %arg2[%mul3A_2] : memref<16384xi32, #tpu.memory_space<hbm>> -> memref<512xi32, #tpu.memory_space<hbm>>
      %dma_start3A_1309 = tpu.memref_slice %arg2[%mul3A_2] : memref<16384xi32, #tpu.memory_space<hbm>> -> memref<512xi32, #tpu.memory_space<hbm>>
      tpu.enqueue_dma source(%dma_start3A_1309 : memref<512xi32, #tpu.memory_space<hbm>>) target(%arg6 : memref<512xi32, #tpu.memory_space<vmem>>) target_semaphore(%run_scoped3A : memref<!tpu.dma_semaphore, #tpu.memory_space<semaphore_mem>>)
      %dma_wait3A = tpu.memref_slice %arg2[%mul3A_2] : memref<16384xi32, #tpu.memory_space<hbm>> -> memref<512xi32, #tpu.memory_space<hbm>>
      %dma_wait3A_1310 = tpu.memref_slice %arg2[%mul3A_2] : memref<16384xi32, #tpu.memory_space<hbm>> -> memref<512xi32, #tpu.memory_space<hbm>>
      tpu.wait_dma2 semaphore(%run_scoped3A : memref<!tpu.dma_semaphore, #tpu.memory_space<semaphore_mem>>) src(%dma_wait3A_1310 : memref<512xi32, #tpu.memory_space<hbm>>) dst(%arg6 : memref<512xi32, #tpu.memory_space<vmem>>)
      tpu.yield
    }) : () -> ()
    "tpu.region"() ({
      %run_scoped3A = tpu.sem_alloc : memref<!tpu.dma_semaphore, #tpu.memory_space<semaphore_mem>>
      %dma_start3A_1308 = tpu.memref_slice %arg3[%mul3A_2] : memref<16384xi32, #tpu.memory_space<hbm>> -> memref<512xi32, #tpu.memory_space<hbm>>
      %dma_start3A_1309 = tpu.memref_slice %arg3[%mul3A_2] : memref<16384xi32, #tpu.memory_space<hbm>> -> memref<512xi32, #tpu.memory_space<hbm>>
      tpu.enqueue_dma source(%dma_start3A_1309 : memref<512xi32, #tpu.memory_space<hbm>>) target(%arg7 : memref<512xi32, #tpu.memory_space<vmem>>) target_semaphore(%run_scoped3A : memref<!tpu.dma_semaphore, #tpu.memory_space<semaphore_mem>>)
      %dma_wait3A = tpu.memref_slice %arg3[%mul3A_2] : memref<16384xi32, #tpu.memory_space<hbm>> -> memref<512xi32, #tpu.memory_space<hbm>>
      %dma_wait3A_1310 = tpu.memref_slice %arg3[%mul3A_2] : memref<16384xi32, #tpu.memory_space<hbm>> -> memref<512xi32, #tpu.memory_space<hbm>>
      tpu.wait_dma2 semaphore(%run_scoped3A : memref<!tpu.dma_semaphore, #tpu.memory_space<semaphore_mem>>) src(%dma_wait3A_1310 : memref<512xi32, #tpu.memory_space<hbm>>) dst(%arg7 : memref<512xi32, #tpu.memory_space<vmem>>)
      tpu.yield
    }) : () -> ()
    %iota3A = tpu.iota {dimensions = array<i32: 0>} : vector<16xi32>
    %mul3A_3 = arith.constant 0 : i32
    %mul3A_4 = arith.constant 16 : i32
    %mul3A_5 = arith.muli %mul3A_3, %mul3A_4 : i32
    %get3A = arith.index_cast %mul3A_5 : i32 to index
    %get3A_6 = tpu.vector_load %arg6[%get3A] {strides = array<i32>} : memref<512xi32, #tpu.memory_space<vmem>>, vector<16xi32>,
    %and3A = arith.constant -8 : i32
    %and3A_7 = vector.broadcast %and3A : i32 to vector<16xi32>
    %and3A_8 = arith.andi %get3A_6, %and3A_7 : vector<16xi32>
    %get3A_9 = arith.index_cast %mul3A_5 : i32 to index
    %get3A_10 = tpu.vector_load %arg7[%get3A_9] {strides = array<i32>} : memref<512xi32, #tpu.memory_space<vmem>>, vector<16xi32>,
    %and3A_11 = arith.constant -8 : i32
    %and3A_12 = vector.broadcast %and3A_11 : i32 to vector<16xi32>
    %and3A_13 = arith.andi %get3A_10, %and3A_12 : vector<16xi32>
    %slice3A = vector.extract_strided_slice %and3A_8 {offsets = [0], sizes = [1], strides = [1]} : vector<16xi32> to vector<1xi32>
    %squeeze3A = vector.extract %slice3A[0] : i32 from vector<1xi32>
    %multiple_of3A = tpu.assume_multiple %squeeze3A, 8 : i32
    %slice3A_14 = vector.extract_strided_slice %and3A_13 {offsets = [0], sizes = [1], strides = [1]} : vector<16xi32> to vector<1xi32>
    %squeeze3A_15 = vector.extract %slice3A_14[0] : i32 from vector<1xi32>
    %multiple_of3A_16 = tpu.assume_multiple %squeeze3A_15, 8 : i32
    %dma_start3A = arith.constant 0 : i32
    %dma_start3A_17 = arith.constant 0 : i32
    %dma_start3A_18 = arith.constant 0 : i32
    %dma_start3A_19 = arith.constant 0 : i32
    %dma_start3A_20 = arith.constant 0 : i32
    %dma_start3A_21 = tpu.memref_slice %arg8[%dma_start3A, %dma_start3A_17, %dma_start3A_19, %dma_start3A_20] : memref<3x16x8x64xf32, #tpu.memory_space<vmem>> -> memref<1x1x8x64xf32, #tpu.memory_space<vmem>>
    %dma_start3A_22 = tpu.memref_squeeze %dma_start3A_21 : memref<1x1x8x64xf32, #tpu.memory_space<vmem>> -> memref<8x64xf32, #tpu.memory_space<vmem>>
    %dma_start3A_23 = arith.constant 0 : i32
    %dma_start3A_24 = tpu.memref_slice %arg4[%multiple_of3A, %dma_start3A_23] : memref<1000000x64xf32, #tpu.memory_space<hbm>> -> memref<8x64xf32, #tpu.memory_space<hbm>>
    %dma_start3A_25 = tpu.memref_slice %arg11[%dma_start3A_18] : memref<3x!tpu.dma_semaphore, #tpu.memory_space<semaphore_mem>> -> memref<1x!tpu.dma_semaphore, #tpu.memory_space<semaphore_mem>>
    %dma_start3A_26 = tpu.memref_squeeze %dma_start3A_25 : memref<1x!tpu.dma_semaphore, #tpu.memory_space<semaphore_mem>> -> memref<!tpu.dma_semaphore, #tpu.memory_space<semaphore_mem>>
    %dma_start3A_27 = arith.constant 0 : i32
    %dma_start3A_28 = arith.constant 0 : i32
    %dma_start3A_29 = tpu.memref_slice %arg8[%dma_start3A, %dma_start3A_17, %dma_start3A_27, %dma_start3A_28] : memref<3x16x8x64xf32, #tpu.memory_space<vmem>> -> memref<1x1x8x64xf32, #tpu.memory_space<vmem>>
    %dma_start3A_30 = tpu.memref_squeeze %dma_start3A_29 : memref<1x1x8x64xf32, #tpu.memory_space<vmem>> -> memref<8x64xf32, #tpu.memory_space<vmem>>
    %dma_start3A_31 = arith.constant 0 : i32
    %dma_start3A_32 = tpu.memref_slice %arg4[%multiple_of3A, %dma_start3A_31] : memref<1000000x64xf32, #tpu.memory_space<hbm>> -> memref<8x64xf32, #tpu.memory_space<hbm>>
    tpu.enqueue_dma source(%dma_start3A_32 : memref<8x64xf32, #tpu.memory_space<hbm>>) target(%dma_start3A_30 : memref<8x64xf32, #tpu.memory_space<vmem>>) target_semaphore(%dma_start3A_26 : memref<!tpu.dma_semaphore, #tpu.memory_space<semaphore_mem>>)
    %dma_start3A_33 = arith.constant 0 : i32
    %dma_start3A_34 = arith.constant 0 : i32
    %dma_start3A_35 = arith.constant 0 : i32
    %dma_start3A_36 = arith.constant 0 : i32
    %dma_start3A_37 = arith.constant 0 : i32
    %dma_start3A_38 = tpu.memref_slice %arg9[%dma_start3A_33, %dma_start3A_34, %dma_start3A_36, %dma_start3A_37] : memref<3x16x8x64xf32, #tpu.memory_space<vmem>> -> memref<1x1x8x64xf32, #tpu.memory_space<vmem>>
    %dma_start3A_39 = tpu.memref_squeeze %dma_start3A_38 : memref<1x1x8x64xf32, #tpu.memory_space<vmem>> -> memref<8x64xf32, #tpu.memory_space<vmem>>
    %dma_start3A_40 = arith.constant 0 : i32
    %dma_start3A_41 = tpu.memref_slice %arg4[%multiple_of3A_16, %dma_start3A_40] : memref<1000000x64xf32, #tpu.memory_space<hbm>> -> memref<8x64xf32, #tpu.memory_space<hbm>>
    %dma_start3A_42 = tpu.memref_slice %arg12[%dma_start3A_35] : memref<3x!tpu.dma_semaphore, #tpu.memory_space<semaphore_mem>> -> memref<1x!tpu.dma_semaphore, #tpu.memory_space<semaphore_mem>>
    %dma_start3A_43 = tpu.memref_squeeze %dma_start3A_42 : memref<1x!tpu.dma_semaphore, #tpu.memory_space<semaphore_mem>> -> memref<!tpu.dma_semaphore, #tpu.memory_space<semaphore_mem>>
    %dma_start3A_44 = arith.constant 0 : i32
    %dma_start3A_45 = arith.constant 0 : i32
    %dma_start3A_46 = tpu.memref_slice %arg9[%dma_start3A_33, %dma_start3A_34, %dma_start3A_44, %dma_start3A_45] : memref<3x16x8x64xf32, #tpu.memory_space<vmem>> -> memref<1x1x8x64xf32, #tpu.memory_space<vmem>>
    %dma_start3A_47 = tpu.memref_squeeze %dma_start3A_46 : memref<1x1x8x64xf32, #tpu.memory_space<vmem>> -> memref<8x64xf32, #tpu.memory_space<vmem>>
    %dma_start3A_48 = arith.constant 0 : i32
    %dma_start3A_49 = tpu.memref_slice %arg4[%multiple_of3A_16, %dma_start3A_48] : memref<1000000x64xf32, #tpu.memory_space<hbm>> -> memref<8x64xf32, #tpu.memory_space<hbm>>
    tpu.enqueue_dma source(%dma_start3A_49 : memref<8x64xf32, #tpu.memory_space<hbm>>) target(%dma_start3A_47 : memref<8x64xf32, #tpu.memory_space<vmem>>) target_semaphore(%dma_start3A_43 : memref<!tpu.dma_semaphore, #tpu.memory_space<semaphore_mem>>)
    %slice3A_50 = vector.extract_strided_slice %and3A_8 {offsets = [1], sizes = [1], strides = [1]} : vector<16xi32> to vector<1xi32>
    %squeeze3A_51 = vector.extract %slice3A_50[0] : i32 from vector<1xi32>
    %multiple_of3A_52 = tpu.assume_multiple %squeeze3A_51, 8 : i32
    %slice3A_53 = vector.extract_strided_slice %and3A_13 {offsets = [1], sizes = [1], strides = [1]} : vector<16xi32> to vector<1xi32>
    %squeeze3A_54 = vector.extract %slice3A_53[0] : i32 from vector<1xi32>
    %multiple_of3A_55 = tpu.assume_multiple %squeeze3A_54, 8 : i32
    %dma_start3A_56 = arith.constant 0 : i32
    %dma_start3A_57 = arith.constant 1 : i32
    %dma_start3A_58 = arith.constant 0 : i32
    %dma_start3A_59 = arith.constant 0 : i32
    %dma_start3A_60 = arith.constant 0 : i32
    %dma_start3A_61 = tpu.memref_slice %arg8[%dma_start3A_56, %dma_start3A_57, %dma_start3A_59, %dma_start3A_60] : memref<3x16x8x64xf32, #tpu.memory_space<vmem>> -> memref<1x1x8x64xf32, #tpu.memory_space<vmem>>
    %dma_start3A_62 = tpu.memref_squeeze %dma_start3A_61 : memref<1x1x8x64xf32, #tpu.memory_space<vmem>> -> memref<8x64xf32, #tpu.memory_space<vmem>>
    %dma_start3A_63 = arith.constant 0 : i32
    %dma_start3A_64 = tpu.memref_slice %arg4[%multiple_of3A_52, %dma_start3A_63] : memref<1000000x64xf32, #tpu.memory_space<hbm>> -> memref<8x64xf32, #tpu.memory_space<hbm>>
    %dma_start3A_65 = tpu.memref_slice %arg11[%dma_start3A_58] : memref<3x!tpu.dma_semaphore, #tpu.memory_space<semaphore_mem>> -> memref<1x!tpu.dma_semaphore, #tpu.memory_space<semaphore_mem>>
    %dma_start3A_66 = tpu.memref_squeeze %dma_start3A_65 : memref<1x!tpu.dma_semaphore, #tpu.memory_space<semaphore_mem>> -> memref<!tpu.dma_semaphore, #tpu.memory_space<semaphore_mem>>
    %dma_start3A_67 = arith.constant 0 : i32
    %dma_start3A_68 = arith.constant 0 : i32
    %dma_start3A_69 = tpu.memref_slice %arg8[%dma_start3A_56, %dma_start3A_57, %dma_start3A_67, %dma_start3A_68] : memref<3x16x8x64xf32, #tpu.memory_space<vmem>> -> memref<1x1x8x64xf32, #tpu.memory_space<vmem>>
    %dma_start3A_70 = tpu.memref_squeeze %dma_start3A_69 : memref<1x1x8x64xf32, #tpu.memory_space<vmem>> -> memref<8x64xf32, #tpu.memory_space<vmem>>
    %dma_start3A_71 = arith.constant 0 : i32
    %dma_start3A_72 = tpu.memref_slice %arg4[%multiple_of3A_52, %dma_start3A_71] : memref<1000000x64xf32, #tpu.memory_space<hbm>> -> memref<8x64xf32, #tpu.memory_space<hbm>>
    tpu.enqueue_dma source(%dma_start3A_72 : memref<8x64xf32, #tpu.memory_space<hbm>>) target(%dma_start3A_70 : memref<8x64xf32, #tpu.memory_space<vmem>>) target_semaphore(%dma_start3A_66 : memref<!tpu.dma_semaphore, #tpu.memory_space<semaphore_mem>>)
    %dma_start3A_73 = arith.constant 0 : i32
    %dma_start3A_74 = arith.constant 1 : i32
    %dma_start3A_75 = arith.constant 0 : i32
    %dma_start3A_76 = arith.constant 0 : i32
    %dma_start3A_77 = arith.constant 0 : i32
    %dma_start3A_78 = tpu.memref_slice %arg9[%dma_start3A_73, %dma_start3A_74, %dma_start3A_76, %dma_start3A_77] : memref<3x16x8x64xf32, #tpu.memory_space<vmem>> -> memref<1x1x8x64xf32, #tpu.memory_space<vmem>>
    %dma_start3A_79 = tpu.memref_squeeze %dma_start3A_78 : memref<1x1x8x64xf32, #tpu.memory_space<vmem>> -> memref<8x64xf32, #tpu.memory_space<vmem>>
    %dma_start3A_80 = arith.constant 0 : i32
    %dma_start3A_81 = tpu.memref_slice %arg4[%multiple_of3A_55, %dma_start3A_80] : memref<1000000x64xf32, #tpu.memory_space<hbm>> -> memref<8x64xf32, #tpu.memory_space<hbm>>
    %dma_start3A_82 = tpu.memref_slice %arg12[%dma_start3A_75] : memref<3x!tpu.dma_semaphore, #tpu.memory_space<semaphore_mem>> -> memref<1x!tpu.dma_semaphore, #tpu.memory_space<semaphore_mem>>
    %dma_start3A_83 = tpu.memref_squeeze %dma_start3A_82 : memref<1x!tpu.dma_semaphore, #tpu.memory_space<semaphore_mem>> -> memref<!tpu.dma_semaphore, #tpu.memory_space<semaphore_mem>>
    %dma_start3A_84 = arith.constant 0 : i32
    %dma_start3A_85 = arith.constant 0 : i32
    %dma_start3A_86 = tpu.memref_slice %arg9[%dma_start3A_73, %dma_start3A_74, %dma_start3A_84, %dma_start3A_85] : memref<3x16x8x64xf32, #tpu.memory_space<vmem>> -> memref<1x1x8x64xf32, #tpu.memory_space<vmem>>
    %dma_start3A_87 = tpu.memref_squeeze %dma_start3A_86 : memref<1x1x8x64xf32, #tpu.memory_space<vmem>> -> memref<8x64xf32, #tpu.memory_space<vmem>>
    %dma_start3A_88 = arith.constant 0 : i32
    %dma_start3A_89 = tpu.memref_slice %arg4[%multiple_of3A_55, %dma_start3A_88] : memref<1000000x64xf32, #tpu.memory_space<hbm>> -> memref<8x64xf32, #tpu.memory_space<hbm>>
    tpu.enqueue_dma source(%dma_start3A_89 : memref<8x64xf32, #tpu.memory_space<hbm>>) target(%dma_start3A_87 : memref<8x64xf32, #tpu.memory_space<vmem>>) target_semaphore(%dma_start3A_83 : memref<!tpu.dma_semaphore, #tpu.memory_space<semaphore_mem>>)
    %slice3A_90 = vector.extract_strided_slice %and3A_8 {offsets = [2], sizes = [1], strides = [1]} : vector<16xi32> to vector<1xi32>
    %squeeze3A_91 = vector.extract %slice3A_90[0] : i32 from vector<1xi32>
    %multiple_of3A_92 = tpu.assume_multiple %squeeze3A_91, 8 : i32
    %slice3A_93 = vector.extract_strided_slice %and3A_13 {offsets = [2], sizes = [1], strides = [1]} : vector<16xi32> to vector<1xi32>
    %squeeze3A_94 = vector.extract %slice3A_93[0] : i32 from vector<1xi32>
    %multiple_of3A_95 = tpu.assume_multiple %squeeze3A_94, 8 : i32
    %dma_start3A_96 = arith.constant 0 : i32
    %dma_start3A_97 = arith.constant 2 : i32
    %dma_start3A_98 = arith.constant 0 : i32
    %dma_start3A_99 = arith.constant 0 : i32
    %dma_start3A_100 = arith.constant 0 : i32
    %dma_start3A_101 = tpu.memref_slice %arg8[%dma_start3A_96, %dma_start3A_97, %dma_start3A_99, %dma_start3A_100] : memref<3x16x8x64xf32, #tpu.memory_space<vmem>> -> memref<1x1x8x64xf32, #tpu.memory_space<vmem>>
    %dma_start3A_102 = tpu.memref_squeeze %dma_start3A_101 : memref<1x1x8x64xf32, #tpu.memory_space<vmem>> -> memref<8x64xf32, #tpu.memory_space<vmem>>
    %dma_start3A_103 = arith.constant 0 : i32
    %dma_start3A_104 = tpu.memref_slice %arg4[%multiple_of3A_92, %dma_start3A_103] : memref<1000000x64xf32, #tpu.memory_space<hbm>> -> memref<8x64xf32, #tpu.memory_space<hbm>>
    %dma_start3A_105 = tpu.memref_slice %arg11[%dma_start3A_98] : memref<3x!tpu.dma_semaphore, #tpu.memory_space<semaphore_mem>> -> memref<1x!tpu.dma_semaphore, #tpu.memory_space<semaphore_mem>>
    %dma_start3A_106 = tpu.memref_squeeze %dma_start3A_105 : memref<1x!tpu.dma_semaphore, #tpu.memory_space<semaphore_mem>> -> memref<!tpu.dma_semaphore, #tpu.memory_space<semaphore_mem>>
    %dma_start3A_107 = arith.constant 0 : i32
    %dma_start3A_108 = arith.constant 0 : i32
    %dma_start3A_109 = tpu.memref_slice %arg8[%dma_start3A_96, %dma_start3A_97, %dma_start3A_107, %dma_start3A_108] : memref<3x16x8x64xf32, #tpu.memory_space<vmem>> -> memref<1x1x8x64xf32, #tpu.memory_space<vmem>>
    %dma_start3A_110 = tpu.memref_squeeze %dma_start3A_109 : memref<1x1x8x64xf32, #tpu.memory_space<vmem>> -> memref<8x64xf32, #tpu.memory_space<vmem>>
    %dma_start3A_111 = arith.constant 0 : i32
    %dma_start3A_112 = tpu.memref_slice %arg4[%multiple_of3A_92, %dma_start3A_111] : memref<1000000x64xf32, #tpu.memory_space<hbm>> -> memref<8x64xf32, #tpu.memory_space<hbm>>
    tpu.enqueue_dma source(%dma_start3A_112 : memref<8x64xf32, #tpu.memory_space<hbm>>) target(%dma_start3A_110 : memref<8x64xf32, #tpu.memory_space<vmem>>) target_semaphore(%dma_start3A_106 : memref<!tpu.dma_semaphore, #tpu.memory_space<semaphore_mem>>)
    %dma_start3A_113 = arith.constant 0 : i32
    %dma_start3A_114 = arith.constant 2 : i32
    %dma_start3A_115 = arith.constant 0 : i32
    %dma_start3A_116 = arith.constant 0 : i32
    %dma_start3A_117 = arith.constant 0 : i32
    %dma_start3A_118 = tpu.memref_slice %arg9[%dma_start3A_113, %dma_start3A_114, %dma_start3A_116, %dma_start3A_117] : memref<3x16x8x64xf32, #tpu.memory_space<vmem>> -> memref<1x1x8x64xf32, #tpu.memory_space<vmem>>
    %dma_start3A_119 = tpu.memref_squeeze %dma_start3A_118 : memref<1x1x8x64xf32, #tpu.memory_space<vmem>> -> memref<8x64xf32, #tpu.memory_space<vmem>>
    %dma_start3A_120 = arith.constant 0 : i32
    %dma_start3A_121 = tpu.memref_slice %arg4[%multiple_of3A_95, %dma_start3A_120] : memref<1000000x64xf32, #tpu.memory_space<hbm>> -> memref<8x64xf32, #tpu.memory_space<hbm>>
    %dma_start3A_122 = tpu.memref_slice %arg12[%dma_start3A_115] : memref<3x!tpu.dma_semaphore, #tpu.memory_space<semaphore_mem>> -> memref<1x!tpu.dma_semaphore, #tpu.memory_space<semaphore_mem>>
    %dma_start3A_123 = tpu.memref_squeeze %dma_start3A_122 : memref<1x!tpu.dma_semaphore, #tpu.memory_space<semaphore_mem>> -> memref<!tpu.dma_semaphore, #tpu.memory_space<semaphore_mem>>
    %dma_start3A_124 = arith.constant 0 : i32
    %dma_start3A_125 = arith.constant 0 : i32
    %dma_start3A_126 = tpu.memref_slice %arg9[%dma_start3A_113, %dma_start3A_114, %dma_start3A_124, %dma_start3A_125] : memref<3x16x8x64xf32, #tpu.memory_space<vmem>> -> memref<1x1x8x64xf32, #tpu.memory_space<vmem>>
    %dma_start3A_127 = tpu.memref_squeeze %dma_start3A_126 : memref<1x1x8x64xf32, #tpu.memory_space<vmem>> -> memref<8x64xf32, #tpu.memory_space<vmem>>
    %dma_start3A_128 = arith.constant 0 : i32
    %dma_start3A_129 = tpu.memref_slice %arg4[%multiple_of3A_95, %dma_start3A_128] : memref<1000000x64xf32, #tpu.memory_space<hbm>> -> memref<8x64xf32, #tpu.memory_space<hbm>>
    tpu.enqueue_dma source(%dma_start3A_129 : memref<8x64xf32, #tpu.memory_space<hbm>>) target(%dma_start3A_127 : memref<8x64xf32, #tpu.memory_space<vmem>>) target_semaphore(%dma_start3A_123 : memref<!tpu.dma_semaphore, #tpu.memory_space<semaphore_mem>>)
    %slice3A_130 = vector.extract_strided_slice %and3A_8 {offsets = [3], sizes = [1], strides = [1]} : vector<16xi32> to vector<1xi32>
    %squeeze3A_131 = vector.extract %slice3A_130[0] : i32 from vector<1xi32>
    %multiple_of3A_132 = tpu.assume_multiple %squeeze3A_131, 8 : i32
    %slice3A_133 = vector.extract_strided_slice %and3A_13 {offsets = [3], sizes = [1], strides = [1]} : vector<16xi32> to vector<1xi32>
    %squeeze3A_134 = vector.extract %slice3A_133[0] : i32 from vector<1xi32>
    %multiple_of3A_135 = tpu.assume_multiple %squeeze3A_134, 8 : i32
    %dma_start3A_136 = arith.constant 0 : i32
    %dma_start3A_137 = arith.constant 3 : i32
    %dma_start3A_138 = arith.constant 0 : i32
    %dma_start3A_139 = arith.constant 0 : i32
    %dma_start3A_140 = arith.constant 0 : i32
    %dma_start3A_141 = tpu.memref_slice %arg8[%dma_start3A_136, %dma_start3A_137, %dma_start3A_139, %dma_start3A_140] : memref<3x16x8x64xf32, #tpu.memory_space<vmem>> -> memref<1x1x8x64xf32, #tpu.memory_space<vmem>>
    %dma_start3A_142 = tpu.memref_squeeze %dma_start3A_141 : memref<1x1x8x64xf32, #tpu.memory_space<vmem>> -> memref<8x64xf32, #tpu.memory_space<vmem>>
    %dma_start3A_143 = arith.constant 0 : i32
    %dma_start3A_144 = tpu.memref_slice %arg4[%multiple_of3A_132, %dma_start3A_143] : memref<1000000x64xf32, #tpu.memory_space<hbm>> -> memref<8x64xf32, #tpu.memory_space<hbm>>
    %dma_start3A_145 = tpu.memref_slice %arg11[%dma_start3A_138] : memref<3x!tpu.dma_semaphore, #tpu.memory_space<semaphore_mem>> -> memref<1x!tpu.dma_semaphore, #tpu.memory_space<semaphore_mem>>
    %dma_start3A_146 = tpu.memref_squeeze %dma_start3A_145 : memref<1x!tpu.dma_semaphore, #tpu.memory_space<semaphore_mem>> -> memref<!tpu.dma_semaphore, #tpu.memory_space<semaphore_mem>>
    %dma_start3A_147 = arith.constant 0 : i32
    %dma_start3A_148 = arith.constant 0 : i32
    %dma_start3A_149 = tpu.memref_slice %arg8[%dma_start3A_136, %dma_start3A_137, %dma_start3A_147, %dma_start3A_148] : memref<3x16x8x64xf32, #tpu.memory_space<vmem>> -> memref<1x1x8x64xf32, #tpu.memory_space<vmem>>
    %dma_start3A_150 = tpu.memref_squeeze %dma_start3A_149 : memref<1x1x8x64xf32, #tpu.memory_space<vmem>> -> memref<8x64xf32, #tpu.memory_space<vmem>>
    %dma_start3A_151 = arith.constant 0 : i32
    %dma_start3A_152 = tpu.memref_slice %arg4[%multiple_of3A_132, %dma_start3A_151] : memref<1000000x64xf32, #tpu.memory_space<hbm>> -> memref<8x64xf32, #tpu.memory_space<hbm>>
    tpu.enqueue_dma source(%dma_start3A_152 : memref<8x64xf32, #tpu.memory_space<hbm>>) target(%dma_start3A_150 : memref<8x64xf32, #tpu.memory_space<vmem>>) target_semaphore(%dma_start3A_146 : memref<!tpu.dma_semaphore, #tpu.memory_space<semaphore_mem>>)
    %dma_start3A_153 = arith.constant 0 : i32
    %dma_start3A_154 = arith.constant 3 : i32
    %dma_start3A_155 = arith.constant 0 : i32
    %dma_start3A_156 = arith.constant 0 : i32
    %dma_start3A_157 = arith.constant 0 : i32
    %dma_start3A_158 = tpu.memref_slice %arg9[%dma_start3A_153, %dma_start3A_154, %dma_start3A_156, %dma_start3A_157] : memref<3x16x8x64xf32, #tpu.memory_space<vmem>> -> memref<1x1x8x64xf32, #tpu.memory_space<vmem>>
    %dma_start3A_159 = tpu.memref_squeeze %dma_start3A_158 : memref<1x1x8x64xf32, #tpu.memory_space<vmem>> -> memref<8x64xf32, #tpu.memory_space<vmem>>
    %dma_start3A_160 = arith.constant 0 : i32
    %dma_start3A_161 = tpu.memref_slice %arg4[%multiple_of3A_135, %dma_start3A_160] : memref<1000000x64xf32, #tpu.memory_space<hbm>> -> memref<8x64xf32, #tpu.memory_space<hbm>>
    %dma_start3A_162 = tpu.memref_slice %arg12[%dma_start3A_155] : memref<3x!tpu.dma_semaphore, #tpu.memory_space<semaphore_mem>> -> memref<1x!tpu.dma_semaphore, #tpu.memory_space<semaphore_mem>>
    %dma_start3A_163 = tpu.memref_squeeze %dma_start3A_162 : memref<1x!tpu.dma_semaphore, #tpu.memory_space<semaphore_mem>> -> memref<!tpu.dma_semaphore, #tpu.memory_space<semaphore_mem>>
    %dma_start3A_164 = arith.constant 0 : i32
    %dma_start3A_165 = arith.constant 0 : i32
    %dma_start3A_166 = tpu.memref_slice %arg9[%dma_start3A_153, %dma_start3A_154, %dma_start3A_164, %dma_start3A_165] : memref<3x16x8x64xf32, #tpu.memory_space<vmem>> -> memref<1x1x8x64xf32, #tpu.memory_space<vmem>>
    %dma_start3A_167 = tpu.memref_squeeze %dma_start3A_166 : memref<1x1x8x64xf32, #tpu.memory_space<vmem>> -> memref<8x64xf32, #tpu.memory_space<vmem>>
    %dma_start3A_168 = arith.constant 0 : i32
    %dma_start3A_169 = tpu.memref_slice %arg4[%multiple_of3A_135, %dma_start3A_168] : memref<1000000x64xf32, #tpu.memory_space<hbm>> -> memref<8x64xf32, #tpu.memory_space<hbm>>
    tpu.enqueue_dma source(%dma_start3A_169 : memref<8x64xf32, #tpu.memory_space<hbm>>) target(%dma_start3A_167 : memref<8x64xf32, #tpu.memory_space<vmem>>) target_semaphore(%dma_start3A_163 : memref<!tpu.dma_semaphore, #tpu.memory_space<semaphore_mem>>)
    %slice3A_170 = vector.extract_strided_slice %and3A_8 {offsets = [4], sizes = [1], strides = [1]} : vector<16xi32> to vector<1xi32>
    %squeeze3A_171 = vector.extract %slice3A_170[0] : i32 from vector<1xi32>
    %multiple_of3A_172 = tpu.assume_multiple %squeeze3A_171, 8 : i32
    %slice3A_173 = vector.extract_strided_slice %and3A_13 {offsets = [4], sizes = [1], strides = [1]} : vector<16xi32> to vector<1xi32>
    %squeeze3A_174 = vector.extract %slice3A_173[0] : i32 from vector<1xi32>
    %multiple_of3A_175 = tpu.assume_multiple %squeeze3A_174, 8 : i32
    %dma_start3A_176 = arith.constant 0 : i32
    %dma_start3A_177 = arith.constant 4 : i32
    %dma_start3A_178 = arith.constant 0 : i32
    %dma_start3A_179 = arith.constant 0 : i32
    %dma_start3A_180 = arith.constant 0 : i32
    %dma_start3A_181 = tpu.memref_slice %arg8[%dma_start3A_176, %dma_start3A_177, %dma_start3A_179, %dma_start3A_180] : memref<3x16x8x64xf32, #tpu.memory_space<vmem>> -> memref<1x1x8x64xf32, #tpu.memory_space<vmem>>
    %dma_start3A_182 = tpu.memref_squeeze %dma_start3A_181 : memref<1x1x8x64xf32, #tpu.memory_space<vmem>> -> memref<8x64xf32, #tpu.memory_space<vmem>>
    %dma_start3A_183 = arith.constant 0 : i32
    %dma_start3A_184 = tpu.memref_slice %arg4[%multiple_of3A_172, %dma_start3A_183] : memref<1000000x64xf32, #tpu.memory_space<hbm>> -> memref<8x64xf32, #tpu.memory_space<hbm>>
    %dma_start3A_185 = tpu.memref_slice %arg11[%dma_start3A_178] : memref<3x!tpu.dma_semaphore, #tpu.memory_space<semaphore_mem>> -> memref<1x!tpu.dma_semaphore, #tpu.memory_space<semaphore_mem>>
    %dma_start3A_186 = tpu.memref_squeeze %dma_start3A_185 : memref<1x!tpu.dma_semaphore, #tpu.memory_space<semaphore_mem>> -> memref<!tpu.dma_semaphore, #tpu.memory_space<semaphore_mem>>
    %dma_start3A_187 = arith.constant 0 : i32
    %dma_start3A_188 = arith.constant 0 : i32
    %dma_start3A_189 = tpu.memref_slice %arg8[%dma_start3A_176, %dma_start3A_177, %dma_start3A_187, %dma_start3A_188] : memref<3x16x8x64xf32, #tpu.memory_space<vmem>> -> memref<1x1x8x64xf32, #tpu.memory_space<vmem>>
    %dma_start3A_190 = tpu.memref_squeeze %dma_start3A_189 : memref<1x1x8x64xf32, #tpu.memory_space<vmem>> -> memref<8x64xf32, #tpu.memory_space<vmem>>
    %dma_start3A_191 = arith.constant 0 : i32
    %dma_start3A_192 = tpu.memref_slice %arg4[%multiple_of3A_172, %dma_start3A_191] : memref<1000000x64xf32, #tpu.memory_space<hbm>> -> memref<8x64xf32, #tpu.memory_space<hbm>>
    tpu.enqueue_dma source(%dma_start3A_192 : memref<8x64xf32, #tpu.memory_space<hbm>>) target(%dma_start3A_190 : memref<8x64xf32, #tpu.memory_space<vmem>>) target_semaphore(%dma_start3A_186 : memref<!tpu.dma_semaphore, #tpu.memory_space<semaphore_mem>>)
    %dma_start3A_193 = arith.constant 0 : i32
    %dma_start3A_194 = arith.constant 4 : i32
    %dma_start3A_195 = arith.constant 0 : i32
    %dma_start3A_196 = arith.constant 0 : i32
    %dma_start3A_197 = arith.constant 0 : i32
    %dma_start3A_198 = tpu.memref_slice %arg9[%dma_start3A_193, %dma_start3A_194, %dma_start3A_196, %dma_start3A_197] : memref<3x16x8x64xf32, #tpu.memory_space<vmem>> -> memref<1x1x8x64xf32, #tpu.memory_space<vmem>>
    %dma_start3A_199 = tpu.memref_squeeze %dma_start3A_198 : memref<1x1x8x64xf32, #tpu.memory_space<vmem>> -> memref<8x64xf32, #tpu.memory_space<vmem>>
    %dma_start3A_200 = arith.constant 0 : i32
    %dma_start3A_201 = tpu.memref_slice %arg4[%multiple_of3A_175, %dma_start3A_200] : memref<1000000x64xf32, #tpu.memory_space<hbm>> -> memref<8x64xf32, #tpu.memory_space<hbm>>
    %dma_start3A_202 = tpu.memref_slice %arg12[%dma_start3A_195] : memref<3x!tpu.dma_semaphore, #tpu.memory_space<semaphore_mem>> -> memref<1x!tpu.dma_semaphore, #tpu.memory_space<semaphore_mem>>
    %dma_start3A_203 = tpu.memref_squeeze %dma_start3A_202 : memref<1x!tpu.dma_semaphore, #tpu.memory_space<semaphore_mem>> -> memref<!tpu.dma_semaphore, #tpu.memory_space<semaphore_mem>>
    %dma_start3A_204 = arith.constant 0 : i32
    %dma_start3A_205 = arith.constant 0 : i32
    %dma_start3A_206 = tpu.memref_slice %arg9[%dma_start3A_193, %dma_start3A_194, %dma_start3A_204, %dma_start3A_205] : memref<3x16x8x64xf32, #tpu.memory_space<vmem>> -> memref<1x1x8x64xf32, #tpu.memory_space<vmem>>
    %dma_start3A_207 = tpu.memref_squeeze %dma_start3A_206 : memref<1x1x8x64xf32, #tpu.memory_space<vmem>> -> memref<8x64xf32, #tpu.memory_space<vmem>>
    %dma_start3A_208 = arith.constant 0 : i32
    %dma_start3A_209 = tpu.memref_slice %arg4[%multiple_of3A_175, %dma_start3A_208] : memref<1000000x64xf32, #tpu.memory_space<hbm>> -> memref<8x64xf32, #tpu.memory_space<hbm>>
    tpu.enqueue_dma source(%dma_start3A_209 : memref<8x64xf32, #tpu.memory_space<hbm>>) target(%dma_start3A_207 : memref<8x64xf32, #tpu.memory_space<vmem>>) target_semaphore(%dma_start3A_203 : memref<!tpu.dma_semaphore, #tpu.memory_space<semaphore_mem>>)
    %slice3A_210 = vector.extract_strided_slice %and3A_8 {offsets = [5], sizes = [1], strides = [1]} : vector<16xi32> to vector<1xi32>
    %squeeze3A_211 = vector.extract %slice3A_210[0] : i32 from vector<1xi32>
    %multiple_of3A_212 = tpu.assume_multiple %squeeze3A_211, 8 : i32
    %slice3A_213 = vector.extract_strided_slice %and3A_13 {offsets = [5], sizes = [1], strides = [1]} : vector<16xi32> to vector<1xi32>
    %squeeze3A_214 = vector.extract %slice3A_213[0] : i32 from vector<1xi32>
    %multiple_of3A_215 = tpu.assume_multiple %squeeze3A_214, 8 : i32
    %dma_start3A_216 = arith.constant 0 : i32
    %dma_start3A_217 = arith.constant 5 : i32
    %dma_start3A_218 = arith.constant 0 : i32
    %dma_start3A_219 = arith.constant 0 : i32
    %dma_start3A_220 = arith.constant 0 : i32
    %dma_start3A_221 = tpu.memref_slice %arg8[%dma_start3A_216, %dma_start3A_217, %dma_start3A_219, %dma_start3A_220] : memref<3x16x8x64xf32, #tpu.memory_space<vmem>> -> memref<1x1x8x64xf32, #tpu.memory_space<vmem>>
    %dma_start3A_222 = tpu.memref_squeeze %dma_start3A_221 : memref<1x1x8x64xf32, #tpu.memory_space<vmem>> -> memref<8x64xf32, #tpu.memory_space<vmem>>
    %dma_start3A_223 = arith.constant 0 : i32
    %dma_start3A_224 = tpu.memref_slice %arg4[%multiple_of3A_212, %dma_start3A_223] : memref<1000000x64xf32, #tpu.memory_space<hbm>> -> memref<8x64xf32, #tpu.memory_space<hbm>>
    %dma_start3A_225 = tpu.memref_slice %arg11[%dma_start3A_218] : memref<3x!tpu.dma_semaphore, #tpu.memory_space<semaphore_mem>> -> memref<1x!tpu.dma_semaphore, #tpu.memory_space<semaphore_mem>>
    %dma_start3A_226 = tpu.memref_squeeze %dma_start3A_225 : memref<1x!tpu.dma_semaphore, #tpu.memory_space<semaphore_mem>> -> memref<!tpu.dma_semaphore, #tpu.memory_space<semaphore_mem>>
    %dma_start3A_227 = arith.constant 0 : i32
    %dma_start3A_228 = arith.constant 0 : i32
    %dma_start3A_229 = tpu.memref_slice %arg8[%dma_start3A_216, %dma_start3A_217, %dma_start3A_227, %dma_start3A_228] : memref<3x16x8x64xf32, #tpu.memory_space<vmem>> -> memref<1x1x8x64xf32, #tpu.memory_space<vmem>>
    %dma_start3A_230 = tpu.memref_squeeze %dma_start3A_229 : memref<1x1x8x64xf32, #tpu.memory_space<vmem>> -> memref<8x64xf32, #tpu.memory_space<vmem>>
    %dma_start3A_231 = arith.constant 0 : i32
    %dma_start3A_232 = tpu.memref_slice %arg4[%multiple_of3A_212, %dma_start3A_231] : memref<1000000x64xf32, #tpu.memory_space<hbm>> -> memref<8x64xf32, #tpu.memory_space<hbm>>
    tpu.enqueue_dma source(%dma_start3A_232 : memref<8x64xf32, #tpu.memory_space<hbm>>) target(%dma_start3A_230 : memref<8x64xf32, #tpu.memory_space<vmem>>) target_semaphore(%dma_start3A_226 : memref<!tpu.dma_semaphore, #tpu.memory_space<semaphore_mem>>)
    %dma_start3A_233 = arith.constant 0 : i32
    %dma_start3A_234 = arith.constant 5 : i32
    %dma_start3A_235 = arith.constant 0 : i32
    %dma_start3A_236 = arith.constant 0 : i32
    %dma_start3A_237 = arith.constant 0 : i32
    %dma_start3A_238 = tpu.memref_slice %arg9[%dma_start3A_233, %dma_start3A_234, %dma_start3A_236, %dma_start3A_237] : memref<3x16x8x64xf32, #tpu.memory_space<vmem>> -> memref<1x1x8x64xf32, #tpu.memory_space<vmem>>
    %dma_start3A_239 = tpu.memref_squeeze %dma_start3A_238 : memref<1x1x8x64xf32, #tpu.memory_space<vmem>> -> memref<8x64xf32, #tpu.memory_space<vmem>>
    %dma_start3A_240 = arith.constant 0 : i32
    %dma_start3A_241 = tpu.memref_slice %arg4[%multiple_of3A_215, %dma_start3A_240] : memref<1000000x64xf32, #tpu.memory_space<hbm>> -> memref<8x64xf32, #tpu.memory_space<hbm>>
    %dma_start3A_242 = tpu.memref_slice %arg12[%dma_start3A_235] : memref<3x!tpu.dma_semaphore, #tpu.memory_space<semaphore_mem>> -> memref<1x!tpu.dma_semaphore, #tpu.memory_space<semaphore_mem>>
    %dma_start3A_243 = tpu.memref_squeeze %dma_start3A_242 : memref<1x!tpu.dma_semaphore, #tpu.memory_space<semaphore_mem>> -> memref<!tpu.dma_semaphore, #tpu.memory_space<semaphore_mem>>
    %dma_start3A_244 = arith.constant 0 : i32
    %dma_start3A_245 = arith.constant 0 : i32
    %dma_start3A_246 = tpu.memref_slice %arg9[%dma_start3A_233, %dma_start3A_234, %dma_start3A_244, %dma_start3A_245] : memref<3x16x8x64xf32, #tpu.memory_space<vmem>> -> memref<1x1x8x64xf32, #tpu.memory_space<vmem>>
    %dma_start3A_247 = tpu.memref_squeeze %dma_start3A_246 : memref<1x1x8x64xf32, #tpu.memory_space<vmem>> -> memref<8x64xf32, #tpu.memory_space<vmem>>
    %dma_start3A_248 = arith.constant 0 : i32
    %dma_start3A_249 = tpu.memref_slice %arg4[%multiple_of3A_215, %dma_start3A_248] : memref<1000000x64xf32, #tpu.memory_space<hbm>> -> memref<8x64xf32, #tpu.memory_space<hbm>>
    tpu.enqueue_dma source(%dma_start3A_249 : memref<8x64xf32, #tpu.memory_space<hbm>>) target(%dma_start3A_247 : memref<8x64xf32, #tpu.memory_space<vmem>>) target_semaphore(%dma_start3A_243 : memref<!tpu.dma_semaphore, #tpu.memory_space<semaphore_mem>>)
    %slice3A_250 = vector.extract_strided_slice %and3A_8 {offsets = [6], sizes = [1], strides = [1]} : vector<16xi32> to vector<1xi32>
    %squeeze3A_251 = vector.extract %slice3A_250[0] : i32 from vector<1xi32>
    %multiple_of3A_252 = tpu.assume_multiple %squeeze3A_251, 8 : i32
    %slice3A_253 = vector.extract_strided_slice %and3A_13 {offsets = [6], sizes = [1], strides = [1]} : vector<16xi32> to vector<1xi32>
    %squeeze3A_254 = vector.extract %slice3A_253[0] : i32 from vector<1xi32>
    %multiple_of3A_255 = tpu.assume_multiple %squeeze3A_254, 8 : i32
    %dma_start3A_256 = arith.constant 0 : i32
    %dma_start3A_257 = arith.constant 6 : i32
    %dma_start3A_258 = arith.constant 0 : i32
    %dma_start3A_259 = arith.constant 0 : i32
    %dma_start3A_260 = arith.constant 0 : i32
    %dma_start3A_261 = tpu.memref_slice %arg8[%dma_start3A_256, %dma_start3A_257, %dma_start3A_259, %dma_start3A_260] : memref<3x16x8x64xf32, #tpu.memory_space<vmem>> -> memref<1x1x8x64xf32, #tpu.memory_space<vmem>>
    %dma_start3A_262 = tpu.memref_squeeze %dma_start3A_261 : memref<1x1x8x64xf32, #tpu.memory_space<vmem>> -> memref<8x64xf32, #tpu.memory_space<vmem>>
    %dma_start3A_263 = arith.constant 0 : i32
    %dma_start3A_264 = tpu.memref_slice %arg4[%multiple_of3A_252, %dma_start3A_263] : memref<1000000x64xf32, #tpu.memory_space<hbm>> -> memref<8x64xf32, #tpu.memory_space<hbm>>
    %dma_start3A_265 = tpu.memref_slice %arg11[%dma_start3A_258] : memref<3x!tpu.dma_semaphore, #tpu.memory_space<semaphore_mem>> -> memref<1x!tpu.dma_semaphore, #tpu.memory_space<semaphore_mem>>
    %dma_start3A_266 = tpu.memref_squeeze %dma_start3A_265 : memref<1x!tpu.dma_semaphore, #tpu.memory_space<semaphore_mem>> -> memref<!tpu.dma_semaphore, #tpu.memory_space<semaphore_mem>>
    %dma_start3A_267 = arith.constant 0 : i32
    %dma_start3A_268 = arith.constant 0 : i32
    %dma_start3A_269 = tpu.memref_slice %arg8[%dma_start3A_256, %dma_start3A_257, %dma_start3A_267, %dma_start3A_268] : memref<3x16x8x64xf32, #tpu.memory_space<vmem>> -> memref<1x1x8x64xf32, #tpu.memory_space<vmem>>
    %dma_start3A_270 = tpu.memref_squeeze %dma_start3A_269 : memref<1x1x8x64xf32, #tpu.memory_space<vmem>> -> memref<8x64xf32, #tpu.memory_space<vmem>>
    %dma_start3A_271 = arith.constant 0 : i32
    %dma_start3A_272 = tpu.memref_slice %arg4[%multiple_of3A_252, %dma_start3A_271] : memref<1000000x64xf32, #tpu.memory_space<hbm>> -> memref<8x64xf32, #tpu.memory_space<hbm>>
    tpu.enqueue_dma source(%dma_start3A_272 : memref<8x64xf32, #tpu.memory_space<hbm>>) target(%dma_start3A_270 : memref<8x64xf32, #tpu.memory_space<vmem>>) target_semaphore(%dma_start3A_266 : memref<!tpu.dma_semaphore, #tpu.memory_space<semaphore_mem>>)
    %dma_start3A_273 = arith.constant 0 : i32
    %dma_start3A_274 = arith.constant 6 : i32
    %dma_start3A_275 = arith.constant 0 : i32
    %dma_start3A_276 = arith.constant 0 : i32
    %dma_start3A_277 = arith.constant 0 : i32
    %dma_start3A_278 = tpu.memref_slice %arg9[%dma_start3A_273, %dma_start3A_274, %dma_start3A_276, %dma_start3A_277] : memref<3x16x8x64xf32, #tpu.memory_space<vmem>> -> memref<1x1x8x64xf32, #tpu.memory_space<vmem>>
    %dma_start3A_279 = tpu.memref_squeeze %dma_start3A_278 : memref<1x1x8x64xf32, #tpu.memory_space<vmem>> -> memref<8x64xf32, #tpu.memory_space<vmem>>
    %dma_start3A_280 = arith.constant 0 : i32
    %dma_start3A_281 = tpu.memref_slice %arg4[%multiple_of3A_255, %dma_start3A_280] : memref<1000000x64xf32, #tpu.memory_space<hbm>> -> memref<8x64xf32, #tpu.memory_space<hbm>>
    %dma_start3A_282 = tpu.memref_slice %arg12[%dma_start3A_275] : memref<3x!tpu.dma_semaphore, #tpu.memory_space<semaphore_mem>> -> memref<1x!tpu.dma_semaphore, #tpu.memory_space<semaphore_mem>>
    %dma_start3A_283 = tpu.memref_squeeze %dma_start3A_282 : memref<1x!tpu.dma_semaphore, #tpu.memory_space<semaphore_mem>> -> memref<!tpu.dma_semaphore, #tpu.memory_space<semaphore_mem>>
    %dma_start3A_284 = arith.constant 0 : i32
    %dma_start3A_285 = arith.constant 0 : i32
    %dma_start3A_286 = tpu.memref_slice %arg9[%dma_start3A_273, %dma_start3A_274, %dma_start3A_284, %dma_start3A_285] : memref<3x16x8x64xf32, #tpu.memory_space<vmem>> -> memref<1x1x8x64xf32, #tpu.memory_space<vmem>>
    %dma_start3A_287 = tpu.memref_squeeze %dma_start3A_286 : memref<1x1x8x64xf32, #tpu.memory_space<vmem>> -> memref<8x64xf32, #tpu.memory_space<vmem>>
    %dma_start3A_288 = arith.constant 0 : i32
    %dma_start3A_289 = tpu.memref_slice %arg4[%multiple_of3A_255, %dma_start3A_288] : memref<1000000x64xf32, #tpu.memory_space<hbm>> -> memref<8x64xf32, #tpu.memory_space<hbm>>
    tpu.enqueue_dma source(%dma_start3A_289 : memref<8x64xf32, #tpu.memory_space<hbm>>) target(%dma_start3A_287 : memref<8x64xf32, #tpu.memory_space<vmem>>) target_semaphore(%dma_start3A_283 : memref<!tpu.dma_semaphore, #tpu.memory_space<semaphore_mem>>)
    %slice3A_290 = vector.extract_strided_slice %and3A_8 {offsets = [7], sizes = [1], strides = [1]} : vector<16xi32> to vector<1xi32>
    %squeeze3A_291 = vector.extract %slice3A_290[0] : i32 from vector<1xi32>
    %multiple_of3A_292 = tpu.assume_multiple %squeeze3A_291, 8 : i32
    %slice3A_293 = vector.extract_strided_slice %and3A_13 {offsets = [7], sizes = [1], strides = [1]} : vector<16xi32> to vector<1xi32>
    %squeeze3A_294 = vector.extract %slice3A_293[0] : i32 from vector<1xi32>
    %multiple_of3A_295 = tpu.assume_multiple %squeeze3A_294, 8 : i32
    %dma_start3A_296 = arith.constant 0 : i32
    %dma_start3A_297 = arith.constant 7 : i32
    %dma_start3A_298 = arith.constant 0 : i32
    %dma_start3A_299 = arith.constant 0 : i32
    %dma_start3A_300 = arith.constant 0 : i32
    %dma_start3A_301 = tpu.memref_slice %arg8[%dma_start3A_296, %dma_start3A_297, %dma_start3A_299, %dma_start3A_300] : memref<3x16x8x64xf32, #tpu.memory_space<vmem>> -> memref<1x1x8x64xf32, #tpu.memory_space<vmem>>
    %dma_start3A_302 = tpu.memref_squeeze %dma_start3A_301 : memref<1x1x8x64xf32, #tpu.memory_space<vmem>> -> memref<8x64xf32, #tpu.memory_space<vmem>>
    %dma_start3A_303 = arith.constant 0 : i32
    %dma_start3A_304 = tpu.memref_slice %arg4[%multiple_of3A_292, %dma_start3A_303] : memref<1000000x64xf32, #tpu.memory_space<hbm>> -> memref<8x64xf32, #tpu.memory_space<hbm>>
    %dma_start3A_305 = tpu.memref_slice %arg11[%dma_start3A_298] : memref<3x!tpu.dma_semaphore, #tpu.memory_space<semaphore_mem>> -> memref<1x!tpu.dma_semaphore, #tpu.memory_space<semaphore_mem>>
    %dma_start3A_306 = tpu.memref_squeeze %dma_start3A_305 : memref<1x!tpu.dma_semaphore, #tpu.memory_space<semaphore_mem>> -> memref<!tpu.dma_semaphore, #tpu.memory_space<semaphore_mem>>
    %dma_start3A_307 = arith.constant 0 : i32
    %dma_start3A_308 = arith.constant 0 : i32
    %dma_start3A_309 = tpu.memref_slice %arg8[%dma_start3A_296, %dma_start3A_297, %dma_start3A_307, %dma_start3A_308] : memref<3x16x8x64xf32, #tpu.memory_space<vmem>> -> memref<1x1x8x64xf32, #tpu.memory_space<vmem>>
    %dma_start3A_310 = tpu.memref_squeeze %dma_start3A_309 : memref<1x1x8x64xf32, #tpu.memory_space<vmem>> -> memref<8x64xf32, #tpu.memory_space<vmem>>
    %dma_start3A_311 = arith.constant 0 : i32
    %dma_start3A_312 = tpu.memref_slice %arg4[%multiple_of3A_292, %dma_start3A_311] : memref<1000000x64xf32, #tpu.memory_space<hbm>> -> memref<8x64xf32, #tpu.memory_space<hbm>>
    tpu.enqueue_dma source(%dma_start3A_312 : memref<8x64xf32, #tpu.memory_space<hbm>>) target(%dma_start3A_310 : memref<8x64xf32, #tpu.memory_space<vmem>>) target_semaphore(%dma_start3A_306 : memref<!tpu.dma_semaphore, #tpu.memory_space<semaphore_mem>>)
    %dma_start3A_313 = arith.constant 0 : i32
    %dma_start3A_314 = arith.constant 7 : i32
    %dma_start3A_315 = arith.constant 0 : i32
    %dma_start3A_316 = arith.constant 0 : i32
    %dma_start3A_317 = arith.constant 0 : i32
    %dma_start3A_318 = tpu.memref_slice %arg9[%dma_start3A_313, %dma_start3A_314, %dma_start3A_316, %dma_start3A_317] : memref<3x16x8x64xf32, #tpu.memory_space<vmem>> -> memref<1x1x8x64xf32, #tpu.memory_space<vmem>>
    %dma_start3A_319 = tpu.memref_squeeze %dma_start3A_318 : memref<1x1x8x64xf32, #tpu.memory_space<vmem>> -> memref<8x64xf32, #tpu.memory_space<vmem>>
    %dma_start3A_320 = arith.constant 0 : i32
    %dma_start3A_321 = tpu.memref_slice %arg4[%multiple_of3A_295, %dma_start3A_320] : memref<1000000x64xf32, #tpu.memory_space<hbm>> -> memref<8x64xf32, #tpu.memory_space<hbm>>
    %dma_start3A_322 = tpu.memref_slice %arg12[%dma_start3A_315] : memref<3x!tpu.dma_semaphore, #tpu.memory_space<semaphore_mem>> -> memref<1x!tpu.dma_semaphore, #tpu.memory_space<semaphore_mem>>
    %dma_start3A_323 = tpu.memref_squeeze %dma_start3A_322 : memref<1x!tpu.dma_semaphore, #tpu.memory_space<semaphore_mem>> -> memref<!tpu.dma_semaphore, #tpu.memory_space<semaphore_mem>>
    %dma_start3A_324 = arith.constant 0 : i32
    %dma_start3A_325 = arith.constant 0 : i32
    %dma_start3A_326 = tpu.memref_slice %arg9[%dma_start3A_313, %dma_start3A_314, %dma_start3A_324, %dma_start3A_325] : memref<3x16x8x64xf32, #tpu.memory_space<vmem>> -> memref<1x1x8x64xf32, #tpu.memory_space<vmem>>
    %dma_start3A_327 = tpu.memref_squeeze %dma_start3A_326 : memref<1x1x8x64xf32, #tpu.memory_space<vmem>> -> memref<8x64xf32, #tpu.memory_space<vmem>>
    %dma_start3A_328 = arith.constant 0 : i32
    %dma_start3A_329 = tpu.memref_slice %arg4[%multiple_of3A_295, %dma_start3A_328] : memref<1000000x64xf32, #tpu.memory_space<hbm>> -> memref<8x64xf32, #tpu.memory_space<hbm>>
    tpu.enqueue_dma source(%dma_start3A_329 : memref<8x64xf32, #tpu.memory_space<hbm>>) target(%dma_start3A_327 : memref<8x64xf32, #tpu.memory_space<vmem>>) target_semaphore(%dma_start3A_323 : memref<!tpu.dma_semaphore, #tpu.memory_space<semaphore_mem>>)
    %slice3A_330 = vector.extract_strided_slice %and3A_8 {offsets = [8], sizes = [1], strides = [1]} : vector<16xi32> to vector<1xi32>
    %squeeze3A_331 = vector.extract %slice3A_330[0] : i32 from vector<1xi32>
    %multiple_of3A_332 = tpu.assume_multiple %squeeze3A_331, 8 : i32
    %slice3A_333 = vector.extract_strided_slice %and3A_13 {offsets = [8], sizes = [1], strides = [1]} : vector<16xi32> to vector<1xi32>
    %squeeze3A_334 = vector.extract %slice3A_333[0] : i32 from vector<1xi32>
    %multiple_of3A_335 = tpu.assume_multiple %squeeze3A_334, 8 : i32
    %dma_start3A_336 = arith.constant 0 : i32
    %dma_start3A_337 = arith.constant 8 : i32
    %dma_start3A_338 = arith.constant 0 : i32
    %dma_start3A_339 = arith.constant 0 : i32
    %dma_start3A_340 = arith.constant 0 : i32
    %dma_start3A_341 = tpu.memref_slice %arg8[%dma_start3A_336, %dma_start3A_337, %dma_start3A_339, %dma_start3A_340] : memref<3x16x8x64xf32, #tpu.memory_space<vmem>> -> memref<1x1x8x64xf32, #tpu.memory_space<vmem>>
    %dma_start3A_342 = tpu.memref_squeeze %dma_start3A_341 : memref<1x1x8x64xf32, #tpu.memory_space<vmem>> -> memref<8x64xf32, #tpu.memory_space<vmem>>
    %dma_start3A_343 = arith.constant 0 : i32
    %dma_start3A_344 = tpu.memref_slice %arg4[%multiple_of3A_332, %dma_start3A_343] : memref<1000000x64xf32, #tpu.memory_space<hbm>> -> memref<8x64xf32, #tpu.memory_space<hbm>>
    %dma_start3A_345 = tpu.memref_slice %arg11[%dma_start3A_338] : memref<3x!tpu.dma_semaphore, #tpu.memory_space<semaphore_mem>> -> memref<1x!tpu.dma_semaphore, #tpu.memory_space<semaphore_mem>>
    %dma_start3A_346 = tpu.memref_squeeze %dma_start3A_345 : memref<1x!tpu.dma_semaphore, #tpu.memory_space<semaphore_mem>> -> memref<!tpu.dma_semaphore, #tpu.memory_space<semaphore_mem>>
    %dma_start3A_347 = arith.constant 0 : i32
    %dma_start3A_348 = arith.constant 0 : i32
    %dma_start3A_349 = tpu.memref_slice %arg8[%dma_start3A_336, %dma_start3A_337, %dma_start3A_347, %dma_start3A_348] : memref<3x16x8x64xf32, #tpu.memory_space<vmem>> -> memref<1x1x8x64xf32, #tpu.memory_space<vmem>>
    %dma_start3A_350 = tpu.memref_squeeze %dma_start3A_349 : memref<1x1x8x64xf32, #tpu.memory_space<vmem>> -> memref<8x64xf32, #tpu.memory_space<vmem>>
    %dma_start3A_351 = arith.constant 0 : i32
    %dma_start3A_352 = tpu.memref_slice %arg4[%multiple_of3A_332, %dma_start3A_351] : memref<1000000x64xf32, #tpu.memory_space<hbm>> -> memref<8x64xf32, #tpu.memory_space<hbm>>
    tpu.enqueue_dma source(%dma_start3A_352 : memref<8x64xf32, #tpu.memory_space<hbm>>) target(%dma_start3A_350 : memref<8x64xf32, #tpu.memory_space<vmem>>) target_semaphore(%dma_start3A_346 : memref<!tpu.dma_semaphore, #tpu.memory_space<semaphore_mem>>)
    %dma_start3A_353 = arith.constant 0 : i32
    %dma_start3A_354 = arith.constant 8 : i32
    %dma_start3A_355 = arith.constant 0 : i32
    %dma_start3A_356 = arith.constant 0 : i32
    %dma_start3A_357 = arith.constant 0 : i32
    %dma_start3A_358 = tpu.memref_slice %arg9[%dma_start3A_353, %dma_start3A_354, %dma_start3A_356, %dma_start3A_357] : memref<3x16x8x64xf32, #tpu.memory_space<vmem>> -> memref<1x1x8x64xf32, #tpu.memory_space<vmem>>
    %dma_start3A_359 = tpu.memref_squeeze %dma_start3A_358 : memref<1x1x8x64xf32, #tpu.memory_space<vmem>> -> memref<8x64xf32, #tpu.memory_space<vmem>>
    %dma_start3A_360 = arith.constant 0 : i32
    %dma_start3A_361 = tpu.memref_slice %arg4[%multiple_of3A_335, %dma_start3A_360] : memref<1000000x64xf32, #tpu.memory_space<hbm>> -> memref<8x64xf32, #tpu.memory_space<hbm>>
    %dma_start3A_362 = tpu.memref_slice %arg12[%dma_start3A_355] : memref<3x!tpu.dma_semaphore, #tpu.memory_space<semaphore_mem>> -> memref<1x!tpu.dma_semaphore, #tpu.memory_space<semaphore_mem>>
    %dma_start3A_363 = tpu.memref_squeeze %dma_start3A_362 : memref<1x!tpu.dma_semaphore, #tpu.memory_space<semaphore_mem>> -> memref<!tpu.dma_semaphore, #tpu.memory_space<semaphore_mem>>
    %dma_start3A_364 = arith.constant 0 : i32
    %dma_start3A_365 = arith.constant 0 : i32
    %dma_start3A_366 = tpu.memref_slice %arg9[%dma_start3A_353, %dma_start3A_354, %dma_start3A_364, %dma_start3A_365] : memref<3x16x8x64xf32, #tpu.memory_space<vmem>> -> memref<1x1x8x64xf32, #tpu.memory_space<vmem>>
    %dma_start3A_367 = tpu.memref_squeeze %dma_start3A_366 : memref<1x1x8x64xf32, #tpu.memory_space<vmem>> -> memref<8x64xf32, #tpu.memory_space<vmem>>
    %dma_start3A_368 = arith.constant 0 : i32
    %dma_start3A_369 = tpu.memref_slice %arg4[%multiple_of3A_335, %dma_start3A_368] : memref<1000000x64xf32, #tpu.memory_space<hbm>> -> memref<8x64xf32, #tpu.memory_space<hbm>>
    tpu.enqueue_dma source(%dma_start3A_369 : memref<8x64xf32, #tpu.memory_space<hbm>>) target(%dma_start3A_367 : memref<8x64xf32, #tpu.memory_space<vmem>>) target_semaphore(%dma_start3A_363 : memref<!tpu.dma_semaphore, #tpu.memory_space<semaphore_mem>>)
    %slice3A_370 = vector.extract_strided_slice %and3A_8 {offsets = [9], sizes = [1], strides = [1]} : vector<16xi32> to vector<1xi32>
    %squeeze3A_371 = vector.extract %slice3A_370[0] : i32 from vector<1xi32>
    %multiple_of3A_372 = tpu.assume_multiple %squeeze3A_371, 8 : i32
    %slice3A_373 = vector.extract_strided_slice %and3A_13 {offsets = [9], sizes = [1], strides = [1]} : vector<16xi32> to vector<1xi32>
    %squeeze3A_374 = vector.extract %slice3A_373[0] : i32 from vector<1xi32>
    %multiple_of3A_375 = tpu.assume_multiple %squeeze3A_374, 8 : i32
    %dma_start3A_376 = arith.constant 0 : i32
    %dma_start3A_377 = arith.constant 9 : i32
    %dma_start3A_378 = arith.constant 0 : i32
    %dma_start3A_379 = arith.constant 0 : i32
    %dma_start3A_380 = arith.constant 0 : i32
    %dma_start3A_381 = tpu.memref_slice %arg8[%dma_start3A_376, %dma_start3A_377, %dma_start3A_379, %dma_start3A_380] : memref<3x16x8x64xf32, #tpu.memory_space<vmem>> -> memref<1x1x8x64xf32, #tpu.memory_space<vmem>>
    %dma_start3A_382 = tpu.memref_squeeze %dma_start3A_381 : memref<1x1x8x64xf32, #tpu.memory_space<vmem>> -> memref<8x64xf32, #tpu.memory_space<vmem>>
    %dma_start3A_383 = arith.constant 0 : i32
    %dma_start3A_384 = tpu.memref_slice %arg4[%multiple_of3A_372, %dma_start3A_383] : memref<1000000x64xf32, #tpu.memory_space<hbm>> -> memref<8x64xf32, #tpu.memory_space<hbm>>
    %dma_start3A_385 = tpu.memref_slice %arg11[%dma_start3A_378] : memref<3x!tpu.dma_semaphore, #tpu.memory_space<semaphore_mem>> -> memref<1x!tpu.dma_semaphore, #tpu.memory_space<semaphore_mem>>
    %dma_start3A_386 = tpu.memref_squeeze %dma_start3A_385 : memref<1x!tpu.dma_semaphore, #tpu.memory_space<semaphore_mem>> -> memref<!tpu.dma_semaphore, #tpu.memory_space<semaphore_mem>>
    %dma_start3A_387 = arith.constant 0 : i32
    %dma_start3A_388 = arith.constant 0 : i32
    %dma_start3A_389 = tpu.memref_slice %arg8[%dma_start3A_376, %dma_start3A_377, %dma_start3A_387, %dma_start3A_388] : memref<3x16x8x64xf32, #tpu.memory_space<vmem>> -> memref<1x1x8x64xf32, #tpu.memory_space<vmem>>
    %dma_start3A_390 = tpu.memref_squeeze %dma_start3A_389 : memref<1x1x8x64xf32, #tpu.memory_space<vmem>> -> memref<8x64xf32, #tpu.memory_space<vmem>>
    %dma_start3A_391 = arith.constant 0 : i32
    %dma_start3A_392 = tpu.memref_slice %arg4[%multiple_of3A_372, %dma_start3A_391] : memref<1000000x64xf32, #tpu.memory_space<hbm>> -> memref<8x64xf32, #tpu.memory_space<hbm>>
    tpu.enqueue_dma source(%dma_start3A_392 : memref<8x64xf32, #tpu.memory_space<hbm>>) target(%dma_start3A_390 : memref<8x64xf32, #tpu.memory_space<vmem>>) target_semaphore(%dma_start3A_386 : memref<!tpu.dma_semaphore, #tpu.memory_space<semaphore_mem>>)
    %dma_start3A_393 = arith.constant 0 : i32
    %dma_start3A_394 = arith.constant 9 : i32
    %dma_start3A_395 = arith.constant 0 : i32
    %dma_start3A_396 = arith.constant 0 : i32
    %dma_start3A_397 = arith.constant 0 : i32
    %dma_start3A_398 = tpu.memref_slice %arg9[%dma_start3A_393, %dma_start3A_394, %dma_start3A_396, %dma_start3A_397] : memref<3x16x8x64xf32, #tpu.memory_space<vmem>> -> memref<1x1x8x64xf32, #tpu.memory_space<vmem>>
    %dma_start3A_399 = tpu.memref_squeeze %dma_start3A_398 : memref<1x1x8x64xf32, #tpu.memory_space<vmem>> -> memref<8x64xf32, #tpu.memory_space<vmem>>
    %dma_start3A_400 = arith.constant 0 : i32
    %dma_start3A_401 = tpu.memref_slice %arg4[%multiple_of3A_375, %dma_start3A_400] : memref<1000000x64xf32, #tpu.memory_space<hbm>> -> memref<8x64xf32, #tpu.memory_space<hbm>>
    %dma_start3A_402 = tpu.memref_slice %arg12[%dma_start3A_395] : memref<3x!tpu.dma_semaphore, #tpu.memory_space<semaphore_mem>> -> memref<1x!tpu.dma_semaphore, #tpu.memory_space<semaphore_mem>>
    %dma_start3A_403 = tpu.memref_squeeze %dma_start3A_402 : memref<1x!tpu.dma_semaphore, #tpu.memory_space<semaphore_mem>> -> memref<!tpu.dma_semaphore, #tpu.memory_space<semaphore_mem>>
    %dma_start3A_404 = arith.constant 0 : i32
    %dma_start3A_405 = arith.constant 0 : i32
    %dma_start3A_406 = tpu.memref_slice %arg9[%dma_start3A_393, %dma_start3A_394, %dma_start3A_404, %dma_start3A_405] : memref<3x16x8x64xf32, #tpu.memory_space<vmem>> -> memref<1x1x8x64xf32, #tpu.memory_space<vmem>>
    %dma_start3A_407 = tpu.memref_squeeze %dma_start3A_406 : memref<1x1x8x64xf32, #tpu.memory_space<vmem>> -> memref<8x64xf32, #tpu.memory_space<vmem>>
    %dma_start3A_408 = arith.constant 0 : i32
    %dma_start3A_409 = tpu.memref_slice %arg4[%multiple_of3A_375, %dma_start3A_408] : memref<1000000x64xf32, #tpu.memory_space<hbm>> -> memref<8x64xf32, #tpu.memory_space<hbm>>
    tpu.enqueue_dma source(%dma_start3A_409 : memref<8x64xf32, #tpu.memory_space<hbm>>) target(%dma_start3A_407 : memref<8x64xf32, #tpu.memory_space<vmem>>) target_semaphore(%dma_start3A_403 : memref<!tpu.dma_semaphore, #tpu.memory_space<semaphore_mem>>)
    %slice3A_410 = vector.extract_strided_slice %and3A_8 {offsets = [10], sizes = [1], strides = [1]} : vector<16xi32> to vector<1xi32>
    %squeeze3A_411 = vector.extract %slice3A_410[0] : i32 from vector<1xi32>
    %multiple_of3A_412 = tpu.assume_multiple %squeeze3A_411, 8 : i32
    %slice3A_413 = vector.extract_strided_slice %and3A_13 {offsets = [10], sizes = [1], strides = [1]} : vector<16xi32> to vector<1xi32>
    %squeeze3A_414 = vector.extract %slice3A_413[0] : i32 from vector<1xi32>
    %multiple_of3A_415 = tpu.assume_multiple %squeeze3A_414, 8 : i32
    %dma_start3A_416 = arith.constant 0 : i32
    %dma_start3A_417 = arith.constant 10 : i32
    %dma_start3A_418 = arith.constant 0 : i32
    %dma_start3A_419 = arith.constant 0 : i32
    %dma_start3A_420 = arith.constant 0 : i32
    %dma_start3A_421 = tpu.memref_slice %arg8[%dma_start3A_416, %dma_start3A_417, %dma_start3A_419, %dma_start3A_420] : memref<3x16x8x64xf32, #tpu.memory_space<vmem>> -> memref<1x1x8x64xf32, #tpu.memory_space<vmem>>
    %dma_start3A_422 = tpu.memref_squeeze %dma_start3A_421 : memref<1x1x8x64xf32, #tpu.memory_space<vmem>> -> memref<8x64xf32, #tpu.memory_space<vmem>>
    %dma_start3A_423 = arith.constant 0 : i32
    %dma_start3A_424 = tpu.memref_slice %arg4[%multiple_of3A_412, %dma_start3A_423] : memref<1000000x64xf32, #tpu.memory_space<hbm>> -> memref<8x64xf32, #tpu.memory_space<hbm>>
    %dma_start3A_425 = tpu.memref_slice %arg11[%dma_start3A_418] : memref<3x!tpu.dma_semaphore, #tpu.memory_space<semaphore_mem>> -> memref<1x!tpu.dma_semaphore, #tpu.memory_space<semaphore_mem>>
    %dma_start3A_426 = tpu.memref_squeeze %dma_start3A_425 : memref<1x!tpu.dma_semaphore, #tpu.memory_space<semaphore_mem>> -> memref<!tpu.dma_semaphore, #tpu.memory_space<semaphore_mem>>
    %dma_start3A_427 = arith.constant 0 : i32
    %dma_start3A_428 = arith.constant 0 : i32
    %dma_start3A_429 = tpu.memref_slice %arg8[%dma_start3A_416, %dma_start3A_417, %dma_start3A_427, %dma_start3A_428] : memref<3x16x8x64xf32, #tpu.memory_space<vmem>> -> memref<1x1x8x64xf32, #tpu.memory_space<vmem>>
    %dma_start3A_430 = tpu.memref_squeeze %dma_start3A_429 : memref<1x1x8x64xf32, #tpu.memory_space<vmem>> -> memref<8x64xf32, #tpu.memory_space<vmem>>
    %dma_start3A_431 = arith.constant 0 : i32
    %dma_start3A_432 = tpu.memref_slice %arg4[%multiple_of3A_412, %dma_start3A_431] : memref<1000000x64xf32, #tpu.memory_space<hbm>> -> memref<8x64xf32, #tpu.memory_space<hbm>>
    tpu.enqueue_dma source(%dma_start3A_432 : memref<8x64xf32, #tpu.memory_space<hbm>>) target(%dma_start3A_430 : memref<8x64xf32, #tpu.memory_space<vmem>>) target_semaphore(%dma_start3A_426 : memref<!tpu.dma_semaphore, #tpu.memory_space<semaphore_mem>>)
    %dma_start3A_433 = arith.constant 0 : i32
    %dma_start3A_434 = arith.constant 10 : i32
    %dma_start3A_435 = arith.constant 0 : i32
    %dma_start3A_436 = arith.constant 0 : i32
    %dma_start3A_437 = arith.constant 0 : i32
    %dma_start3A_438 = tpu.memref_slice %arg9[%dma_start3A_433, %dma_start3A_434, %dma_start3A_436, %dma_start3A_437] : memref<3x16x8x64xf32, #tpu.memory_space<vmem>> -> memref<1x1x8x64xf32, #tpu.memory_space<vmem>>
    %dma_start3A_439 = tpu.memref_squeeze %dma_start3A_438 : memref<1x1x8x64xf32, #tpu.memory_space<vmem>> -> memref<8x64xf32, #tpu.memory_space<vmem>>
    %dma_start3A_440 = arith.constant 0 : i32
    %dma_start3A_441 = tpu.memref_slice %arg4[%multiple_of3A_415, %dma_start3A_440] : memref<1000000x64xf32, #tpu.memory_space<hbm>> -> memref<8x64xf32, #tpu.memory_space<hbm>>
    %dma_start3A_442 = tpu.memref_slice %arg12[%dma_start3A_435] : memref<3x!tpu.dma_semaphore, #tpu.memory_space<semaphore_mem>> -> memref<1x!tpu.dma_semaphore, #tpu.memory_space<semaphore_mem>>
    %dma_start3A_443 = tpu.memref_squeeze %dma_start3A_442 : memref<1x!tpu.dma_semaphore, #tpu.memory_space<semaphore_mem>> -> memref<!tpu.dma_semaphore, #tpu.memory_space<semaphore_mem>>
    %dma_start3A_444 = arith.constant 0 : i32
    %dma_start3A_445 = arith.constant 0 : i32
    %dma_start3A_446 = tpu.memref_slice %arg9[%dma_start3A_433, %dma_start3A_434, %dma_start3A_444, %dma_start3A_445] : memref<3x16x8x64xf32, #tpu.memory_space<vmem>> -> memref<1x1x8x64xf32, #tpu.memory_space<vmem>>
    %dma_start3A_447 = tpu.memref_squeeze %dma_start3A_446 : memref<1x1x8x64xf32, #tpu.memory_space<vmem>> -> memref<8x64xf32, #tpu.memory_space<vmem>>
    %dma_start3A_448 = arith.constant 0 : i32
    %dma_start3A_449 = tpu.memref_slice %arg4[%multiple_of3A_415, %dma_start3A_448] : memref<1000000x64xf32, #tpu.memory_space<hbm>> -> memref<8x64xf32, #tpu.memory_space<hbm>>
    tpu.enqueue_dma source(%dma_start3A_449 : memref<8x64xf32, #tpu.memory_space<hbm>>) target(%dma_start3A_447 : memref<8x64xf32, #tpu.memory_space<vmem>>) target_semaphore(%dma_start3A_443 : memref<!tpu.dma_semaphore, #tpu.memory_space<semaphore_mem>>)
    %slice3A_450 = vector.extract_strided_slice %and3A_8 {offsets = [11], sizes = [1], strides = [1]} : vector<16xi32> to vector<1xi32>
    %squeeze3A_451 = vector.extract %slice3A_450[0] : i32 from vector<1xi32>
    %multiple_of3A_452 = tpu.assume_multiple %squeeze3A_451, 8 : i32
    %slice3A_453 = vector.extract_strided_slice %and3A_13 {offsets = [11], sizes = [1], strides = [1]} : vector<16xi32> to vector<1xi32>
    %squeeze3A_454 = vector.extract %slice3A_453[0] : i32 from vector<1xi32>
    %multiple_of3A_455 = tpu.assume_multiple %squeeze3A_454, 8 : i32
    %dma_start3A_456 = arith.constant 0 : i32
    %dma_start3A_457 = arith.constant 11 : i32
    %dma_start3A_458 = arith.constant 0 : i32
    %dma_start3A_459 = arith.constant 0 : i32
    %dma_start3A_460 = arith.constant 0 : i32
    %dma_start3A_461 = tpu.memref_slice %arg8[%dma_start3A_456, %dma_start3A_457, %dma_start3A_459, %dma_start3A_460] : memref<3x16x8x64xf32, #tpu.memory_space<vmem>> -> memref<1x1x8x64xf32, #tpu.memory_space<vmem>>
    %dma_start3A_462 = tpu.memref_squeeze %dma_start3A_461 : memref<1x1x8x64xf32, #tpu.memory_space<vmem>> -> memref<8x64xf32, #tpu.memory_space<vmem>>
    %dma_start3A_463 = arith.constant 0 : i32
    %dma_start3A_464 = tpu.memref_slice %arg4[%multiple_of3A_452, %dma_start3A_463] : memref<1000000x64xf32, #tpu.memory_space<hbm>> -> memref<8x64xf32, #tpu.memory_space<hbm>>
    %dma_start3A_465 = tpu.memref_slice %arg11[%dma_start3A_458] : memref<3x!tpu.dma_semaphore, #tpu.memory_space<semaphore_mem>> -> memref<1x!tpu.dma_semaphore, #tpu.memory_space<semaphore_mem>>
    %dma_start3A_466 = tpu.memref_squeeze %dma_start3A_465 : memref<1x!tpu.dma_semaphore, #tpu.memory_space<semaphore_mem>> -> memref<!tpu.dma_semaphore, #tpu.memory_space<semaphore_mem>>
    %dma_start3A_467 = arith.constant 0 : i32
    %dma_start3A_468 = arith.constant 0 : i32
    %dma_start3A_469 = tpu.memref_slice %arg8[%dma_start3A_456, %dma_start3A_457, %dma_start3A_467, %dma_start3A_468] : memref<3x16x8x64xf32, #tpu.memory_space<vmem>> -> memref<1x1x8x64xf32, #tpu.memory_space<vmem>>
    %dma_start3A_470 = tpu.memref_squeeze %dma_start3A_469 : memref<1x1x8x64xf32, #tpu.memory_space<vmem>> -> memref<8x64xf32, #tpu.memory_space<vmem>>
    %dma_start3A_471 = arith.constant 0 : i32
    %dma_start3A_472 = tpu.memref_slice %arg4[%multiple_of3A_452, %dma_start3A_471] : memref<1000000x64xf32, #tpu.memory_space<hbm>> -> memref<8x64xf32, #tpu.memory_space<hbm>>
    tpu.enqueue_dma source(%dma_start3A_472 : memref<8x64xf32, #tpu.memory_space<hbm>>) target(%dma_start3A_470 : memref<8x64xf32, #tpu.memory_space<vmem>>) target_semaphore(%dma_start3A_466 : memref<!tpu.dma_semaphore, #tpu.memory_space<semaphore_mem>>)
    %dma_start3A_473 = arith.constant 0 : i32
    %dma_start3A_474 = arith.constant 11 : i32
    %dma_start3A_475 = arith.constant 0 : i32
    %dma_start3A_476 = arith.constant 0 : i32
    %dma_start3A_477 = arith.constant 0 : i32
    %dma_start3A_478 = tpu.memref_slice %arg9[%dma_start3A_473, %dma_start3A_474, %dma_start3A_476, %dma_start3A_477] : memref<3x16x8x64xf32, #tpu.memory_space<vmem>> -> memref<1x1x8x64xf32, #tpu.memory_space<vmem>>
    %dma_start3A_479 = tpu.memref_squeeze %dma_start3A_478 : memref<1x1x8x64xf32, #tpu.memory_space<vmem>> -> memref<8x64xf32, #tpu.memory_space<vmem>>
    %dma_start3A_480 = arith.constant 0 : i32
    %dma_start3A_481 = tpu.memref_slice %arg4[%multiple_of3A_455, %dma_start3A_480] : memref<1000000x64xf32, #tpu.memory_space<hbm>> -> memref<8x64xf32, #tpu.memory_space<hbm>>
    %dma_start3A_482 = tpu.memref_slice %arg12[%dma_start3A_475] : memref<3x!tpu.dma_semaphore, #tpu.memory_space<semaphore_mem>> -> memref<1x!tpu.dma_semaphore, #tpu.memory_space<semaphore_mem>>
    %dma_start3A_483 = tpu.memref_squeeze %dma_start3A_482 : memref<1x!tpu.dma_semaphore, #tpu.memory_space<semaphore_mem>> -> memref<!tpu.dma_semaphore, #tpu.memory_space<semaphore_mem>>
    %dma_start3A_484 = arith.constant 0 : i32
    %dma_start3A_485 = arith.constant 0 : i32
    %dma_start3A_486 = tpu.memref_slice %arg9[%dma_start3A_473, %dma_start3A_474, %dma_start3A_484, %dma_start3A_485] : memref<3x16x8x64xf32, #tpu.memory_space<vmem>> -> memref<1x1x8x64xf32, #tpu.memory_space<vmem>>
    %dma_start3A_487 = tpu.memref_squeeze %dma_start3A_486 : memref<1x1x8x64xf32, #tpu.memory_space<vmem>> -> memref<8x64xf32, #tpu.memory_space<vmem>>
    %dma_start3A_488 = arith.constant 0 : i32
    %dma_start3A_489 = tpu.memref_slice %arg4[%multiple_of3A_455, %dma_start3A_488] : memref<1000000x64xf32, #tpu.memory_space<hbm>> -> memref<8x64xf32, #tpu.memory_space<hbm>>
    tpu.enqueue_dma source(%dma_start3A_489 : memref<8x64xf32, #tpu.memory_space<hbm>>) target(%dma_start3A_487 : memref<8x64xf32, #tpu.memory_space<vmem>>) target_semaphore(%dma_start3A_483 : memref<!tpu.dma_semaphore, #tpu.memory_space<semaphore_mem>>)
    %slice3A_490 = vector.extract_strided_slice %and3A_8 {offsets = [12], sizes = [1], strides = [1]} : vector<16xi32> to vector<1xi32>
    %squeeze3A_491 = vector.extract %slice3A_490[0] : i32 from vector<1xi32>
    %multiple_of3A_492 = tpu.assume_multiple %squeeze3A_491, 8 : i32
    %slice3A_493 = vector.extract_strided_slice %and3A_13 {offsets = [12], sizes = [1], strides = [1]} : vector<16xi32> to vector<1xi32>
    %squeeze3A_494 = vector.extract %slice3A_493[0] : i32 from vector<1xi32>
    %multiple_of3A_495 = tpu.assume_multiple %squeeze3A_494, 8 : i32
    %dma_start3A_496 = arith.constant 0 : i32
    %dma_start3A_497 = arith.constant 12 : i32
    %dma_start3A_498 = arith.constant 0 : i32
    %dma_start3A_499 = arith.constant 0 : i32
    %dma_start3A_500 = arith.constant 0 : i32
    %dma_start3A_501 = tpu.memref_slice %arg8[%dma_start3A_496, %dma_start3A_497, %dma_start3A_499, %dma_start3A_500] : memref<3x16x8x64xf32, #tpu.memory_space<vmem>> -> memref<1x1x8x64xf32, #tpu.memory_space<vmem>>
    %dma_start3A_502 = tpu.memref_squeeze %dma_start3A_501 : memref<1x1x8x64xf32, #tpu.memory_space<vmem>> -> memref<8x64xf32, #tpu.memory_space<vmem>>
    %dma_start3A_503 = arith.constant 0 : i32
    %dma_start3A_504 = tpu.memref_slice %arg4[%multiple_of3A_492, %dma_start3A_503] : memref<1000000x64xf32, #tpu.memory_space<hbm>> -> memref<8x64xf32, #tpu.memory_space<hbm>>
    %dma_start3A_505 = tpu.memref_slice %arg11[%dma_start3A_498] : memref<3x!tpu.dma_semaphore, #tpu.memory_space<semaphore_mem>> -> memref<1x!tpu.dma_semaphore, #tpu.memory_space<semaphore_mem>>
    %dma_start3A_506 = tpu.memref_squeeze %dma_start3A_505 : memref<1x!tpu.dma_semaphore, #tpu.memory_space<semaphore_mem>> -> memref<!tpu.dma_semaphore, #tpu.memory_space<semaphore_mem>>
    %dma_start3A_507 = arith.constant 0 : i32
    %dma_start3A_508 = arith.constant 0 : i32
    %dma_start3A_509 = tpu.memref_slice %arg8[%dma_start3A_496, %dma_start3A_497, %dma_start3A_507, %dma_start3A_508] : memref<3x16x8x64xf32, #tpu.memory_space<vmem>> -> memref<1x1x8x64xf32, #tpu.memory_space<vmem>>
    %dma_start3A_510 = tpu.memref_squeeze %dma_start3A_509 : memref<1x1x8x64xf32, #tpu.memory_space<vmem>> -> memref<8x64xf32, #tpu.memory_space<vmem>>
    %dma_start3A_511 = arith.constant 0 : i32
    %dma_start3A_512 = tpu.memref_slice %arg4[%multiple_of3A_492, %dma_start3A_511] : memref<1000000x64xf32, #tpu.memory_space<hbm>> -> memref<8x64xf32, #tpu.memory_space<hbm>>
    tpu.enqueue_dma source(%dma_start3A_512 : memref<8x64xf32, #tpu.memory_space<hbm>>) target(%dma_start3A_510 : memref<8x64xf32, #tpu.memory_space<vmem>>) target_semaphore(%dma_start3A_506 : memref<!tpu.dma_semaphore, #tpu.memory_space<semaphore_mem>>)
    %dma_start3A_513 = arith.constant 0 : i32
    %dma_start3A_514 = arith.constant 12 : i32
    %dma_start3A_515 = arith.constant 0 : i32
    %dma_start3A_516 = arith.constant 0 : i32
    %dma_start3A_517 = arith.constant 0 : i32
    %dma_start3A_518 = tpu.memref_slice %arg9[%dma_start3A_513, %dma_start3A_514, %dma_start3A_516, %dma_start3A_517] : memref<3x16x8x64xf32, #tpu.memory_space<vmem>> -> memref<1x1x8x64xf32, #tpu.memory_space<vmem>>
    %dma_start3A_519 = tpu.memref_squeeze %dma_start3A_518 : memref<1x1x8x64xf32, #tpu.memory_space<vmem>> -> memref<8x64xf32, #tpu.memory_space<vmem>>
    %dma_start3A_520 = arith.constant 0 : i32
    %dma_start3A_521 = tpu.memref_slice %arg4[%multiple_of3A_495, %dma_start3A_520] : memref<1000000x64xf32, #tpu.memory_space<hbm>> -> memref<8x64xf32, #tpu.memory_space<hbm>>
    %dma_start3A_522 = tpu.memref_slice %arg12[%dma_start3A_515] : memref<3x!tpu.dma_semaphore, #tpu.memory_space<semaphore_mem>> -> memref<1x!tpu.dma_semaphore, #tpu.memory_space<semaphore_mem>>
    %dma_start3A_523 = tpu.memref_squeeze %dma_start3A_522 : memref<1x!tpu.dma_semaphore, #tpu.memory_space<semaphore_mem>> -> memref<!tpu.dma_semaphore, #tpu.memory_space<semaphore_mem>>
    %dma_start3A_524 = arith.constant 0 : i32
    %dma_start3A_525 = arith.constant 0 : i32
    %dma_start3A_526 = tpu.memref_slice %arg9[%dma_start3A_513, %dma_start3A_514, %dma_start3A_524, %dma_start3A_525] : memref<3x16x8x64xf32, #tpu.memory_space<vmem>> -> memref<1x1x8x64xf32, #tpu.memory_space<vmem>>
    %dma_start3A_527 = tpu.memref_squeeze %dma_start3A_526 : memref<1x1x8x64xf32, #tpu.memory_space<vmem>> -> memref<8x64xf32, #tpu.memory_space<vmem>>
    %dma_start3A_528 = arith.constant 0 : i32
    %dma_start3A_529 = tpu.memref_slice %arg4[%multiple_of3A_495, %dma_start3A_528] : memref<1000000x64xf32, #tpu.memory_space<hbm>> -> memref<8x64xf32, #tpu.memory_space<hbm>>
    tpu.enqueue_dma source(%dma_start3A_529 : memref<8x64xf32, #tpu.memory_space<hbm>>) target(%dma_start3A_527 : memref<8x64xf32, #tpu.memory_space<vmem>>) target_semaphore(%dma_start3A_523 : memref<!tpu.dma_semaphore, #tpu.memory_space<semaphore_mem>>)
    %slice3A_530 = vector.extract_strided_slice %and3A_8 {offsets = [13], sizes = [1], strides = [1]} : vector<16xi32> to vector<1xi32>
    %squeeze3A_531 = vector.extract %slice3A_530[0] : i32 from vector<1xi32>
    %multiple_of3A_532 = tpu.assume_multiple %squeeze3A_531, 8 : i32
    %slice3A_533 = vector.extract_strided_slice %and3A_13 {offsets = [13], sizes = [1], strides = [1]} : vector<16xi32> to vector<1xi32>
    %squeeze3A_534 = vector.extract %slice3A_533[0] : i32 from vector<1xi32>
    %multiple_of3A_535 = tpu.assume_multiple %squeeze3A_534, 8 : i32
    %dma_start3A_536 = arith.constant 0 : i32
    %dma_start3A_537 = arith.constant 13 : i32
    %dma_start3A_538 = arith.constant 0 : i32
    %dma_start3A_539 = arith.constant 0 : i32
    %dma_start3A_540 = arith.constant 0 : i32
    %dma_start3A_541 = tpu.memref_slice %arg8[%dma_start3A_536, %dma_start3A_537, %dma_start3A_539, %dma_start3A_540] : memref<3x16x8x64xf32, #tpu.memory_space<vmem>> -> memref<1x1x8x64xf32, #tpu.memory_space<vmem>>
    %dma_start3A_542 = tpu.memref_squeeze %dma_start3A_541 : memref<1x1x8x64xf32, #tpu.memory_space<vmem>> -> memref<8x64xf32, #tpu.memory_space<vmem>>
    %dma_start3A_543 = arith.constant 0 : i32
    %dma_start3A_544 = tpu.memref_slice %arg4[%multiple_of3A_532, %dma_start3A_543] : memref<1000000x64xf32, #tpu.memory_space<hbm>> -> memref<8x64xf32, #tpu.memory_space<hbm>>
    %dma_start3A_545 = tpu.memref_slice %arg11[%dma_start3A_538] : memref<3x!tpu.dma_semaphore, #tpu.memory_space<semaphore_mem>> -> memref<1x!tpu.dma_semaphore, #tpu.memory_space<semaphore_mem>>
    %dma_start3A_546 = tpu.memref_squeeze %dma_start3A_545 : memref<1x!tpu.dma_semaphore, #tpu.memory_space<semaphore_mem>> -> memref<!tpu.dma_semaphore, #tpu.memory_space<semaphore_mem>>
    %dma_start3A_547 = arith.constant 0 : i32
    %dma_start3A_548 = arith.constant 0 : i32
    %dma_start3A_549 = tpu.memref_slice %arg8[%dma_start3A_536, %dma_start3A_537, %dma_start3A_547, %dma_start3A_548] : memref<3x16x8x64xf32, #tpu.memory_space<vmem>> -> memref<1x1x8x64xf32, #tpu.memory_space<vmem>>
    %dma_start3A_550 = tpu.memref_squeeze %dma_start3A_549 : memref<1x1x8x64xf32, #tpu.memory_space<vmem>> -> memref<8x64xf32, #tpu.memory_space<vmem>>
    %dma_start3A_551 = arith.constant 0 : i32
    %dma_start3A_552 = tpu.memref_slice %arg4[%multiple_of3A_532, %dma_start3A_551] : memref<1000000x64xf32, #tpu.memory_space<hbm>> -> memref<8x64xf32, #tpu.memory_space<hbm>>
    tpu.enqueue_dma source(%dma_start3A_552 : memref<8x64xf32, #tpu.memory_space<hbm>>) target(%dma_start3A_550 : memref<8x64xf32, #tpu.memory_space<vmem>>) target_semaphore(%dma_start3A_546 : memref<!tpu.dma_semaphore, #tpu.memory_space<semaphore_mem>>)
    %dma_start3A_553 = arith.constant 0 : i32
    %dma_start3A_554 = arith.constant 13 : i32
    %dma_start3A_555 = arith.constant 0 : i32
    %dma_start3A_556 = arith.constant 0 : i32
    %dma_start3A_557 = arith.constant 0 : i32
    %dma_start3A_558 = tpu.memref_slice %arg9[%dma_start3A_553, %dma_start3A_554, %dma_start3A_556, %dma_start3A_557] : memref<3x16x8x64xf32, #tpu.memory_space<vmem>> -> memref<1x1x8x64xf32, #tpu.memory_space<vmem>>
    %dma_start3A_559 = tpu.memref_squeeze %dma_start3A_558 : memref<1x1x8x64xf32, #tpu.memory_space<vmem>> -> memref<8x64xf32, #tpu.memory_space<vmem>>
    %dma_start3A_560 = arith.constant 0 : i32
    %dma_start3A_561 = tpu.memref_slice %arg4[%multiple_of3A_535, %dma_start3A_560] : memref<1000000x64xf32, #tpu.memory_space<hbm>> -> memref<8x64xf32, #tpu.memory_space<hbm>>
    %dma_start3A_562 = tpu.memref_slice %arg12[%dma_start3A_555] : memref<3x!tpu.dma_semaphore, #tpu.memory_space<semaphore_mem>> -> memref<1x!tpu.dma_semaphore, #tpu.memory_space<semaphore_mem>>
    %dma_start3A_563 = tpu.memref_squeeze %dma_start3A_562 : memref<1x!tpu.dma_semaphore, #tpu.memory_space<semaphore_mem>> -> memref<!tpu.dma_semaphore, #tpu.memory_space<semaphore_mem>>
    %dma_start3A_564 = arith.constant 0 : i32
    %dma_start3A_565 = arith.constant 0 : i32
    %dma_start3A_566 = tpu.memref_slice %arg9[%dma_start3A_553, %dma_start3A_554, %dma_start3A_564, %dma_start3A_565] : memref<3x16x8x64xf32, #tpu.memory_space<vmem>> -> memref<1x1x8x64xf32, #tpu.memory_space<vmem>>
    %dma_start3A_567 = tpu.memref_squeeze %dma_start3A_566 : memref<1x1x8x64xf32, #tpu.memory_space<vmem>> -> memref<8x64xf32, #tpu.memory_space<vmem>>
    %dma_start3A_568 = arith.constant 0 : i32
    %dma_start3A_569 = tpu.memref_slice %arg4[%multiple_of3A_535, %dma_start3A_568] : memref<1000000x64xf32, #tpu.memory_space<hbm>> -> memref<8x64xf32, #tpu.memory_space<hbm>>
    tpu.enqueue_dma source(%dma_start3A_569 : memref<8x64xf32, #tpu.memory_space<hbm>>) target(%dma_start3A_567 : memref<8x64xf32, #tpu.memory_space<vmem>>) target_semaphore(%dma_start3A_563 : memref<!tpu.dma_semaphore, #tpu.memory_space<semaphore_mem>>)
    %slice3A_570 = vector.extract_strided_slice %and3A_8 {offsets = [14], sizes = [1], strides = [1]} : vector<16xi32> to vector<1xi32>
    %squeeze3A_571 = vector.extract %slice3A_570[0] : i32 from vector<1xi32>
    %multiple_of3A_572 = tpu.assume_multiple %squeeze3A_571, 8 : i32
    %slice3A_573 = vector.extract_strided_slice %and3A_13 {offsets = [14], sizes = [1], strides = [1]} : vector<16xi32> to vector<1xi32>
    %squeeze3A_574 = vector.extract %slice3A_573[0] : i32 from vector<1xi32>
    %multiple_of3A_575 = tpu.assume_multiple %squeeze3A_574, 8 : i32
    %dma_start3A_576 = arith.constant 0 : i32
    %dma_start3A_577 = arith.constant 14 : i32
    %dma_start3A_578 = arith.constant 0 : i32
    %dma_start3A_579 = arith.constant 0 : i32
    %dma_start3A_580 = arith.constant 0 : i32
    %dma_start3A_581 = tpu.memref_slice %arg8[%dma_start3A_576, %dma_start3A_577, %dma_start3A_579, %dma_start3A_580] : memref<3x16x8x64xf32, #tpu.memory_space<vmem>> -> memref<1x1x8x64xf32, #tpu.memory_space<vmem>>
    %dma_start3A_582 = tpu.memref_squeeze %dma_start3A_581 : memref<1x1x8x64xf32, #tpu.memory_space<vmem>> -> memref<8x64xf32, #tpu.memory_space<vmem>>
    %dma_start3A_583 = arith.constant 0 : i32
    %dma_start3A_584 = tpu.memref_slice %arg4[%multiple_of3A_572, %dma_start3A_583] : memref<1000000x64xf32, #tpu.memory_space<hbm>> -> memref<8x64xf32, #tpu.memory_space<hbm>>
    %dma_start3A_585 = tpu.memref_slice %arg11[%dma_start3A_578] : memref<3x!tpu.dma_semaphore, #tpu.memory_space<semaphore_mem>> -> memref<1x!tpu.dma_semaphore, #tpu.memory_space<semaphore_mem>>
    %dma_start3A_586 = tpu.memref_squeeze %dma_start3A_585 : memref<1x!tpu.dma_semaphore, #tpu.memory_space<semaphore_mem>> -> memref<!tpu.dma_semaphore, #tpu.memory_space<semaphore_mem>>
    %dma_start3A_587 = arith.constant 0 : i32
    %dma_start3A_588 = arith.constant 0 : i32
    %dma_start3A_589 = tpu.memref_slice %arg8[%dma_start3A_576, %dma_start3A_577, %dma_start3A_587, %dma_start3A_588] : memref<3x16x8x64xf32, #tpu.memory_space<vmem>> -> memref<1x1x8x64xf32, #tpu.memory_space<vmem>>
    %dma_start3A_590 = tpu.memref_squeeze %dma_start3A_589 : memref<1x1x8x64xf32, #tpu.memory_space<vmem>> -> memref<8x64xf32, #tpu.memory_space<vmem>>
    %dma_start3A_591 = arith.constant 0 : i32
    %dma_start3A_592 = tpu.memref_slice %arg4[%multiple_of3A_572, %dma_start3A_591] : memref<1000000x64xf32, #tpu.memory_space<hbm>> -> memref<8x64xf32, #tpu.memory_space<hbm>>
    tpu.enqueue_dma source(%dma_start3A_592 : memref<8x64xf32, #tpu.memory_space<hbm>>) target(%dma_start3A_590 : memref<8x64xf32, #tpu.memory_space<vmem>>) target_semaphore(%dma_start3A_586 : memref<!tpu.dma_semaphore, #tpu.memory_space<semaphore_mem>>)
    %dma_start3A_593 = arith.constant 0 : i32
    %dma_start3A_594 = arith.constant 14 : i32
    %dma_start3A_595 = arith.constant 0 : i32
    %dma_start3A_596 = arith.constant 0 : i32
    %dma_start3A_597 = arith.constant 0 : i32
    %dma_start3A_598 = tpu.memref_slice %arg9[%dma_start3A_593, %dma_start3A_594, %dma_start3A_596, %dma_start3A_597] : memref<3x16x8x64xf32, #tpu.memory_space<vmem>> -> memref<1x1x8x64xf32, #tpu.memory_space<vmem>>
    %dma_start3A_599 = tpu.memref_squeeze %dma_start3A_598 : memref<1x1x8x64xf32, #tpu.memory_space<vmem>> -> memref<8x64xf32, #tpu.memory_space<vmem>>
    %dma_start3A_600 = arith.constant 0 : i32
    %dma_start3A_601 = tpu.memref_slice %arg4[%multiple_of3A_575, %dma_start3A_600] : memref<1000000x64xf32, #tpu.memory_space<hbm>> -> memref<8x64xf32, #tpu.memory_space<hbm>>
    %dma_start3A_602 = tpu.memref_slice %arg12[%dma_start3A_595] : memref<3x!tpu.dma_semaphore, #tpu.memory_space<semaphore_mem>> -> memref<1x!tpu.dma_semaphore, #tpu.memory_space<semaphore_mem>>
    %dma_start3A_603 = tpu.memref_squeeze %dma_start3A_602 : memref<1x!tpu.dma_semaphore, #tpu.memory_space<semaphore_mem>> -> memref<!tpu.dma_semaphore, #tpu.memory_space<semaphore_mem>>
    %dma_start3A_604 = arith.constant 0 : i32
    %dma_start3A_605 = arith.constant 0 : i32
    %dma_start3A_606 = tpu.memref_slice %arg9[%dma_start3A_593, %dma_start3A_594, %dma_start3A_604, %dma_start3A_605] : memref<3x16x8x64xf32, #tpu.memory_space<vmem>> -> memref<1x1x8x64xf32, #tpu.memory_space<vmem>>
    %dma_start3A_607 = tpu.memref_squeeze %dma_start3A_606 : memref<1x1x8x64xf32, #tpu.memory_space<vmem>> -> memref<8x64xf32, #tpu.memory_space<vmem>>
    %dma_start3A_608 = arith.constant 0 : i32
    %dma_start3A_609 = tpu.memref_slice %arg4[%multiple_of3A_575, %dma_start3A_608] : memref<1000000x64xf32, #tpu.memory_space<hbm>> -> memref<8x64xf32, #tpu.memory_space<hbm>>
    tpu.enqueue_dma source(%dma_start3A_609 : memref<8x64xf32, #tpu.memory_space<hbm>>) target(%dma_start3A_607 : memref<8x64xf32, #tpu.memory_space<vmem>>) target_semaphore(%dma_start3A_603 : memref<!tpu.dma_semaphore, #tpu.memory_space<semaphore_mem>>)
    %slice3A_610 = vector.extract_strided_slice %and3A_8 {offsets = [15], sizes = [1], strides = [1]} : vector<16xi32> to vector<1xi32>
    %squeeze3A_611 = vector.extract %slice3A_610[0] : i32 from vector<1xi32>
    %multiple_of3A_612 = tpu.assume_multiple %squeeze3A_611, 8 : i32
    %slice3A_613 = vector.extract_strided_slice %and3A_13 {offsets = [15], sizes = [1], strides = [1]} : vector<16xi32> to vector<1xi32>
    %squeeze3A_614 = vector.extract %slice3A_613[0] : i32 from vector<1xi32>
    %multiple_of3A_615 = tpu.assume_multiple %squeeze3A_614, 8 : i32
    %dma_start3A_616 = arith.constant 0 : i32
    %dma_start3A_617 = arith.constant 15 : i32
    %dma_start3A_618 = arith.constant 0 : i32
    %dma_start3A_619 = arith.constant 0 : i32
    %dma_start3A_620 = arith.constant 0 : i32
    %dma_start3A_621 = tpu.memref_slice %arg8[%dma_start3A_616, %dma_start3A_617, %dma_start3A_619, %dma_start3A_620] : memref<3x16x8x64xf32, #tpu.memory_space<vmem>> -> memref<1x1x8x64xf32, #tpu.memory_space<vmem>>
    %dma_start3A_622 = tpu.memref_squeeze %dma_start3A_621 : memref<1x1x8x64xf32, #tpu.memory_space<vmem>> -> memref<8x64xf32, #tpu.memory_space<vmem>>
    %dma_start3A_623 = arith.constant 0 : i32
    %dma_start3A_624 = tpu.memref_slice %arg4[%multiple_of3A_612, %dma_start3A_623] : memref<1000000x64xf32, #tpu.memory_space<hbm>> -> memref<8x64xf32, #tpu.memory_space<hbm>>
    %dma_start3A_625 = tpu.memref_slice %arg11[%dma_start3A_618] : memref<3x!tpu.dma_semaphore, #tpu.memory_space<semaphore_mem>> -> memref<1x!tpu.dma_semaphore, #tpu.memory_space<semaphore_mem>>
    %dma_start3A_626 = tpu.memref_squeeze %dma_start3A_625 : memref<1x!tpu.dma_semaphore, #tpu.memory_space<semaphore_mem>> -> memref<!tpu.dma_semaphore, #tpu.memory_space<semaphore_mem>>
    %dma_start3A_627 = arith.constant 0 : i32
    %dma_start3A_628 = arith.constant 0 : i32
    %dma_start3A_629 = tpu.memref_slice %arg8[%dma_start3A_616, %dma_start3A_617, %dma_start3A_627, %dma_start3A_628] : memref<3x16x8x64xf32, #tpu.memory_space<vmem>> -> memref<1x1x8x64xf32, #tpu.memory_space<vmem>>
    %dma_start3A_630 = tpu.memref_squeeze %dma_start3A_629 : memref<1x1x8x64xf32, #tpu.memory_space<vmem>> -> memref<8x64xf32, #tpu.memory_space<vmem>>
    %dma_start3A_631 = arith.constant 0 : i32
    %dma_start3A_632 = tpu.memref_slice %arg4[%multiple_of3A_612, %dma_start3A_631] : memref<1000000x64xf32, #tpu.memory_space<hbm>> -> memref<8x64xf32, #tpu.memory_space<hbm>>
    tpu.enqueue_dma source(%dma_start3A_632 : memref<8x64xf32, #tpu.memory_space<hbm>>) target(%dma_start3A_630 : memref<8x64xf32, #tpu.memory_space<vmem>>) target_semaphore(%dma_start3A_626 : memref<!tpu.dma_semaphore, #tpu.memory_space<semaphore_mem>>)
    %dma_start3A_633 = arith.constant 0 : i32
    %dma_start3A_634 = arith.constant 15 : i32
    %dma_start3A_635 = arith.constant 0 : i32
    %dma_start3A_636 = arith.constant 0 : i32
    %dma_start3A_637 = arith.constant 0 : i32
    %dma_start3A_638 = tpu.memref_slice %arg9[%dma_start3A_633, %dma_start3A_634, %dma_start3A_636, %dma_start3A_637] : memref<3x16x8x64xf32, #tpu.memory_space<vmem>> -> memref<1x1x8x64xf32, #tpu.memory_space<vmem>>
    %dma_start3A_639 = tpu.memref_squeeze %dma_start3A_638 : memref<1x1x8x64xf32, #tpu.memory_space<vmem>> -> memref<8x64xf32, #tpu.memory_space<vmem>>
    %dma_start3A_640 = arith.constant 0 : i32
    %dma_start3A_641 = tpu.memref_slice %arg4[%multiple_of3A_615, %dma_start3A_640] : memref<1000000x64xf32, #tpu.memory_space<hbm>> -> memref<8x64xf32, #tpu.memory_space<hbm>>
    %dma_start3A_642 = tpu.memref_slice %arg12[%dma_start3A_635] : memref<3x!tpu.dma_semaphore, #tpu.memory_space<semaphore_mem>> -> memref<1x!tpu.dma_semaphore, #tpu.memory_space<semaphore_mem>>
    %dma_start3A_643 = tpu.memref_squeeze %dma_start3A_642 : memref<1x!tpu.dma_semaphore, #tpu.memory_space<semaphore_mem>> -> memref<!tpu.dma_semaphore, #tpu.memory_space<semaphore_mem>>
    %dma_start3A_644 = arith.constant 0 : i32
    %dma_start3A_645 = arith.constant 0 : i32
    %dma_start3A_646 = tpu.memref_slice %arg9[%dma_start3A_633, %dma_start3A_634, %dma_start3A_644, %dma_start3A_645] : memref<3x16x8x64xf32, #tpu.memory_space<vmem>> -> memref<1x1x8x64xf32, #tpu.memory_space<vmem>>
    %dma_start3A_647 = tpu.memref_squeeze %dma_start3A_646 : memref<1x1x8x64xf32, #tpu.memory_space<vmem>> -> memref<8x64xf32, #tpu.memory_space<vmem>>
    %dma_start3A_648 = arith.constant 0 : i32
    %dma_start3A_649 = tpu.memref_slice %arg4[%multiple_of3A_615, %dma_start3A_648] : memref<1000000x64xf32, #tpu.memory_space<hbm>> -> memref<8x64xf32, #tpu.memory_space<hbm>>
    tpu.enqueue_dma source(%dma_start3A_649 : memref<8x64xf32, #tpu.memory_space<hbm>>) target(%dma_start3A_647 : memref<8x64xf32, #tpu.memory_space<vmem>>) target_semaphore(%dma_start3A_643 : memref<!tpu.dma_semaphore, #tpu.memory_space<semaphore_mem>>)
    %mul3A_650 = arith.constant 1 : i32
    %mul3A_651 = arith.constant 16 : i32
    %mul3A_652 = arith.muli %mul3A_650, %mul3A_651 : i32
    %get3A_653 = arith.index_cast %mul3A_652 : i32 to index
    %get3A_654 = tpu.vector_load %arg6[%get3A_653] {strides = array<i32>} : memref<512xi32, #tpu.memory_space<vmem>>, vector<16xi32>,
    %and3A_655 = arith.constant -8 : i32
    %and3A_656 = vector.broadcast %and3A_655 : i32 to vector<16xi32>
    %and3A_657 = arith.andi %get3A_654, %and3A_656 : vector<16xi32>
    %get3A_658 = arith.index_cast %mul3A_652 : i32 to index
    %get3A_659 = tpu.vector_load %arg7[%get3A_658] {strides = array<i32>} : memref<512xi32, #tpu.memory_space<vmem>>, vector<16xi32>,
    %and3A_660 = arith.constant -8 : i32
    %and3A_661 = vector.broadcast %and3A_660 : i32 to vector<16xi32>
    %and3A_662 = arith.andi %get3A_659, %and3A_661 : vector<16xi32>
    %slice3A_663 = vector.extract_strided_slice %and3A_657 {offsets = [0], sizes = [1], strides = [1]} : vector<16xi32> to vector<1xi32>
    %squeeze3A_664 = vector.extract %slice3A_663[0] : i32 from vector<1xi32>
    %multiple_of3A_665 = tpu.assume_multiple %squeeze3A_664, 8 : i32
    %slice3A_666 = vector.extract_strided_slice %and3A_662 {offsets = [0], sizes = [1], strides = [1]} : vector<16xi32> to vector<1xi32>
    %squeeze3A_667 = vector.extract %slice3A_666[0] : i32 from vector<1xi32>
    %multiple_of3A_668 = tpu.assume_multiple %squeeze3A_667, 8 : i32
    %dma_start3A_669 = arith.constant 1 : i32
    %dma_start3A_670 = arith.constant 0 : i32
    %dma_start3A_671 = arith.constant 1 : i32
    %dma_start3A_672 = arith.constant 0 : i32
    %dma_start3A_673 = arith.constant 0 : i32
    %dma_start3A_674 = tpu.memref_slice %arg8[%dma_start3A_669, %dma_start3A_670, %dma_start3A_672, %dma_start3A_673] : memref<3x16x8x64xf32, #tpu.memory_space<vmem>> -> memref<1x1x8x64xf32, #tpu.memory_space<vmem>>
    %dma_start3A_675 = tpu.memref_squeeze %dma_start3A_674 : memref<1x1x8x64xf32, #tpu.memory_space<vmem>> -> memref<8x64xf32, #tpu.memory_space<vmem>>
    %dma_start3A_676 = arith.constant 0 : i32
    %dma_start3A_677 = tpu.memref_slice %arg4[%multiple_of3A_665, %dma_start3A_676] : memref<1000000x64xf32, #tpu.memory_space<hbm>> -> memref<8x64xf32, #tpu.memory_space<hbm>>
    %dma_start3A_678 = tpu.memref_slice %arg11[%dma_start3A_671] : memref<3x!tpu.dma_semaphore, #tpu.memory_space<semaphore_mem>> -> memref<1x!tpu.dma_semaphore, #tpu.memory_space<semaphore_mem>>
    %dma_start3A_679 = tpu.memref_squeeze %dma_start3A_678 : memref<1x!tpu.dma_semaphore, #tpu.memory_space<semaphore_mem>> -> memref<!tpu.dma_semaphore, #tpu.memory_space<semaphore_mem>>
    %dma_start3A_680 = arith.constant 0 : i32
    %dma_start3A_681 = arith.constant 0 : i32
    %dma_start3A_682 = tpu.memref_slice %arg8[%dma_start3A_669, %dma_start3A_670, %dma_start3A_680, %dma_start3A_681] : memref<3x16x8x64xf32, #tpu.memory_space<vmem>> -> memref<1x1x8x64xf32, #tpu.memory_space<vmem>>
    %dma_start3A_683 = tpu.memref_squeeze %dma_start3A_682 : memref<1x1x8x64xf32, #tpu.memory_space<vmem>> -> memref<8x64xf32, #tpu.memory_space<vmem>>
    %dma_start3A_684 = arith.constant 0 : i32
    %dma_start3A_685 = tpu.memref_slice %arg4[%multiple_of3A_665, %dma_start3A_684] : memref<1000000x64xf32, #tpu.memory_space<hbm>> -> memref<8x64xf32, #tpu.memory_space<hbm>>
    tpu.enqueue_dma source(%dma_start3A_685 : memref<8x64xf32, #tpu.memory_space<hbm>>) target(%dma_start3A_683 : memref<8x64xf32, #tpu.memory_space<vmem>>) target_semaphore(%dma_start3A_679 : memref<!tpu.dma_semaphore, #tpu.memory_space<semaphore_mem>>)
    %dma_start3A_686 = arith.constant 1 : i32
    %dma_start3A_687 = arith.constant 0 : i32
    %dma_start3A_688 = arith.constant 1 : i32
    %dma_start3A_689 = arith.constant 0 : i32
    %dma_start3A_690 = arith.constant 0 : i32
    %dma_start3A_691 = tpu.memref_slice %arg9[%dma_start3A_686, %dma_start3A_687, %dma_start3A_689, %dma_start3A_690] : memref<3x16x8x64xf32, #tpu.memory_space<vmem>> -> memref<1x1x8x64xf32, #tpu.memory_space<vmem>>
    %dma_start3A_692 = tpu.memref_squeeze %dma_start3A_691 : memref<1x1x8x64xf32, #tpu.memory_space<vmem>> -> memref<8x64xf32, #tpu.memory_space<vmem>>
    %dma_start3A_693 = arith.constant 0 : i32
    %dma_start3A_694 = tpu.memref_slice %arg4[%multiple_of3A_668, %dma_start3A_693] : memref<1000000x64xf32, #tpu.memory_space<hbm>> -> memref<8x64xf32, #tpu.memory_space<hbm>>
    %dma_start3A_695 = tpu.memref_slice %arg12[%dma_start3A_688] : memref<3x!tpu.dma_semaphore, #tpu.memory_space<semaphore_mem>> -> memref<1x!tpu.dma_semaphore, #tpu.memory_space<semaphore_mem>>
    %dma_start3A_696 = tpu.memref_squeeze %dma_start3A_695 : memref<1x!tpu.dma_semaphore, #tpu.memory_space<semaphore_mem>> -> memref<!tpu.dma_semaphore, #tpu.memory_space<semaphore_mem>>
    %dma_start3A_697 = arith.constant 0 : i32
    %dma_start3A_698 = arith.constant 0 : i32
    %dma_start3A_699 = tpu.memref_slice %arg9[%dma_start3A_686, %dma_start3A_687, %dma_start3A_697, %dma_start3A_698] : memref<3x16x8x64xf32, #tpu.memory_space<vmem>> -> memref<1x1x8x64xf32, #tpu.memory_space<vmem>>
    %dma_start3A_700 = tpu.memref_squeeze %dma_start3A_699 : memref<1x1x8x64xf32, #tpu.memory_space<vmem>> -> memref<8x64xf32, #tpu.memory_space<vmem>>
    %dma_start3A_701 = arith.constant 0 : i32
    %dma_start3A_702 = tpu.memref_slice %arg4[%multiple_of3A_668, %dma_start3A_701] : memref<1000000x64xf32, #tpu.memory_space<hbm>> -> memref<8x64xf32, #tpu.memory_space<hbm>>
    tpu.enqueue_dma source(%dma_start3A_702 : memref<8x64xf32, #tpu.memory_space<hbm>>) target(%dma_start3A_700 : memref<8x64xf32, #tpu.memory_space<vmem>>) target_semaphore(%dma_start3A_696 : memref<!tpu.dma_semaphore, #tpu.memory_space<semaphore_mem>>)
    %slice3A_703 = vector.extract_strided_slice %and3A_657 {offsets = [1], sizes = [1], strides = [1]} : vector<16xi32> to vector<1xi32>
    %squeeze3A_704 = vector.extract %slice3A_703[0] : i32 from vector<1xi32>
    %multiple_of3A_705 = tpu.assume_multiple %squeeze3A_704, 8 : i32
    %slice3A_706 = vector.extract_strided_slice %and3A_662 {offsets = [1], sizes = [1], strides = [1]} : vector<16xi32> to vector<1xi32>
    %squeeze3A_707 = vector.extract %slice3A_706[0] : i32 from vector<1xi32>
    %multiple_of3A_708 = tpu.assume_multiple %squeeze3A_707, 8 : i32
    %dma_start3A_709 = arith.constant 1 : i32
    %dma_start3A_710 = arith.constant 1 : i32
    %dma_start3A_711 = arith.constant 1 : i32
    %dma_start3A_712 = arith.constant 0 : i32
    %dma_start3A_713 = arith.constant 0 : i32
    %dma_start3A_714 = tpu.memref_slice %arg8[%dma_start3A_709, %dma_start3A_710, %dma_start3A_712, %dma_start3A_713] : memref<3x16x8x64xf32, #tpu.memory_space<vmem>> -> memref<1x1x8x64xf32, #tpu.memory_space<vmem>>
    %dma_start3A_715 = tpu.memref_squeeze %dma_start3A_714 : memref<1x1x8x64xf32, #tpu.memory_space<vmem>> -> memref<8x64xf32, #tpu.memory_space<vmem>>
    %dma_start3A_716 = arith.constant 0 : i32
    %dma_start3A_717 = tpu.memref_slice %arg4[%multiple_of3A_705, %dma_start3A_716] : memref<1000000x64xf32, #tpu.memory_space<hbm>> -> memref<8x64xf32, #tpu.memory_space<hbm>>
    %dma_start3A_718 = tpu.memref_slice %arg11[%dma_start3A_711] : memref<3x!tpu.dma_semaphore, #tpu.memory_space<semaphore_mem>> -> memref<1x!tpu.dma_semaphore, #tpu.memory_space<semaphore_mem>>
    %dma_start3A_719 = tpu.memref_squeeze %dma_start3A_718 : memref<1x!tpu.dma_semaphore, #tpu.memory_space<semaphore_mem>> -> memref<!tpu.dma_semaphore, #tpu.memory_space<semaphore_mem>>
    %dma_start3A_720 = arith.constant 0 : i32
    %dma_start3A_721 = arith.constant 0 : i32
    %dma_start3A_722 = tpu.memref_slice %arg8[%dma_start3A_709, %dma_start3A_710, %dma_start3A_720, %dma_start3A_721] : memref<3x16x8x64xf32, #tpu.memory_space<vmem>> -> memref<1x1x8x64xf32, #tpu.memory_space<vmem>>
    %dma_start3A_723 = tpu.memref_squeeze %dma_start3A_722 : memref<1x1x8x64xf32, #tpu.memory_space<vmem>> -> memref<8x64xf32, #tpu.memory_space<vmem>>
    %dma_start3A_724 = arith.constant 0 : i32
    %dma_start3A_725 = tpu.memref_slice %arg4[%multiple_of3A_705, %dma_start3A_724] : memref<1000000x64xf32, #tpu.memory_space<hbm>> -> memref<8x64xf32, #tpu.memory_space<hbm>>
    tpu.enqueue_dma source(%dma_start3A_725 : memref<8x64xf32, #tpu.memory_space<hbm>>) target(%dma_start3A_723 : memref<8x64xf32, #tpu.memory_space<vmem>>) target_semaphore(%dma_start3A_719 : memref<!tpu.dma_semaphore, #tpu.memory_space<semaphore_mem>>)
    %dma_start3A_726 = arith.constant 1 : i32
    %dma_start3A_727 = arith.constant 1 : i32
    %dma_start3A_728 = arith.constant 1 : i32
    %dma_start3A_729 = arith.constant 0 : i32
    %dma_start3A_730 = arith.constant 0 : i32
    %dma_start3A_731 = tpu.memref_slice %arg9[%dma_start3A_726, %dma_start3A_727, %dma_start3A_729, %dma_start3A_730] : memref<3x16x8x64xf32, #tpu.memory_space<vmem>> -> memref<1x1x8x64xf32, #tpu.memory_space<vmem>>
    %dma_start3A_732 = tpu.memref_squeeze %dma_start3A_731 : memref<1x1x8x64xf32, #tpu.memory_space<vmem>> -> memref<8x64xf32, #tpu.memory_space<vmem>>
    %dma_start3A_733 = arith.constant 0 : i32
    %dma_start3A_734 = tpu.memref_slice %arg4[%multiple_of3A_708, %dma_start3A_733] : memref<1000000x64xf32, #tpu.memory_space<hbm>> -> memref<8x64xf32, #tpu.memory_space<hbm>>
    %dma_start3A_735 = tpu.memref_slice %arg12[%dma_start3A_728] : memref<3x!tpu.dma_semaphore, #tpu.memory_space<semaphore_mem>> -> memref<1x!tpu.dma_semaphore, #tpu.memory_space<semaphore_mem>>
    %dma_start3A_736 = tpu.memref_squeeze %dma_start3A_735 : memref<1x!tpu.dma_semaphore, #tpu.memory_space<semaphore_mem>> -> memref<!tpu.dma_semaphore, #tpu.memory_space<semaphore_mem>>
    %dma_start3A_737 = arith.constant 0 : i32
    %dma_start3A_738 = arith.constant 0 : i32
    %dma_start3A_739 = tpu.memref_slice %arg9[%dma_start3A_726, %dma_start3A_727, %dma_start3A_737, %dma_start3A_738] : memref<3x16x8x64xf32, #tpu.memory_space<vmem>> -> memref<1x1x8x64xf32, #tpu.memory_space<vmem>>
    %dma_start3A_740 = tpu.memref_squeeze %dma_start3A_739 : memref<1x1x8x64xf32, #tpu.memory_space<vmem>> -> memref<8x64xf32, #tpu.memory_space<vmem>>
    %dma_start3A_741 = arith.constant 0 : i32
    %dma_start3A_742 = tpu.memref_slice %arg4[%multiple_of3A_708, %dma_start3A_741] : memref<1000000x64xf32, #tpu.memory_space<hbm>> -> memref<8x64xf32, #tpu.memory_space<hbm>>
    tpu.enqueue_dma source(%dma_start3A_742 : memref<8x64xf32, #tpu.memory_space<hbm>>) target(%dma_start3A_740 : memref<8x64xf32, #tpu.memory_space<vmem>>) target_semaphore(%dma_start3A_736 : memref<!tpu.dma_semaphore, #tpu.memory_space<semaphore_mem>>)
    %slice3A_743 = vector.extract_strided_slice %and3A_657 {offsets = [2], sizes = [1], strides = [1]} : vector<16xi32> to vector<1xi32>
    %squeeze3A_744 = vector.extract %slice3A_743[0] : i32 from vector<1xi32>
    %multiple_of3A_745 = tpu.assume_multiple %squeeze3A_744, 8 : i32
    %slice3A_746 = vector.extract_strided_slice %and3A_662 {offsets = [2], sizes = [1], strides = [1]} : vector<16xi32> to vector<1xi32>
    %squeeze3A_747 = vector.extract %slice3A_746[0] : i32 from vector<1xi32>
    %multiple_of3A_748 = tpu.assume_multiple %squeeze3A_747, 8 : i32
    %dma_start3A_749 = arith.constant 1 : i32
    %dma_start3A_750 = arith.constant 2 : i32
    %dma_start3A_751 = arith.constant 1 : i32
    %dma_start3A_752 = arith.constant 0 : i32
    %dma_start3A_753 = arith.constant 0 : i32
    %dma_start3A_754 = tpu.memref_slice %arg8[%dma_start3A_749, %dma_start3A_750, %dma_start3A_752, %dma_start3A_753] : memref<3x16x8x64xf32, #tpu.memory_space<vmem>> -> memref<1x1x8x64xf32, #tpu.memory_space<vmem>>
    %dma_start3A_755 = tpu.memref_squeeze %dma_start3A_754 : memref<1x1x8x64xf32, #tpu.memory_space<vmem>> -> memref<8x64xf32, #tpu.memory_space<vmem>>
    %dma_start3A_756 = arith.constant 0 : i32
    %dma_start3A_757 = tpu.memref_slice %arg4[%multiple_of3A_745, %dma_start3A_756] : memref<1000000x64xf32, #tpu.memory_space<hbm>> -> memref<8x64xf32, #tpu.memory_space<hbm>>
    %dma_start3A_758 = tpu.memref_slice %arg11[%dma_start3A_751] : memref<3x!tpu.dma_semaphore, #tpu.memory_space<semaphore_mem>> -> memref<1x!tpu.dma_semaphore, #tpu.memory_space<semaphore_mem>>
    %dma_start3A_759 = tpu.memref_squeeze %dma_start3A_758 : memref<1x!tpu.dma_semaphore, #tpu.memory_space<semaphore_mem>> -> memref<!tpu.dma_semaphore, #tpu.memory_space<semaphore_mem>>
    %dma_start3A_760 = arith.constant 0 : i32
    %dma_start3A_761 = arith.constant 0 : i32
    %dma_start3A_762 = tpu.memref_slice %arg8[%dma_start3A_749, %dma_start3A_750, %dma_start3A_760, %dma_start3A_761] : memref<3x16x8x64xf32, #tpu.memory_space<vmem>> -> memref<1x1x8x64xf32, #tpu.memory_space<vmem>>
    %dma_start3A_763 = tpu.memref_squeeze %dma_start3A_762 : memref<1x1x8x64xf32, #tpu.memory_space<vmem>> -> memref<8x64xf32, #tpu.memory_space<vmem>>
    %dma_start3A_764 = arith.constant 0 : i32
    %dma_start3A_765 = tpu.memref_slice %arg4[%multiple_of3A_745, %dma_start3A_764] : memref<1000000x64xf32, #tpu.memory_space<hbm>> -> memref<8x64xf32, #tpu.memory_space<hbm>>
    tpu.enqueue_dma source(%dma_start3A_765 : memref<8x64xf32, #tpu.memory_space<hbm>>) target(%dma_start3A_763 : memref<8x64xf32, #tpu.memory_space<vmem>>) target_semaphore(%dma_start3A_759 : memref<!tpu.dma_semaphore, #tpu.memory_space<semaphore_mem>>)
    %dma_start3A_766 = arith.constant 1 : i32
    %dma_start3A_767 = arith.constant 2 : i32
    %dma_start3A_768 = arith.constant 1 : i32
    %dma_start3A_769 = arith.constant 0 : i32
    %dma_start3A_770 = arith.constant 0 : i32
    %dma_start3A_771 = tpu.memref_slice %arg9[%dma_start3A_766, %dma_start3A_767, %dma_start3A_769, %dma_start3A_770] : memref<3x16x8x64xf32, #tpu.memory_space<vmem>> -> memref<1x1x8x64xf32, #tpu.memory_space<vmem>>
    %dma_start3A_772 = tpu.memref_squeeze %dma_start3A_771 : memref<1x1x8x64xf32, #tpu.memory_space<vmem>> -> memref<8x64xf32, #tpu.memory_space<vmem>>
    %dma_start3A_773 = arith.constant 0 : i32
    %dma_start3A_774 = tpu.memref_slice %arg4[%multiple_of3A_748, %dma_start3A_773] : memref<1000000x64xf32, #tpu.memory_space<hbm>> -> memref<8x64xf32, #tpu.memory_space<hbm>>
    %dma_start3A_775 = tpu.memref_slice %arg12[%dma_start3A_768] : memref<3x!tpu.dma_semaphore, #tpu.memory_space<semaphore_mem>> -> memref<1x!tpu.dma_semaphore, #tpu.memory_space<semaphore_mem>>
    %dma_start3A_776 = tpu.memref_squeeze %dma_start3A_775 : memref<1x!tpu.dma_semaphore, #tpu.memory_space<semaphore_mem>> -> memref<!tpu.dma_semaphore, #tpu.memory_space<semaphore_mem>>
    %dma_start3A_777 = arith.constant 0 : i32
    %dma_start3A_778 = arith.constant 0 : i32
    %dma_start3A_779 = tpu.memref_slice %arg9[%dma_start3A_766, %dma_start3A_767, %dma_start3A_777, %dma_start3A_778] : memref<3x16x8x64xf32, #tpu.memory_space<vmem>> -> memref<1x1x8x64xf32, #tpu.memory_space<vmem>>
    %dma_start3A_780 = tpu.memref_squeeze %dma_start3A_779 : memref<1x1x8x64xf32, #tpu.memory_space<vmem>> -> memref<8x64xf32, #tpu.memory_space<vmem>>
    %dma_start3A_781 = arith.constant 0 : i32
    %dma_start3A_782 = tpu.memref_slice %arg4[%multiple_of3A_748, %dma_start3A_781] : memref<1000000x64xf32, #tpu.memory_space<hbm>> -> memref<8x64xf32, #tpu.memory_space<hbm>>
    tpu.enqueue_dma source(%dma_start3A_782 : memref<8x64xf32, #tpu.memory_space<hbm>>) target(%dma_start3A_780 : memref<8x64xf32, #tpu.memory_space<vmem>>) target_semaphore(%dma_start3A_776 : memref<!tpu.dma_semaphore, #tpu.memory_space<semaphore_mem>>)
    %slice3A_783 = vector.extract_strided_slice %and3A_657 {offsets = [3], sizes = [1], strides = [1]} : vector<16xi32> to vector<1xi32>
    %squeeze3A_784 = vector.extract %slice3A_783[0] : i32 from vector<1xi32>
    %multiple_of3A_785 = tpu.assume_multiple %squeeze3A_784, 8 : i32
    %slice3A_786 = vector.extract_strided_slice %and3A_662 {offsets = [3], sizes = [1], strides = [1]} : vector<16xi32> to vector<1xi32>
    %squeeze3A_787 = vector.extract %slice3A_786[0] : i32 from vector<1xi32>
    %multiple_of3A_788 = tpu.assume_multiple %squeeze3A_787, 8 : i32
    %dma_start3A_789 = arith.constant 1 : i32
    %dma_start3A_790 = arith.constant 3 : i32
    %dma_start3A_791 = arith.constant 1 : i32
    %dma_start3A_792 = arith.constant 0 : i32
    %dma_start3A_793 = arith.constant 0 : i32
    %dma_start3A_794 = tpu.memref_slice %arg8[%dma_start3A_789, %dma_start3A_790, %dma_start3A_792, %dma_start3A_793] : memref<3x16x8x64xf32, #tpu.memory_space<vmem>> -> memref<1x1x8x64xf32, #tpu.memory_space<vmem>>
    %dma_start3A_795 = tpu.memref_squeeze %dma_start3A_794 : memref<1x1x8x64xf32, #tpu.memory_space<vmem>> -> memref<8x64xf32, #tpu.memory_space<vmem>>
    %dma_start3A_796 = arith.constant 0 : i32
    %dma_start3A_797 = tpu.memref_slice %arg4[%multiple_of3A_785, %dma_start3A_796] : memref<1000000x64xf32, #tpu.memory_space<hbm>> -> memref<8x64xf32, #tpu.memory_space<hbm>>
    %dma_start3A_798 = tpu.memref_slice %arg11[%dma_start3A_791] : memref<3x!tpu.dma_semaphore, #tpu.memory_space<semaphore_mem>> -> memref<1x!tpu.dma_semaphore, #tpu.memory_space<semaphore_mem>>
    %dma_start3A_799 = tpu.memref_squeeze %dma_start3A_798 : memref<1x!tpu.dma_semaphore, #tpu.memory_space<semaphore_mem>> -> memref<!tpu.dma_semaphore, #tpu.memory_space<semaphore_mem>>
    %dma_start3A_800 = arith.constant 0 : i32
    %dma_start3A_801 = arith.constant 0 : i32
    %dma_start3A_802 = tpu.memref_slice %arg8[%dma_start3A_789, %dma_start3A_790, %dma_start3A_800, %dma_start3A_801] : memref<3x16x8x64xf32, #tpu.memory_space<vmem>> -> memref<1x1x8x64xf32, #tpu.memory_space<vmem>>
    %dma_start3A_803 = tpu.memref_squeeze %dma_start3A_802 : memref<1x1x8x64xf32, #tpu.memory_space<vmem>> -> memref<8x64xf32, #tpu.memory_space<vmem>>
    %dma_start3A_804 = arith.constant 0 : i32
    %dma_start3A_805 = tpu.memref_slice %arg4[%multiple_of3A_785, %dma_start3A_804] : memref<1000000x64xf32, #tpu.memory_space<hbm>> -> memref<8x64xf32, #tpu.memory_space<hbm>>
    tpu.enqueue_dma source(%dma_start3A_805 : memref<8x64xf32, #tpu.memory_space<hbm>>) target(%dma_start3A_803 : memref<8x64xf32, #tpu.memory_space<vmem>>) target_semaphore(%dma_start3A_799 : memref<!tpu.dma_semaphore, #tpu.memory_space<semaphore_mem>>)
    %dma_start3A_806 = arith.constant 1 : i32
    %dma_start3A_807 = arith.constant 3 : i32
    %dma_start3A_808 = arith.constant 1 : i32
    %dma_start3A_809 = arith.constant 0 : i32
    %dma_start3A_810 = arith.constant 0 : i32
    %dma_start3A_811 = tpu.memref_slice %arg9[%dma_start3A_806, %dma_start3A_807, %dma_start3A_809, %dma_start3A_810] : memref<3x16x8x64xf32, #tpu.memory_space<vmem>> -> memref<1x1x8x64xf32, #tpu.memory_space<vmem>>
    %dma_start3A_812 = tpu.memref_squeeze %dma_start3A_811 : memref<1x1x8x64xf32, #tpu.memory_space<vmem>> -> memref<8x64xf32, #tpu.memory_space<vmem>>
    %dma_start3A_813 = arith.constant 0 : i32
    %dma_start3A_814 = tpu.memref_slice %arg4[%multiple_of3A_788, %dma_start3A_813] : memref<1000000x64xf32, #tpu.memory_space<hbm>> -> memref<8x64xf32, #tpu.memory_space<hbm>>
    %dma_start3A_815 = tpu.memref_slice %arg12[%dma_start3A_808] : memref<3x!tpu.dma_semaphore, #tpu.memory_space<semaphore_mem>> -> memref<1x!tpu.dma_semaphore, #tpu.memory_space<semaphore_mem>>
    %dma_start3A_816 = tpu.memref_squeeze %dma_start3A_815 : memref<1x!tpu.dma_semaphore, #tpu.memory_space<semaphore_mem>> -> memref<!tpu.dma_semaphore, #tpu.memory_space<semaphore_mem>>
    %dma_start3A_817 = arith.constant 0 : i32
    %dma_start3A_818 = arith.constant 0 : i32
    %dma_start3A_819 = tpu.memref_slice %arg9[%dma_start3A_806, %dma_start3A_807, %dma_start3A_817, %dma_start3A_818] : memref<3x16x8x64xf32, #tpu.memory_space<vmem>> -> memref<1x1x8x64xf32, #tpu.memory_space<vmem>>
    %dma_start3A_820 = tpu.memref_squeeze %dma_start3A_819 : memref<1x1x8x64xf32, #tpu.memory_space<vmem>> -> memref<8x64xf32, #tpu.memory_space<vmem>>
    %dma_start3A_821 = arith.constant 0 : i32
    %dma_start3A_822 = tpu.memref_slice %arg4[%multiple_of3A_788, %dma_start3A_821] : memref<1000000x64xf32, #tpu.memory_space<hbm>> -> memref<8x64xf32, #tpu.memory_space<hbm>>
    tpu.enqueue_dma source(%dma_start3A_822 : memref<8x64xf32, #tpu.memory_space<hbm>>) target(%dma_start3A_820 : memref<8x64xf32, #tpu.memory_space<vmem>>) target_semaphore(%dma_start3A_816 : memref<!tpu.dma_semaphore, #tpu.memory_space<semaphore_mem>>)
    %slice3A_823 = vector.extract_strided_slice %and3A_657 {offsets = [4], sizes = [1], strides = [1]} : vector<16xi32> to vector<1xi32>
    %squeeze3A_824 = vector.extract %slice3A_823[0] : i32 from vector<1xi32>
    %multiple_of3A_825 = tpu.assume_multiple %squeeze3A_824, 8 : i32
    %slice3A_826 = vector.extract_strided_slice %and3A_662 {offsets = [4], sizes = [1], strides = [1]} : vector<16xi32> to vector<1xi32>
    %squeeze3A_827 = vector.extract %slice3A_826[0] : i32 from vector<1xi32>
    %multiple_of3A_828 = tpu.assume_multiple %squeeze3A_827, 8 : i32
    %dma_start3A_829 = arith.constant 1 : i32
    %dma_start3A_830 = arith.constant 4 : i32
    %dma_start3A_831 = arith.constant 1 : i32
    %dma_start3A_832 = arith.constant 0 : i32
    %dma_start3A_833 = arith.constant 0 : i32
    %dma_start3A_834 = tpu.memref_slice %arg8[%dma_start3A_829, %dma_start3A_830, %dma_start3A_832, %dma_start3A_833] : memref<3x16x8x64xf32, #tpu.memory_space<vmem>> -> memref<1x1x8x64xf32, #tpu.memory_space<vmem>>
    %dma_start3A_835 = tpu.memref_squeeze %dma_start3A_834 : memref<1x1x8x64xf32, #tpu.memory_space<vmem>> -> memref<8x64xf32, #tpu.memory_space<vmem>>
    %dma_start3A_836 = arith.constant 0 : i32
    %dma_start3A_837 = tpu.memref_slice %arg4[%multiple_of3A_825, %dma_start3A_836] : memref<1000000x64xf32, #tpu.memory_space<hbm>> -> memref<8x64xf32, #tpu.memory_space<hbm>>
    %dma_start3A_838 = tpu.memref_slice %arg11[%dma_start3A_831] : memref<3x!tpu.dma_semaphore, #tpu.memory_space<semaphore_mem>> -> memref<1x!tpu.dma_semaphore, #tpu.memory_space<semaphore_mem>>
    %dma_start3A_839 = tpu.memref_squeeze %dma_start3A_838 : memref<1x!tpu.dma_semaphore, #tpu.memory_space<semaphore_mem>> -> memref<!tpu.dma_semaphore, #tpu.memory_space<semaphore_mem>>
    %dma_start3A_840 = arith.constant 0 : i32
    %dma_start3A_841 = arith.constant 0 : i32
    %dma_start3A_842 = tpu.memref_slice %arg8[%dma_start3A_829, %dma_start3A_830, %dma_start3A_840, %dma_start3A_841] : memref<3x16x8x64xf32, #tpu.memory_space<vmem>> -> memref<1x1x8x64xf32, #tpu.memory_space<vmem>>
    %dma_start3A_843 = tpu.memref_squeeze %dma_start3A_842 : memref<1x1x8x64xf32, #tpu.memory_space<vmem>> -> memref<8x64xf32, #tpu.memory_space<vmem>>
    %dma_start3A_844 = arith.constant 0 : i32
    %dma_start3A_845 = tpu.memref_slice %arg4[%multiple_of3A_825, %dma_start3A_844] : memref<1000000x64xf32, #tpu.memory_space<hbm>> -> memref<8x64xf32, #tpu.memory_space<hbm>>
    tpu.enqueue_dma source(%dma_start3A_845 : memref<8x64xf32, #tpu.memory_space<hbm>>) target(%dma_start3A_843 : memref<8x64xf32, #tpu.memory_space<vmem>>) target_semaphore(%dma_start3A_839 : memref<!tpu.dma_semaphore, #tpu.memory_space<semaphore_mem>>)
    %dma_start3A_846 = arith.constant 1 : i32
    %dma_start3A_847 = arith.constant 4 : i32
    %dma_start3A_848 = arith.constant 1 : i32
    %dma_start3A_849 = arith.constant 0 : i32
    %dma_start3A_850 = arith.constant 0 : i32
    %dma_start3A_851 = tpu.memref_slice %arg9[%dma_start3A_846, %dma_start3A_847, %dma_start3A_849, %dma_start3A_850] : memref<3x16x8x64xf32, #tpu.memory_space<vmem>> -> memref<1x1x8x64xf32, #tpu.memory_space<vmem>>
    %dma_start3A_852 = tpu.memref_squeeze %dma_start3A_851 : memref<1x1x8x64xf32, #tpu.memory_space<vmem>> -> memref<8x64xf32, #tpu.memory_space<vmem>>
    %dma_start3A_853 = arith.constant 0 : i32
    %dma_start3A_854 = tpu.memref_slice %arg4[%multiple_of3A_828, %dma_start3A_853] : memref<1000000x64xf32, #tpu.memory_space<hbm>> -> memref<8x64xf32, #tpu.memory_space<hbm>>
    %dma_start3A_855 = tpu.memref_slice %arg12[%dma_start3A_848] : memref<3x!tpu.dma_semaphore, #tpu.memory_space<semaphore_mem>> -> memref<1x!tpu.dma_semaphore, #tpu.memory_space<semaphore_mem>>
    %dma_start3A_856 = tpu.memref_squeeze %dma_start3A_855 : memref<1x!tpu.dma_semaphore, #tpu.memory_space<semaphore_mem>> -> memref<!tpu.dma_semaphore, #tpu.memory_space<semaphore_mem>>
    %dma_start3A_857 = arith.constant 0 : i32
    %dma_start3A_858 = arith.constant 0 : i32
    %dma_start3A_859 = tpu.memref_slice %arg9[%dma_start3A_846, %dma_start3A_847, %dma_start3A_857, %dma_start3A_858] : memref<3x16x8x64xf32, #tpu.memory_space<vmem>> -> memref<1x1x8x64xf32, #tpu.memory_space<vmem>>
    %dma_start3A_860 = tpu.memref_squeeze %dma_start3A_859 : memref<1x1x8x64xf32, #tpu.memory_space<vmem>> -> memref<8x64xf32, #tpu.memory_space<vmem>>
    %dma_start3A_861 = arith.constant 0 : i32
    %dma_start3A_862 = tpu.memref_slice %arg4[%multiple_of3A_828, %dma_start3A_861] : memref<1000000x64xf32, #tpu.memory_space<hbm>> -> memref<8x64xf32, #tpu.memory_space<hbm>>
    tpu.enqueue_dma source(%dma_start3A_862 : memref<8x64xf32, #tpu.memory_space<hbm>>) target(%dma_start3A_860 : memref<8x64xf32, #tpu.memory_space<vmem>>) target_semaphore(%dma_start3A_856 : memref<!tpu.dma_semaphore, #tpu.memory_space<semaphore_mem>>)
    %slice3A_863 = vector.extract_strided_slice %and3A_657 {offsets = [5], sizes = [1], strides = [1]} : vector<16xi32> to vector<1xi32>
    %squeeze3A_864 = vector.extract %slice3A_863[0] : i32 from vector<1xi32>
    %multiple_of3A_865 = tpu.assume_multiple %squeeze3A_864, 8 : i32
    %slice3A_866 = vector.extract_strided_slice %and3A_662 {offsets = [5], sizes = [1], strides = [1]} : vector<16xi32> to vector<1xi32>
    %squeeze3A_867 = vector.extract %slice3A_866[0] : i32 from vector<1xi32>
    %multiple_of3A_868 = tpu.assume_multiple %squeeze3A_867, 8 : i32
    %dma_start3A_869 = arith.constant 1 : i32
    %dma_start3A_870 = arith.constant 5 : i32
    %dma_start3A_871 = arith.constant 1 : i32
    %dma_start3A_872 = arith.constant 0 : i32
    %dma_start3A_873 = arith.constant 0 : i32
    %dma_start3A_874 = tpu.memref_slice %arg8[%dma_start3A_869, %dma_start3A_870, %dma_start3A_872, %dma_start3A_873] : memref<3x16x8x64xf32, #tpu.memory_space<vmem>> -> memref<1x1x8x64xf32, #tpu.memory_space<vmem>>
    %dma_start3A_875 = tpu.memref_squeeze %dma_start3A_874 : memref<1x1x8x64xf32, #tpu.memory_space<vmem>> -> memref<8x64xf32, #tpu.memory_space<vmem>>
    %dma_start3A_876 = arith.constant 0 : i32
    %dma_start3A_877 = tpu.memref_slice %arg4[%multiple_of3A_865, %dma_start3A_876] : memref<1000000x64xf32, #tpu.memory_space<hbm>> -> memref<8x64xf32, #tpu.memory_space<hbm>>
    %dma_start3A_878 = tpu.memref_slice %arg11[%dma_start3A_871] : memref<3x!tpu.dma_semaphore, #tpu.memory_space<semaphore_mem>> -> memref<1x!tpu.dma_semaphore, #tpu.memory_space<semaphore_mem>>
    %dma_start3A_879 = tpu.memref_squeeze %dma_start3A_878 : memref<1x!tpu.dma_semaphore, #tpu.memory_space<semaphore_mem>> -> memref<!tpu.dma_semaphore, #tpu.memory_space<semaphore_mem>>
    %dma_start3A_880 = arith.constant 0 : i32
    %dma_start3A_881 = arith.constant 0 : i32
    %dma_start3A_882 = tpu.memref_slice %arg8[%dma_start3A_869, %dma_start3A_870, %dma_start3A_880, %dma_start3A_881] : memref<3x16x8x64xf32, #tpu.memory_space<vmem>> -> memref<1x1x8x64xf32, #tpu.memory_space<vmem>>
    %dma_start3A_883 = tpu.memref_squeeze %dma_start3A_882 : memref<1x1x8x64xf32, #tpu.memory_space<vmem>> -> memref<8x64xf32, #tpu.memory_space<vmem>>
    %dma_start3A_884 = arith.constant 0 : i32
    %dma_start3A_885 = tpu.memref_slice %arg4[%multiple_of3A_865, %dma_start3A_884] : memref<1000000x64xf32, #tpu.memory_space<hbm>> -> memref<8x64xf32, #tpu.memory_space<hbm>>
    tpu.enqueue_dma source(%dma_start3A_885 : memref<8x64xf32, #tpu.memory_space<hbm>>) target(%dma_start3A_883 : memref<8x64xf32, #tpu.memory_space<vmem>>) target_semaphore(%dma_start3A_879 : memref<!tpu.dma_semaphore, #tpu.memory_space<semaphore_mem>>)
    %dma_start3A_886 = arith.constant 1 : i32
    %dma_start3A_887 = arith.constant 5 : i32
    %dma_start3A_888 = arith.constant 1 : i32
    %dma_start3A_889 = arith.constant 0 : i32
    %dma_start3A_890 = arith.constant 0 : i32
    %dma_start3A_891 = tpu.memref_slice %arg9[%dma_start3A_886, %dma_start3A_887, %dma_start3A_889, %dma_start3A_890] : memref<3x16x8x64xf32, #tpu.memory_space<vmem>> -> memref<1x1x8x64xf32, #tpu.memory_space<vmem>>
    %dma_start3A_892 = tpu.memref_squeeze %dma_start3A_891 : memref<1x1x8x64xf32, #tpu.memory_space<vmem>> -> memref<8x64xf32, #tpu.memory_space<vmem>>
    %dma_start3A_893 = arith.constant 0 : i32
    %dma_start3A_894 = tpu.memref_slice %arg4[%multiple_of3A_868, %dma_start3A_893] : memref<1000000x64xf32, #tpu.memory_space<hbm>> -> memref<8x64xf32, #tpu.memory_space<hbm>>
    %dma_start3A_895 = tpu.memref_slice %arg12[%dma_start3A_888] : memref<3x!tpu.dma_semaphore, #tpu.memory_space<semaphore_mem>> -> memref<1x!tpu.dma_semaphore, #tpu.memory_space<semaphore_mem>>
    %dma_start3A_896 = tpu.memref_squeeze %dma_start3A_895 : memref<1x!tpu.dma_semaphore, #tpu.memory_space<semaphore_mem>> -> memref<!tpu.dma_semaphore, #tpu.memory_space<semaphore_mem>>
    %dma_start3A_897 = arith.constant 0 : i32
    %dma_start3A_898 = arith.constant 0 : i32
    %dma_start3A_899 = tpu.memref_slice %arg9[%dma_start3A_886, %dma_start3A_887, %dma_start3A_897, %dma_start3A_898] : memref<3x16x8x64xf32, #tpu.memory_space<vmem>> -> memref<1x1x8x64xf32, #tpu.memory_space<vmem>>
    %dma_start3A_900 = tpu.memref_squeeze %dma_start3A_899 : memref<1x1x8x64xf32, #tpu.memory_space<vmem>> -> memref<8x64xf32, #tpu.memory_space<vmem>>
    %dma_start3A_901 = arith.constant 0 : i32
    %dma_start3A_902 = tpu.memref_slice %arg4[%multiple_of3A_868, %dma_start3A_901] : memref<1000000x64xf32, #tpu.memory_space<hbm>> -> memref<8x64xf32, #tpu.memory_space<hbm>>
    tpu.enqueue_dma source(%dma_start3A_902 : memref<8x64xf32, #tpu.memory_space<hbm>>) target(%dma_start3A_900 : memref<8x64xf32, #tpu.memory_space<vmem>>) target_semaphore(%dma_start3A_896 : memref<!tpu.dma_semaphore, #tpu.memory_space<semaphore_mem>>)
    %slice3A_903 = vector.extract_strided_slice %and3A_657 {offsets = [6], sizes = [1], strides = [1]} : vector<16xi32> to vector<1xi32>
    %squeeze3A_904 = vector.extract %slice3A_903[0] : i32 from vector<1xi32>
    %multiple_of3A_905 = tpu.assume_multiple %squeeze3A_904, 8 : i32
    %slice3A_906 = vector.extract_strided_slice %and3A_662 {offsets = [6], sizes = [1], strides = [1]} : vector<16xi32> to vector<1xi32>
    %squeeze3A_907 = vector.extract %slice3A_906[0] : i32 from vector<1xi32>
    %multiple_of3A_908 = tpu.assume_multiple %squeeze3A_907, 8 : i32
    %dma_start3A_909 = arith.constant 1 : i32
    %dma_start3A_910 = arith.constant 6 : i32
    %dma_start3A_911 = arith.constant 1 : i32
    %dma_start3A_912 = arith.constant 0 : i32
    %dma_start3A_913 = arith.constant 0 : i32
    %dma_start3A_914 = tpu.memref_slice %arg8[%dma_start3A_909, %dma_start3A_910, %dma_start3A_912, %dma_start3A_913] : memref<3x16x8x64xf32, #tpu.memory_space<vmem>> -> memref<1x1x8x64xf32, #tpu.memory_space<vmem>>
    %dma_start3A_915 = tpu.memref_squeeze %dma_start3A_914 : memref<1x1x8x64xf32, #tpu.memory_space<vmem>> -> memref<8x64xf32, #tpu.memory_space<vmem>>
    %dma_start3A_916 = arith.constant 0 : i32
    %dma_start3A_917 = tpu.memref_slice %arg4[%multiple_of3A_905, %dma_start3A_916] : memref<1000000x64xf32, #tpu.memory_space<hbm>> -> memref<8x64xf32, #tpu.memory_space<hbm>>
    %dma_start3A_918 = tpu.memref_slice %arg11[%dma_start3A_911] : memref<3x!tpu.dma_semaphore, #tpu.memory_space<semaphore_mem>> -> memref<1x!tpu.dma_semaphore, #tpu.memory_space<semaphore_mem>>
    %dma_start3A_919 = tpu.memref_squeeze %dma_start3A_918 : memref<1x!tpu.dma_semaphore, #tpu.memory_space<semaphore_mem>> -> memref<!tpu.dma_semaphore, #tpu.memory_space<semaphore_mem>>
    %dma_start3A_920 = arith.constant 0 : i32
    %dma_start3A_921 = arith.constant 0 : i32
    %dma_start3A_922 = tpu.memref_slice %arg8[%dma_start3A_909, %dma_start3A_910, %dma_start3A_920, %dma_start3A_921] : memref<3x16x8x64xf32, #tpu.memory_space<vmem>> -> memref<1x1x8x64xf32, #tpu.memory_space<vmem>>
    %dma_start3A_923 = tpu.memref_squeeze %dma_start3A_922 : memref<1x1x8x64xf32, #tpu.memory_space<vmem>> -> memref<8x64xf32, #tpu.memory_space<vmem>>
    %dma_start3A_924 = arith.constant 0 : i32
    %dma_start3A_925 = tpu.memref_slice %arg4[%multiple_of3A_905, %dma_start3A_924] : memref<1000000x64xf32, #tpu.memory_space<hbm>> -> memref<8x64xf32, #tpu.memory_space<hbm>>
    tpu.enqueue_dma source(%dma_start3A_925 : memref<8x64xf32, #tpu.memory_space<hbm>>) target(%dma_start3A_923 : memref<8x64xf32, #tpu.memory_space<vmem>>) target_semaphore(%dma_start3A_919 : memref<!tpu.dma_semaphore, #tpu.memory_space<semaphore_mem>>)
    %dma_start3A_926 = arith.constant 1 : i32
    %dma_start3A_927 = arith.constant 6 : i32
    %dma_start3A_928 = arith.constant 1 : i32
    %dma_start3A_929 = arith.constant 0 : i32
    %dma_start3A_930 = arith.constant 0 : i32
    %dma_start3A_931 = tpu.memref_slice %arg9[%dma_start3A_926, %dma_start3A_927, %dma_start3A_929, %dma_start3A_930] : memref<3x16x8x64xf32, #tpu.memory_space<vmem>> -> memref<1x1x8x64xf32, #tpu.memory_space<vmem>>
    %dma_start3A_932 = tpu.memref_squeeze %dma_start3A_931 : memref<1x1x8x64xf32, #tpu.memory_space<vmem>> -> memref<8x64xf32, #tpu.memory_space<vmem>>
    %dma_start3A_933 = arith.constant 0 : i32
    %dma_start3A_934 = tpu.memref_slice %arg4[%multiple_of3A_908, %dma_start3A_933] : memref<1000000x64xf32, #tpu.memory_space<hbm>> -> memref<8x64xf32, #tpu.memory_space<hbm>>
    %dma_start3A_935 = tpu.memref_slice %arg12[%dma_start3A_928] : memref<3x!tpu.dma_semaphore, #tpu.memory_space<semaphore_mem>> -> memref<1x!tpu.dma_semaphore, #tpu.memory_space<semaphore_mem>>
    %dma_start3A_936 = tpu.memref_squeeze %dma_start3A_935 : memref<1x!tpu.dma_semaphore, #tpu.memory_space<semaphore_mem>> -> memref<!tpu.dma_semaphore, #tpu.memory_space<semaphore_mem>>
    %dma_start3A_937 = arith.constant 0 : i32
    %dma_start3A_938 = arith.constant 0 : i32
    %dma_start3A_939 = tpu.memref_slice %arg9[%dma_start3A_926, %dma_start3A_927, %dma_start3A_937, %dma_start3A_938] : memref<3x16x8x64xf32, #tpu.memory_space<vmem>> -> memref<1x1x8x64xf32, #tpu.memory_space<vmem>>
    %dma_start3A_940 = tpu.memref_squeeze %dma_start3A_939 : memref<1x1x8x64xf32, #tpu.memory_space<vmem>> -> memref<8x64xf32, #tpu.memory_space<vmem>>
    %dma_start3A_941 = arith.constant 0 : i32
    %dma_start3A_942 = tpu.memref_slice %arg4[%multiple_of3A_908, %dma_start3A_941] : memref<1000000x64xf32, #tpu.memory_space<hbm>> -> memref<8x64xf32, #tpu.memory_space<hbm>>
    tpu.enqueue_dma source(%dma_start3A_942 : memref<8x64xf32, #tpu.memory_space<hbm>>) target(%dma_start3A_940 : memref<8x64xf32, #tpu.memory_space<vmem>>) target_semaphore(%dma_start3A_936 : memref<!tpu.dma_semaphore, #tpu.memory_space<semaphore_mem>>)
    %slice3A_943 = vector.extract_strided_slice %and3A_657 {offsets = [7], sizes = [1], strides = [1]} : vector<16xi32> to vector<1xi32>
    %squeeze3A_944 = vector.extract %slice3A_943[0] : i32 from vector<1xi32>
    %multiple_of3A_945 = tpu.assume_multiple %squeeze3A_944, 8 : i32
    %slice3A_946 = vector.extract_strided_slice %and3A_662 {offsets = [7], sizes = [1], strides = [1]} : vector<16xi32> to vector<1xi32>
    %squeeze3A_947 = vector.extract %slice3A_946[0] : i32 from vector<1xi32>
    %multiple_of3A_948 = tpu.assume_multiple %squeeze3A_947, 8 : i32
    %dma_start3A_949 = arith.constant 1 : i32
    %dma_start3A_950 = arith.constant 7 : i32
    %dma_start3A_951 = arith.constant 1 : i32
    %dma_start3A_952 = arith.constant 0 : i32
    %dma_start3A_953 = arith.constant 0 : i32
    %dma_start3A_954 = tpu.memref_slice %arg8[%dma_start3A_949, %dma_start3A_950, %dma_start3A_952, %dma_start3A_953] : memref<3x16x8x64xf32, #tpu.memory_space<vmem>> -> memref<1x1x8x64xf32, #tpu.memory_space<vmem>>
    %dma_start3A_955 = tpu.memref_squeeze %dma_start3A_954 : memref<1x1x8x64xf32, #tpu.memory_space<vmem>> -> memref<8x64xf32, #tpu.memory_space<vmem>>
    %dma_start3A_956 = arith.constant 0 : i32
    %dma_start3A_957 = tpu.memref_slice %arg4[%multiple_of3A_945, %dma_start3A_956] : memref<1000000x64xf32, #tpu.memory_space<hbm>> -> memref<8x64xf32, #tpu.memory_space<hbm>>
    %dma_start3A_958 = tpu.memref_slice %arg11[%dma_start3A_951] : memref<3x!tpu.dma_semaphore, #tpu.memory_space<semaphore_mem>> -> memref<1x!tpu.dma_semaphore, #tpu.memory_space<semaphore_mem>>
    %dma_start3A_959 = tpu.memref_squeeze %dma_start3A_958 : memref<1x!tpu.dma_semaphore, #tpu.memory_space<semaphore_mem>> -> memref<!tpu.dma_semaphore, #tpu.memory_space<semaphore_mem>>
    %dma_start3A_960 = arith.constant 0 : i32
    %dma_start3A_961 = arith.constant 0 : i32
    %dma_start3A_962 = tpu.memref_slice %arg8[%dma_start3A_949, %dma_start3A_950, %dma_start3A_960, %dma_start3A_961] : memref<3x16x8x64xf32, #tpu.memory_space<vmem>> -> memref<1x1x8x64xf32, #tpu.memory_space<vmem>>
    %dma_start3A_963 = tpu.memref_squeeze %dma_start3A_962 : memref<1x1x8x64xf32, #tpu.memory_space<vmem>> -> memref<8x64xf32, #tpu.memory_space<vmem>>
    %dma_start3A_964 = arith.constant 0 : i32
    %dma_start3A_965 = tpu.memref_slice %arg4[%multiple_of3A_945, %dma_start3A_964] : memref<1000000x64xf32, #tpu.memory_space<hbm>> -> memref<8x64xf32, #tpu.memory_space<hbm>>
    tpu.enqueue_dma source(%dma_start3A_965 : memref<8x64xf32, #tpu.memory_space<hbm>>) target(%dma_start3A_963 : memref<8x64xf32, #tpu.memory_space<vmem>>) target_semaphore(%dma_start3A_959 : memref<!tpu.dma_semaphore, #tpu.memory_space<semaphore_mem>>)
    %dma_start3A_966 = arith.constant 1 : i32
    %dma_start3A_967 = arith.constant 7 : i32
    %dma_start3A_968 = arith.constant 1 : i32
    %dma_start3A_969 = arith.constant 0 : i32
    %dma_start3A_970 = arith.constant 0 : i32
    %dma_start3A_971 = tpu.memref_slice %arg9[%dma_start3A_966, %dma_start3A_967, %dma_start3A_969, %dma_start3A_970] : memref<3x16x8x64xf32, #tpu.memory_space<vmem>> -> memref<1x1x8x64xf32, #tpu.memory_space<vmem>>
    %dma_start3A_972 = tpu.memref_squeeze %dma_start3A_971 : memref<1x1x8x64xf32, #tpu.memory_space<vmem>> -> memref<8x64xf32, #tpu.memory_space<vmem>>
    %dma_start3A_973 = arith.constant 0 : i32
    %dma_start3A_974 = tpu.memref_slice %arg4[%multiple_of3A_948, %dma_start3A_973] : memref<1000000x64xf32, #tpu.memory_space<hbm>> -> memref<8x64xf32, #tpu.memory_space<hbm>>
    %dma_start3A_975 = tpu.memref_slice %arg12[%dma_start3A_968] : memref<3x!tpu.dma_semaphore, #tpu.memory_space<semaphore_mem>> -> memref<1x!tpu.dma_semaphore, #tpu.memory_space<semaphore_mem>>
    %dma_start3A_976 = tpu.memref_squeeze %dma_start3A_975 : memref<1x!tpu.dma_semaphore, #tpu.memory_space<semaphore_mem>> -> memref<!tpu.dma_semaphore, #tpu.memory_space<semaphore_mem>>
    %dma_start3A_977 = arith.constant 0 : i32
    %dma_start3A_978 = arith.constant 0 : i32
    %dma_start3A_979 = tpu.memref_slice %arg9[%dma_start3A_966, %dma_start3A_967, %dma_start3A_977, %dma_start3A_978] : memref<3x16x8x64xf32, #tpu.memory_space<vmem>> -> memref<1x1x8x64xf32, #tpu.memory_space<vmem>>
    %dma_start3A_980 = tpu.memref_squeeze %dma_start3A_979 : memref<1x1x8x64xf32, #tpu.memory_space<vmem>> -> memref<8x64xf32, #tpu.memory_space<vmem>>
    %dma_start3A_981 = arith.constant 0 : i32
    %dma_start3A_982 = tpu.memref_slice %arg4[%multiple_of3A_948, %dma_start3A_981] : memref<1000000x64xf32, #tpu.memory_space<hbm>> -> memref<8x64xf32, #tpu.memory_space<hbm>>
    tpu.enqueue_dma source(%dma_start3A_982 : memref<8x64xf32, #tpu.memory_space<hbm>>) target(%dma_start3A_980 : memref<8x64xf32, #tpu.memory_space<vmem>>) target_semaphore(%dma_start3A_976 : memref<!tpu.dma_semaphore, #tpu.memory_space<semaphore_mem>>)
    %slice3A_983 = vector.extract_strided_slice %and3A_657 {offsets = [8], sizes = [1], strides = [1]} : vector<16xi32> to vector<1xi32>
    %squeeze3A_984 = vector.extract %slice3A_983[0] : i32 from vector<1xi32>
    %multiple_of3A_985 = tpu.assume_multiple %squeeze3A_984, 8 : i32
    %slice3A_986 = vector.extract_strided_slice %and3A_662 {offsets = [8], sizes = [1], strides = [1]} : vector<16xi32> to vector<1xi32>
    %squeeze3A_987 = vector.extract %slice3A_986[0] : i32 from vector<1xi32>
    %multiple_of3A_988 = tpu.assume_multiple %squeeze3A_987, 8 : i32
    %dma_start3A_989 = arith.constant 1 : i32
    %dma_start3A_990 = arith.constant 8 : i32
    %dma_start3A_991 = arith.constant 1 : i32
    %dma_start3A_992 = arith.constant 0 : i32
    %dma_start3A_993 = arith.constant 0 : i32
    %dma_start3A_994 = tpu.memref_slice %arg8[%dma_start3A_989, %dma_start3A_990, %dma_start3A_992, %dma_start3A_993] : memref<3x16x8x64xf32, #tpu.memory_space<vmem>> -> memref<1x1x8x64xf32, #tpu.memory_space<vmem>>
    %dma_start3A_995 = tpu.memref_squeeze %dma_start3A_994 : memref<1x1x8x64xf32, #tpu.memory_space<vmem>> -> memref<8x64xf32, #tpu.memory_space<vmem>>
    %dma_start3A_996 = arith.constant 0 : i32
    %dma_start3A_997 = tpu.memref_slice %arg4[%multiple_of3A_985, %dma_start3A_996] : memref<1000000x64xf32, #tpu.memory_space<hbm>> -> memref<8x64xf32, #tpu.memory_space<hbm>>
    %dma_start3A_998 = tpu.memref_slice %arg11[%dma_start3A_991] : memref<3x!tpu.dma_semaphore, #tpu.memory_space<semaphore_mem>> -> memref<1x!tpu.dma_semaphore, #tpu.memory_space<semaphore_mem>>
    %dma_start3A_999 = tpu.memref_squeeze %dma_start3A_998 : memref<1x!tpu.dma_semaphore, #tpu.memory_space<semaphore_mem>> -> memref<!tpu.dma_semaphore, #tpu.memory_space<semaphore_mem>>
    %dma_start3A_1000 = arith.constant 0 : i32
    %dma_start3A_1001 = arith.constant 0 : i32
    %dma_start3A_1002 = tpu.memref_slice %arg8[%dma_start3A_989, %dma_start3A_990, %dma_start3A_1000, %dma_start3A_1001] : memref<3x16x8x64xf32, #tpu.memory_space<vmem>> -> memref<1x1x8x64xf32, #tpu.memory_space<vmem>>
    %dma_start3A_1003 = tpu.memref_squeeze %dma_start3A_1002 : memref<1x1x8x64xf32, #tpu.memory_space<vmem>> -> memref<8x64xf32, #tpu.memory_space<vmem>>
    %dma_start3A_1004 = arith.constant 0 : i32
    %dma_start3A_1005 = tpu.memref_slice %arg4[%multiple_of3A_985, %dma_start3A_1004] : memref<1000000x64xf32, #tpu.memory_space<hbm>> -> memref<8x64xf32, #tpu.memory_space<hbm>>
    tpu.enqueue_dma source(%dma_start3A_1005 : memref<8x64xf32, #tpu.memory_space<hbm>>) target(%dma_start3A_1003 : memref<8x64xf32, #tpu.memory_space<vmem>>) target_semaphore(%dma_start3A_999 : memref<!tpu.dma_semaphore, #tpu.memory_space<semaphore_mem>>)
    %dma_start3A_1006 = arith.constant 1 : i32
    %dma_start3A_1007 = arith.constant 8 : i32
    %dma_start3A_1008 = arith.constant 1 : i32
    %dma_start3A_1009 = arith.constant 0 : i32
    %dma_start3A_1010 = arith.constant 0 : i32
    %dma_start3A_1011 = tpu.memref_slice %arg9[%dma_start3A_1006, %dma_start3A_1007, %dma_start3A_1009, %dma_start3A_1010] : memref<3x16x8x64xf32, #tpu.memory_space<vmem>> -> memref<1x1x8x64xf32, #tpu.memory_space<vmem>>
    %dma_start3A_1012 = tpu.memref_squeeze %dma_start3A_1011 : memref<1x1x8x64xf32, #tpu.memory_space<vmem>> -> memref<8x64xf32, #tpu.memory_space<vmem>>
    %dma_start3A_1013 = arith.constant 0 : i32
    %dma_start3A_1014 = tpu.memref_slice %arg4[%multiple_of3A_988, %dma_start3A_1013] : memref<1000000x64xf32, #tpu.memory_space<hbm>> -> memref<8x64xf32, #tpu.memory_space<hbm>>
    %dma_start3A_1015 = tpu.memref_slice %arg12[%dma_start3A_1008] : memref<3x!tpu.dma_semaphore, #tpu.memory_space<semaphore_mem>> -> memref<1x!tpu.dma_semaphore, #tpu.memory_space<semaphore_mem>>
    %dma_start3A_1016 = tpu.memref_squeeze %dma_start3A_1015 : memref<1x!tpu.dma_semaphore, #tpu.memory_space<semaphore_mem>> -> memref<!tpu.dma_semaphore, #tpu.memory_space<semaphore_mem>>
    %dma_start3A_1017 = arith.constant 0 : i32
    %dma_start3A_1018 = arith.constant 0 : i32
    %dma_start3A_1019 = tpu.memref_slice %arg9[%dma_start3A_1006, %dma_start3A_1007, %dma_start3A_1017, %dma_start3A_1018] : memref<3x16x8x64xf32, #tpu.memory_space<vmem>> -> memref<1x1x8x64xf32, #tpu.memory_space<vmem>>
    %dma_start3A_1020 = tpu.memref_squeeze %dma_start3A_1019 : memref<1x1x8x64xf32, #tpu.memory_space<vmem>> -> memref<8x64xf32, #tpu.memory_space<vmem>>
    %dma_start3A_1021 = arith.constant 0 : i32
    %dma_start3A_1022 = tpu.memref_slice %arg4[%multiple_of3A_988, %dma_start3A_1021] : memref<1000000x64xf32, #tpu.memory_space<hbm>> -> memref<8x64xf32, #tpu.memory_space<hbm>>
    tpu.enqueue_dma source(%dma_start3A_1022 : memref<8x64xf32, #tpu.memory_space<hbm>>) target(%dma_start3A_1020 : memref<8x64xf32, #tpu.memory_space<vmem>>) target_semaphore(%dma_start3A_1016 : memref<!tpu.dma_semaphore, #tpu.memory_space<semaphore_mem>>)
    %slice3A_1023 = vector.extract_strided_slice %and3A_657 {offsets = [9], sizes = [1], strides = [1]} : vector<16xi32> to vector<1xi32>
    %squeeze3A_1024 = vector.extract %slice3A_1023[0] : i32 from vector<1xi32>
    %multiple_of3A_1025 = tpu.assume_multiple %squeeze3A_1024, 8 : i32
    %slice3A_1026 = vector.extract_strided_slice %and3A_662 {offsets = [9], sizes = [1], strides = [1]} : vector<16xi32> to vector<1xi32>
    %squeeze3A_1027 = vector.extract %slice3A_1026[0] : i32 from vector<1xi32>
    %multiple_of3A_1028 = tpu.assume_multiple %squeeze3A_1027, 8 : i32
    %dma_start3A_1029 = arith.constant 1 : i32
    %dma_start3A_1030 = arith.constant 9 : i32
    %dma_start3A_1031 = arith.constant 1 : i32
    %dma_start3A_1032 = arith.constant 0 : i32
    %dma_start3A_1033 = arith.constant 0 : i32
    %dma_start3A_1034 = tpu.memref_slice %arg8[%dma_start3A_1029, %dma_start3A_1030, %dma_start3A_1032, %dma_start3A_1033] : memref<3x16x8x64xf32, #tpu.memory_space<vmem>> -> memref<1x1x8x64xf32, #tpu.memory_space<vmem>>
    %dma_start3A_1035 = tpu.memref_squeeze %dma_start3A_1034 : memref<1x1x8x64xf32, #tpu.memory_space<vmem>> -> memref<8x64xf32, #tpu.memory_space<vmem>>
    %dma_start3A_1036 = arith.constant 0 : i32
    %dma_start3A_1037 = tpu.memref_slice %arg4[%multiple_of3A_1025, %dma_start3A_1036] : memref<1000000x64xf32, #tpu.memory_space<hbm>> -> memref<8x64xf32, #tpu.memory_space<hbm>>
    %dma_start3A_1038 = tpu.memref_slice %arg11[%dma_start3A_1031] : memref<3x!tpu.dma_semaphore, #tpu.memory_space<semaphore_mem>> -> memref<1x!tpu.dma_semaphore, #tpu.memory_space<semaphore_mem>>
    %dma_start3A_1039 = tpu.memref_squeeze %dma_start3A_1038 : memref<1x!tpu.dma_semaphore, #tpu.memory_space<semaphore_mem>> -> memref<!tpu.dma_semaphore, #tpu.memory_space<semaphore_mem>>
    %dma_start3A_1040 = arith.constant 0 : i32
    %dma_start3A_1041 = arith.constant 0 : i32
    %dma_start3A_1042 = tpu.memref_slice %arg8[%dma_start3A_1029, %dma_start3A_1030, %dma_start3A_1040, %dma_start3A_1041] : memref<3x16x8x64xf32, #tpu.memory_space<vmem>> -> memref<1x1x8x64xf32, #tpu.memory_space<vmem>>
    %dma_start3A_1043 = tpu.memref_squeeze %dma_start3A_1042 : memref<1x1x8x64xf32, #tpu.memory_space<vmem>> -> memref<8x64xf32, #tpu.memory_space<vmem>>
    %dma_start3A_1044 = arith.constant 0 : i32
    %dma_start3A_1045 = tpu.memref_slice %arg4[%multiple_of3A_1025, %dma_start3A_1044] : memref<1000000x64xf32, #tpu.memory_space<hbm>> -> memref<8x64xf32, #tpu.memory_space<hbm>>
    tpu.enqueue_dma source(%dma_start3A_1045 : memref<8x64xf32, #tpu.memory_space<hbm>>) target(%dma_start3A_1043 : memref<8x64xf32, #tpu.memory_space<vmem>>) target_semaphore(%dma_start3A_1039 : memref<!tpu.dma_semaphore, #tpu.memory_space<semaphore_mem>>)
    %dma_start3A_1046 = arith.constant 1 : i32
    %dma_start3A_1047 = arith.constant 9 : i32
    %dma_start3A_1048 = arith.constant 1 : i32
    %dma_start3A_1049 = arith.constant 0 : i32
    %dma_start3A_1050 = arith.constant 0 : i32
    %dma_start3A_1051 = tpu.memref_slice %arg9[%dma_start3A_1046, %dma_start3A_1047, %dma_start3A_1049, %dma_start3A_1050] : memref<3x16x8x64xf32, #tpu.memory_space<vmem>> -> memref<1x1x8x64xf32, #tpu.memory_space<vmem>>
    %dma_start3A_1052 = tpu.memref_squeeze %dma_start3A_1051 : memref<1x1x8x64xf32, #tpu.memory_space<vmem>> -> memref<8x64xf32, #tpu.memory_space<vmem>>
    %dma_start3A_1053 = arith.constant 0 : i32
    %dma_start3A_1054 = tpu.memref_slice %arg4[%multiple_of3A_1028, %dma_start3A_1053] : memref<1000000x64xf32, #tpu.memory_space<hbm>> -> memref<8x64xf32, #tpu.memory_space<hbm>>
    %dma_start3A_1055 = tpu.memref_slice %arg12[%dma_start3A_1048] : memref<3x!tpu.dma_semaphore, #tpu.memory_space<semaphore_mem>> -> memref<1x!tpu.dma_semaphore, #tpu.memory_space<semaphore_mem>>
    %dma_start3A_1056 = tpu.memref_squeeze %dma_start3A_1055 : memref<1x!tpu.dma_semaphore, #tpu.memory_space<semaphore_mem>> -> memref<!tpu.dma_semaphore, #tpu.memory_space<semaphore_mem>>
    %dma_start3A_1057 = arith.constant 0 : i32
    %dma_start3A_1058 = arith.constant 0 : i32
    %dma_start3A_1059 = tpu.memref_slice %arg9[%dma_start3A_1046, %dma_start3A_1047, %dma_start3A_1057, %dma_start3A_1058] : memref<3x16x8x64xf32, #tpu.memory_space<vmem>> -> memref<1x1x8x64xf32, #tpu.memory_space<vmem>>
    %dma_start3A_1060 = tpu.memref_squeeze %dma_start3A_1059 : memref<1x1x8x64xf32, #tpu.memory_space<vmem>> -> memref<8x64xf32, #tpu.memory_space<vmem>>
    %dma_start3A_1061 = arith.constant 0 : i32
    %dma_start3A_1062 = tpu.memref_slice %arg4[%multiple_of3A_1028, %dma_start3A_1061] : memref<1000000x64xf32, #tpu.memory_space<hbm>> -> memref<8x64xf32, #tpu.memory_space<hbm>>
    tpu.enqueue_dma source(%dma_start3A_1062 : memref<8x64xf32, #tpu.memory_space<hbm>>) target(%dma_start3A_1060 : memref<8x64xf32, #tpu.memory_space<vmem>>) target_semaphore(%dma_start3A_1056 : memref<!tpu.dma_semaphore, #tpu.memory_space<semaphore_mem>>)
    %slice3A_1063 = vector.extract_strided_slice %and3A_657 {offsets = [10], sizes = [1], strides = [1]} : vector<16xi32> to vector<1xi32>
    %squeeze3A_1064 = vector.extract %slice3A_1063[0] : i32 from vector<1xi32>
    %multiple_of3A_1065 = tpu.assume_multiple %squeeze3A_1064, 8 : i32
    %slice3A_1066 = vector.extract_strided_slice %and3A_662 {offsets = [10], sizes = [1], strides = [1]} : vector<16xi32> to vector<1xi32>
    %squeeze3A_1067 = vector.extract %slice3A_1066[0] : i32 from vector<1xi32>
    %multiple_of3A_1068 = tpu.assume_multiple %squeeze3A_1067, 8 : i32
    %dma_start3A_1069 = arith.constant 1 : i32
    %dma_start3A_1070 = arith.constant 10 : i32
    %dma_start3A_1071 = arith.constant 1 : i32
    %dma_start3A_1072 = arith.constant 0 : i32
    %dma_start3A_1073 = arith.constant 0 : i32
    %dma_start3A_1074 = tpu.memref_slice %arg8[%dma_start3A_1069, %dma_start3A_1070, %dma_start3A_1072, %dma_start3A_1073] : memref<3x16x8x64xf32, #tpu.memory_space<vmem>> -> memref<1x1x8x64xf32, #tpu.memory_space<vmem>>
    %dma_start3A_1075 = tpu.memref_squeeze %dma_start3A_1074 : memref<1x1x8x64xf32, #tpu.memory_space<vmem>> -> memref<8x64xf32, #tpu.memory_space<vmem>>
    %dma_start3A_1076 = arith.constant 0 : i32
    %dma_start3A_1077 = tpu.memref_slice %arg4[%multiple_of3A_1065, %dma_start3A_1076] : memref<1000000x64xf32, #tpu.memory_space<hbm>> -> memref<8x64xf32, #tpu.memory_space<hbm>>
    %dma_start3A_1078 = tpu.memref_slice %arg11[%dma_start3A_1071] : memref<3x!tpu.dma_semaphore, #tpu.memory_space<semaphore_mem>> -> memref<1x!tpu.dma_semaphore, #tpu.memory_space<semaphore_mem>>
    %dma_start3A_1079 = tpu.memref_squeeze %dma_start3A_1078 : memref<1x!tpu.dma_semaphore, #tpu.memory_space<semaphore_mem>> -> memref<!tpu.dma_semaphore, #tpu.memory_space<semaphore_mem>>
    %dma_start3A_1080 = arith.constant 0 : i32
    %dma_start3A_1081 = arith.constant 0 : i32
    %dma_start3A_1082 = tpu.memref_slice %arg8[%dma_start3A_1069, %dma_start3A_1070, %dma_start3A_1080, %dma_start3A_1081] : memref<3x16x8x64xf32, #tpu.memory_space<vmem>> -> memref<1x1x8x64xf32, #tpu.memory_space<vmem>>
    %dma_start3A_1083 = tpu.memref_squeeze %dma_start3A_1082 : memref<1x1x8x64xf32, #tpu.memory_space<vmem>> -> memref<8x64xf32, #tpu.memory_space<vmem>>
    %dma_start3A_1084 = arith.constant 0 : i32
    %dma_start3A_1085 = tpu.memref_slice %arg4[%multiple_of3A_1065, %dma_start3A_1084] : memref<1000000x64xf32, #tpu.memory_space<hbm>> -> memref<8x64xf32, #tpu.memory_space<hbm>>
    tpu.enqueue_dma source(%dma_start3A_1085 : memref<8x64xf32, #tpu.memory_space<hbm>>) target(%dma_start3A_1083 : memref<8x64xf32, #tpu.memory_space<vmem>>) target_semaphore(%dma_start3A_1079 : memref<!tpu.dma_semaphore, #tpu.memory_space<semaphore_mem>>)
    %dma_start3A_1086 = arith.constant 1 : i32
    %dma_start3A_1087 = arith.constant 10 : i32
    %dma_start3A_1088 = arith.constant 1 : i32
    %dma_start3A_1089 = arith.constant 0 : i32
    %dma_start3A_1090 = arith.constant 0 : i32
    %dma_start3A_1091 = tpu.memref_slice %arg9[%dma_start3A_1086, %dma_start3A_1087, %dma_start3A_1089, %dma_start3A_1090] : memref<3x16x8x64xf32, #tpu.memory_space<vmem>> -> memref<1x1x8x64xf32, #tpu.memory_space<vmem>>
    %dma_start3A_1092 = tpu.memref_squeeze %dma_start3A_1091 : memref<1x1x8x64xf32, #tpu.memory_space<vmem>> -> memref<8x64xf32, #tpu.memory_space<vmem>>
    %dma_start3A_1093 = arith.constant 0 : i32
    %dma_start3A_1094 = tpu.memref_slice %arg4[%multiple_of3A_1068, %dma_start3A_1093] : memref<1000000x64xf32, #tpu.memory_space<hbm>> -> memref<8x64xf32, #tpu.memory_space<hbm>>
    %dma_start3A_1095 = tpu.memref_slice %arg12[%dma_start3A_1088] : memref<3x!tpu.dma_semaphore, #tpu.memory_space<semaphore_mem>> -> memref<1x!tpu.dma_semaphore, #tpu.memory_space<semaphore_mem>>
    %dma_start3A_1096 = tpu.memref_squeeze %dma_start3A_1095 : memref<1x!tpu.dma_semaphore, #tpu.memory_space<semaphore_mem>> -> memref<!tpu.dma_semaphore, #tpu.memory_space<semaphore_mem>>
    %dma_start3A_1097 = arith.constant 0 : i32
    %dma_start3A_1098 = arith.constant 0 : i32
    %dma_start3A_1099 = tpu.memref_slice %arg9[%dma_start3A_1086, %dma_start3A_1087, %dma_start3A_1097, %dma_start3A_1098] : memref<3x16x8x64xf32, #tpu.memory_space<vmem>> -> memref<1x1x8x64xf32, #tpu.memory_space<vmem>>
    %dma_start3A_1100 = tpu.memref_squeeze %dma_start3A_1099 : memref<1x1x8x64xf32, #tpu.memory_space<vmem>> -> memref<8x64xf32, #tpu.memory_space<vmem>>
    %dma_start3A_1101 = arith.constant 0 : i32
    %dma_start3A_1102 = tpu.memref_slice %arg4[%multiple_of3A_1068, %dma_start3A_1101] : memref<1000000x64xf32, #tpu.memory_space<hbm>> -> memref<8x64xf32, #tpu.memory_space<hbm>>
    tpu.enqueue_dma source(%dma_start3A_1102 : memref<8x64xf32, #tpu.memory_space<hbm>>) target(%dma_start3A_1100 : memref<8x64xf32, #tpu.memory_space<vmem>>) target_semaphore(%dma_start3A_1096 : memref<!tpu.dma_semaphore, #tpu.memory_space<semaphore_mem>>)
    %slice3A_1103 = vector.extract_strided_slice %and3A_657 {offsets = [11], sizes = [1], strides = [1]} : vector<16xi32> to vector<1xi32>
    %squeeze3A_1104 = vector.extract %slice3A_1103[0] : i32 from vector<1xi32>
    %multiple_of3A_1105 = tpu.assume_multiple %squeeze3A_1104, 8 : i32
    %slice3A_1106 = vector.extract_strided_slice %and3A_662 {offsets = [11], sizes = [1], strides = [1]} : vector<16xi32> to vector<1xi32>
    %squeeze3A_1107 = vector.extract %slice3A_1106[0] : i32 from vector<1xi32>
    %multiple_of3A_1108 = tpu.assume_multiple %squeeze3A_1107, 8 : i32
    %dma_start3A_1109 = arith.constant 1 : i32
    %dma_start3A_1110 = arith.constant 11 : i32
    %dma_start3A_1111 = arith.constant 1 : i32
    %dma_start3A_1112 = arith.constant 0 : i32
    %dma_start3A_1113 = arith.constant 0 : i32
    %dma_start3A_1114 = tpu.memref_slice %arg8[%dma_start3A_1109, %dma_start3A_1110, %dma_start3A_1112, %dma_start3A_1113] : memref<3x16x8x64xf32, #tpu.memory_space<vmem>> -> memref<1x1x8x64xf32, #tpu.memory_space<vmem>>
    %dma_start3A_1115 = tpu.memref_squeeze %dma_start3A_1114 : memref<1x1x8x64xf32, #tpu.memory_space<vmem>> -> memref<8x64xf32, #tpu.memory_space<vmem>>
    %dma_start3A_1116 = arith.constant 0 : i32
    %dma_start3A_1117 = tpu.memref_slice %arg4[%multiple_of3A_1105, %dma_start3A_1116] : memref<1000000x64xf32, #tpu.memory_space<hbm>> -> memref<8x64xf32, #tpu.memory_space<hbm>>
    %dma_start3A_1118 = tpu.memref_slice %arg11[%dma_start3A_1111] : memref<3x!tpu.dma_semaphore, #tpu.memory_space<semaphore_mem>> -> memref<1x!tpu.dma_semaphore, #tpu.memory_space<semaphore_mem>>
    %dma_start3A_1119 = tpu.memref_squeeze %dma_start3A_1118 : memref<1x!tpu.dma_semaphore, #tpu.memory_space<semaphore_mem>> -> memref<!tpu.dma_semaphore, #tpu.memory_space<semaphore_mem>>
    %dma_start3A_1120 = arith.constant 0 : i32
    %dma_start3A_1121 = arith.constant 0 : i32
    %dma_start3A_1122 = tpu.memref_slice %arg8[%dma_start3A_1109, %dma_start3A_1110, %dma_start3A_1120, %dma_start3A_1121] : memref<3x16x8x64xf32, #tpu.memory_space<vmem>> -> memref<1x1x8x64xf32, #tpu.memory_space<vmem>>
    %dma_start3A_1123 = tpu.memref_squeeze %dma_start3A_1122 : memref<1x1x8x64xf32, #tpu.memory_space<vmem>> -> memref<8x64xf32, #tpu.memory_space<vmem>>
    %dma_start3A_1124 = arith.constant 0 : i32
    %dma_start3A_1125 = tpu.memref_slice %arg4[%multiple_of3A_1105, %dma_start3A_1124] : memref<1000000x64xf32, #tpu.memory_space<hbm>> -> memref<8x64xf32, #tpu.memory_space<hbm>>
    tpu.enqueue_dma source(%dma_start3A_1125 : memref<8x64xf32, #tpu.memory_space<hbm>>) target(%dma_start3A_1123 : memref<8x64xf32, #tpu.memory_space<vmem>>) target_semaphore(%dma_start3A_1119 : memref<!tpu.dma_semaphore, #tpu.memory_space<semaphore_mem>>)
    %dma_start3A_1126 = arith.constant 1 : i32
    %dma_start3A_1127 = arith.constant 11 : i32
    %dma_start3A_1128 = arith.constant 1 : i32
    %dma_start3A_1129 = arith.constant 0 : i32
    %dma_start3A_1130 = arith.constant 0 : i32
    %dma_start3A_1131 = tpu.memref_slice %arg9[%dma_start3A_1126, %dma_start3A_1127, %dma_start3A_1129, %dma_start3A_1130] : memref<3x16x8x64xf32, #tpu.memory_space<vmem>> -> memref<1x1x8x64xf32, #tpu.memory_space<vmem>>
    %dma_start3A_1132 = tpu.memref_squeeze %dma_start3A_1131 : memref<1x1x8x64xf32, #tpu.memory_space<vmem>> -> memref<8x64xf32, #tpu.memory_space<vmem>>
    %dma_start3A_1133 = arith.constant 0 : i32
    %dma_start3A_1134 = tpu.memref_slice %arg4[%multiple_of3A_1108, %dma_start3A_1133] : memref<1000000x64xf32, #tpu.memory_space<hbm>> -> memref<8x64xf32, #tpu.memory_space<hbm>>
    %dma_start3A_1135 = tpu.memref_slice %arg12[%dma_start3A_1128] : memref<3x!tpu.dma_semaphore, #tpu.memory_space<semaphore_mem>> -> memref<1x!tpu.dma_semaphore, #tpu.memory_space<semaphore_mem>>
    %dma_start3A_1136 = tpu.memref_squeeze %dma_start3A_1135 : memref<1x!tpu.dma_semaphore, #tpu.memory_space<semaphore_mem>> -> memref<!tpu.dma_semaphore, #tpu.memory_space<semaphore_mem>>
    %dma_start3A_1137 = arith.constant 0 : i32
    %dma_start3A_1138 = arith.constant 0 : i32
    %dma_start3A_1139 = tpu.memref_slice %arg9[%dma_start3A_1126, %dma_start3A_1127, %dma_start3A_1137, %dma_start3A_1138] : memref<3x16x8x64xf32, #tpu.memory_space<vmem>> -> memref<1x1x8x64xf32, #tpu.memory_space<vmem>>
    %dma_start3A_1140 = tpu.memref_squeeze %dma_start3A_1139 : memref<1x1x8x64xf32, #tpu.memory_space<vmem>> -> memref<8x64xf32, #tpu.memory_space<vmem>>
    %dma_start3A_1141 = arith.constant 0 : i32
    %dma_start3A_1142 = tpu.memref_slice %arg4[%multiple_of3A_1108, %dma_start3A_1141] : memref<1000000x64xf32, #tpu.memory_space<hbm>> -> memref<8x64xf32, #tpu.memory_space<hbm>>
    tpu.enqueue_dma source(%dma_start3A_1142 : memref<8x64xf32, #tpu.memory_space<hbm>>) target(%dma_start3A_1140 : memref<8x64xf32, #tpu.memory_space<vmem>>) target_semaphore(%dma_start3A_1136 : memref<!tpu.dma_semaphore, #tpu.memory_space<semaphore_mem>>)
    %slice3A_1143 = vector.extract_strided_slice %and3A_657 {offsets = [12], sizes = [1], strides = [1]} : vector<16xi32> to vector<1xi32>
    %squeeze3A_1144 = vector.extract %slice3A_1143[0] : i32 from vector<1xi32>
    %multiple_of3A_1145 = tpu.assume_multiple %squeeze3A_1144, 8 : i32
    %slice3A_1146 = vector.extract_strided_slice %and3A_662 {offsets = [12], sizes = [1], strides = [1]} : vector<16xi32> to vector<1xi32>
    %squeeze3A_1147 = vector.extract %slice3A_1146[0] : i32 from vector<1xi32>
    %multiple_of3A_1148 = tpu.assume_multiple %squeeze3A_1147, 8 : i32
    %dma_start3A_1149 = arith.constant 1 : i32
    %dma_start3A_1150 = arith.constant 12 : i32
    %dma_start3A_1151 = arith.constant 1 : i32
    %dma_start3A_1152 = arith.constant 0 : i32
    %dma_start3A_1153 = arith.constant 0 : i32
    %dma_start3A_1154 = tpu.memref_slice %arg8[%dma_start3A_1149, %dma_start3A_1150, %dma_start3A_1152, %dma_start3A_1153] : memref<3x16x8x64xf32, #tpu.memory_space<vmem>> -> memref<1x1x8x64xf32, #tpu.memory_space<vmem>>
    %dma_start3A_1155 = tpu.memref_squeeze %dma_start3A_1154 : memref<1x1x8x64xf32, #tpu.memory_space<vmem>> -> memref<8x64xf32, #tpu.memory_space<vmem>>
    %dma_start3A_1156 = arith.constant 0 : i32
    %dma_start3A_1157 = tpu.memref_slice %arg4[%multiple_of3A_1145, %dma_start3A_1156] : memref<1000000x64xf32, #tpu.memory_space<hbm>> -> memref<8x64xf32, #tpu.memory_space<hbm>>
    %dma_start3A_1158 = tpu.memref_slice %arg11[%dma_start3A_1151] : memref<3x!tpu.dma_semaphore, #tpu.memory_space<semaphore_mem>> -> memref<1x!tpu.dma_semaphore, #tpu.memory_space<semaphore_mem>>
    %dma_start3A_1159 = tpu.memref_squeeze %dma_start3A_1158 : memref<1x!tpu.dma_semaphore, #tpu.memory_space<semaphore_mem>> -> memref<!tpu.dma_semaphore, #tpu.memory_space<semaphore_mem>>
    %dma_start3A_1160 = arith.constant 0 : i32
    %dma_start3A_1161 = arith.constant 0 : i32
    %dma_start3A_1162 = tpu.memref_slice %arg8[%dma_start3A_1149, %dma_start3A_1150, %dma_start3A_1160, %dma_start3A_1161] : memref<3x16x8x64xf32, #tpu.memory_space<vmem>> -> memref<1x1x8x64xf32, #tpu.memory_space<vmem>>
    %dma_start3A_1163 = tpu.memref_squeeze %dma_start3A_1162 : memref<1x1x8x64xf32, #tpu.memory_space<vmem>> -> memref<8x64xf32, #tpu.memory_space<vmem>>
    %dma_start3A_1164 = arith.constant 0 : i32
    %dma_start3A_1165 = tpu.memref_slice %arg4[%multiple_of3A_1145, %dma_start3A_1164] : memref<1000000x64xf32, #tpu.memory_space<hbm>> -> memref<8x64xf32, #tpu.memory_space<hbm>>
    tpu.enqueue_dma source(%dma_start3A_1165 : memref<8x64xf32, #tpu.memory_space<hbm>>) target(%dma_start3A_1163 : memref<8x64xf32, #tpu.memory_space<vmem>>) target_semaphore(%dma_start3A_1159 : memref<!tpu.dma_semaphore, #tpu.memory_space<semaphore_mem>>)
    %dma_start3A_1166 = arith.constant 1 : i32
    %dma_start3A_1167 = arith.constant 12 : i32
    %dma_start3A_1168 = arith.constant 1 : i32
    %dma_start3A_1169 = arith.constant 0 : i32
    %dma_start3A_1170 = arith.constant 0 : i32
    %dma_start3A_1171 = tpu.memref_slice %arg9[%dma_start3A_1166, %dma_start3A_1167, %dma_start3A_1169, %dma_start3A_1170] : memref<3x16x8x64xf32, #tpu.memory_space<vmem>> -> memref<1x1x8x64xf32, #tpu.memory_space<vmem>>
    %dma_start3A_1172 = tpu.memref_squeeze %dma_start3A_1171 : memref<1x1x8x64xf32, #tpu.memory_space<vmem>> -> memref<8x64xf32, #tpu.memory_space<vmem>>
    %dma_start3A_1173 = arith.constant 0 : i32
    %dma_start3A_1174 = tpu.memref_slice %arg4[%multiple_of3A_1148, %dma_start3A_1173] : memref<1000000x64xf32, #tpu.memory_space<hbm>> -> memref<8x64xf32, #tpu.memory_space<hbm>>
    %dma_start3A_1175 = tpu.memref_slice %arg12[%dma_start3A_1168] : memref<3x!tpu.dma_semaphore, #tpu.memory_space<semaphore_mem>> -> memref<1x!tpu.dma_semaphore, #tpu.memory_space<semaphore_mem>>
    %dma_start3A_1176 = tpu.memref_squeeze %dma_start3A_1175 : memref<1x!tpu.dma_semaphore, #tpu.memory_space<semaphore_mem>> -> memref<!tpu.dma_semaphore, #tpu.memory_space<semaphore_mem>>
    %dma_start3A_1177 = arith.constant 0 : i32
    %dma_start3A_1178 = arith.constant 0 : i32
    %dma_start3A_1179 = tpu.memref_slice %arg9[%dma_start3A_1166, %dma_start3A_1167, %dma_start3A_1177, %dma_start3A_1178] : memref<3x16x8x64xf32, #tpu.memory_space<vmem>> -> memref<1x1x8x64xf32, #tpu.memory_space<vmem>>
    %dma_start3A_1180 = tpu.memref_squeeze %dma_start3A_1179 : memref<1x1x8x64xf32, #tpu.memory_space<vmem>> -> memref<8x64xf32, #tpu.memory_space<vmem>>
    %dma_start3A_1181 = arith.constant 0 : i32
    %dma_start3A_1182 = tpu.memref_slice %arg4[%multiple_of3A_1148, %dma_start3A_1181] : memref<1000000x64xf32, #tpu.memory_space<hbm>> -> memref<8x64xf32, #tpu.memory_space<hbm>>
    tpu.enqueue_dma source(%dma_start3A_1182 : memref<8x64xf32, #tpu.memory_space<hbm>>) target(%dma_start3A_1180 : memref<8x64xf32, #tpu.memory_space<vmem>>) target_semaphore(%dma_start3A_1176 : memref<!tpu.dma_semaphore, #tpu.memory_space<semaphore_mem>>)
    %slice3A_1183 = vector.extract_strided_slice %and3A_657 {offsets = [13], sizes = [1], strides = [1]} : vector<16xi32> to vector<1xi32>
    %squeeze3A_1184 = vector.extract %slice3A_1183[0] : i32 from vector<1xi32>
    %multiple_of3A_1185 = tpu.assume_multiple %squeeze3A_1184, 8 : i32
    %slice3A_1186 = vector.extract_strided_slice %and3A_662 {offsets = [13], sizes = [1], strides = [1]} : vector<16xi32> to vector<1xi32>
    %squeeze3A_1187 = vector.extract %slice3A_1186[0] : i32 from vector<1xi32>
    %multiple_of3A_1188 = tpu.assume_multiple %squeeze3A_1187, 8 : i32
    %dma_start3A_1189 = arith.constant 1 : i32
    %dma_start3A_1190 = arith.constant 13 : i32
    %dma_start3A_1191 = arith.constant 1 : i32
    %dma_start3A_1192 = arith.constant 0 : i32
    %dma_start3A_1193 = arith.constant 0 : i32
    %dma_start3A_1194 = tpu.memref_slice %arg8[%dma_start3A_1189, %dma_start3A_1190, %dma_start3A_1192, %dma_start3A_1193] : memref<3x16x8x64xf32, #tpu.memory_space<vmem>> -> memref<1x1x8x64xf32, #tpu.memory_space<vmem>>
    %dma_start3A_1195 = tpu.memref_squeeze %dma_start3A_1194 : memref<1x1x8x64xf32, #tpu.memory_space<vmem>> -> memref<8x64xf32, #tpu.memory_space<vmem>>
    %dma_start3A_1196 = arith.constant 0 : i32
    %dma_start3A_1197 = tpu.memref_slice %arg4[%multiple_of3A_1185, %dma_start3A_1196] : memref<1000000x64xf32, #tpu.memory_space<hbm>> -> memref<8x64xf32, #tpu.memory_space<hbm>>
    %dma_start3A_1198 = tpu.memref_slice %arg11[%dma_start3A_1191] : memref<3x!tpu.dma_semaphore, #tpu.memory_space<semaphore_mem>> -> memref<1x!tpu.dma_semaphore, #tpu.memory_space<semaphore_mem>>
    %dma_start3A_1199 = tpu.memref_squeeze %dma_start3A_1198 : memref<1x!tpu.dma_semaphore, #tpu.memory_space<semaphore_mem>> -> memref<!tpu.dma_semaphore, #tpu.memory_space<semaphore_mem>>
    %dma_start3A_1200 = arith.constant 0 : i32
    %dma_start3A_1201 = arith.constant 0 : i32
    %dma_start3A_1202 = tpu.memref_slice %arg8[%dma_start3A_1189, %dma_start3A_1190, %dma_start3A_1200, %dma_start3A_1201] : memref<3x16x8x64xf32, #tpu.memory_space<vmem>> -> memref<1x1x8x64xf32, #tpu.memory_space<vmem>>
    %dma_start3A_1203 = tpu.memref_squeeze %dma_start3A_1202 : memref<1x1x8x64xf32, #tpu.memory_space<vmem>> -> memref<8x64xf32, #tpu.memory_space<vmem>>
    %dma_start3A_1204 = arith.constant 0 : i32
    %dma_start3A_1205 = tpu.memref_slice %arg4[%multiple_of3A_1185, %dma_start3A_1204] : memref<1000000x64xf32, #tpu.memory_space<hbm>> -> memref<8x64xf32, #tpu.memory_space<hbm>>
    tpu.enqueue_dma source(%dma_start3A_1205 : memref<8x64xf32, #tpu.memory_space<hbm>>) target(%dma_start3A_1203 : memref<8x64xf32, #tpu.memory_space<vmem>>) target_semaphore(%dma_start3A_1199 : memref<!tpu.dma_semaphore, #tpu.memory_space<semaphore_mem>>)
    %dma_start3A_1206 = arith.constant 1 : i32
    %dma_start3A_1207 = arith.constant 13 : i32
    %dma_start3A_1208 = arith.constant 1 : i32
    %dma_start3A_1209 = arith.constant 0 : i32
    %dma_start3A_1210 = arith.constant 0 : i32
    %dma_start3A_1211 = tpu.memref_slice %arg9[%dma_start3A_1206, %dma_start3A_1207, %dma_start3A_1209, %dma_start3A_1210] : memref<3x16x8x64xf32, #tpu.memory_space<vmem>> -> memref<1x1x8x64xf32, #tpu.memory_space<vmem>>
    %dma_start3A_1212 = tpu.memref_squeeze %dma_start3A_1211 : memref<1x1x8x64xf32, #tpu.memory_space<vmem>> -> memref<8x64xf32, #tpu.memory_space<vmem>>
    %dma_start3A_1213 = arith.constant 0 : i32
    %dma_start3A_1214 = tpu.memref_slice %arg4[%multiple_of3A_1188, %dma_start3A_1213] : memref<1000000x64xf32, #tpu.memory_space<hbm>> -> memref<8x64xf32, #tpu.memory_space<hbm>>
    %dma_start3A_1215 = tpu.memref_slice %arg12[%dma_start3A_1208] : memref<3x!tpu.dma_semaphore, #tpu.memory_space<semaphore_mem>> -> memref<1x!tpu.dma_semaphore, #tpu.memory_space<semaphore_mem>>
    %dma_start3A_1216 = tpu.memref_squeeze %dma_start3A_1215 : memref<1x!tpu.dma_semaphore, #tpu.memory_space<semaphore_mem>> -> memref<!tpu.dma_semaphore, #tpu.memory_space<semaphore_mem>>
    %dma_start3A_1217 = arith.constant 0 : i32
    %dma_start3A_1218 = arith.constant 0 : i32
    %dma_start3A_1219 = tpu.memref_slice %arg9[%dma_start3A_1206, %dma_start3A_1207, %dma_start3A_1217, %dma_start3A_1218] : memref<3x16x8x64xf32, #tpu.memory_space<vmem>> -> memref<1x1x8x64xf32, #tpu.memory_space<vmem>>
    %dma_start3A_1220 = tpu.memref_squeeze %dma_start3A_1219 : memref<1x1x8x64xf32, #tpu.memory_space<vmem>> -> memref<8x64xf32, #tpu.memory_space<vmem>>
    %dma_start3A_1221 = arith.constant 0 : i32
    %dma_start3A_1222 = tpu.memref_slice %arg4[%multiple_of3A_1188, %dma_start3A_1221] : memref<1000000x64xf32, #tpu.memory_space<hbm>> -> memref<8x64xf32, #tpu.memory_space<hbm>>
    tpu.enqueue_dma source(%dma_start3A_1222 : memref<8x64xf32, #tpu.memory_space<hbm>>) target(%dma_start3A_1220 : memref<8x64xf32, #tpu.memory_space<vmem>>) target_semaphore(%dma_start3A_1216 : memref<!tpu.dma_semaphore, #tpu.memory_space<semaphore_mem>>)
    %slice3A_1223 = vector.extract_strided_slice %and3A_657 {offsets = [14], sizes = [1], strides = [1]} : vector<16xi32> to vector<1xi32>
    %squeeze3A_1224 = vector.extract %slice3A_1223[0] : i32 from vector<1xi32>
    %multiple_of3A_1225 = tpu.assume_multiple %squeeze3A_1224, 8 : i32
    %slice3A_1226 = vector.extract_strided_slice %and3A_662 {offsets = [14], sizes = [1], strides = [1]} : vector<16xi32> to vector<1xi32>
    %squeeze3A_1227 = vector.extract %slice3A_1226[0] : i32 from vector<1xi32>
    %multiple_of3A_1228 = tpu.assume_multiple %squeeze3A_1227, 8 : i32
    %dma_start3A_1229 = arith.constant 1 : i32
    %dma_start3A_1230 = arith.constant 14 : i32
    %dma_start3A_1231 = arith.constant 1 : i32
    %dma_start3A_1232 = arith.constant 0 : i32
    %dma_start3A_1233 = arith.constant 0 : i32
    %dma_start3A_1234 = tpu.memref_slice %arg8[%dma_start3A_1229, %dma_start3A_1230, %dma_start3A_1232, %dma_start3A_1233] : memref<3x16x8x64xf32, #tpu.memory_space<vmem>> -> memref<1x1x8x64xf32, #tpu.memory_space<vmem>>
    %dma_start3A_1235 = tpu.memref_squeeze %dma_start3A_1234 : memref<1x1x8x64xf32, #tpu.memory_space<vmem>> -> memref<8x64xf32, #tpu.memory_space<vmem>>
    %dma_start3A_1236 = arith.constant 0 : i32
    %dma_start3A_1237 = tpu.memref_slice %arg4[%multiple_of3A_1225, %dma_start3A_1236] : memref<1000000x64xf32, #tpu.memory_space<hbm>> -> memref<8x64xf32, #tpu.memory_space<hbm>>
    %dma_start3A_1238 = tpu.memref_slice %arg11[%dma_start3A_1231] : memref<3x!tpu.dma_semaphore, #tpu.memory_space<semaphore_mem>> -> memref<1x!tpu.dma_semaphore, #tpu.memory_space<semaphore_mem>>
    %dma_start3A_1239 = tpu.memref_squeeze %dma_start3A_1238 : memref<1x!tpu.dma_semaphore, #tpu.memory_space<semaphore_mem>> -> memref<!tpu.dma_semaphore, #tpu.memory_space<semaphore_mem>>
    %dma_start3A_1240 = arith.constant 0 : i32
    %dma_start3A_1241 = arith.constant 0 : i32
    %dma_start3A_1242 = tpu.memref_slice %arg8[%dma_start3A_1229, %dma_start3A_1230, %dma_start3A_1240, %dma_start3A_1241] : memref<3x16x8x64xf32, #tpu.memory_space<vmem>> -> memref<1x1x8x64xf32, #tpu.memory_space<vmem>>
    %dma_start3A_1243 = tpu.memref_squeeze %dma_start3A_1242 : memref<1x1x8x64xf32, #tpu.memory_space<vmem>> -> memref<8x64xf32, #tpu.memory_space<vmem>>
    %dma_start3A_1244 = arith.constant 0 : i32
    %dma_start3A_1245 = tpu.memref_slice %arg4[%multiple_of3A_1225, %dma_start3A_1244] : memref<1000000x64xf32, #tpu.memory_space<hbm>> -> memref<8x64xf32, #tpu.memory_space<hbm>>
    tpu.enqueue_dma source(%dma_start3A_1245 : memref<8x64xf32, #tpu.memory_space<hbm>>) target(%dma_start3A_1243 : memref<8x64xf32, #tpu.memory_space<vmem>>) target_semaphore(%dma_start3A_1239 : memref<!tpu.dma_semaphore, #tpu.memory_space<semaphore_mem>>)
    %dma_start3A_1246 = arith.constant 1 : i32
    %dma_start3A_1247 = arith.constant 14 : i32
    %dma_start3A_1248 = arith.constant 1 : i32
    %dma_start3A_1249 = arith.constant 0 : i32
    %dma_start3A_1250 = arith.constant 0 : i32
    %dma_start3A_1251 = tpu.memref_slice %arg9[%dma_start3A_1246, %dma_start3A_1247, %dma_start3A_1249, %dma_start3A_1250] : memref<3x16x8x64xf32, #tpu.memory_space<vmem>> -> memref<1x1x8x64xf32, #tpu.memory_space<vmem>>
    %dma_start3A_1252 = tpu.memref_squeeze %dma_start3A_1251 : memref<1x1x8x64xf32, #tpu.memory_space<vmem>> -> memref<8x64xf32, #tpu.memory_space<vmem>>
    %dma_start3A_1253 = arith.constant 0 : i32
    %dma_start3A_1254 = tpu.memref_slice %arg4[%multiple_of3A_1228, %dma_start3A_1253] : memref<1000000x64xf32, #tpu.memory_space<hbm>> -> memref<8x64xf32, #tpu.memory_space<hbm>>
    %dma_start3A_1255 = tpu.memref_slice %arg12[%dma_start3A_1248] : memref<3x!tpu.dma_semaphore, #tpu.memory_space<semaphore_mem>> -> memref<1x!tpu.dma_semaphore, #tpu.memory_space<semaphore_mem>>
    %dma_start3A_1256 = tpu.memref_squeeze %dma_start3A_1255 : memref<1x!tpu.dma_semaphore, #tpu.memory_space<semaphore_mem>> -> memref<!tpu.dma_semaphore, #tpu.memory_space<semaphore_mem>>
    %dma_start3A_1257 = arith.constant 0 : i32
    %dma_start3A_1258 = arith.constant 0 : i32
    %dma_start3A_1259 = tpu.memref_slice %arg9[%dma_start3A_1246, %dma_start3A_1247, %dma_start3A_1257, %dma_start3A_1258] : memref<3x16x8x64xf32, #tpu.memory_space<vmem>> -> memref<1x1x8x64xf32, #tpu.memory_space<vmem>>
    %dma_start3A_1260 = tpu.memref_squeeze %dma_start3A_1259 : memref<1x1x8x64xf32, #tpu.memory_space<vmem>> -> memref<8x64xf32, #tpu.memory_space<vmem>>
    %dma_start3A_1261 = arith.constant 0 : i32
    %dma_start3A_1262 = tpu.memref_slice %arg4[%multiple_of3A_1228, %dma_start3A_1261] : memref<1000000x64xf32, #tpu.memory_space<hbm>> -> memref<8x64xf32, #tpu.memory_space<hbm>>
    tpu.enqueue_dma source(%dma_start3A_1262 : memref<8x64xf32, #tpu.memory_space<hbm>>) target(%dma_start3A_1260 : memref<8x64xf32, #tpu.memory_space<vmem>>) target_semaphore(%dma_start3A_1256 : memref<!tpu.dma_semaphore, #tpu.memory_space<semaphore_mem>>)
    %slice3A_1263 = vector.extract_strided_slice %and3A_657 {offsets = [15], sizes = [1], strides = [1]} : vector<16xi32> to vector<1xi32>
    %squeeze3A_1264 = vector.extract %slice3A_1263[0] : i32 from vector<1xi32>
    %multiple_of3A_1265 = tpu.assume_multiple %squeeze3A_1264, 8 : i32
    %slice3A_1266 = vector.extract_strided_slice %and3A_662 {offsets = [15], sizes = [1], strides = [1]} : vector<16xi32> to vector<1xi32>
    %squeeze3A_1267 = vector.extract %slice3A_1266[0] : i32 from vector<1xi32>
    %multiple_of3A_1268 = tpu.assume_multiple %squeeze3A_1267, 8 : i32
    %dma_start3A_1269 = arith.constant 1 : i32
    %dma_start3A_1270 = arith.constant 15 : i32
    %dma_start3A_1271 = arith.constant 1 : i32
    %dma_start3A_1272 = arith.constant 0 : i32
    %dma_start3A_1273 = arith.constant 0 : i32
    %dma_start3A_1274 = tpu.memref_slice %arg8[%dma_start3A_1269, %dma_start3A_1270, %dma_start3A_1272, %dma_start3A_1273] : memref<3x16x8x64xf32, #tpu.memory_space<vmem>> -> memref<1x1x8x64xf32, #tpu.memory_space<vmem>>
    %dma_start3A_1275 = tpu.memref_squeeze %dma_start3A_1274 : memref<1x1x8x64xf32, #tpu.memory_space<vmem>> -> memref<8x64xf32, #tpu.memory_space<vmem>>
    %dma_start3A_1276 = arith.constant 0 : i32
    %dma_start3A_1277 = tpu.memref_slice %arg4[%multiple_of3A_1265, %dma_start3A_1276] : memref<1000000x64xf32, #tpu.memory_space<hbm>> -> memref<8x64xf32, #tpu.memory_space<hbm>>
    %dma_start3A_1278 = tpu.memref_slice %arg11[%dma_start3A_1271] : memref<3x!tpu.dma_semaphore, #tpu.memory_space<semaphore_mem>> -> memref<1x!tpu.dma_semaphore, #tpu.memory_space<semaphore_mem>>
    %dma_start3A_1279 = tpu.memref_squeeze %dma_start3A_1278 : memref<1x!tpu.dma_semaphore, #tpu.memory_space<semaphore_mem>> -> memref<!tpu.dma_semaphore, #tpu.memory_space<semaphore_mem>>
    %dma_start3A_1280 = arith.constant 0 : i32
    %dma_start3A_1281 = arith.constant 0 : i32
    %dma_start3A_1282 = tpu.memref_slice %arg8[%dma_start3A_1269, %dma_start3A_1270, %dma_start3A_1280, %dma_start3A_1281] : memref<3x16x8x64xf32, #tpu.memory_space<vmem>> -> memref<1x1x8x64xf32, #tpu.memory_space<vmem>>
    %dma_start3A_1283 = tpu.memref_squeeze %dma_start3A_1282 : memref<1x1x8x64xf32, #tpu.memory_space<vmem>> -> memref<8x64xf32, #tpu.memory_space<vmem>>
    %dma_start3A_1284 = arith.constant 0 : i32
    %dma_start3A_1285 = tpu.memref_slice %arg4[%multiple_of3A_1265, %dma_start3A_1284] : memref<1000000x64xf32, #tpu.memory_space<hbm>> -> memref<8x64xf32, #tpu.memory_space<hbm>>
    tpu.enqueue_dma source(%dma_start3A_1285 : memref<8x64xf32, #tpu.memory_space<hbm>>) target(%dma_start3A_1283 : memref<8x64xf32, #tpu.memory_space<vmem>>) target_semaphore(%dma_start3A_1279 : memref<!tpu.dma_semaphore, #tpu.memory_space<semaphore_mem>>)
    %dma_start3A_1286 = arith.constant 1 : i32
    %dma_start3A_1287 = arith.constant 15 : i32
    %dma_start3A_1288 = arith.constant 1 : i32
    %dma_start3A_1289 = arith.constant 0 : i32
    %dma_start3A_1290 = arith.constant 0 : i32
    %dma_start3A_1291 = tpu.memref_slice %arg9[%dma_start3A_1286, %dma_start3A_1287, %dma_start3A_1289, %dma_start3A_1290] : memref<3x16x8x64xf32, #tpu.memory_space<vmem>> -> memref<1x1x8x64xf32, #tpu.memory_space<vmem>>
    %dma_start3A_1292 = tpu.memref_squeeze %dma_start3A_1291 : memref<1x1x8x64xf32, #tpu.memory_space<vmem>> -> memref<8x64xf32, #tpu.memory_space<vmem>>
    %dma_start3A_1293 = arith.constant 0 : i32
    %dma_start3A_1294 = tpu.memref_slice %arg4[%multiple_of3A_1268, %dma_start3A_1293] : memref<1000000x64xf32, #tpu.memory_space<hbm>> -> memref<8x64xf32, #tpu.memory_space<hbm>>
    %dma_start3A_1295 = tpu.memref_slice %arg12[%dma_start3A_1288] : memref<3x!tpu.dma_semaphore, #tpu.memory_space<semaphore_mem>> -> memref<1x!tpu.dma_semaphore, #tpu.memory_space<semaphore_mem>>
    %dma_start3A_1296 = tpu.memref_squeeze %dma_start3A_1295 : memref<1x!tpu.dma_semaphore, #tpu.memory_space<semaphore_mem>> -> memref<!tpu.dma_semaphore, #tpu.memory_space<semaphore_mem>>
    %dma_start3A_1297 = arith.constant 0 : i32
    %dma_start3A_1298 = arith.constant 0 : i32
    %dma_start3A_1299 = tpu.memref_slice %arg9[%dma_start3A_1286, %dma_start3A_1287, %dma_start3A_1297, %dma_start3A_1298] : memref<3x16x8x64xf32, #tpu.memory_space<vmem>> -> memref<1x1x8x64xf32, #tpu.memory_space<vmem>>
    %dma_start3A_1300 = tpu.memref_squeeze %dma_start3A_1299 : memref<1x1x8x64xf32, #tpu.memory_space<vmem>> -> memref<8x64xf32, #tpu.memory_space<vmem>>
    %dma_start3A_1301 = arith.constant 0 : i32
    %dma_start3A_1302 = tpu.memref_slice %arg4[%multiple_of3A_1268, %dma_start3A_1301] : memref<1000000x64xf32, #tpu.memory_space<hbm>> -> memref<8x64xf32, #tpu.memory_space<hbm>>
    tpu.enqueue_dma source(%dma_start3A_1302 : memref<8x64xf32, #tpu.memory_space<hbm>>) target(%dma_start3A_1300 : memref<8x64xf32, #tpu.memory_space<vmem>>) target_semaphore(%dma_start3A_1296 : memref<!tpu.dma_semaphore, #tpu.memory_space<semaphore_mem>>)
    %scan3A = arith.constant 0 : i32
    %scan3A_1303 = arith.constant 0 : i32
    %scan3A_1304 = arith.constant 32 : i32
    %scan3A_1305 = arith.addi %scan3A_1303, %scan3A_1304 : i32
    %scan3A_1306 = arith.constant 1 : i32
    scf.for %scan3A_1308 = %scan3A_1303 to %scan3A_1305 step %scan3A_1306  : i32 {
      %rem3A = arith.constant 3 : i32
      %rem3A_1309 = arith.remsi %scan3A_1308, %rem3A : i32
      %add3A_1310 = arith.constant 2 : i32
      %add3A_1311 = arith.addi %scan3A_1308, %add3A_1310 : i32
      %lt3A = arith.constant 32 : i32
      %lt3A_1312 = arith.cmpi slt, %add3A_1311, %lt3A : i32
      %convert_element_type3A = arith.extui %lt3A_1312 : i1 to i32
      %cond3A = arith.constant 0 : i32
      %cond3A_1313 = arith.cmpi ne, %convert_element_type3A, %cond3A : i32
      scf.if %cond3A_1313 {
        %add3A_2901 = arith.constant 2 : i32
        %add3A_2902 = arith.addi %scan3A_1308, %add3A_2901 : i32
        %add3A_2903 = arith.constant 2 : i32
        %add3A_2904 = arith.addi %scan3A_1308, %add3A_2903 : i32
        %rem3A_2905 = arith.constant 3 : i32
        %rem3A_2906 = arith.remsi %add3A_2904, %rem3A_2905 : i32
        %mul3A_2907 = arith.constant 16 : i32
        %mul3A_2908 = arith.muli %add3A_2902, %mul3A_2907 : i32
        %get3A_2909 = arith.index_cast %mul3A_2908 : i32 to index
        %get3A_2910 = tpu.vector_load %arg6[%get3A_2909] {strides = array<i32>} : memref<512xi32, #tpu.memory_space<vmem>>, vector<16xi32>,
        %and3A_2911 = arith.constant -8 : i32
        %and3A_2912 = vector.broadcast %and3A_2911 : i32 to vector<16xi32>
        %and3A_2913 = arith.andi %get3A_2910, %and3A_2912 : vector<16xi32>
        %get3A_2914 = arith.index_cast %mul3A_2908 : i32 to index
        %get3A_2915 = tpu.vector_load %arg7[%get3A_2914] {strides = array<i32>} : memref<512xi32, #tpu.memory_space<vmem>>, vector<16xi32>,
        %and3A_2916 = arith.constant -8 : i32
        %and3A_2917 = vector.broadcast %and3A_2916 : i32 to vector<16xi32>
        %and3A_2918 = arith.andi %get3A_2915, %and3A_2917 : vector<16xi32>
        %slice3A_2919 = vector.extract_strided_slice %and3A_2913 {offsets = [0], sizes = [1], strides = [1]} : vector<16xi32> to vector<1xi32>
        %squeeze3A_2920 = vector.extract %slice3A_2919[0] : i32 from vector<1xi32>
        %multiple_of3A_2921 = tpu.assume_multiple %squeeze3A_2920, 8 : i32
        %slice3A_2922 = vector.extract_strided_slice %and3A_2918 {offsets = [0], sizes = [1], strides = [1]} : vector<16xi32> to vector<1xi32>
        %squeeze3A_2923 = vector.extract %slice3A_2922[0] : i32 from vector<1xi32>
        %multiple_of3A_2924 = tpu.assume_multiple %squeeze3A_2923, 8 : i32
        %dma_start3A_2925 = arith.constant 0 : i32
        %dma_start3A_2926 = arith.constant 0 : i32
        %dma_start3A_2927 = arith.constant 0 : i32
        %dma_start3A_2928 = tpu.memref_slice %arg8[%rem3A_2906, %dma_start3A_2925, %dma_start3A_2926, %dma_start3A_2927] : memref<3x16x8x64xf32, #tpu.memory_space<vmem>> -> memref<1x1x8x64xf32, #tpu.memory_space<vmem>>
        %dma_start3A_2929 = tpu.memref_squeeze %dma_start3A_2928 : memref<1x1x8x64xf32, #tpu.memory_space<vmem>> -> memref<8x64xf32, #tpu.memory_space<vmem>>
        %dma_start3A_2930 = arith.constant 0 : i32
        %dma_start3A_2931 = tpu.memref_slice %arg4[%multiple_of3A_2921, %dma_start3A_2930] : memref<1000000x64xf32, #tpu.memory_space<hbm>> -> memref<8x64xf32, #tpu.memory_space<hbm>>
        %dma_start3A_2932 = tpu.memref_slice %arg11[%rem3A_2906] : memref<3x!tpu.dma_semaphore, #tpu.memory_space<semaphore_mem>> -> memref<1x!tpu.dma_semaphore, #tpu.memory_space<semaphore_mem>>
        %dma_start3A_2933 = tpu.memref_squeeze %dma_start3A_2932 : memref<1x!tpu.dma_semaphore, #tpu.memory_space<semaphore_mem>> -> memref<!tpu.dma_semaphore, #tpu.memory_space<semaphore_mem>>
        %dma_start3A_2934 = arith.constant 0 : i32
        %dma_start3A_2935 = arith.constant 0 : i32
        %dma_start3A_2936 = tpu.memref_slice %arg8[%rem3A_2906, %dma_start3A_2925, %dma_start3A_2934, %dma_start3A_2935] : memref<3x16x8x64xf32, #tpu.memory_space<vmem>> -> memref<1x1x8x64xf32, #tpu.memory_space<vmem>>
        %dma_start3A_2937 = tpu.memref_squeeze %dma_start3A_2936 : memref<1x1x8x64xf32, #tpu.memory_space<vmem>> -> memref<8x64xf32, #tpu.memory_space<vmem>>
        %dma_start3A_2938 = arith.constant 0 : i32
        %dma_start3A_2939 = tpu.memref_slice %arg4[%multiple_of3A_2921, %dma_start3A_2938] : memref<1000000x64xf32, #tpu.memory_space<hbm>> -> memref<8x64xf32, #tpu.memory_space<hbm>>
        tpu.enqueue_dma source(%dma_start3A_2939 : memref<8x64xf32, #tpu.memory_space<hbm>>) target(%dma_start3A_2937 : memref<8x64xf32, #tpu.memory_space<vmem>>) target_semaphore(%dma_start3A_2933 : memref<!tpu.dma_semaphore, #tpu.memory_space<semaphore_mem>>)
        %dma_start3A_2940 = arith.constant 0 : i32
        %dma_start3A_2941 = arith.constant 0 : i32
        %dma_start3A_2942 = arith.constant 0 : i32
        %dma_start3A_2943 = tpu.memref_slice %arg9[%rem3A_2906, %dma_start3A_2940, %dma_start3A_2941, %dma_start3A_2942] : memref<3x16x8x64xf32, #tpu.memory_space<vmem>> -> memref<1x1x8x64xf32, #tpu.memory_space<vmem>>
        %dma_start3A_2944 = tpu.memref_squeeze %dma_start3A_2943 : memref<1x1x8x64xf32, #tpu.memory_space<vmem>> -> memref<8x64xf32, #tpu.memory_space<vmem>>
        %dma_start3A_2945 = arith.constant 0 : i32
        %dma_start3A_2946 = tpu.memref_slice %arg4[%multiple_of3A_2924, %dma_start3A_2945] : memref<1000000x64xf32, #tpu.memory_space<hbm>> -> memref<8x64xf32, #tpu.memory_space<hbm>>
        %dma_start3A_2947 = tpu.memref_slice %arg12[%rem3A_2906] : memref<3x!tpu.dma_semaphore, #tpu.memory_space<semaphore_mem>> -> memref<1x!tpu.dma_semaphore, #tpu.memory_space<semaphore_mem>>
        %dma_start3A_2948 = tpu.memref_squeeze %dma_start3A_2947 : memref<1x!tpu.dma_semaphore, #tpu.memory_space<semaphore_mem>> -> memref<!tpu.dma_semaphore, #tpu.memory_space<semaphore_mem>>
        %dma_start3A_2949 = arith.constant 0 : i32
        %dma_start3A_2950 = arith.constant 0 : i32
        %dma_start3A_2951 = tpu.memref_slice %arg9[%rem3A_2906, %dma_start3A_2940, %dma_start3A_2949, %dma_start3A_2950] : memref<3x16x8x64xf32, #tpu.memory_space<vmem>> -> memref<1x1x8x64xf32, #tpu.memory_space<vmem>>
        %dma_start3A_2952 = tpu.memref_squeeze %dma_start3A_2951 : memref<1x1x8x64xf32, #tpu.memory_space<vmem>> -> memref<8x64xf32, #tpu.memory_space<vmem>>
        %dma_start3A_2953 = arith.constant 0 : i32
        %dma_start3A_2954 = tpu.memref_slice %arg4[%multiple_of3A_2924, %dma_start3A_2953] : memref<1000000x64xf32, #tpu.memory_space<hbm>> -> memref<8x64xf32, #tpu.memory_space<hbm>>
        tpu.enqueue_dma source(%dma_start3A_2954 : memref<8x64xf32, #tpu.memory_space<hbm>>) target(%dma_start3A_2952 : memref<8x64xf32, #tpu.memory_space<vmem>>) target_semaphore(%dma_start3A_2948 : memref<!tpu.dma_semaphore, #tpu.memory_space<semaphore_mem>>)
        %slice3A_2955 = vector.extract_strided_slice %and3A_2913 {offsets = [1], sizes = [1], strides = [1]} : vector<16xi32> to vector<1xi32>
        %squeeze3A_2956 = vector.extract %slice3A_2955[0] : i32 from vector<1xi32>
        %multiple_of3A_2957 = tpu.assume_multiple %squeeze3A_2956, 8 : i32
        %slice3A_2958 = vector.extract_strided_slice %and3A_2918 {offsets = [1], sizes = [1], strides = [1]} : vector<16xi32> to vector<1xi32>
        %squeeze3A_2959 = vector.extract %slice3A_2958[0] : i32 from vector<1xi32>
        %multiple_of3A_2960 = tpu.assume_multiple %squeeze3A_2959, 8 : i32
        %dma_start3A_2961 = arith.constant 1 : i32
        %dma_start3A_2962 = arith.constant 0 : i32
        %dma_start3A_2963 = arith.constant 0 : i32
        %dma_start3A_2964 = tpu.memref_slice %arg8[%rem3A_2906, %dma_start3A_2961, %dma_start3A_2962, %dma_start3A_2963] : memref<3x16x8x64xf32, #tpu.memory_space<vmem>> -> memref<1x1x8x64xf32, #tpu.memory_space<vmem>>
        %dma_start3A_2965 = tpu.memref_squeeze %dma_start3A_2964 : memref<1x1x8x64xf32, #tpu.memory_space<vmem>> -> memref<8x64xf32, #tpu.memory_space<vmem>>
        %dma_start3A_2966 = arith.constant 0 : i32
        %dma_start3A_2967 = tpu.memref_slice %arg4[%multiple_of3A_2957, %dma_start3A_2966] : memref<1000000x64xf32, #tpu.memory_space<hbm>> -> memref<8x64xf32, #tpu.memory_space<hbm>>
        %dma_start3A_2968 = tpu.memref_slice %arg11[%rem3A_2906] : memref<3x!tpu.dma_semaphore, #tpu.memory_space<semaphore_mem>> -> memref<1x!tpu.dma_semaphore, #tpu.memory_space<semaphore_mem>>
        %dma_start3A_2969 = tpu.memref_squeeze %dma_start3A_2968 : memref<1x!tpu.dma_semaphore, #tpu.memory_space<semaphore_mem>> -> memref<!tpu.dma_semaphore, #tpu.memory_space<semaphore_mem>>
        %dma_start3A_2970 = arith.constant 0 : i32
        %dma_start3A_2971 = arith.constant 0 : i32
        %dma_start3A_2972 = tpu.memref_slice %arg8[%rem3A_2906, %dma_start3A_2961, %dma_start3A_2970, %dma_start3A_2971] : memref<3x16x8x64xf32, #tpu.memory_space<vmem>> -> memref<1x1x8x64xf32, #tpu.memory_space<vmem>>
        %dma_start3A_2973 = tpu.memref_squeeze %dma_start3A_2972 : memref<1x1x8x64xf32, #tpu.memory_space<vmem>> -> memref<8x64xf32, #tpu.memory_space<vmem>>
        %dma_start3A_2974 = arith.constant 0 : i32
        %dma_start3A_2975 = tpu.memref_slice %arg4[%multiple_of3A_2957, %dma_start3A_2974] : memref<1000000x64xf32, #tpu.memory_space<hbm>> -> memref<8x64xf32, #tpu.memory_space<hbm>>
        tpu.enqueue_dma source(%dma_start3A_2975 : memref<8x64xf32, #tpu.memory_space<hbm>>) target(%dma_start3A_2973 : memref<8x64xf32, #tpu.memory_space<vmem>>) target_semaphore(%dma_start3A_2969 : memref<!tpu.dma_semaphore, #tpu.memory_space<semaphore_mem>>)
        %dma_start3A_2976 = arith.constant 1 : i32
        %dma_start3A_2977 = arith.constant 0 : i32
        %dma_start3A_2978 = arith.constant 0 : i32
        %dma_start3A_2979 = tpu.memref_slice %arg9[%rem3A_2906, %dma_start3A_2976, %dma_start3A_2977, %dma_start3A_2978] : memref<3x16x8x64xf32, #tpu.memory_space<vmem>> -> memref<1x1x8x64xf32, #tpu.memory_space<vmem>>
        %dma_start3A_2980 = tpu.memref_squeeze %dma_start3A_2979 : memref<1x1x8x64xf32, #tpu.memory_space<vmem>> -> memref<8x64xf32, #tpu.memory_space<vmem>>
        %dma_start3A_2981 = arith.constant 0 : i32
        %dma_start3A_2982 = tpu.memref_slice %arg4[%multiple_of3A_2960, %dma_start3A_2981] : memref<1000000x64xf32, #tpu.memory_space<hbm>> -> memref<8x64xf32, #tpu.memory_space<hbm>>
        %dma_start3A_2983 = tpu.memref_slice %arg12[%rem3A_2906] : memref<3x!tpu.dma_semaphore, #tpu.memory_space<semaphore_mem>> -> memref<1x!tpu.dma_semaphore, #tpu.memory_space<semaphore_mem>>
        %dma_start3A_2984 = tpu.memref_squeeze %dma_start3A_2983 : memref<1x!tpu.dma_semaphore, #tpu.memory_space<semaphore_mem>> -> memref<!tpu.dma_semaphore, #tpu.memory_space<semaphore_mem>>
        %dma_start3A_2985 = arith.constant 0 : i32
        %dma_start3A_2986 = arith.constant 0 : i32
        %dma_start3A_2987 = tpu.memref_slice %arg9[%rem3A_2906, %dma_start3A_2976, %dma_start3A_2985, %dma_start3A_2986] : memref<3x16x8x64xf32, #tpu.memory_space<vmem>> -> memref<1x1x8x64xf32, #tpu.memory_space<vmem>>
        %dma_start3A_2988 = tpu.memref_squeeze %dma_start3A_2987 : memref<1x1x8x64xf32, #tpu.memory_space<vmem>> -> memref<8x64xf32, #tpu.memory_space<vmem>>
        %dma_start3A_2989 = arith.constant 0 : i32
        %dma_start3A_2990 = tpu.memref_slice %arg4[%multiple_of3A_2960, %dma_start3A_2989] : memref<1000000x64xf32, #tpu.memory_space<hbm>> -> memref<8x64xf32, #tpu.memory_space<hbm>>
        tpu.enqueue_dma source(%dma_start3A_2990 : memref<8x64xf32, #tpu.memory_space<hbm>>) target(%dma_start3A_2988 : memref<8x64xf32, #tpu.memory_space<vmem>>) target_semaphore(%dma_start3A_2984 : memref<!tpu.dma_semaphore, #tpu.memory_space<semaphore_mem>>)
        %slice3A_2991 = vector.extract_strided_slice %and3A_2913 {offsets = [2], sizes = [1], strides = [1]} : vector<16xi32> to vector<1xi32>
        %squeeze3A_2992 = vector.extract %slice3A_2991[0] : i32 from vector<1xi32>
        %multiple_of3A_2993 = tpu.assume_multiple %squeeze3A_2992, 8 : i32
        %slice3A_2994 = vector.extract_strided_slice %and3A_2918 {offsets = [2], sizes = [1], strides = [1]} : vector<16xi32> to vector<1xi32>
        %squeeze3A_2995 = vector.extract %slice3A_2994[0] : i32 from vector<1xi32>
        %multiple_of3A_2996 = tpu.assume_multiple %squeeze3A_2995, 8 : i32
        %dma_start3A_2997 = arith.constant 2 : i32
        %dma_start3A_2998 = arith.constant 0 : i32
        %dma_start3A_2999 = arith.constant 0 : i32
        %dma_start3A_3000 = tpu.memref_slice %arg8[%rem3A_2906, %dma_start3A_2997, %dma_start3A_2998, %dma_start3A_2999] : memref<3x16x8x64xf32, #tpu.memory_space<vmem>> -> memref<1x1x8x64xf32, #tpu.memory_space<vmem>>
        %dma_start3A_3001 = tpu.memref_squeeze %dma_start3A_3000 : memref<1x1x8x64xf32, #tpu.memory_space<vmem>> -> memref<8x64xf32, #tpu.memory_space<vmem>>
        %dma_start3A_3002 = arith.constant 0 : i32
        %dma_start3A_3003 = tpu.memref_slice %arg4[%multiple_of3A_2993, %dma_start3A_3002] : memref<1000000x64xf32, #tpu.memory_space<hbm>> -> memref<8x64xf32, #tpu.memory_space<hbm>>
        %dma_start3A_3004 = tpu.memref_slice %arg11[%rem3A_2906] : memref<3x!tpu.dma_semaphore, #tpu.memory_space<semaphore_mem>> -> memref<1x!tpu.dma_semaphore, #tpu.memory_space<semaphore_mem>>
        %dma_start3A_3005 = tpu.memref_squeeze %dma_start3A_3004 : memref<1x!tpu.dma_semaphore, #tpu.memory_space<semaphore_mem>> -> memref<!tpu.dma_semaphore, #tpu.memory_space<semaphore_mem>>
        %dma_start3A_3006 = arith.constant 0 : i32
        %dma_start3A_3007 = arith.constant 0 : i32
        %dma_start3A_3008 = tpu.memref_slice %arg8[%rem3A_2906, %dma_start3A_2997, %dma_start3A_3006, %dma_start3A_3007] : memref<3x16x8x64xf32, #tpu.memory_space<vmem>> -> memref<1x1x8x64xf32, #tpu.memory_space<vmem>>
        %dma_start3A_3009 = tpu.memref_squeeze %dma_start3A_3008 : memref<1x1x8x64xf32, #tpu.memory_space<vmem>> -> memref<8x64xf32, #tpu.memory_space<vmem>>
        %dma_start3A_3010 = arith.constant 0 : i32
        %dma_start3A_3011 = tpu.memref_slice %arg4[%multiple_of3A_2993, %dma_start3A_3010] : memref<1000000x64xf32, #tpu.memory_space<hbm>> -> memref<8x64xf32, #tpu.memory_space<hbm>>
        tpu.enqueue_dma source(%dma_start3A_3011 : memref<8x64xf32, #tpu.memory_space<hbm>>) target(%dma_start3A_3009 : memref<8x64xf32, #tpu.memory_space<vmem>>) target_semaphore(%dma_start3A_3005 : memref<!tpu.dma_semaphore, #tpu.memory_space<semaphore_mem>>)
        %dma_start3A_3012 = arith.constant 2 : i32
        %dma_start3A_3013 = arith.constant 0 : i32
        %dma_start3A_3014 = arith.constant 0 : i32
        %dma_start3A_3015 = tpu.memref_slice %arg9[%rem3A_2906, %dma_start3A_3012, %dma_start3A_3013, %dma_start3A_3014] : memref<3x16x8x64xf32, #tpu.memory_space<vmem>> -> memref<1x1x8x64xf32, #tpu.memory_space<vmem>>
        %dma_start3A_3016 = tpu.memref_squeeze %dma_start3A_3015 : memref<1x1x8x64xf32, #tpu.memory_space<vmem>> -> memref<8x64xf32, #tpu.memory_space<vmem>>
        %dma_start3A_3017 = arith.constant 0 : i32
        %dma_start3A_3018 = tpu.memref_slice %arg4[%multiple_of3A_2996, %dma_start3A_3017] : memref<1000000x64xf32, #tpu.memory_space<hbm>> -> memref<8x64xf32, #tpu.memory_space<hbm>>
        %dma_start3A_3019 = tpu.memref_slice %arg12[%rem3A_2906] : memref<3x!tpu.dma_semaphore, #tpu.memory_space<semaphore_mem>> -> memref<1x!tpu.dma_semaphore, #tpu.memory_space<semaphore_mem>>
        %dma_start3A_3020 = tpu.memref_squeeze %dma_start3A_3019 : memref<1x!tpu.dma_semaphore, #tpu.memory_space<semaphore_mem>> -> memref<!tpu.dma_semaphore, #tpu.memory_space<semaphore_mem>>
        %dma_start3A_3021 = arith.constant 0 : i32
        %dma_start3A_3022 = arith.constant 0 : i32
        %dma_start3A_3023 = tpu.memref_slice %arg9[%rem3A_2906, %dma_start3A_3012, %dma_start3A_3021, %dma_start3A_3022] : memref<3x16x8x64xf32, #tpu.memory_space<vmem>> -> memref<1x1x8x64xf32, #tpu.memory_space<vmem>>
        %dma_start3A_3024 = tpu.memref_squeeze %dma_start3A_3023 : memref<1x1x8x64xf32, #tpu.memory_space<vmem>> -> memref<8x64xf32, #tpu.memory_space<vmem>>
        %dma_start3A_3025 = arith.constant 0 : i32
        %dma_start3A_3026 = tpu.memref_slice %arg4[%multiple_of3A_2996, %dma_start3A_3025] : memref<1000000x64xf32, #tpu.memory_space<hbm>> -> memref<8x64xf32, #tpu.memory_space<hbm>>
        tpu.enqueue_dma source(%dma_start3A_3026 : memref<8x64xf32, #tpu.memory_space<hbm>>) target(%dma_start3A_3024 : memref<8x64xf32, #tpu.memory_space<vmem>>) target_semaphore(%dma_start3A_3020 : memref<!tpu.dma_semaphore, #tpu.memory_space<semaphore_mem>>)
        %slice3A_3027 = vector.extract_strided_slice %and3A_2913 {offsets = [3], sizes = [1], strides = [1]} : vector<16xi32> to vector<1xi32>
        %squeeze3A_3028 = vector.extract %slice3A_3027[0] : i32 from vector<1xi32>
        %multiple_of3A_3029 = tpu.assume_multiple %squeeze3A_3028, 8 : i32
        %slice3A_3030 = vector.extract_strided_slice %and3A_2918 {offsets = [3], sizes = [1], strides = [1]} : vector<16xi32> to vector<1xi32>
        %squeeze3A_3031 = vector.extract %slice3A_3030[0] : i32 from vector<1xi32>
        %multiple_of3A_3032 = tpu.assume_multiple %squeeze3A_3031, 8 : i32
        %dma_start3A_3033 = arith.constant 3 : i32
        %dma_start3A_3034 = arith.constant 0 : i32
        %dma_start3A_3035 = arith.constant 0 : i32
        %dma_start3A_3036 = tpu.memref_slice %arg8[%rem3A_2906, %dma_start3A_3033, %dma_start3A_3034, %dma_start3A_3035] : memref<3x16x8x64xf32, #tpu.memory_space<vmem>> -> memref<1x1x8x64xf32, #tpu.memory_space<vmem>>
        %dma_start3A_3037 = tpu.memref_squeeze %dma_start3A_3036 : memref<1x1x8x64xf32, #tpu.memory_space<vmem>> -> memref<8x64xf32, #tpu.memory_space<vmem>>
        %dma_start3A_3038 = arith.constant 0 : i32
        %dma_start3A_3039 = tpu.memref_slice %arg4[%multiple_of3A_3029, %dma_start3A_3038] : memref<1000000x64xf32, #tpu.memory_space<hbm>> -> memref<8x64xf32, #tpu.memory_space<hbm>>
        %dma_start3A_3040 = tpu.memref_slice %arg11[%rem3A_2906] : memref<3x!tpu.dma_semaphore, #tpu.memory_space<semaphore_mem>> -> memref<1x!tpu.dma_semaphore, #tpu.memory_space<semaphore_mem>>
        %dma_start3A_3041 = tpu.memref_squeeze %dma_start3A_3040 : memref<1x!tpu.dma_semaphore, #tpu.memory_space<semaphore_mem>> -> memref<!tpu.dma_semaphore, #tpu.memory_space<semaphore_mem>>
        %dma_start3A_3042 = arith.constant 0 : i32
        %dma_start3A_3043 = arith.constant 0 : i32
        %dma_start3A_3044 = tpu.memref_slice %arg8[%rem3A_2906, %dma_start3A_3033, %dma_start3A_3042, %dma_start3A_3043] : memref<3x16x8x64xf32, #tpu.memory_space<vmem>> -> memref<1x1x8x64xf32, #tpu.memory_space<vmem>>
        %dma_start3A_3045 = tpu.memref_squeeze %dma_start3A_3044 : memref<1x1x8x64xf32, #tpu.memory_space<vmem>> -> memref<8x64xf32, #tpu.memory_space<vmem>>
        %dma_start3A_3046 = arith.constant 0 : i32
        %dma_start3A_3047 = tpu.memref_slice %arg4[%multiple_of3A_3029, %dma_start3A_3046] : memref<1000000x64xf32, #tpu.memory_space<hbm>> -> memref<8x64xf32, #tpu.memory_space<hbm>>
        tpu.enqueue_dma source(%dma_start3A_3047 : memref<8x64xf32, #tpu.memory_space<hbm>>) target(%dma_start3A_3045 : memref<8x64xf32, #tpu.memory_space<vmem>>) target_semaphore(%dma_start3A_3041 : memref<!tpu.dma_semaphore, #tpu.memory_space<semaphore_mem>>)
        %dma_start3A_3048 = arith.constant 3 : i32
        %dma_start3A_3049 = arith.constant 0 : i32
        %dma_start3A_3050 = arith.constant 0 : i32
        %dma_start3A_3051 = tpu.memref_slice %arg9[%rem3A_2906, %dma_start3A_3048, %dma_start3A_3049, %dma_start3A_3050] : memref<3x16x8x64xf32, #tpu.memory_space<vmem>> -> memref<1x1x8x64xf32, #tpu.memory_space<vmem>>
        %dma_start3A_3052 = tpu.memref_squeeze %dma_start3A_3051 : memref<1x1x8x64xf32, #tpu.memory_space<vmem>> -> memref<8x64xf32, #tpu.memory_space<vmem>>
        %dma_start3A_3053 = arith.constant 0 : i32
        %dma_start3A_3054 = tpu.memref_slice %arg4[%multiple_of3A_3032, %dma_start3A_3053] : memref<1000000x64xf32, #tpu.memory_space<hbm>> -> memref<8x64xf32, #tpu.memory_space<hbm>>
        %dma_start3A_3055 = tpu.memref_slice %arg12[%rem3A_2906] : memref<3x!tpu.dma_semaphore, #tpu.memory_space<semaphore_mem>> -> memref<1x!tpu.dma_semaphore, #tpu.memory_space<semaphore_mem>>
        %dma_start3A_3056 = tpu.memref_squeeze %dma_start3A_3055 : memref<1x!tpu.dma_semaphore, #tpu.memory_space<semaphore_mem>> -> memref<!tpu.dma_semaphore, #tpu.memory_space<semaphore_mem>>
        %dma_start3A_3057 = arith.constant 0 : i32
        %dma_start3A_3058 = arith.constant 0 : i32
        %dma_start3A_3059 = tpu.memref_slice %arg9[%rem3A_2906, %dma_start3A_3048, %dma_start3A_3057, %dma_start3A_3058] : memref<3x16x8x64xf32, #tpu.memory_space<vmem>> -> memref<1x1x8x64xf32, #tpu.memory_space<vmem>>
        %dma_start3A_3060 = tpu.memref_squeeze %dma_start3A_3059 : memref<1x1x8x64xf32, #tpu.memory_space<vmem>> -> memref<8x64xf32, #tpu.memory_space<vmem>>
        %dma_start3A_3061 = arith.constant 0 : i32
        %dma_start3A_3062 = tpu.memref_slice %arg4[%multiple_of3A_3032, %dma_start3A_3061] : memref<1000000x64xf32, #tpu.memory_space<hbm>> -> memref<8x64xf32, #tpu.memory_space<hbm>>
        tpu.enqueue_dma source(%dma_start3A_3062 : memref<8x64xf32, #tpu.memory_space<hbm>>) target(%dma_start3A_3060 : memref<8x64xf32, #tpu.memory_space<vmem>>) target_semaphore(%dma_start3A_3056 : memref<!tpu.dma_semaphore, #tpu.memory_space<semaphore_mem>>)
        %slice3A_3063 = vector.extract_strided_slice %and3A_2913 {offsets = [4], sizes = [1], strides = [1]} : vector<16xi32> to vector<1xi32>
        %squeeze3A_3064 = vector.extract %slice3A_3063[0] : i32 from vector<1xi32>
        %multiple_of3A_3065 = tpu.assume_multiple %squeeze3A_3064, 8 : i32
        %slice3A_3066 = vector.extract_strided_slice %and3A_2918 {offsets = [4], sizes = [1], strides = [1]} : vector<16xi32> to vector<1xi32>
        %squeeze3A_3067 = vector.extract %slice3A_3066[0] : i32 from vector<1xi32>
        %multiple_of3A_3068 = tpu.assume_multiple %squeeze3A_3067, 8 : i32
        %dma_start3A_3069 = arith.constant 4 : i32
        %dma_start3A_3070 = arith.constant 0 : i32
        %dma_start3A_3071 = arith.constant 0 : i32
        %dma_start3A_3072 = tpu.memref_slice %arg8[%rem3A_2906, %dma_start3A_3069, %dma_start3A_3070, %dma_start3A_3071] : memref<3x16x8x64xf32, #tpu.memory_space<vmem>> -> memref<1x1x8x64xf32, #tpu.memory_space<vmem>>
        %dma_start3A_3073 = tpu.memref_squeeze %dma_start3A_3072 : memref<1x1x8x64xf32, #tpu.memory_space<vmem>> -> memref<8x64xf32, #tpu.memory_space<vmem>>
        %dma_start3A_3074 = arith.constant 0 : i32
        %dma_start3A_3075 = tpu.memref_slice %arg4[%multiple_of3A_3065, %dma_start3A_3074] : memref<1000000x64xf32, #tpu.memory_space<hbm>> -> memref<8x64xf32, #tpu.memory_space<hbm>>
        %dma_start3A_3076 = tpu.memref_slice %arg11[%rem3A_2906] : memref<3x!tpu.dma_semaphore, #tpu.memory_space<semaphore_mem>> -> memref<1x!tpu.dma_semaphore, #tpu.memory_space<semaphore_mem>>
        %dma_start3A_3077 = tpu.memref_squeeze %dma_start3A_3076 : memref<1x!tpu.dma_semaphore, #tpu.memory_space<semaphore_mem>> -> memref<!tpu.dma_semaphore, #tpu.memory_space<semaphore_mem>>
        %dma_start3A_3078 = arith.constant 0 : i32
        %dma_start3A_3079 = arith.constant 0 : i32
        %dma_start3A_3080 = tpu.memref_slice %arg8[%rem3A_2906, %dma_start3A_3069, %dma_start3A_3078, %dma_start3A_3079] : memref<3x16x8x64xf32, #tpu.memory_space<vmem>> -> memref<1x1x8x64xf32, #tpu.memory_space<vmem>>
        %dma_start3A_3081 = tpu.memref_squeeze %dma_start3A_3080 : memref<1x1x8x64xf32, #tpu.memory_space<vmem>> -> memref<8x64xf32, #tpu.memory_space<vmem>>
        %dma_start3A_3082 = arith.constant 0 : i32
        %dma_start3A_3083 = tpu.memref_slice %arg4[%multiple_of3A_3065, %dma_start3A_3082] : memref<1000000x64xf32, #tpu.memory_space<hbm>> -> memref<8x64xf32, #tpu.memory_space<hbm>>
        tpu.enqueue_dma source(%dma_start3A_3083 : memref<8x64xf32, #tpu.memory_space<hbm>>) target(%dma_start3A_3081 : memref<8x64xf32, #tpu.memory_space<vmem>>) target_semaphore(%dma_start3A_3077 : memref<!tpu.dma_semaphore, #tpu.memory_space<semaphore_mem>>)
        %dma_start3A_3084 = arith.constant 4 : i32
        %dma_start3A_3085 = arith.constant 0 : i32
        %dma_start3A_3086 = arith.constant 0 : i32
        %dma_start3A_3087 = tpu.memref_slice %arg9[%rem3A_2906, %dma_start3A_3084, %dma_start3A_3085, %dma_start3A_3086] : memref<3x16x8x64xf32, #tpu.memory_space<vmem>> -> memref<1x1x8x64xf32, #tpu.memory_space<vmem>>
        %dma_start3A_3088 = tpu.memref_squeeze %dma_start3A_3087 : memref<1x1x8x64xf32, #tpu.memory_space<vmem>> -> memref<8x64xf32, #tpu.memory_space<vmem>>
        %dma_start3A_3089 = arith.constant 0 : i32
        %dma_start3A_3090 = tpu.memref_slice %arg4[%multiple_of3A_3068, %dma_start3A_3089] : memref<1000000x64xf32, #tpu.memory_space<hbm>> -> memref<8x64xf32, #tpu.memory_space<hbm>>
        %dma_start3A_3091 = tpu.memref_slice %arg12[%rem3A_2906] : memref<3x!tpu.dma_semaphore, #tpu.memory_space<semaphore_mem>> -> memref<1x!tpu.dma_semaphore, #tpu.memory_space<semaphore_mem>>
        %dma_start3A_3092 = tpu.memref_squeeze %dma_start3A_3091 : memref<1x!tpu.dma_semaphore, #tpu.memory_space<semaphore_mem>> -> memref<!tpu.dma_semaphore, #tpu.memory_space<semaphore_mem>>
        %dma_start3A_3093 = arith.constant 0 : i32
        %dma_start3A_3094 = arith.constant 0 : i32
        %dma_start3A_3095 = tpu.memref_slice %arg9[%rem3A_2906, %dma_start3A_3084, %dma_start3A_3093, %dma_start3A_3094] : memref<3x16x8x64xf32, #tpu.memory_space<vmem>> -> memref<1x1x8x64xf32, #tpu.memory_space<vmem>>
        %dma_start3A_3096 = tpu.memref_squeeze %dma_start3A_3095 : memref<1x1x8x64xf32, #tpu.memory_space<vmem>> -> memref<8x64xf32, #tpu.memory_space<vmem>>
        %dma_start3A_3097 = arith.constant 0 : i32
        %dma_start3A_3098 = tpu.memref_slice %arg4[%multiple_of3A_3068, %dma_start3A_3097] : memref<1000000x64xf32, #tpu.memory_space<hbm>> -> memref<8x64xf32, #tpu.memory_space<hbm>>
        tpu.enqueue_dma source(%dma_start3A_3098 : memref<8x64xf32, #tpu.memory_space<hbm>>) target(%dma_start3A_3096 : memref<8x64xf32, #tpu.memory_space<vmem>>) target_semaphore(%dma_start3A_3092 : memref<!tpu.dma_semaphore, #tpu.memory_space<semaphore_mem>>)
        %slice3A_3099 = vector.extract_strided_slice %and3A_2913 {offsets = [5], sizes = [1], strides = [1]} : vector<16xi32> to vector<1xi32>
        %squeeze3A_3100 = vector.extract %slice3A_3099[0] : i32 from vector<1xi32>
        %multiple_of3A_3101 = tpu.assume_multiple %squeeze3A_3100, 8 : i32
        %slice3A_3102 = vector.extract_strided_slice %and3A_2918 {offsets = [5], sizes = [1], strides = [1]} : vector<16xi32> to vector<1xi32>
        %squeeze3A_3103 = vector.extract %slice3A_3102[0] : i32 from vector<1xi32>
        %multiple_of3A_3104 = tpu.assume_multiple %squeeze3A_3103, 8 : i32
        %dma_start3A_3105 = arith.constant 5 : i32
        %dma_start3A_3106 = arith.constant 0 : i32
        %dma_start3A_3107 = arith.constant 0 : i32
        %dma_start3A_3108 = tpu.memref_slice %arg8[%rem3A_2906, %dma_start3A_3105, %dma_start3A_3106, %dma_start3A_3107] : memref<3x16x8x64xf32, #tpu.memory_space<vmem>> -> memref<1x1x8x64xf32, #tpu.memory_space<vmem>>
        %dma_start3A_3109 = tpu.memref_squeeze %dma_start3A_3108 : memref<1x1x8x64xf32, #tpu.memory_space<vmem>> -> memref<8x64xf32, #tpu.memory_space<vmem>>
        %dma_start3A_3110 = arith.constant 0 : i32
        %dma_start3A_3111 = tpu.memref_slice %arg4[%multiple_of3A_3101, %dma_start3A_3110] : memref<1000000x64xf32, #tpu.memory_space<hbm>> -> memref<8x64xf32, #tpu.memory_space<hbm>>
        %dma_start3A_3112 = tpu.memref_slice %arg11[%rem3A_2906] : memref<3x!tpu.dma_semaphore, #tpu.memory_space<semaphore_mem>> -> memref<1x!tpu.dma_semaphore, #tpu.memory_space<semaphore_mem>>
        %dma_start3A_3113 = tpu.memref_squeeze %dma_start3A_3112 : memref<1x!tpu.dma_semaphore, #tpu.memory_space<semaphore_mem>> -> memref<!tpu.dma_semaphore, #tpu.memory_space<semaphore_mem>>
        %dma_start3A_3114 = arith.constant 0 : i32
        %dma_start3A_3115 = arith.constant 0 : i32
        %dma_start3A_3116 = tpu.memref_slice %arg8[%rem3A_2906, %dma_start3A_3105, %dma_start3A_3114, %dma_start3A_3115] : memref<3x16x8x64xf32, #tpu.memory_space<vmem>> -> memref<1x1x8x64xf32, #tpu.memory_space<vmem>>
        %dma_start3A_3117 = tpu.memref_squeeze %dma_start3A_3116 : memref<1x1x8x64xf32, #tpu.memory_space<vmem>> -> memref<8x64xf32, #tpu.memory_space<vmem>>
        %dma_start3A_3118 = arith.constant 0 : i32
        %dma_start3A_3119 = tpu.memref_slice %arg4[%multiple_of3A_3101, %dma_start3A_3118] : memref<1000000x64xf32, #tpu.memory_space<hbm>> -> memref<8x64xf32, #tpu.memory_space<hbm>>
        tpu.enqueue_dma source(%dma_start3A_3119 : memref<8x64xf32, #tpu.memory_space<hbm>>) target(%dma_start3A_3117 : memref<8x64xf32, #tpu.memory_space<vmem>>) target_semaphore(%dma_start3A_3113 : memref<!tpu.dma_semaphore, #tpu.memory_space<semaphore_mem>>)
        %dma_start3A_3120 = arith.constant 5 : i32
        %dma_start3A_3121 = arith.constant 0 : i32
        %dma_start3A_3122 = arith.constant 0 : i32
        %dma_start3A_3123 = tpu.memref_slice %arg9[%rem3A_2906, %dma_start3A_3120, %dma_start3A_3121, %dma_start3A_3122] : memref<3x16x8x64xf32, #tpu.memory_space<vmem>> -> memref<1x1x8x64xf32, #tpu.memory_space<vmem>>
        %dma_start3A_3124 = tpu.memref_squeeze %dma_start3A_3123 : memref<1x1x8x64xf32, #tpu.memory_space<vmem>> -> memref<8x64xf32, #tpu.memory_space<vmem>>
        %dma_start3A_3125 = arith.constant 0 : i32
        %dma_start3A_3126 = tpu.memref_slice %arg4[%multiple_of3A_3104, %dma_start3A_3125] : memref<1000000x64xf32, #tpu.memory_space<hbm>> -> memref<8x64xf32, #tpu.memory_space<hbm>>
        %dma_start3A_3127 = tpu.memref_slice %arg12[%rem3A_2906] : memref<3x!tpu.dma_semaphore, #tpu.memory_space<semaphore_mem>> -> memref<1x!tpu.dma_semaphore, #tpu.memory_space<semaphore_mem>>
        %dma_start3A_3128 = tpu.memref_squeeze %dma_start3A_3127 : memref<1x!tpu.dma_semaphore, #tpu.memory_space<semaphore_mem>> -> memref<!tpu.dma_semaphore, #tpu.memory_space<semaphore_mem>>
        %dma_start3A_3129 = arith.constant 0 : i32
        %dma_start3A_3130 = arith.constant 0 : i32
        %dma_start3A_3131 = tpu.memref_slice %arg9[%rem3A_2906, %dma_start3A_3120, %dma_start3A_3129, %dma_start3A_3130] : memref<3x16x8x64xf32, #tpu.memory_space<vmem>> -> memref<1x1x8x64xf32, #tpu.memory_space<vmem>>
        %dma_start3A_3132 = tpu.memref_squeeze %dma_start3A_3131 : memref<1x1x8x64xf32, #tpu.memory_space<vmem>> -> memref<8x64xf32, #tpu.memory_space<vmem>>
        %dma_start3A_3133 = arith.constant 0 : i32
        %dma_start3A_3134 = tpu.memref_slice %arg4[%multiple_of3A_3104, %dma_start3A_3133] : memref<1000000x64xf32, #tpu.memory_space<hbm>> -> memref<8x64xf32, #tpu.memory_space<hbm>>
        tpu.enqueue_dma source(%dma_start3A_3134 : memref<8x64xf32, #tpu.memory_space<hbm>>) target(%dma_start3A_3132 : memref<8x64xf32, #tpu.memory_space<vmem>>) target_semaphore(%dma_start3A_3128 : memref<!tpu.dma_semaphore, #tpu.memory_space<semaphore_mem>>)
        %slice3A_3135 = vector.extract_strided_slice %and3A_2913 {offsets = [6], sizes = [1], strides = [1]} : vector<16xi32> to vector<1xi32>
        %squeeze3A_3136 = vector.extract %slice3A_3135[0] : i32 from vector<1xi32>
        %multiple_of3A_3137 = tpu.assume_multiple %squeeze3A_3136, 8 : i32
        %slice3A_3138 = vector.extract_strided_slice %and3A_2918 {offsets = [6], sizes = [1], strides = [1]} : vector<16xi32> to vector<1xi32>
        %squeeze3A_3139 = vector.extract %slice3A_3138[0] : i32 from vector<1xi32>
        %multiple_of3A_3140 = tpu.assume_multiple %squeeze3A_3139, 8 : i32
        %dma_start3A_3141 = arith.constant 6 : i32
        %dma_start3A_3142 = arith.constant 0 : i32
        %dma_start3A_3143 = arith.constant 0 : i32
        %dma_start3A_3144 = tpu.memref_slice %arg8[%rem3A_2906, %dma_start3A_3141, %dma_start3A_3142, %dma_start3A_3143] : memref<3x16x8x64xf32, #tpu.memory_space<vmem>> -> memref<1x1x8x64xf32, #tpu.memory_space<vmem>>
        %dma_start3A_3145 = tpu.memref_squeeze %dma_start3A_3144 : memref<1x1x8x64xf32, #tpu.memory_space<vmem>> -> memref<8x64xf32, #tpu.memory_space<vmem>>
        %dma_start3A_3146 = arith.constant 0 : i32
        %dma_start3A_3147 = tpu.memref_slice %arg4[%multiple_of3A_3137, %dma_start3A_3146] : memref<1000000x64xf32, #tpu.memory_space<hbm>> -> memref<8x64xf32, #tpu.memory_space<hbm>>
        %dma_start3A_3148 = tpu.memref_slice %arg11[%rem3A_2906] : memref<3x!tpu.dma_semaphore, #tpu.memory_space<semaphore_mem>> -> memref<1x!tpu.dma_semaphore, #tpu.memory_space<semaphore_mem>>
        %dma_start3A_3149 = tpu.memref_squeeze %dma_start3A_3148 : memref<1x!tpu.dma_semaphore, #tpu.memory_space<semaphore_mem>> -> memref<!tpu.dma_semaphore, #tpu.memory_space<semaphore_mem>>
        %dma_start3A_3150 = arith.constant 0 : i32
        %dma_start3A_3151 = arith.constant 0 : i32
        %dma_start3A_3152 = tpu.memref_slice %arg8[%rem3A_2906, %dma_start3A_3141, %dma_start3A_3150, %dma_start3A_3151] : memref<3x16x8x64xf32, #tpu.memory_space<vmem>> -> memref<1x1x8x64xf32, #tpu.memory_space<vmem>>
        %dma_start3A_3153 = tpu.memref_squeeze %dma_start3A_3152 : memref<1x1x8x64xf32, #tpu.memory_space<vmem>> -> memref<8x64xf32, #tpu.memory_space<vmem>>
        %dma_start3A_3154 = arith.constant 0 : i32
        %dma_start3A_3155 = tpu.memref_slice %arg4[%multiple_of3A_3137, %dma_start3A_3154] : memref<1000000x64xf32, #tpu.memory_space<hbm>> -> memref<8x64xf32, #tpu.memory_space<hbm>>
        tpu.enqueue_dma source(%dma_start3A_3155 : memref<8x64xf32, #tpu.memory_space<hbm>>) target(%dma_start3A_3153 : memref<8x64xf32, #tpu.memory_space<vmem>>) target_semaphore(%dma_start3A_3149 : memref<!tpu.dma_semaphore, #tpu.memory_space<semaphore_mem>>)
        %dma_start3A_3156 = arith.constant 6 : i32
        %dma_start3A_3157 = arith.constant 0 : i32
        %dma_start3A_3158 = arith.constant 0 : i32
        %dma_start3A_3159 = tpu.memref_slice %arg9[%rem3A_2906, %dma_start3A_3156, %dma_start3A_3157, %dma_start3A_3158] : memref<3x16x8x64xf32, #tpu.memory_space<vmem>> -> memref<1x1x8x64xf32, #tpu.memory_space<vmem>>
        %dma_start3A_3160 = tpu.memref_squeeze %dma_start3A_3159 : memref<1x1x8x64xf32, #tpu.memory_space<vmem>> -> memref<8x64xf32, #tpu.memory_space<vmem>>
        %dma_start3A_3161 = arith.constant 0 : i32
        %dma_start3A_3162 = tpu.memref_slice %arg4[%multiple_of3A_3140, %dma_start3A_3161] : memref<1000000x64xf32, #tpu.memory_space<hbm>> -> memref<8x64xf32, #tpu.memory_space<hbm>>
        %dma_start3A_3163 = tpu.memref_slice %arg12[%rem3A_2906] : memref<3x!tpu.dma_semaphore, #tpu.memory_space<semaphore_mem>> -> memref<1x!tpu.dma_semaphore, #tpu.memory_space<semaphore_mem>>
        %dma_start3A_3164 = tpu.memref_squeeze %dma_start3A_3163 : memref<1x!tpu.dma_semaphore, #tpu.memory_space<semaphore_mem>> -> memref<!tpu.dma_semaphore, #tpu.memory_space<semaphore_mem>>
        %dma_start3A_3165 = arith.constant 0 : i32
        %dma_start3A_3166 = arith.constant 0 : i32
        %dma_start3A_3167 = tpu.memref_slice %arg9[%rem3A_2906, %dma_start3A_3156, %dma_start3A_3165, %dma_start3A_3166] : memref<3x16x8x64xf32, #tpu.memory_space<vmem>> -> memref<1x1x8x64xf32, #tpu.memory_space<vmem>>
        %dma_start3A_3168 = tpu.memref_squeeze %dma_start3A_3167 : memref<1x1x8x64xf32, #tpu.memory_space<vmem>> -> memref<8x64xf32, #tpu.memory_space<vmem>>
        %dma_start3A_3169 = arith.constant 0 : i32
        %dma_start3A_3170 = tpu.memref_slice %arg4[%multiple_of3A_3140, %dma_start3A_3169] : memref<1000000x64xf32, #tpu.memory_space<hbm>> -> memref<8x64xf32, #tpu.memory_space<hbm>>
        tpu.enqueue_dma source(%dma_start3A_3170 : memref<8x64xf32, #tpu.memory_space<hbm>>) target(%dma_start3A_3168 : memref<8x64xf32, #tpu.memory_space<vmem>>) target_semaphore(%dma_start3A_3164 : memref<!tpu.dma_semaphore, #tpu.memory_space<semaphore_mem>>)
        %slice3A_3171 = vector.extract_strided_slice %and3A_2913 {offsets = [7], sizes = [1], strides = [1]} : vector<16xi32> to vector<1xi32>
        %squeeze3A_3172 = vector.extract %slice3A_3171[0] : i32 from vector<1xi32>
        %multiple_of3A_3173 = tpu.assume_multiple %squeeze3A_3172, 8 : i32
        %slice3A_3174 = vector.extract_strided_slice %and3A_2918 {offsets = [7], sizes = [1], strides = [1]} : vector<16xi32> to vector<1xi32>
        %squeeze3A_3175 = vector.extract %slice3A_3174[0] : i32 from vector<1xi32>
        %multiple_of3A_3176 = tpu.assume_multiple %squeeze3A_3175, 8 : i32
        %dma_start3A_3177 = arith.constant 7 : i32
        %dma_start3A_3178 = arith.constant 0 : i32
        %dma_start3A_3179 = arith.constant 0 : i32
        %dma_start3A_3180 = tpu.memref_slice %arg8[%rem3A_2906, %dma_start3A_3177, %dma_start3A_3178, %dma_start3A_3179] : memref<3x16x8x64xf32, #tpu.memory_space<vmem>> -> memref<1x1x8x64xf32, #tpu.memory_space<vmem>>
        %dma_start3A_3181 = tpu.memref_squeeze %dma_start3A_3180 : memref<1x1x8x64xf32, #tpu.memory_space<vmem>> -> memref<8x64xf32, #tpu.memory_space<vmem>>
        %dma_start3A_3182 = arith.constant 0 : i32
        %dma_start3A_3183 = tpu.memref_slice %arg4[%multiple_of3A_3173, %dma_start3A_3182] : memref<1000000x64xf32, #tpu.memory_space<hbm>> -> memref<8x64xf32, #tpu.memory_space<hbm>>
        %dma_start3A_3184 = tpu.memref_slice %arg11[%rem3A_2906] : memref<3x!tpu.dma_semaphore, #tpu.memory_space<semaphore_mem>> -> memref<1x!tpu.dma_semaphore, #tpu.memory_space<semaphore_mem>>
        %dma_start3A_3185 = tpu.memref_squeeze %dma_start3A_3184 : memref<1x!tpu.dma_semaphore, #tpu.memory_space<semaphore_mem>> -> memref<!tpu.dma_semaphore, #tpu.memory_space<semaphore_mem>>
        %dma_start3A_3186 = arith.constant 0 : i32
        %dma_start3A_3187 = arith.constant 0 : i32
        %dma_start3A_3188 = tpu.memref_slice %arg8[%rem3A_2906, %dma_start3A_3177, %dma_start3A_3186, %dma_start3A_3187] : memref<3x16x8x64xf32, #tpu.memory_space<vmem>> -> memref<1x1x8x64xf32, #tpu.memory_space<vmem>>
        %dma_start3A_3189 = tpu.memref_squeeze %dma_start3A_3188 : memref<1x1x8x64xf32, #tpu.memory_space<vmem>> -> memref<8x64xf32, #tpu.memory_space<vmem>>
        %dma_start3A_3190 = arith.constant 0 : i32
        %dma_start3A_3191 = tpu.memref_slice %arg4[%multiple_of3A_3173, %dma_start3A_3190] : memref<1000000x64xf32, #tpu.memory_space<hbm>> -> memref<8x64xf32, #tpu.memory_space<hbm>>
        tpu.enqueue_dma source(%dma_start3A_3191 : memref<8x64xf32, #tpu.memory_space<hbm>>) target(%dma_start3A_3189 : memref<8x64xf32, #tpu.memory_space<vmem>>) target_semaphore(%dma_start3A_3185 : memref<!tpu.dma_semaphore, #tpu.memory_space<semaphore_mem>>)
        %dma_start3A_3192 = arith.constant 7 : i32
        %dma_start3A_3193 = arith.constant 0 : i32
        %dma_start3A_3194 = arith.constant 0 : i32
        %dma_start3A_3195 = tpu.memref_slice %arg9[%rem3A_2906, %dma_start3A_3192, %dma_start3A_3193, %dma_start3A_3194] : memref<3x16x8x64xf32, #tpu.memory_space<vmem>> -> memref<1x1x8x64xf32, #tpu.memory_space<vmem>>
        %dma_start3A_3196 = tpu.memref_squeeze %dma_start3A_3195 : memref<1x1x8x64xf32, #tpu.memory_space<vmem>> -> memref<8x64xf32, #tpu.memory_space<vmem>>
        %dma_start3A_3197 = arith.constant 0 : i32
        %dma_start3A_3198 = tpu.memref_slice %arg4[%multiple_of3A_3176, %dma_start3A_3197] : memref<1000000x64xf32, #tpu.memory_space<hbm>> -> memref<8x64xf32, #tpu.memory_space<hbm>>
        %dma_start3A_3199 = tpu.memref_slice %arg12[%rem3A_2906] : memref<3x!tpu.dma_semaphore, #tpu.memory_space<semaphore_mem>> -> memref<1x!tpu.dma_semaphore, #tpu.memory_space<semaphore_mem>>
        %dma_start3A_3200 = tpu.memref_squeeze %dma_start3A_3199 : memref<1x!tpu.dma_semaphore, #tpu.memory_space<semaphore_mem>> -> memref<!tpu.dma_semaphore, #tpu.memory_space<semaphore_mem>>
        %dma_start3A_3201 = arith.constant 0 : i32
        %dma_start3A_3202 = arith.constant 0 : i32
        %dma_start3A_3203 = tpu.memref_slice %arg9[%rem3A_2906, %dma_start3A_3192, %dma_start3A_3201, %dma_start3A_3202] : memref<3x16x8x64xf32, #tpu.memory_space<vmem>> -> memref<1x1x8x64xf32, #tpu.memory_space<vmem>>
        %dma_start3A_3204 = tpu.memref_squeeze %dma_start3A_3203 : memref<1x1x8x64xf32, #tpu.memory_space<vmem>> -> memref<8x64xf32, #tpu.memory_space<vmem>>
        %dma_start3A_3205 = arith.constant 0 : i32
        %dma_start3A_3206 = tpu.memref_slice %arg4[%multiple_of3A_3176, %dma_start3A_3205] : memref<1000000x64xf32, #tpu.memory_space<hbm>> -> memref<8x64xf32, #tpu.memory_space<hbm>>
        tpu.enqueue_dma source(%dma_start3A_3206 : memref<8x64xf32, #tpu.memory_space<hbm>>) target(%dma_start3A_3204 : memref<8x64xf32, #tpu.memory_space<vmem>>) target_semaphore(%dma_start3A_3200 : memref<!tpu.dma_semaphore, #tpu.memory_space<semaphore_mem>>)
        %slice3A_3207 = vector.extract_strided_slice %and3A_2913 {offsets = [8], sizes = [1], strides = [1]} : vector<16xi32> to vector<1xi32>
        %squeeze3A_3208 = vector.extract %slice3A_3207[0] : i32 from vector<1xi32>
        %multiple_of3A_3209 = tpu.assume_multiple %squeeze3A_3208, 8 : i32
        %slice3A_3210 = vector.extract_strided_slice %and3A_2918 {offsets = [8], sizes = [1], strides = [1]} : vector<16xi32> to vector<1xi32>
        %squeeze3A_3211 = vector.extract %slice3A_3210[0] : i32 from vector<1xi32>
        %multiple_of3A_3212 = tpu.assume_multiple %squeeze3A_3211, 8 : i32
        %dma_start3A_3213 = arith.constant 8 : i32
        %dma_start3A_3214 = arith.constant 0 : i32
        %dma_start3A_3215 = arith.constant 0 : i32
        %dma_start3A_3216 = tpu.memref_slice %arg8[%rem3A_2906, %dma_start3A_3213, %dma_start3A_3214, %dma_start3A_3215] : memref<3x16x8x64xf32, #tpu.memory_space<vmem>> -> memref<1x1x8x64xf32, #tpu.memory_space<vmem>>
        %dma_start3A_3217 = tpu.memref_squeeze %dma_start3A_3216 : memref<1x1x8x64xf32, #tpu.memory_space<vmem>> -> memref<8x64xf32, #tpu.memory_space<vmem>>
        %dma_start3A_3218 = arith.constant 0 : i32
        %dma_start3A_3219 = tpu.memref_slice %arg4[%multiple_of3A_3209, %dma_start3A_3218] : memref<1000000x64xf32, #tpu.memory_space<hbm>> -> memref<8x64xf32, #tpu.memory_space<hbm>>
        %dma_start3A_3220 = tpu.memref_slice %arg11[%rem3A_2906] : memref<3x!tpu.dma_semaphore, #tpu.memory_space<semaphore_mem>> -> memref<1x!tpu.dma_semaphore, #tpu.memory_space<semaphore_mem>>
        %dma_start3A_3221 = tpu.memref_squeeze %dma_start3A_3220 : memref<1x!tpu.dma_semaphore, #tpu.memory_space<semaphore_mem>> -> memref<!tpu.dma_semaphore, #tpu.memory_space<semaphore_mem>>
        %dma_start3A_3222 = arith.constant 0 : i32
        %dma_start3A_3223 = arith.constant 0 : i32
        %dma_start3A_3224 = tpu.memref_slice %arg8[%rem3A_2906, %dma_start3A_3213, %dma_start3A_3222, %dma_start3A_3223] : memref<3x16x8x64xf32, #tpu.memory_space<vmem>> -> memref<1x1x8x64xf32, #tpu.memory_space<vmem>>
        %dma_start3A_3225 = tpu.memref_squeeze %dma_start3A_3224 : memref<1x1x8x64xf32, #tpu.memory_space<vmem>> -> memref<8x64xf32, #tpu.memory_space<vmem>>
        %dma_start3A_3226 = arith.constant 0 : i32
        %dma_start3A_3227 = tpu.memref_slice %arg4[%multiple_of3A_3209, %dma_start3A_3226] : memref<1000000x64xf32, #tpu.memory_space<hbm>> -> memref<8x64xf32, #tpu.memory_space<hbm>>
        tpu.enqueue_dma source(%dma_start3A_3227 : memref<8x64xf32, #tpu.memory_space<hbm>>) target(%dma_start3A_3225 : memref<8x64xf32, #tpu.memory_space<vmem>>) target_semaphore(%dma_start3A_3221 : memref<!tpu.dma_semaphore, #tpu.memory_space<semaphore_mem>>)
        %dma_start3A_3228 = arith.constant 8 : i32
        %dma_start3A_3229 = arith.constant 0 : i32
        %dma_start3A_3230 = arith.constant 0 : i32
        %dma_start3A_3231 = tpu.memref_slice %arg9[%rem3A_2906, %dma_start3A_3228, %dma_start3A_3229, %dma_start3A_3230] : memref<3x16x8x64xf32, #tpu.memory_space<vmem>> -> memref<1x1x8x64xf32, #tpu.memory_space<vmem>>
        %dma_start3A_3232 = tpu.memref_squeeze %dma_start3A_3231 : memref<1x1x8x64xf32, #tpu.memory_space<vmem>> -> memref<8x64xf32, #tpu.memory_space<vmem>>
        %dma_start3A_3233 = arith.constant 0 : i32
        %dma_start3A_3234 = tpu.memref_slice %arg4[%multiple_of3A_3212, %dma_start3A_3233] : memref<1000000x64xf32, #tpu.memory_space<hbm>> -> memref<8x64xf32, #tpu.memory_space<hbm>>
        %dma_start3A_3235 = tpu.memref_slice %arg12[%rem3A_2906] : memref<3x!tpu.dma_semaphore, #tpu.memory_space<semaphore_mem>> -> memref<1x!tpu.dma_semaphore, #tpu.memory_space<semaphore_mem>>
        %dma_start3A_3236 = tpu.memref_squeeze %dma_start3A_3235 : memref<1x!tpu.dma_semaphore, #tpu.memory_space<semaphore_mem>> -> memref<!tpu.dma_semaphore, #tpu.memory_space<semaphore_mem>>
        %dma_start3A_3237 = arith.constant 0 : i32
        %dma_start3A_3238 = arith.constant 0 : i32
        %dma_start3A_3239 = tpu.memref_slice %arg9[%rem3A_2906, %dma_start3A_3228, %dma_start3A_3237, %dma_start3A_3238] : memref<3x16x8x64xf32, #tpu.memory_space<vmem>> -> memref<1x1x8x64xf32, #tpu.memory_space<vmem>>
        %dma_start3A_3240 = tpu.memref_squeeze %dma_start3A_3239 : memref<1x1x8x64xf32, #tpu.memory_space<vmem>> -> memref<8x64xf32, #tpu.memory_space<vmem>>
        %dma_start3A_3241 = arith.constant 0 : i32
        %dma_start3A_3242 = tpu.memref_slice %arg4[%multiple_of3A_3212, %dma_start3A_3241] : memref<1000000x64xf32, #tpu.memory_space<hbm>> -> memref<8x64xf32, #tpu.memory_space<hbm>>
        tpu.enqueue_dma source(%dma_start3A_3242 : memref<8x64xf32, #tpu.memory_space<hbm>>) target(%dma_start3A_3240 : memref<8x64xf32, #tpu.memory_space<vmem>>) target_semaphore(%dma_start3A_3236 : memref<!tpu.dma_semaphore, #tpu.memory_space<semaphore_mem>>)
        %slice3A_3243 = vector.extract_strided_slice %and3A_2913 {offsets = [9], sizes = [1], strides = [1]} : vector<16xi32> to vector<1xi32>
        %squeeze3A_3244 = vector.extract %slice3A_3243[0] : i32 from vector<1xi32>
        %multiple_of3A_3245 = tpu.assume_multiple %squeeze3A_3244, 8 : i32
        %slice3A_3246 = vector.extract_strided_slice %and3A_2918 {offsets = [9], sizes = [1], strides = [1]} : vector<16xi32> to vector<1xi32>
        %squeeze3A_3247 = vector.extract %slice3A_3246[0] : i32 from vector<1xi32>
        %multiple_of3A_3248 = tpu.assume_multiple %squeeze3A_3247, 8 : i32
        %dma_start3A_3249 = arith.constant 9 : i32
        %dma_start3A_3250 = arith.constant 0 : i32
        %dma_start3A_3251 = arith.constant 0 : i32
        %dma_start3A_3252 = tpu.memref_slice %arg8[%rem3A_2906, %dma_start3A_3249, %dma_start3A_3250, %dma_start3A_3251] : memref<3x16x8x64xf32, #tpu.memory_space<vmem>> -> memref<1x1x8x64xf32, #tpu.memory_space<vmem>>
        %dma_start3A_3253 = tpu.memref_squeeze %dma_start3A_3252 : memref<1x1x8x64xf32, #tpu.memory_space<vmem>> -> memref<8x64xf32, #tpu.memory_space<vmem>>
        %dma_start3A_3254 = arith.constant 0 : i32
        %dma_start3A_3255 = tpu.memref_slice %arg4[%multiple_of3A_3245, %dma_start3A_3254] : memref<1000000x64xf32, #tpu.memory_space<hbm>> -> memref<8x64xf32, #tpu.memory_space<hbm>>
        %dma_start3A_3256 = tpu.memref_slice %arg11[%rem3A_2906] : memref<3x!tpu.dma_semaphore, #tpu.memory_space<semaphore_mem>> -> memref<1x!tpu.dma_semaphore, #tpu.memory_space<semaphore_mem>>
        %dma_start3A_3257 = tpu.memref_squeeze %dma_start3A_3256 : memref<1x!tpu.dma_semaphore, #tpu.memory_space<semaphore_mem>> -> memref<!tpu.dma_semaphore, #tpu.memory_space<semaphore_mem>>
        %dma_start3A_3258 = arith.constant 0 : i32
        %dma_start3A_3259 = arith.constant 0 : i32
        %dma_start3A_3260 = tpu.memref_slice %arg8[%rem3A_2906, %dma_start3A_3249, %dma_start3A_3258, %dma_start3A_3259] : memref<3x16x8x64xf32, #tpu.memory_space<vmem>> -> memref<1x1x8x64xf32, #tpu.memory_space<vmem>>
        %dma_start3A_3261 = tpu.memref_squeeze %dma_start3A_3260 : memref<1x1x8x64xf32, #tpu.memory_space<vmem>> -> memref<8x64xf32, #tpu.memory_space<vmem>>
        %dma_start3A_3262 = arith.constant 0 : i32
        %dma_start3A_3263 = tpu.memref_slice %arg4[%multiple_of3A_3245, %dma_start3A_3262] : memref<1000000x64xf32, #tpu.memory_space<hbm>> -> memref<8x64xf32, #tpu.memory_space<hbm>>
        tpu.enqueue_dma source(%dma_start3A_3263 : memref<8x64xf32, #tpu.memory_space<hbm>>) target(%dma_start3A_3261 : memref<8x64xf32, #tpu.memory_space<vmem>>) target_semaphore(%dma_start3A_3257 : memref<!tpu.dma_semaphore, #tpu.memory_space<semaphore_mem>>)
        %dma_start3A_3264 = arith.constant 9 : i32
        %dma_start3A_3265 = arith.constant 0 : i32
        %dma_start3A_3266 = arith.constant 0 : i32
        %dma_start3A_3267 = tpu.memref_slice %arg9[%rem3A_2906, %dma_start3A_3264, %dma_start3A_3265, %dma_start3A_3266] : memref<3x16x8x64xf32, #tpu.memory_space<vmem>> -> memref<1x1x8x64xf32, #tpu.memory_space<vmem>>
        %dma_start3A_3268 = tpu.memref_squeeze %dma_start3A_3267 : memref<1x1x8x64xf32, #tpu.memory_space<vmem>> -> memref<8x64xf32, #tpu.memory_space<vmem>>
        %dma_start3A_3269 = arith.constant 0 : i32
        %dma_start3A_3270 = tpu.memref_slice %arg4[%multiple_of3A_3248, %dma_start3A_3269] : memref<1000000x64xf32, #tpu.memory_space<hbm>> -> memref<8x64xf32, #tpu.memory_space<hbm>>
        %dma_start3A_3271 = tpu.memref_slice %arg12[%rem3A_2906] : memref<3x!tpu.dma_semaphore, #tpu.memory_space<semaphore_mem>> -> memref<1x!tpu.dma_semaphore, #tpu.memory_space<semaphore_mem>>
        %dma_start3A_3272 = tpu.memref_squeeze %dma_start3A_3271 : memref<1x!tpu.dma_semaphore, #tpu.memory_space<semaphore_mem>> -> memref<!tpu.dma_semaphore, #tpu.memory_space<semaphore_mem>>
        %dma_start3A_3273 = arith.constant 0 : i32
        %dma_start3A_3274 = arith.constant 0 : i32
        %dma_start3A_3275 = tpu.memref_slice %arg9[%rem3A_2906, %dma_start3A_3264, %dma_start3A_3273, %dma_start3A_3274] : memref<3x16x8x64xf32, #tpu.memory_space<vmem>> -> memref<1x1x8x64xf32, #tpu.memory_space<vmem>>
        %dma_start3A_3276 = tpu.memref_squeeze %dma_start3A_3275 : memref<1x1x8x64xf32, #tpu.memory_space<vmem>> -> memref<8x64xf32, #tpu.memory_space<vmem>>
        %dma_start3A_3277 = arith.constant 0 : i32
        %dma_start3A_3278 = tpu.memref_slice %arg4[%multiple_of3A_3248, %dma_start3A_3277] : memref<1000000x64xf32, #tpu.memory_space<hbm>> -> memref<8x64xf32, #tpu.memory_space<hbm>>
        tpu.enqueue_dma source(%dma_start3A_3278 : memref<8x64xf32, #tpu.memory_space<hbm>>) target(%dma_start3A_3276 : memref<8x64xf32, #tpu.memory_space<vmem>>) target_semaphore(%dma_start3A_3272 : memref<!tpu.dma_semaphore, #tpu.memory_space<semaphore_mem>>)
        %slice3A_3279 = vector.extract_strided_slice %and3A_2913 {offsets = [10], sizes = [1], strides = [1]} : vector<16xi32> to vector<1xi32>
        %squeeze3A_3280 = vector.extract %slice3A_3279[0] : i32 from vector<1xi32>
        %multiple_of3A_3281 = tpu.assume_multiple %squeeze3A_3280, 8 : i32
        %slice3A_3282 = vector.extract_strided_slice %and3A_2918 {offsets = [10], sizes = [1], strides = [1]} : vector<16xi32> to vector<1xi32>
        %squeeze3A_3283 = vector.extract %slice3A_3282[0] : i32 from vector<1xi32>
        %multiple_of3A_3284 = tpu.assume_multiple %squeeze3A_3283, 8 : i32
        %dma_start3A_3285 = arith.constant 10 : i32
        %dma_start3A_3286 = arith.constant 0 : i32
        %dma_start3A_3287 = arith.constant 0 : i32
        %dma_start3A_3288 = tpu.memref_slice %arg8[%rem3A_2906, %dma_start3A_3285, %dma_start3A_3286, %dma_start3A_3287] : memref<3x16x8x64xf32, #tpu.memory_space<vmem>> -> memref<1x1x8x64xf32, #tpu.memory_space<vmem>>
        %dma_start3A_3289 = tpu.memref_squeeze %dma_start3A_3288 : memref<1x1x8x64xf32, #tpu.memory_space<vmem>> -> memref<8x64xf32, #tpu.memory_space<vmem>>
        %dma_start3A_3290 = arith.constant 0 : i32
        %dma_start3A_3291 = tpu.memref_slice %arg4[%multiple_of3A_3281, %dma_start3A_3290] : memref<1000000x64xf32, #tpu.memory_space<hbm>> -> memref<8x64xf32, #tpu.memory_space<hbm>>
        %dma_start3A_3292 = tpu.memref_slice %arg11[%rem3A_2906] : memref<3x!tpu.dma_semaphore, #tpu.memory_space<semaphore_mem>> -> memref<1x!tpu.dma_semaphore, #tpu.memory_space<semaphore_mem>>
        %dma_start3A_3293 = tpu.memref_squeeze %dma_start3A_3292 : memref<1x!tpu.dma_semaphore, #tpu.memory_space<semaphore_mem>> -> memref<!tpu.dma_semaphore, #tpu.memory_space<semaphore_mem>>
        %dma_start3A_3294 = arith.constant 0 : i32
        %dma_start3A_3295 = arith.constant 0 : i32
        %dma_start3A_3296 = tpu.memref_slice %arg8[%rem3A_2906, %dma_start3A_3285, %dma_start3A_3294, %dma_start3A_3295] : memref<3x16x8x64xf32, #tpu.memory_space<vmem>> -> memref<1x1x8x64xf32, #tpu.memory_space<vmem>>
        %dma_start3A_3297 = tpu.memref_squeeze %dma_start3A_3296 : memref<1x1x8x64xf32, #tpu.memory_space<vmem>> -> memref<8x64xf32, #tpu.memory_space<vmem>>
        %dma_start3A_3298 = arith.constant 0 : i32
        %dma_start3A_3299 = tpu.memref_slice %arg4[%multiple_of3A_3281, %dma_start3A_3298] : memref<1000000x64xf32, #tpu.memory_space<hbm>> -> memref<8x64xf32, #tpu.memory_space<hbm>>
        tpu.enqueue_dma source(%dma_start3A_3299 : memref<8x64xf32, #tpu.memory_space<hbm>>) target(%dma_start3A_3297 : memref<8x64xf32, #tpu.memory_space<vmem>>) target_semaphore(%dma_start3A_3293 : memref<!tpu.dma_semaphore, #tpu.memory_space<semaphore_mem>>)
        %dma_start3A_3300 = arith.constant 10 : i32
        %dma_start3A_3301 = arith.constant 0 : i32
        %dma_start3A_3302 = arith.constant 0 : i32
        %dma_start3A_3303 = tpu.memref_slice %arg9[%rem3A_2906, %dma_start3A_3300, %dma_start3A_3301, %dma_start3A_3302] : memref<3x16x8x64xf32, #tpu.memory_space<vmem>> -> memref<1x1x8x64xf32, #tpu.memory_space<vmem>>
        %dma_start3A_3304 = tpu.memref_squeeze %dma_start3A_3303 : memref<1x1x8x64xf32, #tpu.memory_space<vmem>> -> memref<8x64xf32, #tpu.memory_space<vmem>>
        %dma_start3A_3305 = arith.constant 0 : i32
        %dma_start3A_3306 = tpu.memref_slice %arg4[%multiple_of3A_3284, %dma_start3A_3305] : memref<1000000x64xf32, #tpu.memory_space<hbm>> -> memref<8x64xf32, #tpu.memory_space<hbm>>
        %dma_start3A_3307 = tpu.memref_slice %arg12[%rem3A_2906] : memref<3x!tpu.dma_semaphore, #tpu.memory_space<semaphore_mem>> -> memref<1x!tpu.dma_semaphore, #tpu.memory_space<semaphore_mem>>
        %dma_start3A_3308 = tpu.memref_squeeze %dma_start3A_3307 : memref<1x!tpu.dma_semaphore, #tpu.memory_space<semaphore_mem>> -> memref<!tpu.dma_semaphore, #tpu.memory_space<semaphore_mem>>
        %dma_start3A_3309 = arith.constant 0 : i32
        %dma_start3A_3310 = arith.constant 0 : i32
        %dma_start3A_3311 = tpu.memref_slice %arg9[%rem3A_2906, %dma_start3A_3300, %dma_start3A_3309, %dma_start3A_3310] : memref<3x16x8x64xf32, #tpu.memory_space<vmem>> -> memref<1x1x8x64xf32, #tpu.memory_space<vmem>>
        %dma_start3A_3312 = tpu.memref_squeeze %dma_start3A_3311 : memref<1x1x8x64xf32, #tpu.memory_space<vmem>> -> memref<8x64xf32, #tpu.memory_space<vmem>>
        %dma_start3A_3313 = arith.constant 0 : i32
        %dma_start3A_3314 = tpu.memref_slice %arg4[%multiple_of3A_3284, %dma_start3A_3313] : memref<1000000x64xf32, #tpu.memory_space<hbm>> -> memref<8x64xf32, #tpu.memory_space<hbm>>
        tpu.enqueue_dma source(%dma_start3A_3314 : memref<8x64xf32, #tpu.memory_space<hbm>>) target(%dma_start3A_3312 : memref<8x64xf32, #tpu.memory_space<vmem>>) target_semaphore(%dma_start3A_3308 : memref<!tpu.dma_semaphore, #tpu.memory_space<semaphore_mem>>)
        %slice3A_3315 = vector.extract_strided_slice %and3A_2913 {offsets = [11], sizes = [1], strides = [1]} : vector<16xi32> to vector<1xi32>
        %squeeze3A_3316 = vector.extract %slice3A_3315[0] : i32 from vector<1xi32>
        %multiple_of3A_3317 = tpu.assume_multiple %squeeze3A_3316, 8 : i32
        %slice3A_3318 = vector.extract_strided_slice %and3A_2918 {offsets = [11], sizes = [1], strides = [1]} : vector<16xi32> to vector<1xi32>
        %squeeze3A_3319 = vector.extract %slice3A_3318[0] : i32 from vector<1xi32>
        %multiple_of3A_3320 = tpu.assume_multiple %squeeze3A_3319, 8 : i32
        %dma_start3A_3321 = arith.constant 11 : i32
        %dma_start3A_3322 = arith.constant 0 : i32
        %dma_start3A_3323 = arith.constant 0 : i32
        %dma_start3A_3324 = tpu.memref_slice %arg8[%rem3A_2906, %dma_start3A_3321, %dma_start3A_3322, %dma_start3A_3323] : memref<3x16x8x64xf32, #tpu.memory_space<vmem>> -> memref<1x1x8x64xf32, #tpu.memory_space<vmem>>
        %dma_start3A_3325 = tpu.memref_squeeze %dma_start3A_3324 : memref<1x1x8x64xf32, #tpu.memory_space<vmem>> -> memref<8x64xf32, #tpu.memory_space<vmem>>
        %dma_start3A_3326 = arith.constant 0 : i32
        %dma_start3A_3327 = tpu.memref_slice %arg4[%multiple_of3A_3317, %dma_start3A_3326] : memref<1000000x64xf32, #tpu.memory_space<hbm>> -> memref<8x64xf32, #tpu.memory_space<hbm>>
        %dma_start3A_3328 = tpu.memref_slice %arg11[%rem3A_2906] : memref<3x!tpu.dma_semaphore, #tpu.memory_space<semaphore_mem>> -> memref<1x!tpu.dma_semaphore, #tpu.memory_space<semaphore_mem>>
        %dma_start3A_3329 = tpu.memref_squeeze %dma_start3A_3328 : memref<1x!tpu.dma_semaphore, #tpu.memory_space<semaphore_mem>> -> memref<!tpu.dma_semaphore, #tpu.memory_space<semaphore_mem>>
        %dma_start3A_3330 = arith.constant 0 : i32
        %dma_start3A_3331 = arith.constant 0 : i32
        %dma_start3A_3332 = tpu.memref_slice %arg8[%rem3A_2906, %dma_start3A_3321, %dma_start3A_3330, %dma_start3A_3331] : memref<3x16x8x64xf32, #tpu.memory_space<vmem>> -> memref<1x1x8x64xf32, #tpu.memory_space<vmem>>
        %dma_start3A_3333 = tpu.memref_squeeze %dma_start3A_3332 : memref<1x1x8x64xf32, #tpu.memory_space<vmem>> -> memref<8x64xf32, #tpu.memory_space<vmem>>
        %dma_start3A_3334 = arith.constant 0 : i32
        %dma_start3A_3335 = tpu.memref_slice %arg4[%multiple_of3A_3317, %dma_start3A_3334] : memref<1000000x64xf32, #tpu.memory_space<hbm>> -> memref<8x64xf32, #tpu.memory_space<hbm>>
        tpu.enqueue_dma source(%dma_start3A_3335 : memref<8x64xf32, #tpu.memory_space<hbm>>) target(%dma_start3A_3333 : memref<8x64xf32, #tpu.memory_space<vmem>>) target_semaphore(%dma_start3A_3329 : memref<!tpu.dma_semaphore, #tpu.memory_space<semaphore_mem>>)
        %dma_start3A_3336 = arith.constant 11 : i32
        %dma_start3A_3337 = arith.constant 0 : i32
        %dma_start3A_3338 = arith.constant 0 : i32
        %dma_start3A_3339 = tpu.memref_slice %arg9[%rem3A_2906, %dma_start3A_3336, %dma_start3A_3337, %dma_start3A_3338] : memref<3x16x8x64xf32, #tpu.memory_space<vmem>> -> memref<1x1x8x64xf32, #tpu.memory_space<vmem>>
        %dma_start3A_3340 = tpu.memref_squeeze %dma_start3A_3339 : memref<1x1x8x64xf32, #tpu.memory_space<vmem>> -> memref<8x64xf32, #tpu.memory_space<vmem>>
        %dma_start3A_3341 = arith.constant 0 : i32
        %dma_start3A_3342 = tpu.memref_slice %arg4[%multiple_of3A_3320, %dma_start3A_3341] : memref<1000000x64xf32, #tpu.memory_space<hbm>> -> memref<8x64xf32, #tpu.memory_space<hbm>>
        %dma_start3A_3343 = tpu.memref_slice %arg12[%rem3A_2906] : memref<3x!tpu.dma_semaphore, #tpu.memory_space<semaphore_mem>> -> memref<1x!tpu.dma_semaphore, #tpu.memory_space<semaphore_mem>>
        %dma_start3A_3344 = tpu.memref_squeeze %dma_start3A_3343 : memref<1x!tpu.dma_semaphore, #tpu.memory_space<semaphore_mem>> -> memref<!tpu.dma_semaphore, #tpu.memory_space<semaphore_mem>>
        %dma_start3A_3345 = arith.constant 0 : i32
        %dma_start3A_3346 = arith.constant 0 : i32
        %dma_start3A_3347 = tpu.memref_slice %arg9[%rem3A_2906, %dma_start3A_3336, %dma_start3A_3345, %dma_start3A_3346] : memref<3x16x8x64xf32, #tpu.memory_space<vmem>> -> memref<1x1x8x64xf32, #tpu.memory_space<vmem>>
        %dma_start3A_3348 = tpu.memref_squeeze %dma_start3A_3347 : memref<1x1x8x64xf32, #tpu.memory_space<vmem>> -> memref<8x64xf32, #tpu.memory_space<vmem>>
        %dma_start3A_3349 = arith.constant 0 : i32
        %dma_start3A_3350 = tpu.memref_slice %arg4[%multiple_of3A_3320, %dma_start3A_3349] : memref<1000000x64xf32, #tpu.memory_space<hbm>> -> memref<8x64xf32, #tpu.memory_space<hbm>>
        tpu.enqueue_dma source(%dma_start3A_3350 : memref<8x64xf32, #tpu.memory_space<hbm>>) target(%dma_start3A_3348 : memref<8x64xf32, #tpu.memory_space<vmem>>) target_semaphore(%dma_start3A_3344 : memref<!tpu.dma_semaphore, #tpu.memory_space<semaphore_mem>>)
        %slice3A_3351 = vector.extract_strided_slice %and3A_2913 {offsets = [12], sizes = [1], strides = [1]} : vector<16xi32> to vector<1xi32>
        %squeeze3A_3352 = vector.extract %slice3A_3351[0] : i32 from vector<1xi32>
        %multiple_of3A_3353 = tpu.assume_multiple %squeeze3A_3352, 8 : i32
        %slice3A_3354 = vector.extract_strided_slice %and3A_2918 {offsets = [12], sizes = [1], strides = [1]} : vector<16xi32> to vector<1xi32>
        %squeeze3A_3355 = vector.extract %slice3A_3354[0] : i32 from vector<1xi32>
        %multiple_of3A_3356 = tpu.assume_multiple %squeeze3A_3355, 8 : i32
        %dma_start3A_3357 = arith.constant 12 : i32
        %dma_start3A_3358 = arith.constant 0 : i32
        %dma_start3A_3359 = arith.constant 0 : i32
        %dma_start3A_3360 = tpu.memref_slice %arg8[%rem3A_2906, %dma_start3A_3357, %dma_start3A_3358, %dma_start3A_3359] : memref<3x16x8x64xf32, #tpu.memory_space<vmem>> -> memref<1x1x8x64xf32, #tpu.memory_space<vmem>>
        %dma_start3A_3361 = tpu.memref_squeeze %dma_start3A_3360 : memref<1x1x8x64xf32, #tpu.memory_space<vmem>> -> memref<8x64xf32, #tpu.memory_space<vmem>>
        %dma_start3A_3362 = arith.constant 0 : i32
        %dma_start3A_3363 = tpu.memref_slice %arg4[%multiple_of3A_3353, %dma_start3A_3362] : memref<1000000x64xf32, #tpu.memory_space<hbm>> -> memref<8x64xf32, #tpu.memory_space<hbm>>
        %dma_start3A_3364 = tpu.memref_slice %arg11[%rem3A_2906] : memref<3x!tpu.dma_semaphore, #tpu.memory_space<semaphore_mem>> -> memref<1x!tpu.dma_semaphore, #tpu.memory_space<semaphore_mem>>
        %dma_start3A_3365 = tpu.memref_squeeze %dma_start3A_3364 : memref<1x!tpu.dma_semaphore, #tpu.memory_space<semaphore_mem>> -> memref<!tpu.dma_semaphore, #tpu.memory_space<semaphore_mem>>
        %dma_start3A_3366 = arith.constant 0 : i32
        %dma_start3A_3367 = arith.constant 0 : i32
        %dma_start3A_3368 = tpu.memref_slice %arg8[%rem3A_2906, %dma_start3A_3357, %dma_start3A_3366, %dma_start3A_3367] : memref<3x16x8x64xf32, #tpu.memory_space<vmem>> -> memref<1x1x8x64xf32, #tpu.memory_space<vmem>>
        %dma_start3A_3369 = tpu.memref_squeeze %dma_start3A_3368 : memref<1x1x8x64xf32, #tpu.memory_space<vmem>> -> memref<8x64xf32, #tpu.memory_space<vmem>>
        %dma_start3A_3370 = arith.constant 0 : i32
        %dma_start3A_3371 = tpu.memref_slice %arg4[%multiple_of3A_3353, %dma_start3A_3370] : memref<1000000x64xf32, #tpu.memory_space<hbm>> -> memref<8x64xf32, #tpu.memory_space<hbm>>
        tpu.enqueue_dma source(%dma_start3A_3371 : memref<8x64xf32, #tpu.memory_space<hbm>>) target(%dma_start3A_3369 : memref<8x64xf32, #tpu.memory_space<vmem>>) target_semaphore(%dma_start3A_3365 : memref<!tpu.dma_semaphore, #tpu.memory_space<semaphore_mem>>)
        %dma_start3A_3372 = arith.constant 12 : i32
        %dma_start3A_3373 = arith.constant 0 : i32
        %dma_start3A_3374 = arith.constant 0 : i32
        %dma_start3A_3375 = tpu.memref_slice %arg9[%rem3A_2906, %dma_start3A_3372, %dma_start3A_3373, %dma_start3A_3374] : memref<3x16x8x64xf32, #tpu.memory_space<vmem>> -> memref<1x1x8x64xf32, #tpu.memory_space<vmem>>
        %dma_start3A_3376 = tpu.memref_squeeze %dma_start3A_3375 : memref<1x1x8x64xf32, #tpu.memory_space<vmem>> -> memref<8x64xf32, #tpu.memory_space<vmem>>
        %dma_start3A_3377 = arith.constant 0 : i32
        %dma_start3A_3378 = tpu.memref_slice %arg4[%multiple_of3A_3356, %dma_start3A_3377] : memref<1000000x64xf32, #tpu.memory_space<hbm>> -> memref<8x64xf32, #tpu.memory_space<hbm>>
        %dma_start3A_3379 = tpu.memref_slice %arg12[%rem3A_2906] : memref<3x!tpu.dma_semaphore, #tpu.memory_space<semaphore_mem>> -> memref<1x!tpu.dma_semaphore, #tpu.memory_space<semaphore_mem>>
        %dma_start3A_3380 = tpu.memref_squeeze %dma_start3A_3379 : memref<1x!tpu.dma_semaphore, #tpu.memory_space<semaphore_mem>> -> memref<!tpu.dma_semaphore, #tpu.memory_space<semaphore_mem>>
        %dma_start3A_3381 = arith.constant 0 : i32
        %dma_start3A_3382 = arith.constant 0 : i32
        %dma_start3A_3383 = tpu.memref_slice %arg9[%rem3A_2906, %dma_start3A_3372, %dma_start3A_3381, %dma_start3A_3382] : memref<3x16x8x64xf32, #tpu.memory_space<vmem>> -> memref<1x1x8x64xf32, #tpu.memory_space<vmem>>
        %dma_start3A_3384 = tpu.memref_squeeze %dma_start3A_3383 : memref<1x1x8x64xf32, #tpu.memory_space<vmem>> -> memref<8x64xf32, #tpu.memory_space<vmem>>
        %dma_start3A_3385 = arith.constant 0 : i32
        %dma_start3A_3386 = tpu.memref_slice %arg4[%multiple_of3A_3356, %dma_start3A_3385] : memref<1000000x64xf32, #tpu.memory_space<hbm>> -> memref<8x64xf32, #tpu.memory_space<hbm>>
        tpu.enqueue_dma source(%dma_start3A_3386 : memref<8x64xf32, #tpu.memory_space<hbm>>) target(%dma_start3A_3384 : memref<8x64xf32, #tpu.memory_space<vmem>>) target_semaphore(%dma_start3A_3380 : memref<!tpu.dma_semaphore, #tpu.memory_space<semaphore_mem>>)
        %slice3A_3387 = vector.extract_strided_slice %and3A_2913 {offsets = [13], sizes = [1], strides = [1]} : vector<16xi32> to vector<1xi32>
        %squeeze3A_3388 = vector.extract %slice3A_3387[0] : i32 from vector<1xi32>
        %multiple_of3A_3389 = tpu.assume_multiple %squeeze3A_3388, 8 : i32
        %slice3A_3390 = vector.extract_strided_slice %and3A_2918 {offsets = [13], sizes = [1], strides = [1]} : vector<16xi32> to vector<1xi32>
        %squeeze3A_3391 = vector.extract %slice3A_3390[0] : i32 from vector<1xi32>
        %multiple_of3A_3392 = tpu.assume_multiple %squeeze3A_3391, 8 : i32
        %dma_start3A_3393 = arith.constant 13 : i32
        %dma_start3A_3394 = arith.constant 0 : i32
        %dma_start3A_3395 = arith.constant 0 : i32
        %dma_start3A_3396 = tpu.memref_slice %arg8[%rem3A_2906, %dma_start3A_3393, %dma_start3A_3394, %dma_start3A_3395] : memref<3x16x8x64xf32, #tpu.memory_space<vmem>> -> memref<1x1x8x64xf32, #tpu.memory_space<vmem>>
        %dma_start3A_3397 = tpu.memref_squeeze %dma_start3A_3396 : memref<1x1x8x64xf32, #tpu.memory_space<vmem>> -> memref<8x64xf32, #tpu.memory_space<vmem>>
        %dma_start3A_3398 = arith.constant 0 : i32
        %dma_start3A_3399 = tpu.memref_slice %arg4[%multiple_of3A_3389, %dma_start3A_3398] : memref<1000000x64xf32, #tpu.memory_space<hbm>> -> memref<8x64xf32, #tpu.memory_space<hbm>>
        %dma_start3A_3400 = tpu.memref_slice %arg11[%rem3A_2906] : memref<3x!tpu.dma_semaphore, #tpu.memory_space<semaphore_mem>> -> memref<1x!tpu.dma_semaphore, #tpu.memory_space<semaphore_mem>>
        %dma_start3A_3401 = tpu.memref_squeeze %dma_start3A_3400 : memref<1x!tpu.dma_semaphore, #tpu.memory_space<semaphore_mem>> -> memref<!tpu.dma_semaphore, #tpu.memory_space<semaphore_mem>>
        %dma_start3A_3402 = arith.constant 0 : i32
        %dma_start3A_3403 = arith.constant 0 : i32
        %dma_start3A_3404 = tpu.memref_slice %arg8[%rem3A_2906, %dma_start3A_3393, %dma_start3A_3402, %dma_start3A_3403] : memref<3x16x8x64xf32, #tpu.memory_space<vmem>> -> memref<1x1x8x64xf32, #tpu.memory_space<vmem>>
        %dma_start3A_3405 = tpu.memref_squeeze %dma_start3A_3404 : memref<1x1x8x64xf32, #tpu.memory_space<vmem>> -> memref<8x64xf32, #tpu.memory_space<vmem>>
        %dma_start3A_3406 = arith.constant 0 : i32
        %dma_start3A_3407 = tpu.memref_slice %arg4[%multiple_of3A_3389, %dma_start3A_3406] : memref<1000000x64xf32, #tpu.memory_space<hbm>> -> memref<8x64xf32, #tpu.memory_space<hbm>>
        tpu.enqueue_dma source(%dma_start3A_3407 : memref<8x64xf32, #tpu.memory_space<hbm>>) target(%dma_start3A_3405 : memref<8x64xf32, #tpu.memory_space<vmem>>) target_semaphore(%dma_start3A_3401 : memref<!tpu.dma_semaphore, #tpu.memory_space<semaphore_mem>>)
        %dma_start3A_3408 = arith.constant 13 : i32
        %dma_start3A_3409 = arith.constant 0 : i32
        %dma_start3A_3410 = arith.constant 0 : i32
        %dma_start3A_3411 = tpu.memref_slice %arg9[%rem3A_2906, %dma_start3A_3408, %dma_start3A_3409, %dma_start3A_3410] : memref<3x16x8x64xf32, #tpu.memory_space<vmem>> -> memref<1x1x8x64xf32, #tpu.memory_space<vmem>>
        %dma_start3A_3412 = tpu.memref_squeeze %dma_start3A_3411 : memref<1x1x8x64xf32, #tpu.memory_space<vmem>> -> memref<8x64xf32, #tpu.memory_space<vmem>>
        %dma_start3A_3413 = arith.constant 0 : i32
        %dma_start3A_3414 = tpu.memref_slice %arg4[%multiple_of3A_3392, %dma_start3A_3413] : memref<1000000x64xf32, #tpu.memory_space<hbm>> -> memref<8x64xf32, #tpu.memory_space<hbm>>
        %dma_start3A_3415 = tpu.memref_slice %arg12[%rem3A_2906] : memref<3x!tpu.dma_semaphore, #tpu.memory_space<semaphore_mem>> -> memref<1x!tpu.dma_semaphore, #tpu.memory_space<semaphore_mem>>
        %dma_start3A_3416 = tpu.memref_squeeze %dma_start3A_3415 : memref<1x!tpu.dma_semaphore, #tpu.memory_space<semaphore_mem>> -> memref<!tpu.dma_semaphore, #tpu.memory_space<semaphore_mem>>
        %dma_start3A_3417 = arith.constant 0 : i32
        %dma_start3A_3418 = arith.constant 0 : i32
        %dma_start3A_3419 = tpu.memref_slice %arg9[%rem3A_2906, %dma_start3A_3408, %dma_start3A_3417, %dma_start3A_3418] : memref<3x16x8x64xf32, #tpu.memory_space<vmem>> -> memref<1x1x8x64xf32, #tpu.memory_space<vmem>>
        %dma_start3A_3420 = tpu.memref_squeeze %dma_start3A_3419 : memref<1x1x8x64xf32, #tpu.memory_space<vmem>> -> memref<8x64xf32, #tpu.memory_space<vmem>>
        %dma_start3A_3421 = arith.constant 0 : i32
        %dma_start3A_3422 = tpu.memref_slice %arg4[%multiple_of3A_3392, %dma_start3A_3421] : memref<1000000x64xf32, #tpu.memory_space<hbm>> -> memref<8x64xf32, #tpu.memory_space<hbm>>
        tpu.enqueue_dma source(%dma_start3A_3422 : memref<8x64xf32, #tpu.memory_space<hbm>>) target(%dma_start3A_3420 : memref<8x64xf32, #tpu.memory_space<vmem>>) target_semaphore(%dma_start3A_3416 : memref<!tpu.dma_semaphore, #tpu.memory_space<semaphore_mem>>)
        %slice3A_3423 = vector.extract_strided_slice %and3A_2913 {offsets = [14], sizes = [1], strides = [1]} : vector<16xi32> to vector<1xi32>
        %squeeze3A_3424 = vector.extract %slice3A_3423[0] : i32 from vector<1xi32>
        %multiple_of3A_3425 = tpu.assume_multiple %squeeze3A_3424, 8 : i32
        %slice3A_3426 = vector.extract_strided_slice %and3A_2918 {offsets = [14], sizes = [1], strides = [1]} : vector<16xi32> to vector<1xi32>
        %squeeze3A_3427 = vector.extract %slice3A_3426[0] : i32 from vector<1xi32>
        %multiple_of3A_3428 = tpu.assume_multiple %squeeze3A_3427, 8 : i32
        %dma_start3A_3429 = arith.constant 14 : i32
        %dma_start3A_3430 = arith.constant 0 : i32
        %dma_start3A_3431 = arith.constant 0 : i32
        %dma_start3A_3432 = tpu.memref_slice %arg8[%rem3A_2906, %dma_start3A_3429, %dma_start3A_3430, %dma_start3A_3431] : memref<3x16x8x64xf32, #tpu.memory_space<vmem>> -> memref<1x1x8x64xf32, #tpu.memory_space<vmem>>
        %dma_start3A_3433 = tpu.memref_squeeze %dma_start3A_3432 : memref<1x1x8x64xf32, #tpu.memory_space<vmem>> -> memref<8x64xf32, #tpu.memory_space<vmem>>
        %dma_start3A_3434 = arith.constant 0 : i32
        %dma_start3A_3435 = tpu.memref_slice %arg4[%multiple_of3A_3425, %dma_start3A_3434] : memref<1000000x64xf32, #tpu.memory_space<hbm>> -> memref<8x64xf32, #tpu.memory_space<hbm>>
        %dma_start3A_3436 = tpu.memref_slice %arg11[%rem3A_2906] : memref<3x!tpu.dma_semaphore, #tpu.memory_space<semaphore_mem>> -> memref<1x!tpu.dma_semaphore, #tpu.memory_space<semaphore_mem>>
        %dma_start3A_3437 = tpu.memref_squeeze %dma_start3A_3436 : memref<1x!tpu.dma_semaphore, #tpu.memory_space<semaphore_mem>> -> memref<!tpu.dma_semaphore, #tpu.memory_space<semaphore_mem>>
        %dma_start3A_3438 = arith.constant 0 : i32
        %dma_start3A_3439 = arith.constant 0 : i32
        %dma_start3A_3440 = tpu.memref_slice %arg8[%rem3A_2906, %dma_start3A_3429, %dma_start3A_3438, %dma_start3A_3439] : memref<3x16x8x64xf32, #tpu.memory_space<vmem>> -> memref<1x1x8x64xf32, #tpu.memory_space<vmem>>
        %dma_start3A_3441 = tpu.memref_squeeze %dma_start3A_3440 : memref<1x1x8x64xf32, #tpu.memory_space<vmem>> -> memref<8x64xf32, #tpu.memory_space<vmem>>
        %dma_start3A_3442 = arith.constant 0 : i32
        %dma_start3A_3443 = tpu.memref_slice %arg4[%multiple_of3A_3425, %dma_start3A_3442] : memref<1000000x64xf32, #tpu.memory_space<hbm>> -> memref<8x64xf32, #tpu.memory_space<hbm>>
        tpu.enqueue_dma source(%dma_start3A_3443 : memref<8x64xf32, #tpu.memory_space<hbm>>) target(%dma_start3A_3441 : memref<8x64xf32, #tpu.memory_space<vmem>>) target_semaphore(%dma_start3A_3437 : memref<!tpu.dma_semaphore, #tpu.memory_space<semaphore_mem>>)
        %dma_start3A_3444 = arith.constant 14 : i32
        %dma_start3A_3445 = arith.constant 0 : i32
        %dma_start3A_3446 = arith.constant 0 : i32
        %dma_start3A_3447 = tpu.memref_slice %arg9[%rem3A_2906, %dma_start3A_3444, %dma_start3A_3445, %dma_start3A_3446] : memref<3x16x8x64xf32, #tpu.memory_space<vmem>> -> memref<1x1x8x64xf32, #tpu.memory_space<vmem>>
        %dma_start3A_3448 = tpu.memref_squeeze %dma_start3A_3447 : memref<1x1x8x64xf32, #tpu.memory_space<vmem>> -> memref<8x64xf32, #tpu.memory_space<vmem>>
        %dma_start3A_3449 = arith.constant 0 : i32
        %dma_start3A_3450 = tpu.memref_slice %arg4[%multiple_of3A_3428, %dma_start3A_3449] : memref<1000000x64xf32, #tpu.memory_space<hbm>> -> memref<8x64xf32, #tpu.memory_space<hbm>>
        %dma_start3A_3451 = tpu.memref_slice %arg12[%rem3A_2906] : memref<3x!tpu.dma_semaphore, #tpu.memory_space<semaphore_mem>> -> memref<1x!tpu.dma_semaphore, #tpu.memory_space<semaphore_mem>>
        %dma_start3A_3452 = tpu.memref_squeeze %dma_start3A_3451 : memref<1x!tpu.dma_semaphore, #tpu.memory_space<semaphore_mem>> -> memref<!tpu.dma_semaphore, #tpu.memory_space<semaphore_mem>>
        %dma_start3A_3453 = arith.constant 0 : i32
        %dma_start3A_3454 = arith.constant 0 : i32
        %dma_start3A_3455 = tpu.memref_slice %arg9[%rem3A_2906, %dma_start3A_3444, %dma_start3A_3453, %dma_start3A_3454] : memref<3x16x8x64xf32, #tpu.memory_space<vmem>> -> memref<1x1x8x64xf32, #tpu.memory_space<vmem>>
        %dma_start3A_3456 = tpu.memref_squeeze %dma_start3A_3455 : memref<1x1x8x64xf32, #tpu.memory_space<vmem>> -> memref<8x64xf32, #tpu.memory_space<vmem>>
        %dma_start3A_3457 = arith.constant 0 : i32
        %dma_start3A_3458 = tpu.memref_slice %arg4[%multiple_of3A_3428, %dma_start3A_3457] : memref<1000000x64xf32, #tpu.memory_space<hbm>> -> memref<8x64xf32, #tpu.memory_space<hbm>>
        tpu.enqueue_dma source(%dma_start3A_3458 : memref<8x64xf32, #tpu.memory_space<hbm>>) target(%dma_start3A_3456 : memref<8x64xf32, #tpu.memory_space<vmem>>) target_semaphore(%dma_start3A_3452 : memref<!tpu.dma_semaphore, #tpu.memory_space<semaphore_mem>>)
        %slice3A_3459 = vector.extract_strided_slice %and3A_2913 {offsets = [15], sizes = [1], strides = [1]} : vector<16xi32> to vector<1xi32>
        %squeeze3A_3460 = vector.extract %slice3A_3459[0] : i32 from vector<1xi32>
        %multiple_of3A_3461 = tpu.assume_multiple %squeeze3A_3460, 8 : i32
        %slice3A_3462 = vector.extract_strided_slice %and3A_2918 {offsets = [15], sizes = [1], strides = [1]} : vector<16xi32> to vector<1xi32>
        %squeeze3A_3463 = vector.extract %slice3A_3462[0] : i32 from vector<1xi32>
        %multiple_of3A_3464 = tpu.assume_multiple %squeeze3A_3463, 8 : i32
        %dma_start3A_3465 = arith.constant 15 : i32
        %dma_start3A_3466 = arith.constant 0 : i32
        %dma_start3A_3467 = arith.constant 0 : i32
        %dma_start3A_3468 = tpu.memref_slice %arg8[%rem3A_2906, %dma_start3A_3465, %dma_start3A_3466, %dma_start3A_3467] : memref<3x16x8x64xf32, #tpu.memory_space<vmem>> -> memref<1x1x8x64xf32, #tpu.memory_space<vmem>>
        %dma_start3A_3469 = tpu.memref_squeeze %dma_start3A_3468 : memref<1x1x8x64xf32, #tpu.memory_space<vmem>> -> memref<8x64xf32, #tpu.memory_space<vmem>>
        %dma_start3A_3470 = arith.constant 0 : i32
        %dma_start3A_3471 = tpu.memref_slice %arg4[%multiple_of3A_3461, %dma_start3A_3470] : memref<1000000x64xf32, #tpu.memory_space<hbm>> -> memref<8x64xf32, #tpu.memory_space<hbm>>
        %dma_start3A_3472 = tpu.memref_slice %arg11[%rem3A_2906] : memref<3x!tpu.dma_semaphore, #tpu.memory_space<semaphore_mem>> -> memref<1x!tpu.dma_semaphore, #tpu.memory_space<semaphore_mem>>
        %dma_start3A_3473 = tpu.memref_squeeze %dma_start3A_3472 : memref<1x!tpu.dma_semaphore, #tpu.memory_space<semaphore_mem>> -> memref<!tpu.dma_semaphore, #tpu.memory_space<semaphore_mem>>
        %dma_start3A_3474 = arith.constant 0 : i32
        %dma_start3A_3475 = arith.constant 0 : i32
        %dma_start3A_3476 = tpu.memref_slice %arg8[%rem3A_2906, %dma_start3A_3465, %dma_start3A_3474, %dma_start3A_3475] : memref<3x16x8x64xf32, #tpu.memory_space<vmem>> -> memref<1x1x8x64xf32, #tpu.memory_space<vmem>>
        %dma_start3A_3477 = tpu.memref_squeeze %dma_start3A_3476 : memref<1x1x8x64xf32, #tpu.memory_space<vmem>> -> memref<8x64xf32, #tpu.memory_space<vmem>>
        %dma_start3A_3478 = arith.constant 0 : i32
        %dma_start3A_3479 = tpu.memref_slice %arg4[%multiple_of3A_3461, %dma_start3A_3478] : memref<1000000x64xf32, #tpu.memory_space<hbm>> -> memref<8x64xf32, #tpu.memory_space<hbm>>
        tpu.enqueue_dma source(%dma_start3A_3479 : memref<8x64xf32, #tpu.memory_space<hbm>>) target(%dma_start3A_3477 : memref<8x64xf32, #tpu.memory_space<vmem>>) target_semaphore(%dma_start3A_3473 : memref<!tpu.dma_semaphore, #tpu.memory_space<semaphore_mem>>)
        %dma_start3A_3480 = arith.constant 15 : i32
        %dma_start3A_3481 = arith.constant 0 : i32
        %dma_start3A_3482 = arith.constant 0 : i32
        %dma_start3A_3483 = tpu.memref_slice %arg9[%rem3A_2906, %dma_start3A_3480, %dma_start3A_3481, %dma_start3A_3482] : memref<3x16x8x64xf32, #tpu.memory_space<vmem>> -> memref<1x1x8x64xf32, #tpu.memory_space<vmem>>
        %dma_start3A_3484 = tpu.memref_squeeze %dma_start3A_3483 : memref<1x1x8x64xf32, #tpu.memory_space<vmem>> -> memref<8x64xf32, #tpu.memory_space<vmem>>
        %dma_start3A_3485 = arith.constant 0 : i32
        %dma_start3A_3486 = tpu.memref_slice %arg4[%multiple_of3A_3464, %dma_start3A_3485] : memref<1000000x64xf32, #tpu.memory_space<hbm>> -> memref<8x64xf32, #tpu.memory_space<hbm>>
        %dma_start3A_3487 = tpu.memref_slice %arg12[%rem3A_2906] : memref<3x!tpu.dma_semaphore, #tpu.memory_space<semaphore_mem>> -> memref<1x!tpu.dma_semaphore, #tpu.memory_space<semaphore_mem>>
        %dma_start3A_3488 = tpu.memref_squeeze %dma_start3A_3487 : memref<1x!tpu.dma_semaphore, #tpu.memory_space<semaphore_mem>> -> memref<!tpu.dma_semaphore, #tpu.memory_space<semaphore_mem>>
        %dma_start3A_3489 = arith.constant 0 : i32
        %dma_start3A_3490 = arith.constant 0 : i32
        %dma_start3A_3491 = tpu.memref_slice %arg9[%rem3A_2906, %dma_start3A_3480, %dma_start3A_3489, %dma_start3A_3490] : memref<3x16x8x64xf32, #tpu.memory_space<vmem>> -> memref<1x1x8x64xf32, #tpu.memory_space<vmem>>
        %dma_start3A_3492 = tpu.memref_squeeze %dma_start3A_3491 : memref<1x1x8x64xf32, #tpu.memory_space<vmem>> -> memref<8x64xf32, #tpu.memory_space<vmem>>
        %dma_start3A_3493 = arith.constant 0 : i32
        %dma_start3A_3494 = tpu.memref_slice %arg4[%multiple_of3A_3464, %dma_start3A_3493] : memref<1000000x64xf32, #tpu.memory_space<hbm>> -> memref<8x64xf32, #tpu.memory_space<hbm>>
        tpu.enqueue_dma source(%dma_start3A_3494 : memref<8x64xf32, #tpu.memory_space<hbm>>) target(%dma_start3A_3492 : memref<8x64xf32, #tpu.memory_space<vmem>>) target_semaphore(%dma_start3A_3488 : memref<!tpu.dma_semaphore, #tpu.memory_space<semaphore_mem>>)
      } else {
      }
      %dma_wait3A = arith.constant 0 : i32
      %dma_wait3A_1314 = arith.constant 0 : i32
      %dma_wait3A_1315 = arith.constant 0 : i32
      %dma_wait3A_1316 = tpu.memref_slice %arg8[%rem3A_1309, %dma_wait3A, %dma_wait3A_1314, %dma_wait3A_1315] : memref<3x16x8x64xf32, #tpu.memory_space<vmem>> -> memref<1x1x8x64xf32, #tpu.memory_space<vmem>>
      %dma_wait3A_1317 = tpu.memref_squeeze %dma_wait3A_1316 : memref<1x1x8x64xf32, #tpu.memory_space<vmem>> -> memref<8x64xf32, #tpu.memory_space<vmem>>
      %dma_wait3A_1318 = arith.constant 0 : i32
      %dma_wait3A_1319 = arith.constant 0 : i32
      %dma_wait3A_1320 = tpu.memref_slice %arg4[%dma_wait3A_1318, %dma_wait3A_1319] : memref<1000000x64xf32, #tpu.memory_space<hbm>> -> memref<8x64xf32, #tpu.memory_space<hbm>>
      %dma_wait3A_1321 = tpu.memref_slice %arg11[%rem3A_1309] : memref<3x!tpu.dma_semaphore, #tpu.memory_space<semaphore_mem>> -> memref<1x!tpu.dma_semaphore, #tpu.memory_space<semaphore_mem>>
      %dma_wait3A_1322 = tpu.memref_squeeze %dma_wait3A_1321 : memref<1x!tpu.dma_semaphore, #tpu.memory_space<semaphore_mem>> -> memref<!tpu.dma_semaphore, #tpu.memory_space<semaphore_mem>>
      %dma_wait3A_1323 = arith.constant 0 : i32
      %dma_wait3A_1324 = arith.constant 0 : i32
      %dma_wait3A_1325 = tpu.memref_slice %arg8[%rem3A_1309, %dma_wait3A, %dma_wait3A_1323, %dma_wait3A_1324] : memref<3x16x8x64xf32, #tpu.memory_space<vmem>> -> memref<1x1x8x64xf32, #tpu.memory_space<vmem>>
      %dma_wait3A_1326 = tpu.memref_squeeze %dma_wait3A_1325 : memref<1x1x8x64xf32, #tpu.memory_space<vmem>> -> memref<8x64xf32, #tpu.memory_space<vmem>>
      %dma_wait3A_1327 = arith.constant 0 : i32
      %dma_wait3A_1328 = arith.constant 0 : i32
      %dma_wait3A_1329 = tpu.memref_slice %arg4[%dma_wait3A_1327, %dma_wait3A_1328] : memref<1000000x64xf32, #tpu.memory_space<hbm>> -> memref<8x64xf32, #tpu.memory_space<hbm>>
      tpu.wait_dma2 semaphore(%dma_wait3A_1322 : memref<!tpu.dma_semaphore, #tpu.memory_space<semaphore_mem>>) src(%dma_wait3A_1329 : memref<8x64xf32, #tpu.memory_space<hbm>>) dst(%dma_wait3A_1326 : memref<8x64xf32, #tpu.memory_space<vmem>>)
      %dma_wait3A_1330 = arith.constant 0 : i32
      %dma_wait3A_1331 = arith.constant 0 : i32
      %dma_wait3A_1332 = arith.constant 0 : i32
      %dma_wait3A_1333 = tpu.memref_slice %arg9[%rem3A_1309, %dma_wait3A_1330, %dma_wait3A_1331, %dma_wait3A_1332] : memref<3x16x8x64xf32, #tpu.memory_space<vmem>> -> memref<1x1x8x64xf32, #tpu.memory_space<vmem>>
      %dma_wait3A_1334 = tpu.memref_squeeze %dma_wait3A_1333 : memref<1x1x8x64xf32, #tpu.memory_space<vmem>> -> memref<8x64xf32, #tpu.memory_space<vmem>>
      %dma_wait3A_1335 = arith.constant 0 : i32
      %dma_wait3A_1336 = arith.constant 0 : i32
      %dma_wait3A_1337 = tpu.memref_slice %arg4[%dma_wait3A_1335, %dma_wait3A_1336] : memref<1000000x64xf32, #tpu.memory_space<hbm>> -> memref<8x64xf32, #tpu.memory_space<hbm>>
      %dma_wait3A_1338 = tpu.memref_slice %arg12[%rem3A_1309] : memref<3x!tpu.dma_semaphore, #tpu.memory_space<semaphore_mem>> -> memref<1x!tpu.dma_semaphore, #tpu.memory_space<semaphore_mem>>
      %dma_wait3A_1339 = tpu.memref_squeeze %dma_wait3A_1338 : memref<1x!tpu.dma_semaphore, #tpu.memory_space<semaphore_mem>> -> memref<!tpu.dma_semaphore, #tpu.memory_space<semaphore_mem>>
      %dma_wait3A_1340 = arith.constant 0 : i32
      %dma_wait3A_1341 = arith.constant 0 : i32
      %dma_wait3A_1342 = tpu.memref_slice %arg9[%rem3A_1309, %dma_wait3A_1330, %dma_wait3A_1340, %dma_wait3A_1341] : memref<3x16x8x64xf32, #tpu.memory_space<vmem>> -> memref<1x1x8x64xf32, #tpu.memory_space<vmem>>
      %dma_wait3A_1343 = tpu.memref_squeeze %dma_wait3A_1342 : memref<1x1x8x64xf32, #tpu.memory_space<vmem>> -> memref<8x64xf32, #tpu.memory_space<vmem>>
      %dma_wait3A_1344 = arith.constant 0 : i32
      %dma_wait3A_1345 = arith.constant 0 : i32
      %dma_wait3A_1346 = tpu.memref_slice %arg4[%dma_wait3A_1344, %dma_wait3A_1345] : memref<1000000x64xf32, #tpu.memory_space<hbm>> -> memref<8x64xf32, #tpu.memory_space<hbm>>
      tpu.wait_dma2 semaphore(%dma_wait3A_1339 : memref<!tpu.dma_semaphore, #tpu.memory_space<semaphore_mem>>) src(%dma_wait3A_1346 : memref<8x64xf32, #tpu.memory_space<hbm>>) dst(%dma_wait3A_1343 : memref<8x64xf32, #tpu.memory_space<vmem>>)
      %dma_wait3A_1347 = arith.constant 1 : i32
      %dma_wait3A_1348 = arith.constant 0 : i32
      %dma_wait3A_1349 = arith.constant 0 : i32
      %dma_wait3A_1350 = tpu.memref_slice %arg8[%rem3A_1309, %dma_wait3A_1347, %dma_wait3A_1348, %dma_wait3A_1349] : memref<3x16x8x64xf32, #tpu.memory_space<vmem>> -> memref<1x1x8x64xf32, #tpu.memory_space<vmem>>
      %dma_wait3A_1351 = tpu.memref_squeeze %dma_wait3A_1350 : memref<1x1x8x64xf32, #tpu.memory_space<vmem>> -> memref<8x64xf32, #tpu.memory_space<vmem>>
      %dma_wait3A_1352 = arith.constant 0 : i32
      %dma_wait3A_1353 = arith.constant 0 : i32
      %dma_wait3A_1354 = tpu.memref_slice %arg4[%dma_wait3A_1352, %dma_wait3A_1353] : memref<1000000x64xf32, #tpu.memory_space<hbm>> -> memref<8x64xf32, #tpu.memory_space<hbm>>
      %dma_wait3A_1355 = tpu.memref_slice %arg11[%rem3A_1309] : memref<3x!tpu.dma_semaphore, #tpu.memory_space<semaphore_mem>> -> memref<1x!tpu.dma_semaphore, #tpu.memory_space<semaphore_mem>>
      %dma_wait3A_1356 = tpu.memref_squeeze %dma_wait3A_1355 : memref<1x!tpu.dma_semaphore, #tpu.memory_space<semaphore_mem>> -> memref<!tpu.dma_semaphore, #tpu.memory_space<semaphore_mem>>
      %dma_wait3A_1357 = arith.constant 0 : i32
      %dma_wait3A_1358 = arith.constant 0 : i32
      %dma_wait3A_1359 = tpu.memref_slice %arg8[%rem3A_1309, %dma_wait3A_1347, %dma_wait3A_1357, %dma_wait3A_1358] : memref<3x16x8x64xf32, #tpu.memory_space<vmem>> -> memref<1x1x8x64xf32, #tpu.memory_space<vmem>>
      %dma_wait3A_1360 = tpu.memref_squeeze %dma_wait3A_1359 : memref<1x1x8x64xf32, #tpu.memory_space<vmem>> -> memref<8x64xf32, #tpu.memory_space<vmem>>
      %dma_wait3A_1361 = arith.constant 0 : i32
      %dma_wait3A_1362 = arith.constant 0 : i32
      %dma_wait3A_1363 = tpu.memref_slice %arg4[%dma_wait3A_1361, %dma_wait3A_1362] : memref<1000000x64xf32, #tpu.memory_space<hbm>> -> memref<8x64xf32, #tpu.memory_space<hbm>>
      tpu.wait_dma2 semaphore(%dma_wait3A_1356 : memref<!tpu.dma_semaphore, #tpu.memory_space<semaphore_mem>>) src(%dma_wait3A_1363 : memref<8x64xf32, #tpu.memory_space<hbm>>) dst(%dma_wait3A_1360 : memref<8x64xf32, #tpu.memory_space<vmem>>)
      %dma_wait3A_1364 = arith.constant 1 : i32
      %dma_wait3A_1365 = arith.constant 0 : i32
      %dma_wait3A_1366 = arith.constant 0 : i32
      %dma_wait3A_1367 = tpu.memref_slice %arg9[%rem3A_1309, %dma_wait3A_1364, %dma_wait3A_1365, %dma_wait3A_1366] : memref<3x16x8x64xf32, #tpu.memory_space<vmem>> -> memref<1x1x8x64xf32, #tpu.memory_space<vmem>>
      %dma_wait3A_1368 = tpu.memref_squeeze %dma_wait3A_1367 : memref<1x1x8x64xf32, #tpu.memory_space<vmem>> -> memref<8x64xf32, #tpu.memory_space<vmem>>
      %dma_wait3A_1369 = arith.constant 0 : i32
      %dma_wait3A_1370 = arith.constant 0 : i32
      %dma_wait3A_1371 = tpu.memref_slice %arg4[%dma_wait3A_1369, %dma_wait3A_1370] : memref<1000000x64xf32, #tpu.memory_space<hbm>> -> memref<8x64xf32, #tpu.memory_space<hbm>>
      %dma_wait3A_1372 = tpu.memref_slice %arg12[%rem3A_1309] : memref<3x!tpu.dma_semaphore, #tpu.memory_space<semaphore_mem>> -> memref<1x!tpu.dma_semaphore, #tpu.memory_space<semaphore_mem>>
      %dma_wait3A_1373 = tpu.memref_squeeze %dma_wait3A_1372 : memref<1x!tpu.dma_semaphore, #tpu.memory_space<semaphore_mem>> -> memref<!tpu.dma_semaphore, #tpu.memory_space<semaphore_mem>>
      %dma_wait3A_1374 = arith.constant 0 : i32
      %dma_wait3A_1375 = arith.constant 0 : i32
      %dma_wait3A_1376 = tpu.memref_slice %arg9[%rem3A_1309, %dma_wait3A_1364, %dma_wait3A_1374, %dma_wait3A_1375] : memref<3x16x8x64xf32, #tpu.memory_space<vmem>> -> memref<1x1x8x64xf32, #tpu.memory_space<vmem>>
      %dma_wait3A_1377 = tpu.memref_squeeze %dma_wait3A_1376 : memref<1x1x8x64xf32, #tpu.memory_space<vmem>> -> memref<8x64xf32, #tpu.memory_space<vmem>>
      %dma_wait3A_1378 = arith.constant 0 : i32
      %dma_wait3A_1379 = arith.constant 0 : i32
      %dma_wait3A_1380 = tpu.memref_slice %arg4[%dma_wait3A_1378, %dma_wait3A_1379] : memref<1000000x64xf32, #tpu.memory_space<hbm>> -> memref<8x64xf32, #tpu.memory_space<hbm>>
      tpu.wait_dma2 semaphore(%dma_wait3A_1373 : memref<!tpu.dma_semaphore, #tpu.memory_space<semaphore_mem>>) src(%dma_wait3A_1380 : memref<8x64xf32, #tpu.memory_space<hbm>>) dst(%dma_wait3A_1377 : memref<8x64xf32, #tpu.memory_space<vmem>>)
      %dma_wait3A_1381 = arith.constant 2 : i32
      %dma_wait3A_1382 = arith.constant 0 : i32
      %dma_wait3A_1383 = arith.constant 0 : i32
      %dma_wait3A_1384 = tpu.memref_slice %arg8[%rem3A_1309, %dma_wait3A_1381, %dma_wait3A_1382, %dma_wait3A_1383] : memref<3x16x8x64xf32, #tpu.memory_space<vmem>> -> memref<1x1x8x64xf32, #tpu.memory_space<vmem>>
      %dma_wait3A_1385 = tpu.memref_squeeze %dma_wait3A_1384 : memref<1x1x8x64xf32, #tpu.memory_space<vmem>> -> memref<8x64xf32, #tpu.memory_space<vmem>>
      %dma_wait3A_1386 = arith.constant 0 : i32
      %dma_wait3A_1387 = arith.constant 0 : i32
      %dma_wait3A_1388 = tpu.memref_slice %arg4[%dma_wait3A_1386, %dma_wait3A_1387] : memref<1000000x64xf32, #tpu.memory_space<hbm>> -> memref<8x64xf32, #tpu.memory_space<hbm>>
      %dma_wait3A_1389 = tpu.memref_slice %arg11[%rem3A_1309] : memref<3x!tpu.dma_semaphore, #tpu.memory_space<semaphore_mem>> -> memref<1x!tpu.dma_semaphore, #tpu.memory_space<semaphore_mem>>
      %dma_wait3A_1390 = tpu.memref_squeeze %dma_wait3A_1389 : memref<1x!tpu.dma_semaphore, #tpu.memory_space<semaphore_mem>> -> memref<!tpu.dma_semaphore, #tpu.memory_space<semaphore_mem>>
      %dma_wait3A_1391 = arith.constant 0 : i32
      %dma_wait3A_1392 = arith.constant 0 : i32
      %dma_wait3A_1393 = tpu.memref_slice %arg8[%rem3A_1309, %dma_wait3A_1381, %dma_wait3A_1391, %dma_wait3A_1392] : memref<3x16x8x64xf32, #tpu.memory_space<vmem>> -> memref<1x1x8x64xf32, #tpu.memory_space<vmem>>
      %dma_wait3A_1394 = tpu.memref_squeeze %dma_wait3A_1393 : memref<1x1x8x64xf32, #tpu.memory_space<vmem>> -> memref<8x64xf32, #tpu.memory_space<vmem>>
      %dma_wait3A_1395 = arith.constant 0 : i32
      %dma_wait3A_1396 = arith.constant 0 : i32
      %dma_wait3A_1397 = tpu.memref_slice %arg4[%dma_wait3A_1395, %dma_wait3A_1396] : memref<1000000x64xf32, #tpu.memory_space<hbm>> -> memref<8x64xf32, #tpu.memory_space<hbm>>
      tpu.wait_dma2 semaphore(%dma_wait3A_1390 : memref<!tpu.dma_semaphore, #tpu.memory_space<semaphore_mem>>) src(%dma_wait3A_1397 : memref<8x64xf32, #tpu.memory_space<hbm>>) dst(%dma_wait3A_1394 : memref<8x64xf32, #tpu.memory_space<vmem>>)
      %dma_wait3A_1398 = arith.constant 2 : i32
      %dma_wait3A_1399 = arith.constant 0 : i32
      %dma_wait3A_1400 = arith.constant 0 : i32
      %dma_wait3A_1401 = tpu.memref_slice %arg9[%rem3A_1309, %dma_wait3A_1398, %dma_wait3A_1399, %dma_wait3A_1400] : memref<3x16x8x64xf32, #tpu.memory_space<vmem>> -> memref<1x1x8x64xf32, #tpu.memory_space<vmem>>
      %dma_wait3A_1402 = tpu.memref_squeeze %dma_wait3A_1401 : memref<1x1x8x64xf32, #tpu.memory_space<vmem>> -> memref<8x64xf32, #tpu.memory_space<vmem>>
      %dma_wait3A_1403 = arith.constant 0 : i32
      %dma_wait3A_1404 = arith.constant 0 : i32
      %dma_wait3A_1405 = tpu.memref_slice %arg4[%dma_wait3A_1403, %dma_wait3A_1404] : memref<1000000x64xf32, #tpu.memory_space<hbm>> -> memref<8x64xf32, #tpu.memory_space<hbm>>
      %dma_wait3A_1406 = tpu.memref_slice %arg12[%rem3A_1309] : memref<3x!tpu.dma_semaphore, #tpu.memory_space<semaphore_mem>> -> memref<1x!tpu.dma_semaphore, #tpu.memory_space<semaphore_mem>>
      %dma_wait3A_1407 = tpu.memref_squeeze %dma_wait3A_1406 : memref<1x!tpu.dma_semaphore, #tpu.memory_space<semaphore_mem>> -> memref<!tpu.dma_semaphore, #tpu.memory_space<semaphore_mem>>
      %dma_wait3A_1408 = arith.constant 0 : i32
      %dma_wait3A_1409 = arith.constant 0 : i32
      %dma_wait3A_1410 = tpu.memref_slice %arg9[%rem3A_1309, %dma_wait3A_1398, %dma_wait3A_1408, %dma_wait3A_1409] : memref<3x16x8x64xf32, #tpu.memory_space<vmem>> -> memref<1x1x8x64xf32, #tpu.memory_space<vmem>>
      %dma_wait3A_1411 = tpu.memref_squeeze %dma_wait3A_1410 : memref<1x1x8x64xf32, #tpu.memory_space<vmem>> -> memref<8x64xf32, #tpu.memory_space<vmem>>
      %dma_wait3A_1412 = arith.constant 0 : i32
      %dma_wait3A_1413 = arith.constant 0 : i32
      %dma_wait3A_1414 = tpu.memref_slice %arg4[%dma_wait3A_1412, %dma_wait3A_1413] : memref<1000000x64xf32, #tpu.memory_space<hbm>> -> memref<8x64xf32, #tpu.memory_space<hbm>>
      tpu.wait_dma2 semaphore(%dma_wait3A_1407 : memref<!tpu.dma_semaphore, #tpu.memory_space<semaphore_mem>>) src(%dma_wait3A_1414 : memref<8x64xf32, #tpu.memory_space<hbm>>) dst(%dma_wait3A_1411 : memref<8x64xf32, #tpu.memory_space<vmem>>)
      %dma_wait3A_1415 = arith.constant 3 : i32
      %dma_wait3A_1416 = arith.constant 0 : i32
      %dma_wait3A_1417 = arith.constant 0 : i32
      %dma_wait3A_1418 = tpu.memref_slice %arg8[%rem3A_1309, %dma_wait3A_1415, %dma_wait3A_1416, %dma_wait3A_1417] : memref<3x16x8x64xf32, #tpu.memory_space<vmem>> -> memref<1x1x8x64xf32, #tpu.memory_space<vmem>>
      %dma_wait3A_1419 = tpu.memref_squeeze %dma_wait3A_1418 : memref<1x1x8x64xf32, #tpu.memory_space<vmem>> -> memref<8x64xf32, #tpu.memory_space<vmem>>
      %dma_wait3A_1420 = arith.constant 0 : i32
      %dma_wait3A_1421 = arith.constant 0 : i32
      %dma_wait3A_1422 = tpu.memref_slice %arg4[%dma_wait3A_1420, %dma_wait3A_1421] : memref<1000000x64xf32, #tpu.memory_space<hbm>> -> memref<8x64xf32, #tpu.memory_space<hbm>>
      %dma_wait3A_1423 = tpu.memref_slice %arg11[%rem3A_1309] : memref<3x!tpu.dma_semaphore, #tpu.memory_space<semaphore_mem>> -> memref<1x!tpu.dma_semaphore, #tpu.memory_space<semaphore_mem>>
      %dma_wait3A_1424 = tpu.memref_squeeze %dma_wait3A_1423 : memref<1x!tpu.dma_semaphore, #tpu.memory_space<semaphore_mem>> -> memref<!tpu.dma_semaphore, #tpu.memory_space<semaphore_mem>>
      %dma_wait3A_1425 = arith.constant 0 : i32
      %dma_wait3A_1426 = arith.constant 0 : i32
      %dma_wait3A_1427 = tpu.memref_slice %arg8[%rem3A_1309, %dma_wait3A_1415, %dma_wait3A_1425, %dma_wait3A_1426] : memref<3x16x8x64xf32, #tpu.memory_space<vmem>> -> memref<1x1x8x64xf32, #tpu.memory_space<vmem>>
      %dma_wait3A_1428 = tpu.memref_squeeze %dma_wait3A_1427 : memref<1x1x8x64xf32, #tpu.memory_space<vmem>> -> memref<8x64xf32, #tpu.memory_space<vmem>>
      %dma_wait3A_1429 = arith.constant 0 : i32
      %dma_wait3A_1430 = arith.constant 0 : i32
      %dma_wait3A_1431 = tpu.memref_slice %arg4[%dma_wait3A_1429, %dma_wait3A_1430] : memref<1000000x64xf32, #tpu.memory_space<hbm>> -> memref<8x64xf32, #tpu.memory_space<hbm>>
      tpu.wait_dma2 semaphore(%dma_wait3A_1424 : memref<!tpu.dma_semaphore, #tpu.memory_space<semaphore_mem>>) src(%dma_wait3A_1431 : memref<8x64xf32, #tpu.memory_space<hbm>>) dst(%dma_wait3A_1428 : memref<8x64xf32, #tpu.memory_space<vmem>>)
      %dma_wait3A_1432 = arith.constant 3 : i32
      %dma_wait3A_1433 = arith.constant 0 : i32
      %dma_wait3A_1434 = arith.constant 0 : i32
      %dma_wait3A_1435 = tpu.memref_slice %arg9[%rem3A_1309, %dma_wait3A_1432, %dma_wait3A_1433, %dma_wait3A_1434] : memref<3x16x8x64xf32, #tpu.memory_space<vmem>> -> memref<1x1x8x64xf32, #tpu.memory_space<vmem>>
      %dma_wait3A_1436 = tpu.memref_squeeze %dma_wait3A_1435 : memref<1x1x8x64xf32, #tpu.memory_space<vmem>> -> memref<8x64xf32, #tpu.memory_space<vmem>>
      %dma_wait3A_1437 = arith.constant 0 : i32
      %dma_wait3A_1438 = arith.constant 0 : i32
      %dma_wait3A_1439 = tpu.memref_slice %arg4[%dma_wait3A_1437, %dma_wait3A_1438] : memref<1000000x64xf32, #tpu.memory_space<hbm>> -> memref<8x64xf32, #tpu.memory_space<hbm>>
      %dma_wait3A_1440 = tpu.memref_slice %arg12[%rem3A_1309] : memref<3x!tpu.dma_semaphore, #tpu.memory_space<semaphore_mem>> -> memref<1x!tpu.dma_semaphore, #tpu.memory_space<semaphore_mem>>
      %dma_wait3A_1441 = tpu.memref_squeeze %dma_wait3A_1440 : memref<1x!tpu.dma_semaphore, #tpu.memory_space<semaphore_mem>> -> memref<!tpu.dma_semaphore, #tpu.memory_space<semaphore_mem>>
      %dma_wait3A_1442 = arith.constant 0 : i32
      %dma_wait3A_1443 = arith.constant 0 : i32
      %dma_wait3A_1444 = tpu.memref_slice %arg9[%rem3A_1309, %dma_wait3A_1432, %dma_wait3A_1442, %dma_wait3A_1443] : memref<3x16x8x64xf32, #tpu.memory_space<vmem>> -> memref<1x1x8x64xf32, #tpu.memory_space<vmem>>
      %dma_wait3A_1445 = tpu.memref_squeeze %dma_wait3A_1444 : memref<1x1x8x64xf32, #tpu.memory_space<vmem>> -> memref<8x64xf32, #tpu.memory_space<vmem>>
      %dma_wait3A_1446 = arith.constant 0 : i32
      %dma_wait3A_1447 = arith.constant 0 : i32
      %dma_wait3A_1448 = tpu.memref_slice %arg4[%dma_wait3A_1446, %dma_wait3A_1447] : memref<1000000x64xf32, #tpu.memory_space<hbm>> -> memref<8x64xf32, #tpu.memory_space<hbm>>
      tpu.wait_dma2 semaphore(%dma_wait3A_1441 : memref<!tpu.dma_semaphore, #tpu.memory_space<semaphore_mem>>) src(%dma_wait3A_1448 : memref<8x64xf32, #tpu.memory_space<hbm>>) dst(%dma_wait3A_1445 : memref<8x64xf32, #tpu.memory_space<vmem>>)
      %dma_wait3A_1449 = arith.constant 4 : i32
      %dma_wait3A_1450 = arith.constant 0 : i32
      %dma_wait3A_1451 = arith.constant 0 : i32
      %dma_wait3A_1452 = tpu.memref_slice %arg8[%rem3A_1309, %dma_wait3A_1449, %dma_wait3A_1450, %dma_wait3A_1451] : memref<3x16x8x64xf32, #tpu.memory_space<vmem>> -> memref<1x1x8x64xf32, #tpu.memory_space<vmem>>
      %dma_wait3A_1453 = tpu.memref_squeeze %dma_wait3A_1452 : memref<1x1x8x64xf32, #tpu.memory_space<vmem>> -> memref<8x64xf32, #tpu.memory_space<vmem>>
      %dma_wait3A_1454 = arith.constant 0 : i32
      %dma_wait3A_1455 = arith.constant 0 : i32
      %dma_wait3A_1456 = tpu.memref_slice %arg4[%dma_wait3A_1454, %dma_wait3A_1455] : memref<1000000x64xf32, #tpu.memory_space<hbm>> -> memref<8x64xf32, #tpu.memory_space<hbm>>
      %dma_wait3A_1457 = tpu.memref_slice %arg11[%rem3A_1309] : memref<3x!tpu.dma_semaphore, #tpu.memory_space<semaphore_mem>> -> memref<1x!tpu.dma_semaphore, #tpu.memory_space<semaphore_mem>>
      %dma_wait3A_1458 = tpu.memref_squeeze %dma_wait3A_1457 : memref<1x!tpu.dma_semaphore, #tpu.memory_space<semaphore_mem>> -> memref<!tpu.dma_semaphore, #tpu.memory_space<semaphore_mem>>
      %dma_wait3A_1459 = arith.constant 0 : i32
      %dma_wait3A_1460 = arith.constant 0 : i32
      %dma_wait3A_1461 = tpu.memref_slice %arg8[%rem3A_1309, %dma_wait3A_1449, %dma_wait3A_1459, %dma_wait3A_1460] : memref<3x16x8x64xf32, #tpu.memory_space<vmem>> -> memref<1x1x8x64xf32, #tpu.memory_space<vmem>>
      %dma_wait3A_1462 = tpu.memref_squeeze %dma_wait3A_1461 : memref<1x1x8x64xf32, #tpu.memory_space<vmem>> -> memref<8x64xf32, #tpu.memory_space<vmem>>
      %dma_wait3A_1463 = arith.constant 0 : i32
      %dma_wait3A_1464 = arith.constant 0 : i32
      %dma_wait3A_1465 = tpu.memref_slice %arg4[%dma_wait3A_1463, %dma_wait3A_1464] : memref<1000000x64xf32, #tpu.memory_space<hbm>> -> memref<8x64xf32, #tpu.memory_space<hbm>>
      tpu.wait_dma2 semaphore(%dma_wait3A_1458 : memref<!tpu.dma_semaphore, #tpu.memory_space<semaphore_mem>>) src(%dma_wait3A_1465 : memref<8x64xf32, #tpu.memory_space<hbm>>) dst(%dma_wait3A_1462 : memref<8x64xf32, #tpu.memory_space<vmem>>)
      %dma_wait3A_1466 = arith.constant 4 : i32
      %dma_wait3A_1467 = arith.constant 0 : i32
      %dma_wait3A_1468 = arith.constant 0 : i32
      %dma_wait3A_1469 = tpu.memref_slice %arg9[%rem3A_1309, %dma_wait3A_1466, %dma_wait3A_1467, %dma_wait3A_1468] : memref<3x16x8x64xf32, #tpu.memory_space<vmem>> -> memref<1x1x8x64xf32, #tpu.memory_space<vmem>>
      %dma_wait3A_1470 = tpu.memref_squeeze %dma_wait3A_1469 : memref<1x1x8x64xf32, #tpu.memory_space<vmem>> -> memref<8x64xf32, #tpu.memory_space<vmem>>
      %dma_wait3A_1471 = arith.constant 0 : i32
      %dma_wait3A_1472 = arith.constant 0 : i32
      %dma_wait3A_1473 = tpu.memref_slice %arg4[%dma_wait3A_1471, %dma_wait3A_1472] : memref<1000000x64xf32, #tpu.memory_space<hbm>> -> memref<8x64xf32, #tpu.memory_space<hbm>>
      %dma_wait3A_1474 = tpu.memref_slice %arg12[%rem3A_1309] : memref<3x!tpu.dma_semaphore, #tpu.memory_space<semaphore_mem>> -> memref<1x!tpu.dma_semaphore, #tpu.memory_space<semaphore_mem>>
      %dma_wait3A_1475 = tpu.memref_squeeze %dma_wait3A_1474 : memref<1x!tpu.dma_semaphore, #tpu.memory_space<semaphore_mem>> -> memref<!tpu.dma_semaphore, #tpu.memory_space<semaphore_mem>>
      %dma_wait3A_1476 = arith.constant 0 : i32
      %dma_wait3A_1477 = arith.constant 0 : i32
      %dma_wait3A_1478 = tpu.memref_slice %arg9[%rem3A_1309, %dma_wait3A_1466, %dma_wait3A_1476, %dma_wait3A_1477] : memref<3x16x8x64xf32, #tpu.memory_space<vmem>> -> memref<1x1x8x64xf32, #tpu.memory_space<vmem>>
      %dma_wait3A_1479 = tpu.memref_squeeze %dma_wait3A_1478 : memref<1x1x8x64xf32, #tpu.memory_space<vmem>> -> memref<8x64xf32, #tpu.memory_space<vmem>>
      %dma_wait3A_1480 = arith.constant 0 : i32
      %dma_wait3A_1481 = arith.constant 0 : i32
      %dma_wait3A_1482 = tpu.memref_slice %arg4[%dma_wait3A_1480, %dma_wait3A_1481] : memref<1000000x64xf32, #tpu.memory_space<hbm>> -> memref<8x64xf32, #tpu.memory_space<hbm>>
      tpu.wait_dma2 semaphore(%dma_wait3A_1475 : memref<!tpu.dma_semaphore, #tpu.memory_space<semaphore_mem>>) src(%dma_wait3A_1482 : memref<8x64xf32, #tpu.memory_space<hbm>>) dst(%dma_wait3A_1479 : memref<8x64xf32, #tpu.memory_space<vmem>>)
      %dma_wait3A_1483 = arith.constant 5 : i32
      %dma_wait3A_1484 = arith.constant 0 : i32
      %dma_wait3A_1485 = arith.constant 0 : i32
      %dma_wait3A_1486 = tpu.memref_slice %arg8[%rem3A_1309, %dma_wait3A_1483, %dma_wait3A_1484, %dma_wait3A_1485] : memref<3x16x8x64xf32, #tpu.memory_space<vmem>> -> memref<1x1x8x64xf32, #tpu.memory_space<vmem>>
      %dma_wait3A_1487 = tpu.memref_squeeze %dma_wait3A_1486 : memref<1x1x8x64xf32, #tpu.memory_space<vmem>> -> memref<8x64xf32, #tpu.memory_space<vmem>>
      %dma_wait3A_1488 = arith.constant 0 : i32
      %dma_wait3A_1489 = arith.constant 0 : i32
      %dma_wait3A_1490 = tpu.memref_slice %arg4[%dma_wait3A_1488, %dma_wait3A_1489] : memref<1000000x64xf32, #tpu.memory_space<hbm>> -> memref<8x64xf32, #tpu.memory_space<hbm>>
      %dma_wait3A_1491 = tpu.memref_slice %arg11[%rem3A_1309] : memref<3x!tpu.dma_semaphore, #tpu.memory_space<semaphore_mem>> -> memref<1x!tpu.dma_semaphore, #tpu.memory_space<semaphore_mem>>
      %dma_wait3A_1492 = tpu.memref_squeeze %dma_wait3A_1491 : memref<1x!tpu.dma_semaphore, #tpu.memory_space<semaphore_mem>> -> memref<!tpu.dma_semaphore, #tpu.memory_space<semaphore_mem>>
      %dma_wait3A_1493 = arith.constant 0 : i32
      %dma_wait3A_1494 = arith.constant 0 : i32
      %dma_wait3A_1495 = tpu.memref_slice %arg8[%rem3A_1309, %dma_wait3A_1483, %dma_wait3A_1493, %dma_wait3A_1494] : memref<3x16x8x64xf32, #tpu.memory_space<vmem>> -> memref<1x1x8x64xf32, #tpu.memory_space<vmem>>
      %dma_wait3A_1496 = tpu.memref_squeeze %dma_wait3A_1495 : memref<1x1x8x64xf32, #tpu.memory_space<vmem>> -> memref<8x64xf32, #tpu.memory_space<vmem>>
      %dma_wait3A_1497 = arith.constant 0 : i32
      %dma_wait3A_1498 = arith.constant 0 : i32
      %dma_wait3A_1499 = tpu.memref_slice %arg4[%dma_wait3A_1497, %dma_wait3A_1498] : memref<1000000x64xf32, #tpu.memory_space<hbm>> -> memref<8x64xf32, #tpu.memory_space<hbm>>
      tpu.wait_dma2 semaphore(%dma_wait3A_1492 : memref<!tpu.dma_semaphore, #tpu.memory_space<semaphore_mem>>) src(%dma_wait3A_1499 : memref<8x64xf32, #tpu.memory_space<hbm>>) dst(%dma_wait3A_1496 : memref<8x64xf32, #tpu.memory_space<vmem>>)
      %dma_wait3A_1500 = arith.constant 5 : i32
      %dma_wait3A_1501 = arith.constant 0 : i32
      %dma_wait3A_1502 = arith.constant 0 : i32
      %dma_wait3A_1503 = tpu.memref_slice %arg9[%rem3A_1309, %dma_wait3A_1500, %dma_wait3A_1501, %dma_wait3A_1502] : memref<3x16x8x64xf32, #tpu.memory_space<vmem>> -> memref<1x1x8x64xf32, #tpu.memory_space<vmem>>
      %dma_wait3A_1504 = tpu.memref_squeeze %dma_wait3A_1503 : memref<1x1x8x64xf32, #tpu.memory_space<vmem>> -> memref<8x64xf32, #tpu.memory_space<vmem>>
      %dma_wait3A_1505 = arith.constant 0 : i32
      %dma_wait3A_1506 = arith.constant 0 : i32
      %dma_wait3A_1507 = tpu.memref_slice %arg4[%dma_wait3A_1505, %dma_wait3A_1506] : memref<1000000x64xf32, #tpu.memory_space<hbm>> -> memref<8x64xf32, #tpu.memory_space<hbm>>
      %dma_wait3A_1508 = tpu.memref_slice %arg12[%rem3A_1309] : memref<3x!tpu.dma_semaphore, #tpu.memory_space<semaphore_mem>> -> memref<1x!tpu.dma_semaphore, #tpu.memory_space<semaphore_mem>>
      %dma_wait3A_1509 = tpu.memref_squeeze %dma_wait3A_1508 : memref<1x!tpu.dma_semaphore, #tpu.memory_space<semaphore_mem>> -> memref<!tpu.dma_semaphore, #tpu.memory_space<semaphore_mem>>
      %dma_wait3A_1510 = arith.constant 0 : i32
      %dma_wait3A_1511 = arith.constant 0 : i32
      %dma_wait3A_1512 = tpu.memref_slice %arg9[%rem3A_1309, %dma_wait3A_1500, %dma_wait3A_1510, %dma_wait3A_1511] : memref<3x16x8x64xf32, #tpu.memory_space<vmem>> -> memref<1x1x8x64xf32, #tpu.memory_space<vmem>>
      %dma_wait3A_1513 = tpu.memref_squeeze %dma_wait3A_1512 : memref<1x1x8x64xf32, #tpu.memory_space<vmem>> -> memref<8x64xf32, #tpu.memory_space<vmem>>
      %dma_wait3A_1514 = arith.constant 0 : i32
      %dma_wait3A_1515 = arith.constant 0 : i32
      %dma_wait3A_1516 = tpu.memref_slice %arg4[%dma_wait3A_1514, %dma_wait3A_1515] : memref<1000000x64xf32, #tpu.memory_space<hbm>> -> memref<8x64xf32, #tpu.memory_space<hbm>>
      tpu.wait_dma2 semaphore(%dma_wait3A_1509 : memref<!tpu.dma_semaphore, #tpu.memory_space<semaphore_mem>>) src(%dma_wait3A_1516 : memref<8x64xf32, #tpu.memory_space<hbm>>) dst(%dma_wait3A_1513 : memref<8x64xf32, #tpu.memory_space<vmem>>)
      %dma_wait3A_1517 = arith.constant 6 : i32
      %dma_wait3A_1518 = arith.constant 0 : i32
      %dma_wait3A_1519 = arith.constant 0 : i32
      %dma_wait3A_1520 = tpu.memref_slice %arg8[%rem3A_1309, %dma_wait3A_1517, %dma_wait3A_1518, %dma_wait3A_1519] : memref<3x16x8x64xf32, #tpu.memory_space<vmem>> -> memref<1x1x8x64xf32, #tpu.memory_space<vmem>>
      %dma_wait3A_1521 = tpu.memref_squeeze %dma_wait3A_1520 : memref<1x1x8x64xf32, #tpu.memory_space<vmem>> -> memref<8x64xf32, #tpu.memory_space<vmem>>
      %dma_wait3A_1522 = arith.constant 0 : i32
      %dma_wait3A_1523 = arith.constant 0 : i32
      %dma_wait3A_1524 = tpu.memref_slice %arg4[%dma_wait3A_1522, %dma_wait3A_1523] : memref<1000000x64xf32, #tpu.memory_space<hbm>> -> memref<8x64xf32, #tpu.memory_space<hbm>>
      %dma_wait3A_1525 = tpu.memref_slice %arg11[%rem3A_1309] : memref<3x!tpu.dma_semaphore, #tpu.memory_space<semaphore_mem>> -> memref<1x!tpu.dma_semaphore, #tpu.memory_space<semaphore_mem>>
      %dma_wait3A_1526 = tpu.memref_squeeze %dma_wait3A_1525 : memref<1x!tpu.dma_semaphore, #tpu.memory_space<semaphore_mem>> -> memref<!tpu.dma_semaphore, #tpu.memory_space<semaphore_mem>>
      %dma_wait3A_1527 = arith.constant 0 : i32
      %dma_wait3A_1528 = arith.constant 0 : i32
      %dma_wait3A_1529 = tpu.memref_slice %arg8[%rem3A_1309, %dma_wait3A_1517, %dma_wait3A_1527, %dma_wait3A_1528] : memref<3x16x8x64xf32, #tpu.memory_space<vmem>> -> memref<1x1x8x64xf32, #tpu.memory_space<vmem>>
      %dma_wait3A_1530 = tpu.memref_squeeze %dma_wait3A_1529 : memref<1x1x8x64xf32, #tpu.memory_space<vmem>> -> memref<8x64xf32, #tpu.memory_space<vmem>>
      %dma_wait3A_1531 = arith.constant 0 : i32
      %dma_wait3A_1532 = arith.constant 0 : i32
      %dma_wait3A_1533 = tpu.memref_slice %arg4[%dma_wait3A_1531, %dma_wait3A_1532] : memref<1000000x64xf32, #tpu.memory_space<hbm>> -> memref<8x64xf32, #tpu.memory_space<hbm>>
      tpu.wait_dma2 semaphore(%dma_wait3A_1526 : memref<!tpu.dma_semaphore, #tpu.memory_space<semaphore_mem>>) src(%dma_wait3A_1533 : memref<8x64xf32, #tpu.memory_space<hbm>>) dst(%dma_wait3A_1530 : memref<8x64xf32, #tpu.memory_space<vmem>>)
      %dma_wait3A_1534 = arith.constant 6 : i32
      %dma_wait3A_1535 = arith.constant 0 : i32
      %dma_wait3A_1536 = arith.constant 0 : i32
      %dma_wait3A_1537 = tpu.memref_slice %arg9[%rem3A_1309, %dma_wait3A_1534, %dma_wait3A_1535, %dma_wait3A_1536] : memref<3x16x8x64xf32, #tpu.memory_space<vmem>> -> memref<1x1x8x64xf32, #tpu.memory_space<vmem>>
      %dma_wait3A_1538 = tpu.memref_squeeze %dma_wait3A_1537 : memref<1x1x8x64xf32, #tpu.memory_space<vmem>> -> memref<8x64xf32, #tpu.memory_space<vmem>>
      %dma_wait3A_1539 = arith.constant 0 : i32
      %dma_wait3A_1540 = arith.constant 0 : i32
      %dma_wait3A_1541 = tpu.memref_slice %arg4[%dma_wait3A_1539, %dma_wait3A_1540] : memref<1000000x64xf32, #tpu.memory_space<hbm>> -> memref<8x64xf32, #tpu.memory_space<hbm>>
      %dma_wait3A_1542 = tpu.memref_slice %arg12[%rem3A_1309] : memref<3x!tpu.dma_semaphore, #tpu.memory_space<semaphore_mem>> -> memref<1x!tpu.dma_semaphore, #tpu.memory_space<semaphore_mem>>
      %dma_wait3A_1543 = tpu.memref_squeeze %dma_wait3A_1542 : memref<1x!tpu.dma_semaphore, #tpu.memory_space<semaphore_mem>> -> memref<!tpu.dma_semaphore, #tpu.memory_space<semaphore_mem>>
      %dma_wait3A_1544 = arith.constant 0 : i32
      %dma_wait3A_1545 = arith.constant 0 : i32
      %dma_wait3A_1546 = tpu.memref_slice %arg9[%rem3A_1309, %dma_wait3A_1534, %dma_wait3A_1544, %dma_wait3A_1545] : memref<3x16x8x64xf32, #tpu.memory_space<vmem>> -> memref<1x1x8x64xf32, #tpu.memory_space<vmem>>
      %dma_wait3A_1547 = tpu.memref_squeeze %dma_wait3A_1546 : memref<1x1x8x64xf32, #tpu.memory_space<vmem>> -> memref<8x64xf32, #tpu.memory_space<vmem>>
      %dma_wait3A_1548 = arith.constant 0 : i32
      %dma_wait3A_1549 = arith.constant 0 : i32
      %dma_wait3A_1550 = tpu.memref_slice %arg4[%dma_wait3A_1548, %dma_wait3A_1549] : memref<1000000x64xf32, #tpu.memory_space<hbm>> -> memref<8x64xf32, #tpu.memory_space<hbm>>
      tpu.wait_dma2 semaphore(%dma_wait3A_1543 : memref<!tpu.dma_semaphore, #tpu.memory_space<semaphore_mem>>) src(%dma_wait3A_1550 : memref<8x64xf32, #tpu.memory_space<hbm>>) dst(%dma_wait3A_1547 : memref<8x64xf32, #tpu.memory_space<vmem>>)
      %dma_wait3A_1551 = arith.constant 7 : i32
      %dma_wait3A_1552 = arith.constant 0 : i32
      %dma_wait3A_1553 = arith.constant 0 : i32
      %dma_wait3A_1554 = tpu.memref_slice %arg8[%rem3A_1309, %dma_wait3A_1551, %dma_wait3A_1552, %dma_wait3A_1553] : memref<3x16x8x64xf32, #tpu.memory_space<vmem>> -> memref<1x1x8x64xf32, #tpu.memory_space<vmem>>
      %dma_wait3A_1555 = tpu.memref_squeeze %dma_wait3A_1554 : memref<1x1x8x64xf32, #tpu.memory_space<vmem>> -> memref<8x64xf32, #tpu.memory_space<vmem>>
      %dma_wait3A_1556 = arith.constant 0 : i32
      %dma_wait3A_1557 = arith.constant 0 : i32
      %dma_wait3A_1558 = tpu.memref_slice %arg4[%dma_wait3A_1556, %dma_wait3A_1557] : memref<1000000x64xf32, #tpu.memory_space<hbm>> -> memref<8x64xf32, #tpu.memory_space<hbm>>
      %dma_wait3A_1559 = tpu.memref_slice %arg11[%rem3A_1309] : memref<3x!tpu.dma_semaphore, #tpu.memory_space<semaphore_mem>> -> memref<1x!tpu.dma_semaphore, #tpu.memory_space<semaphore_mem>>
      %dma_wait3A_1560 = tpu.memref_squeeze %dma_wait3A_1559 : memref<1x!tpu.dma_semaphore, #tpu.memory_space<semaphore_mem>> -> memref<!tpu.dma_semaphore, #tpu.memory_space<semaphore_mem>>
      %dma_wait3A_1561 = arith.constant 0 : i32
      %dma_wait3A_1562 = arith.constant 0 : i32
      %dma_wait3A_1563 = tpu.memref_slice %arg8[%rem3A_1309, %dma_wait3A_1551, %dma_wait3A_1561, %dma_wait3A_1562] : memref<3x16x8x64xf32, #tpu.memory_space<vmem>> -> memref<1x1x8x64xf32, #tpu.memory_space<vmem>>
      %dma_wait3A_1564 = tpu.memref_squeeze %dma_wait3A_1563 : memref<1x1x8x64xf32, #tpu.memory_space<vmem>> -> memref<8x64xf32, #tpu.memory_space<vmem>>
      %dma_wait3A_1565 = arith.constant 0 : i32
      %dma_wait3A_1566 = arith.constant 0 : i32
      %dma_wait3A_1567 = tpu.memref_slice %arg4[%dma_wait3A_1565, %dma_wait3A_1566] : memref<1000000x64xf32, #tpu.memory_space<hbm>> -> memref<8x64xf32, #tpu.memory_space<hbm>>
      tpu.wait_dma2 semaphore(%dma_wait3A_1560 : memref<!tpu.dma_semaphore, #tpu.memory_space<semaphore_mem>>) src(%dma_wait3A_1567 : memref<8x64xf32, #tpu.memory_space<hbm>>) dst(%dma_wait3A_1564 : memref<8x64xf32, #tpu.memory_space<vmem>>)
      %dma_wait3A_1568 = arith.constant 7 : i32
      %dma_wait3A_1569 = arith.constant 0 : i32
      %dma_wait3A_1570 = arith.constant 0 : i32
      %dma_wait3A_1571 = tpu.memref_slice %arg9[%rem3A_1309, %dma_wait3A_1568, %dma_wait3A_1569, %dma_wait3A_1570] : memref<3x16x8x64xf32, #tpu.memory_space<vmem>> -> memref<1x1x8x64xf32, #tpu.memory_space<vmem>>
      %dma_wait3A_1572 = tpu.memref_squeeze %dma_wait3A_1571 : memref<1x1x8x64xf32, #tpu.memory_space<vmem>> -> memref<8x64xf32, #tpu.memory_space<vmem>>
      %dma_wait3A_1573 = arith.constant 0 : i32
      %dma_wait3A_1574 = arith.constant 0 : i32
      %dma_wait3A_1575 = tpu.memref_slice %arg4[%dma_wait3A_1573, %dma_wait3A_1574] : memref<1000000x64xf32, #tpu.memory_space<hbm>> -> memref<8x64xf32, #tpu.memory_space<hbm>>
      %dma_wait3A_1576 = tpu.memref_slice %arg12[%rem3A_1309] : memref<3x!tpu.dma_semaphore, #tpu.memory_space<semaphore_mem>> -> memref<1x!tpu.dma_semaphore, #tpu.memory_space<semaphore_mem>>
      %dma_wait3A_1577 = tpu.memref_squeeze %dma_wait3A_1576 : memref<1x!tpu.dma_semaphore, #tpu.memory_space<semaphore_mem>> -> memref<!tpu.dma_semaphore, #tpu.memory_space<semaphore_mem>>
      %dma_wait3A_1578 = arith.constant 0 : i32
      %dma_wait3A_1579 = arith.constant 0 : i32
      %dma_wait3A_1580 = tpu.memref_slice %arg9[%rem3A_1309, %dma_wait3A_1568, %dma_wait3A_1578, %dma_wait3A_1579] : memref<3x16x8x64xf32, #tpu.memory_space<vmem>> -> memref<1x1x8x64xf32, #tpu.memory_space<vmem>>
      %dma_wait3A_1581 = tpu.memref_squeeze %dma_wait3A_1580 : memref<1x1x8x64xf32, #tpu.memory_space<vmem>> -> memref<8x64xf32, #tpu.memory_space<vmem>>
      %dma_wait3A_1582 = arith.constant 0 : i32
      %dma_wait3A_1583 = arith.constant 0 : i32
      %dma_wait3A_1584 = tpu.memref_slice %arg4[%dma_wait3A_1582, %dma_wait3A_1583] : memref<1000000x64xf32, #tpu.memory_space<hbm>> -> memref<8x64xf32, #tpu.memory_space<hbm>>
      tpu.wait_dma2 semaphore(%dma_wait3A_1577 : memref<!tpu.dma_semaphore, #tpu.memory_space<semaphore_mem>>) src(%dma_wait3A_1584 : memref<8x64xf32, #tpu.memory_space<hbm>>) dst(%dma_wait3A_1581 : memref<8x64xf32, #tpu.memory_space<vmem>>)
      %dma_wait3A_1585 = arith.constant 8 : i32
      %dma_wait3A_1586 = arith.constant 0 : i32
      %dma_wait3A_1587 = arith.constant 0 : i32
      %dma_wait3A_1588 = tpu.memref_slice %arg8[%rem3A_1309, %dma_wait3A_1585, %dma_wait3A_1586, %dma_wait3A_1587] : memref<3x16x8x64xf32, #tpu.memory_space<vmem>> -> memref<1x1x8x64xf32, #tpu.memory_space<vmem>>
      %dma_wait3A_1589 = tpu.memref_squeeze %dma_wait3A_1588 : memref<1x1x8x64xf32, #tpu.memory_space<vmem>> -> memref<8x64xf32, #tpu.memory_space<vmem>>
      %dma_wait3A_1590 = arith.constant 0 : i32
      %dma_wait3A_1591 = arith.constant 0 : i32
      %dma_wait3A_1592 = tpu.memref_slice %arg4[%dma_wait3A_1590, %dma_wait3A_1591] : memref<1000000x64xf32, #tpu.memory_space<hbm>> -> memref<8x64xf32, #tpu.memory_space<hbm>>
      %dma_wait3A_1593 = tpu.memref_slice %arg11[%rem3A_1309] : memref<3x!tpu.dma_semaphore, #tpu.memory_space<semaphore_mem>> -> memref<1x!tpu.dma_semaphore, #tpu.memory_space<semaphore_mem>>
      %dma_wait3A_1594 = tpu.memref_squeeze %dma_wait3A_1593 : memref<1x!tpu.dma_semaphore, #tpu.memory_space<semaphore_mem>> -> memref<!tpu.dma_semaphore, #tpu.memory_space<semaphore_mem>>
      %dma_wait3A_1595 = arith.constant 0 : i32
      %dma_wait3A_1596 = arith.constant 0 : i32
      %dma_wait3A_1597 = tpu.memref_slice %arg8[%rem3A_1309, %dma_wait3A_1585, %dma_wait3A_1595, %dma_wait3A_1596] : memref<3x16x8x64xf32, #tpu.memory_space<vmem>> -> memref<1x1x8x64xf32, #tpu.memory_space<vmem>>
      %dma_wait3A_1598 = tpu.memref_squeeze %dma_wait3A_1597 : memref<1x1x8x64xf32, #tpu.memory_space<vmem>> -> memref<8x64xf32, #tpu.memory_space<vmem>>
      %dma_wait3A_1599 = arith.constant 0 : i32
      %dma_wait3A_1600 = arith.constant 0 : i32
      %dma_wait3A_1601 = tpu.memref_slice %arg4[%dma_wait3A_1599, %dma_wait3A_1600] : memref<1000000x64xf32, #tpu.memory_space<hbm>> -> memref<8x64xf32, #tpu.memory_space<hbm>>
      tpu.wait_dma2 semaphore(%dma_wait3A_1594 : memref<!tpu.dma_semaphore, #tpu.memory_space<semaphore_mem>>) src(%dma_wait3A_1601 : memref<8x64xf32, #tpu.memory_space<hbm>>) dst(%dma_wait3A_1598 : memref<8x64xf32, #tpu.memory_space<vmem>>)
      %dma_wait3A_1602 = arith.constant 8 : i32
      %dma_wait3A_1603 = arith.constant 0 : i32
      %dma_wait3A_1604 = arith.constant 0 : i32
      %dma_wait3A_1605 = tpu.memref_slice %arg9[%rem3A_1309, %dma_wait3A_1602, %dma_wait3A_1603, %dma_wait3A_1604] : memref<3x16x8x64xf32, #tpu.memory_space<vmem>> -> memref<1x1x8x64xf32, #tpu.memory_space<vmem>>
      %dma_wait3A_1606 = tpu.memref_squeeze %dma_wait3A_1605 : memref<1x1x8x64xf32, #tpu.memory_space<vmem>> -> memref<8x64xf32, #tpu.memory_space<vmem>>
      %dma_wait3A_1607 = arith.constant 0 : i32
      %dma_wait3A_1608 = arith.constant 0 : i32
      %dma_wait3A_1609 = tpu.memref_slice %arg4[%dma_wait3A_1607, %dma_wait3A_1608] : memref<1000000x64xf32, #tpu.memory_space<hbm>> -> memref<8x64xf32, #tpu.memory_space<hbm>>
      %dma_wait3A_1610 = tpu.memref_slice %arg12[%rem3A_1309] : memref<3x!tpu.dma_semaphore, #tpu.memory_space<semaphore_mem>> -> memref<1x!tpu.dma_semaphore, #tpu.memory_space<semaphore_mem>>
      %dma_wait3A_1611 = tpu.memref_squeeze %dma_wait3A_1610 : memref<1x!tpu.dma_semaphore, #tpu.memory_space<semaphore_mem>> -> memref<!tpu.dma_semaphore, #tpu.memory_space<semaphore_mem>>
      %dma_wait3A_1612 = arith.constant 0 : i32
      %dma_wait3A_1613 = arith.constant 0 : i32
      %dma_wait3A_1614 = tpu.memref_slice %arg9[%rem3A_1309, %dma_wait3A_1602, %dma_wait3A_1612, %dma_wait3A_1613] : memref<3x16x8x64xf32, #tpu.memory_space<vmem>> -> memref<1x1x8x64xf32, #tpu.memory_space<vmem>>
      %dma_wait3A_1615 = tpu.memref_squeeze %dma_wait3A_1614 : memref<1x1x8x64xf32, #tpu.memory_space<vmem>> -> memref<8x64xf32, #tpu.memory_space<vmem>>
      %dma_wait3A_1616 = arith.constant 0 : i32
      %dma_wait3A_1617 = arith.constant 0 : i32
      %dma_wait3A_1618 = tpu.memref_slice %arg4[%dma_wait3A_1616, %dma_wait3A_1617] : memref<1000000x64xf32, #tpu.memory_space<hbm>> -> memref<8x64xf32, #tpu.memory_space<hbm>>
      tpu.wait_dma2 semaphore(%dma_wait3A_1611 : memref<!tpu.dma_semaphore, #tpu.memory_space<semaphore_mem>>) src(%dma_wait3A_1618 : memref<8x64xf32, #tpu.memory_space<hbm>>) dst(%dma_wait3A_1615 : memref<8x64xf32, #tpu.memory_space<vmem>>)
      %dma_wait3A_1619 = arith.constant 9 : i32
      %dma_wait3A_1620 = arith.constant 0 : i32
      %dma_wait3A_1621 = arith.constant 0 : i32
      %dma_wait3A_1622 = tpu.memref_slice %arg8[%rem3A_1309, %dma_wait3A_1619, %dma_wait3A_1620, %dma_wait3A_1621] : memref<3x16x8x64xf32, #tpu.memory_space<vmem>> -> memref<1x1x8x64xf32, #tpu.memory_space<vmem>>
      %dma_wait3A_1623 = tpu.memref_squeeze %dma_wait3A_1622 : memref<1x1x8x64xf32, #tpu.memory_space<vmem>> -> memref<8x64xf32, #tpu.memory_space<vmem>>
      %dma_wait3A_1624 = arith.constant 0 : i32
      %dma_wait3A_1625 = arith.constant 0 : i32
      %dma_wait3A_1626 = tpu.memref_slice %arg4[%dma_wait3A_1624, %dma_wait3A_1625] : memref<1000000x64xf32, #tpu.memory_space<hbm>> -> memref<8x64xf32, #tpu.memory_space<hbm>>
      %dma_wait3A_1627 = tpu.memref_slice %arg11[%rem3A_1309] : memref<3x!tpu.dma_semaphore, #tpu.memory_space<semaphore_mem>> -> memref<1x!tpu.dma_semaphore, #tpu.memory_space<semaphore_mem>>
      %dma_wait3A_1628 = tpu.memref_squeeze %dma_wait3A_1627 : memref<1x!tpu.dma_semaphore, #tpu.memory_space<semaphore_mem>> -> memref<!tpu.dma_semaphore, #tpu.memory_space<semaphore_mem>>
      %dma_wait3A_1629 = arith.constant 0 : i32
      %dma_wait3A_1630 = arith.constant 0 : i32
      %dma_wait3A_1631 = tpu.memref_slice %arg8[%rem3A_1309, %dma_wait3A_1619, %dma_wait3A_1629, %dma_wait3A_1630] : memref<3x16x8x64xf32, #tpu.memory_space<vmem>> -> memref<1x1x8x64xf32, #tpu.memory_space<vmem>>
      %dma_wait3A_1632 = tpu.memref_squeeze %dma_wait3A_1631 : memref<1x1x8x64xf32, #tpu.memory_space<vmem>> -> memref<8x64xf32, #tpu.memory_space<vmem>>
      %dma_wait3A_1633 = arith.constant 0 : i32
      %dma_wait3A_1634 = arith.constant 0 : i32
      %dma_wait3A_1635 = tpu.memref_slice %arg4[%dma_wait3A_1633, %dma_wait3A_1634] : memref<1000000x64xf32, #tpu.memory_space<hbm>> -> memref<8x64xf32, #tpu.memory_space<hbm>>
      tpu.wait_dma2 semaphore(%dma_wait3A_1628 : memref<!tpu.dma_semaphore, #tpu.memory_space<semaphore_mem>>) src(%dma_wait3A_1635 : memref<8x64xf32, #tpu.memory_space<hbm>>) dst(%dma_wait3A_1632 : memref<8x64xf32, #tpu.memory_space<vmem>>)
      %dma_wait3A_1636 = arith.constant 9 : i32
      %dma_wait3A_1637 = arith.constant 0 : i32
      %dma_wait3A_1638 = arith.constant 0 : i32
      %dma_wait3A_1639 = tpu.memref_slice %arg9[%rem3A_1309, %dma_wait3A_1636, %dma_wait3A_1637, %dma_wait3A_1638] : memref<3x16x8x64xf32, #tpu.memory_space<vmem>> -> memref<1x1x8x64xf32, #tpu.memory_space<vmem>>
      %dma_wait3A_1640 = tpu.memref_squeeze %dma_wait3A_1639 : memref<1x1x8x64xf32, #tpu.memory_space<vmem>> -> memref<8x64xf32, #tpu.memory_space<vmem>>
      %dma_wait3A_1641 = arith.constant 0 : i32
      %dma_wait3A_1642 = arith.constant 0 : i32
      %dma_wait3A_1643 = tpu.memref_slice %arg4[%dma_wait3A_1641, %dma_wait3A_1642] : memref<1000000x64xf32, #tpu.memory_space<hbm>> -> memref<8x64xf32, #tpu.memory_space<hbm>>
      %dma_wait3A_1644 = tpu.memref_slice %arg12[%rem3A_1309] : memref<3x!tpu.dma_semaphore, #tpu.memory_space<semaphore_mem>> -> memref<1x!tpu.dma_semaphore, #tpu.memory_space<semaphore_mem>>
      %dma_wait3A_1645 = tpu.memref_squeeze %dma_wait3A_1644 : memref<1x!tpu.dma_semaphore, #tpu.memory_space<semaphore_mem>> -> memref<!tpu.dma_semaphore, #tpu.memory_space<semaphore_mem>>
      %dma_wait3A_1646 = arith.constant 0 : i32
      %dma_wait3A_1647 = arith.constant 0 : i32
      %dma_wait3A_1648 = tpu.memref_slice %arg9[%rem3A_1309, %dma_wait3A_1636, %dma_wait3A_1646, %dma_wait3A_1647] : memref<3x16x8x64xf32, #tpu.memory_space<vmem>> -> memref<1x1x8x64xf32, #tpu.memory_space<vmem>>
      %dma_wait3A_1649 = tpu.memref_squeeze %dma_wait3A_1648 : memref<1x1x8x64xf32, #tpu.memory_space<vmem>> -> memref<8x64xf32, #tpu.memory_space<vmem>>
      %dma_wait3A_1650 = arith.constant 0 : i32
      %dma_wait3A_1651 = arith.constant 0 : i32
      %dma_wait3A_1652 = tpu.memref_slice %arg4[%dma_wait3A_1650, %dma_wait3A_1651] : memref<1000000x64xf32, #tpu.memory_space<hbm>> -> memref<8x64xf32, #tpu.memory_space<hbm>>
      tpu.wait_dma2 semaphore(%dma_wait3A_1645 : memref<!tpu.dma_semaphore, #tpu.memory_space<semaphore_mem>>) src(%dma_wait3A_1652 : memref<8x64xf32, #tpu.memory_space<hbm>>) dst(%dma_wait3A_1649 : memref<8x64xf32, #tpu.memory_space<vmem>>)
      %dma_wait3A_1653 = arith.constant 10 : i32
      %dma_wait3A_1654 = arith.constant 0 : i32
      %dma_wait3A_1655 = arith.constant 0 : i32
      %dma_wait3A_1656 = tpu.memref_slice %arg8[%rem3A_1309, %dma_wait3A_1653, %dma_wait3A_1654, %dma_wait3A_1655] : memref<3x16x8x64xf32, #tpu.memory_space<vmem>> -> memref<1x1x8x64xf32, #tpu.memory_space<vmem>>
      %dma_wait3A_1657 = tpu.memref_squeeze %dma_wait3A_1656 : memref<1x1x8x64xf32, #tpu.memory_space<vmem>> -> memref<8x64xf32, #tpu.memory_space<vmem>>
      %dma_wait3A_1658 = arith.constant 0 : i32
      %dma_wait3A_1659 = arith.constant 0 : i32
      %dma_wait3A_1660 = tpu.memref_slice %arg4[%dma_wait3A_1658, %dma_wait3A_1659] : memref<1000000x64xf32, #tpu.memory_space<hbm>> -> memref<8x64xf32, #tpu.memory_space<hbm>>
      %dma_wait3A_1661 = tpu.memref_slice %arg11[%rem3A_1309] : memref<3x!tpu.dma_semaphore, #tpu.memory_space<semaphore_mem>> -> memref<1x!tpu.dma_semaphore, #tpu.memory_space<semaphore_mem>>
      %dma_wait3A_1662 = tpu.memref_squeeze %dma_wait3A_1661 : memref<1x!tpu.dma_semaphore, #tpu.memory_space<semaphore_mem>> -> memref<!tpu.dma_semaphore, #tpu.memory_space<semaphore_mem>>
      %dma_wait3A_1663 = arith.constant 0 : i32
      %dma_wait3A_1664 = arith.constant 0 : i32
      %dma_wait3A_1665 = tpu.memref_slice %arg8[%rem3A_1309, %dma_wait3A_1653, %dma_wait3A_1663, %dma_wait3A_1664] : memref<3x16x8x64xf32, #tpu.memory_space<vmem>> -> memref<1x1x8x64xf32, #tpu.memory_space<vmem>>
      %dma_wait3A_1666 = tpu.memref_squeeze %dma_wait3A_1665 : memref<1x1x8x64xf32, #tpu.memory_space<vmem>> -> memref<8x64xf32, #tpu.memory_space<vmem>>
      %dma_wait3A_1667 = arith.constant 0 : i32
      %dma_wait3A_1668 = arith.constant 0 : i32
      %dma_wait3A_1669 = tpu.memref_slice %arg4[%dma_wait3A_1667, %dma_wait3A_1668] : memref<1000000x64xf32, #tpu.memory_space<hbm>> -> memref<8x64xf32, #tpu.memory_space<hbm>>
      tpu.wait_dma2 semaphore(%dma_wait3A_1662 : memref<!tpu.dma_semaphore, #tpu.memory_space<semaphore_mem>>) src(%dma_wait3A_1669 : memref<8x64xf32, #tpu.memory_space<hbm>>) dst(%dma_wait3A_1666 : memref<8x64xf32, #tpu.memory_space<vmem>>)
      %dma_wait3A_1670 = arith.constant 10 : i32
      %dma_wait3A_1671 = arith.constant 0 : i32
      %dma_wait3A_1672 = arith.constant 0 : i32
      %dma_wait3A_1673 = tpu.memref_slice %arg9[%rem3A_1309, %dma_wait3A_1670, %dma_wait3A_1671, %dma_wait3A_1672] : memref<3x16x8x64xf32, #tpu.memory_space<vmem>> -> memref<1x1x8x64xf32, #tpu.memory_space<vmem>>
      %dma_wait3A_1674 = tpu.memref_squeeze %dma_wait3A_1673 : memref<1x1x8x64xf32, #tpu.memory_space<vmem>> -> memref<8x64xf32, #tpu.memory_space<vmem>>
      %dma_wait3A_1675 = arith.constant 0 : i32
      %dma_wait3A_1676 = arith.constant 0 : i32
      %dma_wait3A_1677 = tpu.memref_slice %arg4[%dma_wait3A_1675, %dma_wait3A_1676] : memref<1000000x64xf32, #tpu.memory_space<hbm>> -> memref<8x64xf32, #tpu.memory_space<hbm>>
      %dma_wait3A_1678 = tpu.memref_slice %arg12[%rem3A_1309] : memref<3x!tpu.dma_semaphore, #tpu.memory_space<semaphore_mem>> -> memref<1x!tpu.dma_semaphore, #tpu.memory_space<semaphore_mem>>
      %dma_wait3A_1679 = tpu.memref_squeeze %dma_wait3A_1678 : memref<1x!tpu.dma_semaphore, #tpu.memory_space<semaphore_mem>> -> memref<!tpu.dma_semaphore, #tpu.memory_space<semaphore_mem>>
      %dma_wait3A_1680 = arith.constant 0 : i32
      %dma_wait3A_1681 = arith.constant 0 : i32
      %dma_wait3A_1682 = tpu.memref_slice %arg9[%rem3A_1309, %dma_wait3A_1670, %dma_wait3A_1680, %dma_wait3A_1681] : memref<3x16x8x64xf32, #tpu.memory_space<vmem>> -> memref<1x1x8x64xf32, #tpu.memory_space<vmem>>
      %dma_wait3A_1683 = tpu.memref_squeeze %dma_wait3A_1682 : memref<1x1x8x64xf32, #tpu.memory_space<vmem>> -> memref<8x64xf32, #tpu.memory_space<vmem>>
      %dma_wait3A_1684 = arith.constant 0 : i32
      %dma_wait3A_1685 = arith.constant 0 : i32
      %dma_wait3A_1686 = tpu.memref_slice %arg4[%dma_wait3A_1684, %dma_wait3A_1685] : memref<1000000x64xf32, #tpu.memory_space<hbm>> -> memref<8x64xf32, #tpu.memory_space<hbm>>
      tpu.wait_dma2 semaphore(%dma_wait3A_1679 : memref<!tpu.dma_semaphore, #tpu.memory_space<semaphore_mem>>) src(%dma_wait3A_1686 : memref<8x64xf32, #tpu.memory_space<hbm>>) dst(%dma_wait3A_1683 : memref<8x64xf32, #tpu.memory_space<vmem>>)
      %dma_wait3A_1687 = arith.constant 11 : i32
      %dma_wait3A_1688 = arith.constant 0 : i32
      %dma_wait3A_1689 = arith.constant 0 : i32
      %dma_wait3A_1690 = tpu.memref_slice %arg8[%rem3A_1309, %dma_wait3A_1687, %dma_wait3A_1688, %dma_wait3A_1689] : memref<3x16x8x64xf32, #tpu.memory_space<vmem>> -> memref<1x1x8x64xf32, #tpu.memory_space<vmem>>
      %dma_wait3A_1691 = tpu.memref_squeeze %dma_wait3A_1690 : memref<1x1x8x64xf32, #tpu.memory_space<vmem>> -> memref<8x64xf32, #tpu.memory_space<vmem>>
      %dma_wait3A_1692 = arith.constant 0 : i32
      %dma_wait3A_1693 = arith.constant 0 : i32
      %dma_wait3A_1694 = tpu.memref_slice %arg4[%dma_wait3A_1692, %dma_wait3A_1693] : memref<1000000x64xf32, #tpu.memory_space<hbm>> -> memref<8x64xf32, #tpu.memory_space<hbm>>
      %dma_wait3A_1695 = tpu.memref_slice %arg11[%rem3A_1309] : memref<3x!tpu.dma_semaphore, #tpu.memory_space<semaphore_mem>> -> memref<1x!tpu.dma_semaphore, #tpu.memory_space<semaphore_mem>>
      %dma_wait3A_1696 = tpu.memref_squeeze %dma_wait3A_1695 : memref<1x!tpu.dma_semaphore, #tpu.memory_space<semaphore_mem>> -> memref<!tpu.dma_semaphore, #tpu.memory_space<semaphore_mem>>
      %dma_wait3A_1697 = arith.constant 0 : i32
      %dma_wait3A_1698 = arith.constant 0 : i32
      %dma_wait3A_1699 = tpu.memref_slice %arg8[%rem3A_1309, %dma_wait3A_1687, %dma_wait3A_1697, %dma_wait3A_1698] : memref<3x16x8x64xf32, #tpu.memory_space<vmem>> -> memref<1x1x8x64xf32, #tpu.memory_space<vmem>>
      %dma_wait3A_1700 = tpu.memref_squeeze %dma_wait3A_1699 : memref<1x1x8x64xf32, #tpu.memory_space<vmem>> -> memref<8x64xf32, #tpu.memory_space<vmem>>
      %dma_wait3A_1701 = arith.constant 0 : i32
      %dma_wait3A_1702 = arith.constant 0 : i32
      %dma_wait3A_1703 = tpu.memref_slice %arg4[%dma_wait3A_1701, %dma_wait3A_1702] : memref<1000000x64xf32, #tpu.memory_space<hbm>> -> memref<8x64xf32, #tpu.memory_space<hbm>>
      tpu.wait_dma2 semaphore(%dma_wait3A_1696 : memref<!tpu.dma_semaphore, #tpu.memory_space<semaphore_mem>>) src(%dma_wait3A_1703 : memref<8x64xf32, #tpu.memory_space<hbm>>) dst(%dma_wait3A_1700 : memref<8x64xf32, #tpu.memory_space<vmem>>)
      %dma_wait3A_1704 = arith.constant 11 : i32
      %dma_wait3A_1705 = arith.constant 0 : i32
      %dma_wait3A_1706 = arith.constant 0 : i32
      %dma_wait3A_1707 = tpu.memref_slice %arg9[%rem3A_1309, %dma_wait3A_1704, %dma_wait3A_1705, %dma_wait3A_1706] : memref<3x16x8x64xf32, #tpu.memory_space<vmem>> -> memref<1x1x8x64xf32, #tpu.memory_space<vmem>>
      %dma_wait3A_1708 = tpu.memref_squeeze %dma_wait3A_1707 : memref<1x1x8x64xf32, #tpu.memory_space<vmem>> -> memref<8x64xf32, #tpu.memory_space<vmem>>
      %dma_wait3A_1709 = arith.constant 0 : i32
      %dma_wait3A_1710 = arith.constant 0 : i32
      %dma_wait3A_1711 = tpu.memref_slice %arg4[%dma_wait3A_1709, %dma_wait3A_1710] : memref<1000000x64xf32, #tpu.memory_space<hbm>> -> memref<8x64xf32, #tpu.memory_space<hbm>>
      %dma_wait3A_1712 = tpu.memref_slice %arg12[%rem3A_1309] : memref<3x!tpu.dma_semaphore, #tpu.memory_space<semaphore_mem>> -> memref<1x!tpu.dma_semaphore, #tpu.memory_space<semaphore_mem>>
      %dma_wait3A_1713 = tpu.memref_squeeze %dma_wait3A_1712 : memref<1x!tpu.dma_semaphore, #tpu.memory_space<semaphore_mem>> -> memref<!tpu.dma_semaphore, #tpu.memory_space<semaphore_mem>>
      %dma_wait3A_1714 = arith.constant 0 : i32
      %dma_wait3A_1715 = arith.constant 0 : i32
      %dma_wait3A_1716 = tpu.memref_slice %arg9[%rem3A_1309, %dma_wait3A_1704, %dma_wait3A_1714, %dma_wait3A_1715] : memref<3x16x8x64xf32, #tpu.memory_space<vmem>> -> memref<1x1x8x64xf32, #tpu.memory_space<vmem>>
      %dma_wait3A_1717 = tpu.memref_squeeze %dma_wait3A_1716 : memref<1x1x8x64xf32, #tpu.memory_space<vmem>> -> memref<8x64xf32, #tpu.memory_space<vmem>>
      %dma_wait3A_1718 = arith.constant 0 : i32
      %dma_wait3A_1719 = arith.constant 0 : i32
      %dma_wait3A_1720 = tpu.memref_slice %arg4[%dma_wait3A_1718, %dma_wait3A_1719] : memref<1000000x64xf32, #tpu.memory_space<hbm>> -> memref<8x64xf32, #tpu.memory_space<hbm>>
      tpu.wait_dma2 semaphore(%dma_wait3A_1713 : memref<!tpu.dma_semaphore, #tpu.memory_space<semaphore_mem>>) src(%dma_wait3A_1720 : memref<8x64xf32, #tpu.memory_space<hbm>>) dst(%dma_wait3A_1717 : memref<8x64xf32, #tpu.memory_space<vmem>>)
      %dma_wait3A_1721 = arith.constant 12 : i32
      %dma_wait3A_1722 = arith.constant 0 : i32
      %dma_wait3A_1723 = arith.constant 0 : i32
      %dma_wait3A_1724 = tpu.memref_slice %arg8[%rem3A_1309, %dma_wait3A_1721, %dma_wait3A_1722, %dma_wait3A_1723] : memref<3x16x8x64xf32, #tpu.memory_space<vmem>> -> memref<1x1x8x64xf32, #tpu.memory_space<vmem>>
      %dma_wait3A_1725 = tpu.memref_squeeze %dma_wait3A_1724 : memref<1x1x8x64xf32, #tpu.memory_space<vmem>> -> memref<8x64xf32, #tpu.memory_space<vmem>>
      %dma_wait3A_1726 = arith.constant 0 : i32
      %dma_wait3A_1727 = arith.constant 0 : i32
      %dma_wait3A_1728 = tpu.memref_slice %arg4[%dma_wait3A_1726, %dma_wait3A_1727] : memref<1000000x64xf32, #tpu.memory_space<hbm>> -> memref<8x64xf32, #tpu.memory_space<hbm>>
      %dma_wait3A_1729 = tpu.memref_slice %arg11[%rem3A_1309] : memref<3x!tpu.dma_semaphore, #tpu.memory_space<semaphore_mem>> -> memref<1x!tpu.dma_semaphore, #tpu.memory_space<semaphore_mem>>
      %dma_wait3A_1730 = tpu.memref_squeeze %dma_wait3A_1729 : memref<1x!tpu.dma_semaphore, #tpu.memory_space<semaphore_mem>> -> memref<!tpu.dma_semaphore, #tpu.memory_space<semaphore_mem>>
      %dma_wait3A_1731 = arith.constant 0 : i32
      %dma_wait3A_1732 = arith.constant 0 : i32
      %dma_wait3A_1733 = tpu.memref_slice %arg8[%rem3A_1309, %dma_wait3A_1721, %dma_wait3A_1731, %dma_wait3A_1732] : memref<3x16x8x64xf32, #tpu.memory_space<vmem>> -> memref<1x1x8x64xf32, #tpu.memory_space<vmem>>
      %dma_wait3A_1734 = tpu.memref_squeeze %dma_wait3A_1733 : memref<1x1x8x64xf32, #tpu.memory_space<vmem>> -> memref<8x64xf32, #tpu.memory_space<vmem>>
      %dma_wait3A_1735 = arith.constant 0 : i32
      %dma_wait3A_1736 = arith.constant 0 : i32
      %dma_wait3A_1737 = tpu.memref_slice %arg4[%dma_wait3A_1735, %dma_wait3A_1736] : memref<1000000x64xf32, #tpu.memory_space<hbm>> -> memref<8x64xf32, #tpu.memory_space<hbm>>
      tpu.wait_dma2 semaphore(%dma_wait3A_1730 : memref<!tpu.dma_semaphore, #tpu.memory_space<semaphore_mem>>) src(%dma_wait3A_1737 : memref<8x64xf32, #tpu.memory_space<hbm>>) dst(%dma_wait3A_1734 : memref<8x64xf32, #tpu.memory_space<vmem>>)
      %dma_wait3A_1738 = arith.constant 12 : i32
      %dma_wait3A_1739 = arith.constant 0 : i32
      %dma_wait3A_1740 = arith.constant 0 : i32
      %dma_wait3A_1741 = tpu.memref_slice %arg9[%rem3A_1309, %dma_wait3A_1738, %dma_wait3A_1739, %dma_wait3A_1740] : memref<3x16x8x64xf32, #tpu.memory_space<vmem>> -> memref<1x1x8x64xf32, #tpu.memory_space<vmem>>
      %dma_wait3A_1742 = tpu.memref_squeeze %dma_wait3A_1741 : memref<1x1x8x64xf32, #tpu.memory_space<vmem>> -> memref<8x64xf32, #tpu.memory_space<vmem>>
      %dma_wait3A_1743 = arith.constant 0 : i32
      %dma_wait3A_1744 = arith.constant 0 : i32
      %dma_wait3A_1745 = tpu.memref_slice %arg4[%dma_wait3A_1743, %dma_wait3A_1744] : memref<1000000x64xf32, #tpu.memory_space<hbm>> -> memref<8x64xf32, #tpu.memory_space<hbm>>
      %dma_wait3A_1746 = tpu.memref_slice %arg12[%rem3A_1309] : memref<3x!tpu.dma_semaphore, #tpu.memory_space<semaphore_mem>> -> memref<1x!tpu.dma_semaphore, #tpu.memory_space<semaphore_mem>>
      %dma_wait3A_1747 = tpu.memref_squeeze %dma_wait3A_1746 : memref<1x!tpu.dma_semaphore, #tpu.memory_space<semaphore_mem>> -> memref<!tpu.dma_semaphore, #tpu.memory_space<semaphore_mem>>
      %dma_wait3A_1748 = arith.constant 0 : i32
      %dma_wait3A_1749 = arith.constant 0 : i32
      %dma_wait3A_1750 = tpu.memref_slice %arg9[%rem3A_1309, %dma_wait3A_1738, %dma_wait3A_1748, %dma_wait3A_1749] : memref<3x16x8x64xf32, #tpu.memory_space<vmem>> -> memref<1x1x8x64xf32, #tpu.memory_space<vmem>>
      %dma_wait3A_1751 = tpu.memref_squeeze %dma_wait3A_1750 : memref<1x1x8x64xf32, #tpu.memory_space<vmem>> -> memref<8x64xf32, #tpu.memory_space<vmem>>
      %dma_wait3A_1752 = arith.constant 0 : i32
      %dma_wait3A_1753 = arith.constant 0 : i32
      %dma_wait3A_1754 = tpu.memref_slice %arg4[%dma_wait3A_1752, %dma_wait3A_1753] : memref<1000000x64xf32, #tpu.memory_space<hbm>> -> memref<8x64xf32, #tpu.memory_space<hbm>>
      tpu.wait_dma2 semaphore(%dma_wait3A_1747 : memref<!tpu.dma_semaphore, #tpu.memory_space<semaphore_mem>>) src(%dma_wait3A_1754 : memref<8x64xf32, #tpu.memory_space<hbm>>) dst(%dma_wait3A_1751 : memref<8x64xf32, #tpu.memory_space<vmem>>)
      %dma_wait3A_1755 = arith.constant 13 : i32
      %dma_wait3A_1756 = arith.constant 0 : i32
      %dma_wait3A_1757 = arith.constant 0 : i32
      %dma_wait3A_1758 = tpu.memref_slice %arg8[%rem3A_1309, %dma_wait3A_1755, %dma_wait3A_1756, %dma_wait3A_1757] : memref<3x16x8x64xf32, #tpu.memory_space<vmem>> -> memref<1x1x8x64xf32, #tpu.memory_space<vmem>>
      %dma_wait3A_1759 = tpu.memref_squeeze %dma_wait3A_1758 : memref<1x1x8x64xf32, #tpu.memory_space<vmem>> -> memref<8x64xf32, #tpu.memory_space<vmem>>
      %dma_wait3A_1760 = arith.constant 0 : i32
      %dma_wait3A_1761 = arith.constant 0 : i32
      %dma_wait3A_1762 = tpu.memref_slice %arg4[%dma_wait3A_1760, %dma_wait3A_1761] : memref<1000000x64xf32, #tpu.memory_space<hbm>> -> memref<8x64xf32, #tpu.memory_space<hbm>>
      %dma_wait3A_1763 = tpu.memref_slice %arg11[%rem3A_1309] : memref<3x!tpu.dma_semaphore, #tpu.memory_space<semaphore_mem>> -> memref<1x!tpu.dma_semaphore, #tpu.memory_space<semaphore_mem>>
      %dma_wait3A_1764 = tpu.memref_squeeze %dma_wait3A_1763 : memref<1x!tpu.dma_semaphore, #tpu.memory_space<semaphore_mem>> -> memref<!tpu.dma_semaphore, #tpu.memory_space<semaphore_mem>>
      %dma_wait3A_1765 = arith.constant 0 : i32
      %dma_wait3A_1766 = arith.constant 0 : i32
      %dma_wait3A_1767 = tpu.memref_slice %arg8[%rem3A_1309, %dma_wait3A_1755, %dma_wait3A_1765, %dma_wait3A_1766] : memref<3x16x8x64xf32, #tpu.memory_space<vmem>> -> memref<1x1x8x64xf32, #tpu.memory_space<vmem>>
      %dma_wait3A_1768 = tpu.memref_squeeze %dma_wait3A_1767 : memref<1x1x8x64xf32, #tpu.memory_space<vmem>> -> memref<8x64xf32, #tpu.memory_space<vmem>>
      %dma_wait3A_1769 = arith.constant 0 : i32
      %dma_wait3A_1770 = arith.constant 0 : i32
      %dma_wait3A_1771 = tpu.memref_slice %arg4[%dma_wait3A_1769, %dma_wait3A_1770] : memref<1000000x64xf32, #tpu.memory_space<hbm>> -> memref<8x64xf32, #tpu.memory_space<hbm>>
      tpu.wait_dma2 semaphore(%dma_wait3A_1764 : memref<!tpu.dma_semaphore, #tpu.memory_space<semaphore_mem>>) src(%dma_wait3A_1771 : memref<8x64xf32, #tpu.memory_space<hbm>>) dst(%dma_wait3A_1768 : memref<8x64xf32, #tpu.memory_space<vmem>>)
      %dma_wait3A_1772 = arith.constant 13 : i32
      %dma_wait3A_1773 = arith.constant 0 : i32
      %dma_wait3A_1774 = arith.constant 0 : i32
      %dma_wait3A_1775 = tpu.memref_slice %arg9[%rem3A_1309, %dma_wait3A_1772, %dma_wait3A_1773, %dma_wait3A_1774] : memref<3x16x8x64xf32, #tpu.memory_space<vmem>> -> memref<1x1x8x64xf32, #tpu.memory_space<vmem>>
      %dma_wait3A_1776 = tpu.memref_squeeze %dma_wait3A_1775 : memref<1x1x8x64xf32, #tpu.memory_space<vmem>> -> memref<8x64xf32, #tpu.memory_space<vmem>>
      %dma_wait3A_1777 = arith.constant 0 : i32
      %dma_wait3A_1778 = arith.constant 0 : i32
      %dma_wait3A_1779 = tpu.memref_slice %arg4[%dma_wait3A_1777, %dma_wait3A_1778] : memref<1000000x64xf32, #tpu.memory_space<hbm>> -> memref<8x64xf32, #tpu.memory_space<hbm>>
      %dma_wait3A_1780 = tpu.memref_slice %arg12[%rem3A_1309] : memref<3x!tpu.dma_semaphore, #tpu.memory_space<semaphore_mem>> -> memref<1x!tpu.dma_semaphore, #tpu.memory_space<semaphore_mem>>
      %dma_wait3A_1781 = tpu.memref_squeeze %dma_wait3A_1780 : memref<1x!tpu.dma_semaphore, #tpu.memory_space<semaphore_mem>> -> memref<!tpu.dma_semaphore, #tpu.memory_space<semaphore_mem>>
      %dma_wait3A_1782 = arith.constant 0 : i32
      %dma_wait3A_1783 = arith.constant 0 : i32
      %dma_wait3A_1784 = tpu.memref_slice %arg9[%rem3A_1309, %dma_wait3A_1772, %dma_wait3A_1782, %dma_wait3A_1783] : memref<3x16x8x64xf32, #tpu.memory_space<vmem>> -> memref<1x1x8x64xf32, #tpu.memory_space<vmem>>
      %dma_wait3A_1785 = tpu.memref_squeeze %dma_wait3A_1784 : memref<1x1x8x64xf32, #tpu.memory_space<vmem>> -> memref<8x64xf32, #tpu.memory_space<vmem>>
      %dma_wait3A_1786 = arith.constant 0 : i32
      %dma_wait3A_1787 = arith.constant 0 : i32
      %dma_wait3A_1788 = tpu.memref_slice %arg4[%dma_wait3A_1786, %dma_wait3A_1787] : memref<1000000x64xf32, #tpu.memory_space<hbm>> -> memref<8x64xf32, #tpu.memory_space<hbm>>
      tpu.wait_dma2 semaphore(%dma_wait3A_1781 : memref<!tpu.dma_semaphore, #tpu.memory_space<semaphore_mem>>) src(%dma_wait3A_1788 : memref<8x64xf32, #tpu.memory_space<hbm>>) dst(%dma_wait3A_1785 : memref<8x64xf32, #tpu.memory_space<vmem>>)
      %dma_wait3A_1789 = arith.constant 14 : i32
      %dma_wait3A_1790 = arith.constant 0 : i32
      %dma_wait3A_1791 = arith.constant 0 : i32
      %dma_wait3A_1792 = tpu.memref_slice %arg8[%rem3A_1309, %dma_wait3A_1789, %dma_wait3A_1790, %dma_wait3A_1791] : memref<3x16x8x64xf32, #tpu.memory_space<vmem>> -> memref<1x1x8x64xf32, #tpu.memory_space<vmem>>
      %dma_wait3A_1793 = tpu.memref_squeeze %dma_wait3A_1792 : memref<1x1x8x64xf32, #tpu.memory_space<vmem>> -> memref<8x64xf32, #tpu.memory_space<vmem>>
      %dma_wait3A_1794 = arith.constant 0 : i32
      %dma_wait3A_1795 = arith.constant 0 : i32
      %dma_wait3A_1796 = tpu.memref_slice %arg4[%dma_wait3A_1794, %dma_wait3A_1795] : memref<1000000x64xf32, #tpu.memory_space<hbm>> -> memref<8x64xf32, #tpu.memory_space<hbm>>
      %dma_wait3A_1797 = tpu.memref_slice %arg11[%rem3A_1309] : memref<3x!tpu.dma_semaphore, #tpu.memory_space<semaphore_mem>> -> memref<1x!tpu.dma_semaphore, #tpu.memory_space<semaphore_mem>>
      %dma_wait3A_1798 = tpu.memref_squeeze %dma_wait3A_1797 : memref<1x!tpu.dma_semaphore, #tpu.memory_space<semaphore_mem>> -> memref<!tpu.dma_semaphore, #tpu.memory_space<semaphore_mem>>
      %dma_wait3A_1799 = arith.constant 0 : i32
      %dma_wait3A_1800 = arith.constant 0 : i32
      %dma_wait3A_1801 = tpu.memref_slice %arg8[%rem3A_1309, %dma_wait3A_1789, %dma_wait3A_1799, %dma_wait3A_1800] : memref<3x16x8x64xf32, #tpu.memory_space<vmem>> -> memref<1x1x8x64xf32, #tpu.memory_space<vmem>>
      %dma_wait3A_1802 = tpu.memref_squeeze %dma_wait3A_1801 : memref<1x1x8x64xf32, #tpu.memory_space<vmem>> -> memref<8x64xf32, #tpu.memory_space<vmem>>
      %dma_wait3A_1803 = arith.constant 0 : i32
      %dma_wait3A_1804 = arith.constant 0 : i32
      %dma_wait3A_1805 = tpu.memref_slice %arg4[%dma_wait3A_1803, %dma_wait3A_1804] : memref<1000000x64xf32, #tpu.memory_space<hbm>> -> memref<8x64xf32, #tpu.memory_space<hbm>>
      tpu.wait_dma2 semaphore(%dma_wait3A_1798 : memref<!tpu.dma_semaphore, #tpu.memory_space<semaphore_mem>>) src(%dma_wait3A_1805 : memref<8x64xf32, #tpu.memory_space<hbm>>) dst(%dma_wait3A_1802 : memref<8x64xf32, #tpu.memory_space<vmem>>)
      %dma_wait3A_1806 = arith.constant 14 : i32
      %dma_wait3A_1807 = arith.constant 0 : i32
      %dma_wait3A_1808 = arith.constant 0 : i32
      %dma_wait3A_1809 = tpu.memref_slice %arg9[%rem3A_1309, %dma_wait3A_1806, %dma_wait3A_1807, %dma_wait3A_1808] : memref<3x16x8x64xf32, #tpu.memory_space<vmem>> -> memref<1x1x8x64xf32, #tpu.memory_space<vmem>>
      %dma_wait3A_1810 = tpu.memref_squeeze %dma_wait3A_1809 : memref<1x1x8x64xf32, #tpu.memory_space<vmem>> -> memref<8x64xf32, #tpu.memory_space<vmem>>
      %dma_wait3A_1811 = arith.constant 0 : i32
      %dma_wait3A_1812 = arith.constant 0 : i32
      %dma_wait3A_1813 = tpu.memref_slice %arg4[%dma_wait3A_1811, %dma_wait3A_1812] : memref<1000000x64xf32, #tpu.memory_space<hbm>> -> memref<8x64xf32, #tpu.memory_space<hbm>>
      %dma_wait3A_1814 = tpu.memref_slice %arg12[%rem3A_1309] : memref<3x!tpu.dma_semaphore, #tpu.memory_space<semaphore_mem>> -> memref<1x!tpu.dma_semaphore, #tpu.memory_space<semaphore_mem>>
      %dma_wait3A_1815 = tpu.memref_squeeze %dma_wait3A_1814 : memref<1x!tpu.dma_semaphore, #tpu.memory_space<semaphore_mem>> -> memref<!tpu.dma_semaphore, #tpu.memory_space<semaphore_mem>>
      %dma_wait3A_1816 = arith.constant 0 : i32
      %dma_wait3A_1817 = arith.constant 0 : i32
      %dma_wait3A_1818 = tpu.memref_slice %arg9[%rem3A_1309, %dma_wait3A_1806, %dma_wait3A_1816, %dma_wait3A_1817] : memref<3x16x8x64xf32, #tpu.memory_space<vmem>> -> memref<1x1x8x64xf32, #tpu.memory_space<vmem>>
      %dma_wait3A_1819 = tpu.memref_squeeze %dma_wait3A_1818 : memref<1x1x8x64xf32, #tpu.memory_space<vmem>> -> memref<8x64xf32, #tpu.memory_space<vmem>>
      %dma_wait3A_1820 = arith.constant 0 : i32
      %dma_wait3A_1821 = arith.constant 0 : i32
      %dma_wait3A_1822 = tpu.memref_slice %arg4[%dma_wait3A_1820, %dma_wait3A_1821] : memref<1000000x64xf32, #tpu.memory_space<hbm>> -> memref<8x64xf32, #tpu.memory_space<hbm>>
      tpu.wait_dma2 semaphore(%dma_wait3A_1815 : memref<!tpu.dma_semaphore, #tpu.memory_space<semaphore_mem>>) src(%dma_wait3A_1822 : memref<8x64xf32, #tpu.memory_space<hbm>>) dst(%dma_wait3A_1819 : memref<8x64xf32, #tpu.memory_space<vmem>>)
      %dma_wait3A_1823 = arith.constant 15 : i32
      %dma_wait3A_1824 = arith.constant 0 : i32
      %dma_wait3A_1825 = arith.constant 0 : i32
      %dma_wait3A_1826 = tpu.memref_slice %arg8[%rem3A_1309, %dma_wait3A_1823, %dma_wait3A_1824, %dma_wait3A_1825] : memref<3x16x8x64xf32, #tpu.memory_space<vmem>> -> memref<1x1x8x64xf32, #tpu.memory_space<vmem>>
      %dma_wait3A_1827 = tpu.memref_squeeze %dma_wait3A_1826 : memref<1x1x8x64xf32, #tpu.memory_space<vmem>> -> memref<8x64xf32, #tpu.memory_space<vmem>>
      %dma_wait3A_1828 = arith.constant 0 : i32
      %dma_wait3A_1829 = arith.constant 0 : i32
      %dma_wait3A_1830 = tpu.memref_slice %arg4[%dma_wait3A_1828, %dma_wait3A_1829] : memref<1000000x64xf32, #tpu.memory_space<hbm>> -> memref<8x64xf32, #tpu.memory_space<hbm>>
      %dma_wait3A_1831 = tpu.memref_slice %arg11[%rem3A_1309] : memref<3x!tpu.dma_semaphore, #tpu.memory_space<semaphore_mem>> -> memref<1x!tpu.dma_semaphore, #tpu.memory_space<semaphore_mem>>
      %dma_wait3A_1832 = tpu.memref_squeeze %dma_wait3A_1831 : memref<1x!tpu.dma_semaphore, #tpu.memory_space<semaphore_mem>> -> memref<!tpu.dma_semaphore, #tpu.memory_space<semaphore_mem>>
      %dma_wait3A_1833 = arith.constant 0 : i32
      %dma_wait3A_1834 = arith.constant 0 : i32
      %dma_wait3A_1835 = tpu.memref_slice %arg8[%rem3A_1309, %dma_wait3A_1823, %dma_wait3A_1833, %dma_wait3A_1834] : memref<3x16x8x64xf32, #tpu.memory_space<vmem>> -> memref<1x1x8x64xf32, #tpu.memory_space<vmem>>
      %dma_wait3A_1836 = tpu.memref_squeeze %dma_wait3A_1835 : memref<1x1x8x64xf32, #tpu.memory_space<vmem>> -> memref<8x64xf32, #tpu.memory_space<vmem>>
      %dma_wait3A_1837 = arith.constant 0 : i32
      %dma_wait3A_1838 = arith.constant 0 : i32
      %dma_wait3A_1839 = tpu.memref_slice %arg4[%dma_wait3A_1837, %dma_wait3A_1838] : memref<1000000x64xf32, #tpu.memory_space<hbm>> -> memref<8x64xf32, #tpu.memory_space<hbm>>
      tpu.wait_dma2 semaphore(%dma_wait3A_1832 : memref<!tpu.dma_semaphore, #tpu.memory_space<semaphore_mem>>) src(%dma_wait3A_1839 : memref<8x64xf32, #tpu.memory_space<hbm>>) dst(%dma_wait3A_1836 : memref<8x64xf32, #tpu.memory_space<vmem>>)
      %dma_wait3A_1840 = arith.constant 15 : i32
      %dma_wait3A_1841 = arith.constant 0 : i32
      %dma_wait3A_1842 = arith.constant 0 : i32
      %dma_wait3A_1843 = tpu.memref_slice %arg9[%rem3A_1309, %dma_wait3A_1840, %dma_wait3A_1841, %dma_wait3A_1842] : memref<3x16x8x64xf32, #tpu.memory_space<vmem>> -> memref<1x1x8x64xf32, #tpu.memory_space<vmem>>
      %dma_wait3A_1844 = tpu.memref_squeeze %dma_wait3A_1843 : memref<1x1x8x64xf32, #tpu.memory_space<vmem>> -> memref<8x64xf32, #tpu.memory_space<vmem>>
      %dma_wait3A_1845 = arith.constant 0 : i32
      %dma_wait3A_1846 = arith.constant 0 : i32
      %dma_wait3A_1847 = tpu.memref_slice %arg4[%dma_wait3A_1845, %dma_wait3A_1846] : memref<1000000x64xf32, #tpu.memory_space<hbm>> -> memref<8x64xf32, #tpu.memory_space<hbm>>
      %dma_wait3A_1848 = tpu.memref_slice %arg12[%rem3A_1309] : memref<3x!tpu.dma_semaphore, #tpu.memory_space<semaphore_mem>> -> memref<1x!tpu.dma_semaphore, #tpu.memory_space<semaphore_mem>>
      %dma_wait3A_1849 = tpu.memref_squeeze %dma_wait3A_1848 : memref<1x!tpu.dma_semaphore, #tpu.memory_space<semaphore_mem>> -> memref<!tpu.dma_semaphore, #tpu.memory_space<semaphore_mem>>
      %dma_wait3A_1850 = arith.constant 0 : i32
      %dma_wait3A_1851 = arith.constant 0 : i32
      %dma_wait3A_1852 = tpu.memref_slice %arg9[%rem3A_1309, %dma_wait3A_1840, %dma_wait3A_1850, %dma_wait3A_1851] : memref<3x16x8x64xf32, #tpu.memory_space<vmem>> -> memref<1x1x8x64xf32, #tpu.memory_space<vmem>>
      %dma_wait3A_1853 = tpu.memref_squeeze %dma_wait3A_1852 : memref<1x1x8x64xf32, #tpu.memory_space<vmem>> -> memref<8x64xf32, #tpu.memory_space<vmem>>
      %dma_wait3A_1854 = arith.constant 0 : i32
      %dma_wait3A_1855 = arith.constant 0 : i32
      %dma_wait3A_1856 = tpu.memref_slice %arg4[%dma_wait3A_1854, %dma_wait3A_1855] : memref<1000000x64xf32, #tpu.memory_space<hbm>> -> memref<8x64xf32, #tpu.memory_space<hbm>>
      tpu.wait_dma2 semaphore(%dma_wait3A_1849 : memref<!tpu.dma_semaphore, #tpu.memory_space<semaphore_mem>>) src(%dma_wait3A_1856 : memref<8x64xf32, #tpu.memory_space<hbm>>) dst(%dma_wait3A_1853 : memref<8x64xf32, #tpu.memory_space<vmem>>)
      %mul3A_1857 = arith.constant 16 : i32
      %mul3A_1858 = arith.muli %scan3A_1308, %mul3A_1857 : i32
      %get3A_1859 = arith.index_cast %mul3A_1858 : i32 to index
      %get3A_1860 = tpu.vector_load %arg6[%get3A_1859] {strides = array<i32>} : memref<512xi32, #tpu.memory_space<vmem>>, vector<16xi32>,
      %and3A_1861 = arith.constant 7 : i32
      %and3A_1862 = vector.broadcast %and3A_1861 : i32 to vector<16xi32>
      %and3A_1863 = arith.andi %get3A_1860, %and3A_1862 : vector<16xi32>
      %get3A_1864 = arith.index_cast %mul3A_1858 : i32 to index
      %get3A_1865 = tpu.vector_load %arg7[%get3A_1864] {strides = array<i32>} : memref<512xi32, #tpu.memory_space<vmem>>, vector<16xi32>,
      %and3A_1866 = arith.constant 7 : i32
      %and3A_1867 = vector.broadcast %and3A_1866 : i32 to vector<16xi32>
      %and3A_1868 = arith.andi %get3A_1865, %and3A_1867 : vector<16xi32>
      %broadcast_in_dim3A = arith.constant 0.000000e+00 : f32
      %broadcast_in_dim3A_1869 = vector.broadcast %broadcast_in_dim3A : f32 to vector<16xf32>
      %broadcast_in_dim3A_1870 = arith.constant 0 : i32
      %broadcast_in_dim3A_1871 = vector.broadcast %broadcast_in_dim3A_1870 : i32 to vector<16xi32>
      %gather3A = arith.constant 0 : i32
      %gather3A_1872 = arith.constant 0 : i32
      %gather3A_1873 = arith.constant 0 : i32
      %gather3A_1874 = tpu.memref_slice %arg8[%rem3A_1309, %gather3A, %gather3A_1872, %gather3A_1873] : memref<3x16x8x64xf32, #tpu.memory_space<vmem>> -> memref<1x16x8x64xf32, #tpu.memory_space<vmem>>
      %gather3A_1875 = tpu.memref_squeeze %gather3A_1874 : memref<1x16x8x64xf32, #tpu.memory_space<vmem>> -> memref<16x8x64xf32, #tpu.memory_space<vmem>>
      %gather3A_1876 = tpu.vector_load_idx %gather3A_1875[%iota3A, %and3A_1863, %broadcast_in_dim3A_1871] : memref<16x8x64xf32, #tpu.memory_space<vmem>>[vector<16xi32>, vector<16xi32>, vector<16xi32>], vector<16xf32>,
      %gather3A_1877 = arith.constant 0 : i32
      %gather3A_1878 = arith.constant 0 : i32
      %gather3A_1879 = arith.constant 0 : i32
      %gather3A_1880 = tpu.memref_slice %arg9[%rem3A_1309, %gather3A_1877, %gather3A_1878, %gather3A_1879] : memref<3x16x8x64xf32, #tpu.memory_space<vmem>> -> memref<1x16x8x64xf32, #tpu.memory_space<vmem>>
      %gather3A_1881 = tpu.memref_squeeze %gather3A_1880 : memref<1x16x8x64xf32, #tpu.memory_space<vmem>> -> memref<16x8x64xf32, #tpu.memory_space<vmem>>
      %gather3A_1882 = tpu.vector_load_idx %gather3A_1881[%iota3A, %and3A_1868, %broadcast_in_dim3A_1871] : memref<16x8x64xf32, #tpu.memory_space<vmem>>[vector<16xi32>, vector<16xi32>, vector<16xi32>], vector<16xf32>,
      %mul3A_1883 = arith.mulf %gather3A_1876, %gather3A_1882 : vector<16xf32>
      %add3A_1884 = arith.addf %broadcast_in_dim3A_1869, %mul3A_1883 : vector<16xf32>
      %broadcast_in_dim3A_1885 = arith.constant 1 : i32
      %broadcast_in_dim3A_1886 = vector.broadcast %broadcast_in_dim3A_1885 : i32 to vector<16xi32>
      %gather3A_1887 = arith.constant 0 : i32
      %gather3A_1888 = arith.constant 0 : i32
      %gather3A_1889 = arith.constant 0 : i32
      %gather3A_1890 = tpu.memref_slice %arg8[%rem3A_1309, %gather3A_1887, %gather3A_1888, %gather3A_1889] : memref<3x16x8x64xf32, #tpu.memory_space<vmem>> -> memref<1x16x8x64xf32, #tpu.memory_space<vmem>>
      %gather3A_1891 = tpu.memref_squeeze %gather3A_1890 : memref<1x16x8x64xf32, #tpu.memory_space<vmem>> -> memref<16x8x64xf32, #tpu.memory_space<vmem>>
      %gather3A_1892 = tpu.vector_load_idx %gather3A_1891[%iota3A, %and3A_1863, %broadcast_in_dim3A_1886] : memref<16x8x64xf32, #tpu.memory_space<vmem>>[vector<16xi32>, vector<16xi32>, vector<16xi32>], vector<16xf32>,
      %gather3A_1893 = arith.constant 0 : i32
      %gather3A_1894 = arith.constant 0 : i32
      %gather3A_1895 = arith.constant 0 : i32
      %gather3A_1896 = tpu.memref_slice %arg9[%rem3A_1309, %gather3A_1893, %gather3A_1894, %gather3A_1895] : memref<3x16x8x64xf32, #tpu.memory_space<vmem>> -> memref<1x16x8x64xf32, #tpu.memory_space<vmem>>
      %gather3A_1897 = tpu.memref_squeeze %gather3A_1896 : memref<1x16x8x64xf32, #tpu.memory_space<vmem>> -> memref<16x8x64xf32, #tpu.memory_space<vmem>>
      %gather3A_1898 = tpu.vector_load_idx %gather3A_1897[%iota3A, %and3A_1868, %broadcast_in_dim3A_1886] : memref<16x8x64xf32, #tpu.memory_space<vmem>>[vector<16xi32>, vector<16xi32>, vector<16xi32>], vector<16xf32>,
      %mul3A_1899 = arith.mulf %gather3A_1892, %gather3A_1898 : vector<16xf32>
      %add3A_1900 = arith.addf %add3A_1884, %mul3A_1899 : vector<16xf32>
      %broadcast_in_dim3A_1901 = arith.constant 2 : i32
      %broadcast_in_dim3A_1902 = vector.broadcast %broadcast_in_dim3A_1901 : i32 to vector<16xi32>
      %gather3A_1903 = arith.constant 0 : i32
      %gather3A_1904 = arith.constant 0 : i32
      %gather3A_1905 = arith.constant 0 : i32
      %gather3A_1906 = tpu.memref_slice %arg8[%rem3A_1309, %gather3A_1903, %gather3A_1904, %gather3A_1905] : memref<3x16x8x64xf32, #tpu.memory_space<vmem>> -> memref<1x16x8x64xf32, #tpu.memory_space<vmem>>
      %gather3A_1907 = tpu.memref_squeeze %gather3A_1906 : memref<1x16x8x64xf32, #tpu.memory_space<vmem>> -> memref<16x8x64xf32, #tpu.memory_space<vmem>>
      %gather3A_1908 = tpu.vector_load_idx %gather3A_1907[%iota3A, %and3A_1863, %broadcast_in_dim3A_1902] : memref<16x8x64xf32, #tpu.memory_space<vmem>>[vector<16xi32>, vector<16xi32>, vector<16xi32>], vector<16xf32>,
      %gather3A_1909 = arith.constant 0 : i32
      %gather3A_1910 = arith.constant 0 : i32
      %gather3A_1911 = arith.constant 0 : i32
      %gather3A_1912 = tpu.memref_slice %arg9[%rem3A_1309, %gather3A_1909, %gather3A_1910, %gather3A_1911] : memref<3x16x8x64xf32, #tpu.memory_space<vmem>> -> memref<1x16x8x64xf32, #tpu.memory_space<vmem>>
      %gather3A_1913 = tpu.memref_squeeze %gather3A_1912 : memref<1x16x8x64xf32, #tpu.memory_space<vmem>> -> memref<16x8x64xf32, #tpu.memory_space<vmem>>
      %gather3A_1914 = tpu.vector_load_idx %gather3A_1913[%iota3A, %and3A_1868, %broadcast_in_dim3A_1902] : memref<16x8x64xf32, #tpu.memory_space<vmem>>[vector<16xi32>, vector<16xi32>, vector<16xi32>], vector<16xf32>,
      %mul3A_1915 = arith.mulf %gather3A_1908, %gather3A_1914 : vector<16xf32>
      %add3A_1916 = arith.addf %add3A_1900, %mul3A_1915 : vector<16xf32>
      %broadcast_in_dim3A_1917 = arith.constant 3 : i32
      %broadcast_in_dim3A_1918 = vector.broadcast %broadcast_in_dim3A_1917 : i32 to vector<16xi32>
      %gather3A_1919 = arith.constant 0 : i32
      %gather3A_1920 = arith.constant 0 : i32
      %gather3A_1921 = arith.constant 0 : i32
      %gather3A_1922 = tpu.memref_slice %arg8[%rem3A_1309, %gather3A_1919, %gather3A_1920, %gather3A_1921] : memref<3x16x8x64xf32, #tpu.memory_space<vmem>> -> memref<1x16x8x64xf32, #tpu.memory_space<vmem>>
      %gather3A_1923 = tpu.memref_squeeze %gather3A_1922 : memref<1x16x8x64xf32, #tpu.memory_space<vmem>> -> memref<16x8x64xf32, #tpu.memory_space<vmem>>
      %gather3A_1924 = tpu.vector_load_idx %gather3A_1923[%iota3A, %and3A_1863, %broadcast_in_dim3A_1918] : memref<16x8x64xf32, #tpu.memory_space<vmem>>[vector<16xi32>, vector<16xi32>, vector<16xi32>], vector<16xf32>,
      %gather3A_1925 = arith.constant 0 : i32
      %gather3A_1926 = arith.constant 0 : i32
      %gather3A_1927 = arith.constant 0 : i32
      %gather3A_1928 = tpu.memref_slice %arg9[%rem3A_1309, %gather3A_1925, %gather3A_1926, %gather3A_1927] : memref<3x16x8x64xf32, #tpu.memory_space<vmem>> -> memref<1x16x8x64xf32, #tpu.memory_space<vmem>>
      %gather3A_1929 = tpu.memref_squeeze %gather3A_1928 : memref<1x16x8x64xf32, #tpu.memory_space<vmem>> -> memref<16x8x64xf32, #tpu.memory_space<vmem>>
      %gather3A_1930 = tpu.vector_load_idx %gather3A_1929[%iota3A, %and3A_1868, %broadcast_in_dim3A_1918] : memref<16x8x64xf32, #tpu.memory_space<vmem>>[vector<16xi32>, vector<16xi32>, vector<16xi32>], vector<16xf32>,
      %mul3A_1931 = arith.mulf %gather3A_1924, %gather3A_1930 : vector<16xf32>
      %add3A_1932 = arith.addf %add3A_1916, %mul3A_1931 : vector<16xf32>
      %broadcast_in_dim3A_1933 = arith.constant 4 : i32
      %broadcast_in_dim3A_1934 = vector.broadcast %broadcast_in_dim3A_1933 : i32 to vector<16xi32>
      %gather3A_1935 = arith.constant 0 : i32
      %gather3A_1936 = arith.constant 0 : i32
      %gather3A_1937 = arith.constant 0 : i32
      %gather3A_1938 = tpu.memref_slice %arg8[%rem3A_1309, %gather3A_1935, %gather3A_1936, %gather3A_1937] : memref<3x16x8x64xf32, #tpu.memory_space<vmem>> -> memref<1x16x8x64xf32, #tpu.memory_space<vmem>>
      %gather3A_1939 = tpu.memref_squeeze %gather3A_1938 : memref<1x16x8x64xf32, #tpu.memory_space<vmem>> -> memref<16x8x64xf32, #tpu.memory_space<vmem>>
      %gather3A_1940 = tpu.vector_load_idx %gather3A_1939[%iota3A, %and3A_1863, %broadcast_in_dim3A_1934] : memref<16x8x64xf32, #tpu.memory_space<vmem>>[vector<16xi32>, vector<16xi32>, vector<16xi32>], vector<16xf32>,
      %gather3A_1941 = arith.constant 0 : i32
      %gather3A_1942 = arith.constant 0 : i32
      %gather3A_1943 = arith.constant 0 : i32
      %gather3A_1944 = tpu.memref_slice %arg9[%rem3A_1309, %gather3A_1941, %gather3A_1942, %gather3A_1943] : memref<3x16x8x64xf32, #tpu.memory_space<vmem>> -> memref<1x16x8x64xf32, #tpu.memory_space<vmem>>
      %gather3A_1945 = tpu.memref_squeeze %gather3A_1944 : memref<1x16x8x64xf32, #tpu.memory_space<vmem>> -> memref<16x8x64xf32, #tpu.memory_space<vmem>>
      %gather3A_1946 = tpu.vector_load_idx %gather3A_1945[%iota3A, %and3A_1868, %broadcast_in_dim3A_1934] : memref<16x8x64xf32, #tpu.memory_space<vmem>>[vector<16xi32>, vector<16xi32>, vector<16xi32>], vector<16xf32>,
      %mul3A_1947 = arith.mulf %gather3A_1940, %gather3A_1946 : vector<16xf32>
      %add3A_1948 = arith.addf %add3A_1932, %mul3A_1947 : vector<16xf32>
      %broadcast_in_dim3A_1949 = arith.constant 5 : i32
      %broadcast_in_dim3A_1950 = vector.broadcast %broadcast_in_dim3A_1949 : i32 to vector<16xi32>
      %gather3A_1951 = arith.constant 0 : i32
      %gather3A_1952 = arith.constant 0 : i32
      %gather3A_1953 = arith.constant 0 : i32
      %gather3A_1954 = tpu.memref_slice %arg8[%rem3A_1309, %gather3A_1951, %gather3A_1952, %gather3A_1953] : memref<3x16x8x64xf32, #tpu.memory_space<vmem>> -> memref<1x16x8x64xf32, #tpu.memory_space<vmem>>
      %gather3A_1955 = tpu.memref_squeeze %gather3A_1954 : memref<1x16x8x64xf32, #tpu.memory_space<vmem>> -> memref<16x8x64xf32, #tpu.memory_space<vmem>>
      %gather3A_1956 = tpu.vector_load_idx %gather3A_1955[%iota3A, %and3A_1863, %broadcast_in_dim3A_1950] : memref<16x8x64xf32, #tpu.memory_space<vmem>>[vector<16xi32>, vector<16xi32>, vector<16xi32>], vector<16xf32>,
      %gather3A_1957 = arith.constant 0 : i32
      %gather3A_1958 = arith.constant 0 : i32
      %gather3A_1959 = arith.constant 0 : i32
      %gather3A_1960 = tpu.memref_slice %arg9[%rem3A_1309, %gather3A_1957, %gather3A_1958, %gather3A_1959] : memref<3x16x8x64xf32, #tpu.memory_space<vmem>> -> memref<1x16x8x64xf32, #tpu.memory_space<vmem>>
      %gather3A_1961 = tpu.memref_squeeze %gather3A_1960 : memref<1x16x8x64xf32, #tpu.memory_space<vmem>> -> memref<16x8x64xf32, #tpu.memory_space<vmem>>
      %gather3A_1962 = tpu.vector_load_idx %gather3A_1961[%iota3A, %and3A_1868, %broadcast_in_dim3A_1950] : memref<16x8x64xf32, #tpu.memory_space<vmem>>[vector<16xi32>, vector<16xi32>, vector<16xi32>], vector<16xf32>,
      %mul3A_1963 = arith.mulf %gather3A_1956, %gather3A_1962 : vector<16xf32>
      %add3A_1964 = arith.addf %add3A_1948, %mul3A_1963 : vector<16xf32>
      %broadcast_in_dim3A_1965 = arith.constant 6 : i32
      %broadcast_in_dim3A_1966 = vector.broadcast %broadcast_in_dim3A_1965 : i32 to vector<16xi32>
      %gather3A_1967 = arith.constant 0 : i32
      %gather3A_1968 = arith.constant 0 : i32
      %gather3A_1969 = arith.constant 0 : i32
      %gather3A_1970 = tpu.memref_slice %arg8[%rem3A_1309, %gather3A_1967, %gather3A_1968, %gather3A_1969] : memref<3x16x8x64xf32, #tpu.memory_space<vmem>> -> memref<1x16x8x64xf32, #tpu.memory_space<vmem>>
      %gather3A_1971 = tpu.memref_squeeze %gather3A_1970 : memref<1x16x8x64xf32, #tpu.memory_space<vmem>> -> memref<16x8x64xf32, #tpu.memory_space<vmem>>
      %gather3A_1972 = tpu.vector_load_idx %gather3A_1971[%iota3A, %and3A_1863, %broadcast_in_dim3A_1966] : memref<16x8x64xf32, #tpu.memory_space<vmem>>[vector<16xi32>, vector<16xi32>, vector<16xi32>], vector<16xf32>,
      %gather3A_1973 = arith.constant 0 : i32
      %gather3A_1974 = arith.constant 0 : i32
      %gather3A_1975 = arith.constant 0 : i32
      %gather3A_1976 = tpu.memref_slice %arg9[%rem3A_1309, %gather3A_1973, %gather3A_1974, %gather3A_1975] : memref<3x16x8x64xf32, #tpu.memory_space<vmem>> -> memref<1x16x8x64xf32, #tpu.memory_space<vmem>>
      %gather3A_1977 = tpu.memref_squeeze %gather3A_1976 : memref<1x16x8x64xf32, #tpu.memory_space<vmem>> -> memref<16x8x64xf32, #tpu.memory_space<vmem>>
      %gather3A_1978 = tpu.vector_load_idx %gather3A_1977[%iota3A, %and3A_1868, %broadcast_in_dim3A_1966] : memref<16x8x64xf32, #tpu.memory_space<vmem>>[vector<16xi32>, vector<16xi32>, vector<16xi32>], vector<16xf32>,
      %mul3A_1979 = arith.mulf %gather3A_1972, %gather3A_1978 : vector<16xf32>
      %add3A_1980 = arith.addf %add3A_1964, %mul3A_1979 : vector<16xf32>
      %broadcast_in_dim3A_1981 = arith.constant 7 : i32
      %broadcast_in_dim3A_1982 = vector.broadcast %broadcast_in_dim3A_1981 : i32 to vector<16xi32>
      %gather3A_1983 = arith.constant 0 : i32
      %gather3A_1984 = arith.constant 0 : i32
      %gather3A_1985 = arith.constant 0 : i32
      %gather3A_1986 = tpu.memref_slice %arg8[%rem3A_1309, %gather3A_1983, %gather3A_1984, %gather3A_1985] : memref<3x16x8x64xf32, #tpu.memory_space<vmem>> -> memref<1x16x8x64xf32, #tpu.memory_space<vmem>>
      %gather3A_1987 = tpu.memref_squeeze %gather3A_1986 : memref<1x16x8x64xf32, #tpu.memory_space<vmem>> -> memref<16x8x64xf32, #tpu.memory_space<vmem>>
      %gather3A_1988 = tpu.vector_load_idx %gather3A_1987[%iota3A, %and3A_1863, %broadcast_in_dim3A_1982] : memref<16x8x64xf32, #tpu.memory_space<vmem>>[vector<16xi32>, vector<16xi32>, vector<16xi32>], vector<16xf32>,
      %gather3A_1989 = arith.constant 0 : i32
      %gather3A_1990 = arith.constant 0 : i32
      %gather3A_1991 = arith.constant 0 : i32
      %gather3A_1992 = tpu.memref_slice %arg9[%rem3A_1309, %gather3A_1989, %gather3A_1990, %gather3A_1991] : memref<3x16x8x64xf32, #tpu.memory_space<vmem>> -> memref<1x16x8x64xf32, #tpu.memory_space<vmem>>
      %gather3A_1993 = tpu.memref_squeeze %gather3A_1992 : memref<1x16x8x64xf32, #tpu.memory_space<vmem>> -> memref<16x8x64xf32, #tpu.memory_space<vmem>>
      %gather3A_1994 = tpu.vector_load_idx %gather3A_1993[%iota3A, %and3A_1868, %broadcast_in_dim3A_1982] : memref<16x8x64xf32, #tpu.memory_space<vmem>>[vector<16xi32>, vector<16xi32>, vector<16xi32>], vector<16xf32>,
      %mul3A_1995 = arith.mulf %gather3A_1988, %gather3A_1994 : vector<16xf32>
      %add3A_1996 = arith.addf %add3A_1980, %mul3A_1995 : vector<16xf32>
      %broadcast_in_dim3A_1997 = arith.constant 8 : i32
      %broadcast_in_dim3A_1998 = vector.broadcast %broadcast_in_dim3A_1997 : i32 to vector<16xi32>
      %gather3A_1999 = arith.constant 0 : i32
      %gather3A_2000 = arith.constant 0 : i32
      %gather3A_2001 = arith.constant 0 : i32
      %gather3A_2002 = tpu.memref_slice %arg8[%rem3A_1309, %gather3A_1999, %gather3A_2000, %gather3A_2001] : memref<3x16x8x64xf32, #tpu.memory_space<vmem>> -> memref<1x16x8x64xf32, #tpu.memory_space<vmem>>
      %gather3A_2003 = tpu.memref_squeeze %gather3A_2002 : memref<1x16x8x64xf32, #tpu.memory_space<vmem>> -> memref<16x8x64xf32, #tpu.memory_space<vmem>>
      %gather3A_2004 = tpu.vector_load_idx %gather3A_2003[%iota3A, %and3A_1863, %broadcast_in_dim3A_1998] : memref<16x8x64xf32, #tpu.memory_space<vmem>>[vector<16xi32>, vector<16xi32>, vector<16xi32>], vector<16xf32>,
      %gather3A_2005 = arith.constant 0 : i32
      %gather3A_2006 = arith.constant 0 : i32
      %gather3A_2007 = arith.constant 0 : i32
      %gather3A_2008 = tpu.memref_slice %arg9[%rem3A_1309, %gather3A_2005, %gather3A_2006, %gather3A_2007] : memref<3x16x8x64xf32, #tpu.memory_space<vmem>> -> memref<1x16x8x64xf32, #tpu.memory_space<vmem>>
      %gather3A_2009 = tpu.memref_squeeze %gather3A_2008 : memref<1x16x8x64xf32, #tpu.memory_space<vmem>> -> memref<16x8x64xf32, #tpu.memory_space<vmem>>
      %gather3A_2010 = tpu.vector_load_idx %gather3A_2009[%iota3A, %and3A_1868, %broadcast_in_dim3A_1998] : memref<16x8x64xf32, #tpu.memory_space<vmem>>[vector<16xi32>, vector<16xi32>, vector<16xi32>], vector<16xf32>,
      %mul3A_2011 = arith.mulf %gather3A_2004, %gather3A_2010 : vector<16xf32>
      %add3A_2012 = arith.addf %add3A_1996, %mul3A_2011 : vector<16xf32>
      %broadcast_in_dim3A_2013 = arith.constant 9 : i32
      %broadcast_in_dim3A_2014 = vector.broadcast %broadcast_in_dim3A_2013 : i32 to vector<16xi32>
      %gather3A_2015 = arith.constant 0 : i32
      %gather3A_2016 = arith.constant 0 : i32
      %gather3A_2017 = arith.constant 0 : i32
      %gather3A_2018 = tpu.memref_slice %arg8[%rem3A_1309, %gather3A_2015, %gather3A_2016, %gather3A_2017] : memref<3x16x8x64xf32, #tpu.memory_space<vmem>> -> memref<1x16x8x64xf32, #tpu.memory_space<vmem>>
      %gather3A_2019 = tpu.memref_squeeze %gather3A_2018 : memref<1x16x8x64xf32, #tpu.memory_space<vmem>> -> memref<16x8x64xf32, #tpu.memory_space<vmem>>
      %gather3A_2020 = tpu.vector_load_idx %gather3A_2019[%iota3A, %and3A_1863, %broadcast_in_dim3A_2014] : memref<16x8x64xf32, #tpu.memory_space<vmem>>[vector<16xi32>, vector<16xi32>, vector<16xi32>], vector<16xf32>,
      %gather3A_2021 = arith.constant 0 : i32
      %gather3A_2022 = arith.constant 0 : i32
      %gather3A_2023 = arith.constant 0 : i32
      %gather3A_2024 = tpu.memref_slice %arg9[%rem3A_1309, %gather3A_2021, %gather3A_2022, %gather3A_2023] : memref<3x16x8x64xf32, #tpu.memory_space<vmem>> -> memref<1x16x8x64xf32, #tpu.memory_space<vmem>>
      %gather3A_2025 = tpu.memref_squeeze %gather3A_2024 : memref<1x16x8x64xf32, #tpu.memory_space<vmem>> -> memref<16x8x64xf32, #tpu.memory_space<vmem>>
      %gather3A_2026 = tpu.vector_load_idx %gather3A_2025[%iota3A, %and3A_1868, %broadcast_in_dim3A_2014] : memref<16x8x64xf32, #tpu.memory_space<vmem>>[vector<16xi32>, vector<16xi32>, vector<16xi32>], vector<16xf32>,
      %mul3A_2027 = arith.mulf %gather3A_2020, %gather3A_2026 : vector<16xf32>
      %add3A_2028 = arith.addf %add3A_2012, %mul3A_2027 : vector<16xf32>
      %broadcast_in_dim3A_2029 = arith.constant 10 : i32
      %broadcast_in_dim3A_2030 = vector.broadcast %broadcast_in_dim3A_2029 : i32 to vector<16xi32>
      %gather3A_2031 = arith.constant 0 : i32
      %gather3A_2032 = arith.constant 0 : i32
      %gather3A_2033 = arith.constant 0 : i32
      %gather3A_2034 = tpu.memref_slice %arg8[%rem3A_1309, %gather3A_2031, %gather3A_2032, %gather3A_2033] : memref<3x16x8x64xf32, #tpu.memory_space<vmem>> -> memref<1x16x8x64xf32, #tpu.memory_space<vmem>>
      %gather3A_2035 = tpu.memref_squeeze %gather3A_2034 : memref<1x16x8x64xf32, #tpu.memory_space<vmem>> -> memref<16x8x64xf32, #tpu.memory_space<vmem>>
      %gather3A_2036 = tpu.vector_load_idx %gather3A_2035[%iota3A, %and3A_1863, %broadcast_in_dim3A_2030] : memref<16x8x64xf32, #tpu.memory_space<vmem>>[vector<16xi32>, vector<16xi32>, vector<16xi32>], vector<16xf32>,
      %gather3A_2037 = arith.constant 0 : i32
      %gather3A_2038 = arith.constant 0 : i32
      %gather3A_2039 = arith.constant 0 : i32
      %gather3A_2040 = tpu.memref_slice %arg9[%rem3A_1309, %gather3A_2037, %gather3A_2038, %gather3A_2039] : memref<3x16x8x64xf32, #tpu.memory_space<vmem>> -> memref<1x16x8x64xf32, #tpu.memory_space<vmem>>
      %gather3A_2041 = tpu.memref_squeeze %gather3A_2040 : memref<1x16x8x64xf32, #tpu.memory_space<vmem>> -> memref<16x8x64xf32, #tpu.memory_space<vmem>>
      %gather3A_2042 = tpu.vector_load_idx %gather3A_2041[%iota3A, %and3A_1868, %broadcast_in_dim3A_2030] : memref<16x8x64xf32, #tpu.memory_space<vmem>>[vector<16xi32>, vector<16xi32>, vector<16xi32>], vector<16xf32>,
      %mul3A_2043 = arith.mulf %gather3A_2036, %gather3A_2042 : vector<16xf32>
      %add3A_2044 = arith.addf %add3A_2028, %mul3A_2043 : vector<16xf32>
      %broadcast_in_dim3A_2045 = arith.constant 11 : i32
      %broadcast_in_dim3A_2046 = vector.broadcast %broadcast_in_dim3A_2045 : i32 to vector<16xi32>
      %gather3A_2047 = arith.constant 0 : i32
      %gather3A_2048 = arith.constant 0 : i32
      %gather3A_2049 = arith.constant 0 : i32
      %gather3A_2050 = tpu.memref_slice %arg8[%rem3A_1309, %gather3A_2047, %gather3A_2048, %gather3A_2049] : memref<3x16x8x64xf32, #tpu.memory_space<vmem>> -> memref<1x16x8x64xf32, #tpu.memory_space<vmem>>
      %gather3A_2051 = tpu.memref_squeeze %gather3A_2050 : memref<1x16x8x64xf32, #tpu.memory_space<vmem>> -> memref<16x8x64xf32, #tpu.memory_space<vmem>>
      %gather3A_2052 = tpu.vector_load_idx %gather3A_2051[%iota3A, %and3A_1863, %broadcast_in_dim3A_2046] : memref<16x8x64xf32, #tpu.memory_space<vmem>>[vector<16xi32>, vector<16xi32>, vector<16xi32>], vector<16xf32>,
      %gather3A_2053 = arith.constant 0 : i32
      %gather3A_2054 = arith.constant 0 : i32
      %gather3A_2055 = arith.constant 0 : i32
      %gather3A_2056 = tpu.memref_slice %arg9[%rem3A_1309, %gather3A_2053, %gather3A_2054, %gather3A_2055] : memref<3x16x8x64xf32, #tpu.memory_space<vmem>> -> memref<1x16x8x64xf32, #tpu.memory_space<vmem>>
      %gather3A_2057 = tpu.memref_squeeze %gather3A_2056 : memref<1x16x8x64xf32, #tpu.memory_space<vmem>> -> memref<16x8x64xf32, #tpu.memory_space<vmem>>
      %gather3A_2058 = tpu.vector_load_idx %gather3A_2057[%iota3A, %and3A_1868, %broadcast_in_dim3A_2046] : memref<16x8x64xf32, #tpu.memory_space<vmem>>[vector<16xi32>, vector<16xi32>, vector<16xi32>], vector<16xf32>,
      %mul3A_2059 = arith.mulf %gather3A_2052, %gather3A_2058 : vector<16xf32>
      %add3A_2060 = arith.addf %add3A_2044, %mul3A_2059 : vector<16xf32>
      %broadcast_in_dim3A_2061 = arith.constant 12 : i32
      %broadcast_in_dim3A_2062 = vector.broadcast %broadcast_in_dim3A_2061 : i32 to vector<16xi32>
      %gather3A_2063 = arith.constant 0 : i32
      %gather3A_2064 = arith.constant 0 : i32
      %gather3A_2065 = arith.constant 0 : i32
      %gather3A_2066 = tpu.memref_slice %arg8[%rem3A_1309, %gather3A_2063, %gather3A_2064, %gather3A_2065] : memref<3x16x8x64xf32, #tpu.memory_space<vmem>> -> memref<1x16x8x64xf32, #tpu.memory_space<vmem>>
      %gather3A_2067 = tpu.memref_squeeze %gather3A_2066 : memref<1x16x8x64xf32, #tpu.memory_space<vmem>> -> memref<16x8x64xf32, #tpu.memory_space<vmem>>
      %gather3A_2068 = tpu.vector_load_idx %gather3A_2067[%iota3A, %and3A_1863, %broadcast_in_dim3A_2062] : memref<16x8x64xf32, #tpu.memory_space<vmem>>[vector<16xi32>, vector<16xi32>, vector<16xi32>], vector<16xf32>,
      %gather3A_2069 = arith.constant 0 : i32
      %gather3A_2070 = arith.constant 0 : i32
      %gather3A_2071 = arith.constant 0 : i32
      %gather3A_2072 = tpu.memref_slice %arg9[%rem3A_1309, %gather3A_2069, %gather3A_2070, %gather3A_2071] : memref<3x16x8x64xf32, #tpu.memory_space<vmem>> -> memref<1x16x8x64xf32, #tpu.memory_space<vmem>>
      %gather3A_2073 = tpu.memref_squeeze %gather3A_2072 : memref<1x16x8x64xf32, #tpu.memory_space<vmem>> -> memref<16x8x64xf32, #tpu.memory_space<vmem>>
      %gather3A_2074 = tpu.vector_load_idx %gather3A_2073[%iota3A, %and3A_1868, %broadcast_in_dim3A_2062] : memref<16x8x64xf32, #tpu.memory_space<vmem>>[vector<16xi32>, vector<16xi32>, vector<16xi32>], vector<16xf32>,
      %mul3A_2075 = arith.mulf %gather3A_2068, %gather3A_2074 : vector<16xf32>
      %add3A_2076 = arith.addf %add3A_2060, %mul3A_2075 : vector<16xf32>
      %broadcast_in_dim3A_2077 = arith.constant 13 : i32
      %broadcast_in_dim3A_2078 = vector.broadcast %broadcast_in_dim3A_2077 : i32 to vector<16xi32>
      %gather3A_2079 = arith.constant 0 : i32
      %gather3A_2080 = arith.constant 0 : i32
      %gather3A_2081 = arith.constant 0 : i32
      %gather3A_2082 = tpu.memref_slice %arg8[%rem3A_1309, %gather3A_2079, %gather3A_2080, %gather3A_2081] : memref<3x16x8x64xf32, #tpu.memory_space<vmem>> -> memref<1x16x8x64xf32, #tpu.memory_space<vmem>>
      %gather3A_2083 = tpu.memref_squeeze %gather3A_2082 : memref<1x16x8x64xf32, #tpu.memory_space<vmem>> -> memref<16x8x64xf32, #tpu.memory_space<vmem>>
      %gather3A_2084 = tpu.vector_load_idx %gather3A_2083[%iota3A, %and3A_1863, %broadcast_in_dim3A_2078] : memref<16x8x64xf32, #tpu.memory_space<vmem>>[vector<16xi32>, vector<16xi32>, vector<16xi32>], vector<16xf32>,
      %gather3A_2085 = arith.constant 0 : i32
      %gather3A_2086 = arith.constant 0 : i32
      %gather3A_2087 = arith.constant 0 : i32
      %gather3A_2088 = tpu.memref_slice %arg9[%rem3A_1309, %gather3A_2085, %gather3A_2086, %gather3A_2087] : memref<3x16x8x64xf32, #tpu.memory_space<vmem>> -> memref<1x16x8x64xf32, #tpu.memory_space<vmem>>
      %gather3A_2089 = tpu.memref_squeeze %gather3A_2088 : memref<1x16x8x64xf32, #tpu.memory_space<vmem>> -> memref<16x8x64xf32, #tpu.memory_space<vmem>>
      %gather3A_2090 = tpu.vector_load_idx %gather3A_2089[%iota3A, %and3A_1868, %broadcast_in_dim3A_2078] : memref<16x8x64xf32, #tpu.memory_space<vmem>>[vector<16xi32>, vector<16xi32>, vector<16xi32>], vector<16xf32>,
      %mul3A_2091 = arith.mulf %gather3A_2084, %gather3A_2090 : vector<16xf32>
      %add3A_2092 = arith.addf %add3A_2076, %mul3A_2091 : vector<16xf32>
      %broadcast_in_dim3A_2093 = arith.constant 14 : i32
      %broadcast_in_dim3A_2094 = vector.broadcast %broadcast_in_dim3A_2093 : i32 to vector<16xi32>
      %gather3A_2095 = arith.constant 0 : i32
      %gather3A_2096 = arith.constant 0 : i32
      %gather3A_2097 = arith.constant 0 : i32
      %gather3A_2098 = tpu.memref_slice %arg8[%rem3A_1309, %gather3A_2095, %gather3A_2096, %gather3A_2097] : memref<3x16x8x64xf32, #tpu.memory_space<vmem>> -> memref<1x16x8x64xf32, #tpu.memory_space<vmem>>
      %gather3A_2099 = tpu.memref_squeeze %gather3A_2098 : memref<1x16x8x64xf32, #tpu.memory_space<vmem>> -> memref<16x8x64xf32, #tpu.memory_space<vmem>>
      %gather3A_2100 = tpu.vector_load_idx %gather3A_2099[%iota3A, %and3A_1863, %broadcast_in_dim3A_2094] : memref<16x8x64xf32, #tpu.memory_space<vmem>>[vector<16xi32>, vector<16xi32>, vector<16xi32>], vector<16xf32>,
      %gather3A_2101 = arith.constant 0 : i32
      %gather3A_2102 = arith.constant 0 : i32
      %gather3A_2103 = arith.constant 0 : i32
      %gather3A_2104 = tpu.memref_slice %arg9[%rem3A_1309, %gather3A_2101, %gather3A_2102, %gather3A_2103] : memref<3x16x8x64xf32, #tpu.memory_space<vmem>> -> memref<1x16x8x64xf32, #tpu.memory_space<vmem>>
      %gather3A_2105 = tpu.memref_squeeze %gather3A_2104 : memref<1x16x8x64xf32, #tpu.memory_space<vmem>> -> memref<16x8x64xf32, #tpu.memory_space<vmem>>
      %gather3A_2106 = tpu.vector_load_idx %gather3A_2105[%iota3A, %and3A_1868, %broadcast_in_dim3A_2094] : memref<16x8x64xf32, #tpu.memory_space<vmem>>[vector<16xi32>, vector<16xi32>, vector<16xi32>], vector<16xf32>,
      %mul3A_2107 = arith.mulf %gather3A_2100, %gather3A_2106 : vector<16xf32>
      %add3A_2108 = arith.addf %add3A_2092, %mul3A_2107 : vector<16xf32>
      %broadcast_in_dim3A_2109 = arith.constant 15 : i32
      %broadcast_in_dim3A_2110 = vector.broadcast %broadcast_in_dim3A_2109 : i32 to vector<16xi32>
      %gather3A_2111 = arith.constant 0 : i32
      %gather3A_2112 = arith.constant 0 : i32
      %gather3A_2113 = arith.constant 0 : i32
      %gather3A_2114 = tpu.memref_slice %arg8[%rem3A_1309, %gather3A_2111, %gather3A_2112, %gather3A_2113] : memref<3x16x8x64xf32, #tpu.memory_space<vmem>> -> memref<1x16x8x64xf32, #tpu.memory_space<vmem>>
      %gather3A_2115 = tpu.memref_squeeze %gather3A_2114 : memref<1x16x8x64xf32, #tpu.memory_space<vmem>> -> memref<16x8x64xf32, #tpu.memory_space<vmem>>
      %gather3A_2116 = tpu.vector_load_idx %gather3A_2115[%iota3A, %and3A_1863, %broadcast_in_dim3A_2110] : memref<16x8x64xf32, #tpu.memory_space<vmem>>[vector<16xi32>, vector<16xi32>, vector<16xi32>], vector<16xf32>,
      %gather3A_2117 = arith.constant 0 : i32
      %gather3A_2118 = arith.constant 0 : i32
      %gather3A_2119 = arith.constant 0 : i32
      %gather3A_2120 = tpu.memref_slice %arg9[%rem3A_1309, %gather3A_2117, %gather3A_2118, %gather3A_2119] : memref<3x16x8x64xf32, #tpu.memory_space<vmem>> -> memref<1x16x8x64xf32, #tpu.memory_space<vmem>>
      %gather3A_2121 = tpu.memref_squeeze %gather3A_2120 : memref<1x16x8x64xf32, #tpu.memory_space<vmem>> -> memref<16x8x64xf32, #tpu.memory_space<vmem>>
      %gather3A_2122 = tpu.vector_load_idx %gather3A_2121[%iota3A, %and3A_1868, %broadcast_in_dim3A_2110] : memref<16x8x64xf32, #tpu.memory_space<vmem>>[vector<16xi32>, vector<16xi32>, vector<16xi32>], vector<16xf32>,
      %mul3A_2123 = arith.mulf %gather3A_2116, %gather3A_2122 : vector<16xf32>
      %add3A_2124 = arith.addf %add3A_2108, %mul3A_2123 : vector<16xf32>
      %broadcast_in_dim3A_2125 = arith.constant 16 : i32
      %broadcast_in_dim3A_2126 = vector.broadcast %broadcast_in_dim3A_2125 : i32 to vector<16xi32>
      %gather3A_2127 = arith.constant 0 : i32
      %gather3A_2128 = arith.constant 0 : i32
      %gather3A_2129 = arith.constant 0 : i32
      %gather3A_2130 = tpu.memref_slice %arg8[%rem3A_1309, %gather3A_2127, %gather3A_2128, %gather3A_2129] : memref<3x16x8x64xf32, #tpu.memory_space<vmem>> -> memref<1x16x8x64xf32, #tpu.memory_space<vmem>>
      %gather3A_2131 = tpu.memref_squeeze %gather3A_2130 : memref<1x16x8x64xf32, #tpu.memory_space<vmem>> -> memref<16x8x64xf32, #tpu.memory_space<vmem>>
      %gather3A_2132 = tpu.vector_load_idx %gather3A_2131[%iota3A, %and3A_1863, %broadcast_in_dim3A_2126] : memref<16x8x64xf32, #tpu.memory_space<vmem>>[vector<16xi32>, vector<16xi32>, vector<16xi32>], vector<16xf32>,
      %gather3A_2133 = arith.constant 0 : i32
      %gather3A_2134 = arith.constant 0 : i32
      %gather3A_2135 = arith.constant 0 : i32
      %gather3A_2136 = tpu.memref_slice %arg9[%rem3A_1309, %gather3A_2133, %gather3A_2134, %gather3A_2135] : memref<3x16x8x64xf32, #tpu.memory_space<vmem>> -> memref<1x16x8x64xf32, #tpu.memory_space<vmem>>
      %gather3A_2137 = tpu.memref_squeeze %gather3A_2136 : memref<1x16x8x64xf32, #tpu.memory_space<vmem>> -> memref<16x8x64xf32, #tpu.memory_space<vmem>>
      %gather3A_2138 = tpu.vector_load_idx %gather3A_2137[%iota3A, %and3A_1868, %broadcast_in_dim3A_2126] : memref<16x8x64xf32, #tpu.memory_space<vmem>>[vector<16xi32>, vector<16xi32>, vector<16xi32>], vector<16xf32>,
      %mul3A_2139 = arith.mulf %gather3A_2132, %gather3A_2138 : vector<16xf32>
      %add3A_2140 = arith.addf %add3A_2124, %mul3A_2139 : vector<16xf32>
      %broadcast_in_dim3A_2141 = arith.constant 17 : i32
      %broadcast_in_dim3A_2142 = vector.broadcast %broadcast_in_dim3A_2141 : i32 to vector<16xi32>
      %gather3A_2143 = arith.constant 0 : i32
      %gather3A_2144 = arith.constant 0 : i32
      %gather3A_2145 = arith.constant 0 : i32
      %gather3A_2146 = tpu.memref_slice %arg8[%rem3A_1309, %gather3A_2143, %gather3A_2144, %gather3A_2145] : memref<3x16x8x64xf32, #tpu.memory_space<vmem>> -> memref<1x16x8x64xf32, #tpu.memory_space<vmem>>
      %gather3A_2147 = tpu.memref_squeeze %gather3A_2146 : memref<1x16x8x64xf32, #tpu.memory_space<vmem>> -> memref<16x8x64xf32, #tpu.memory_space<vmem>>
      %gather3A_2148 = tpu.vector_load_idx %gather3A_2147[%iota3A, %and3A_1863, %broadcast_in_dim3A_2142] : memref<16x8x64xf32, #tpu.memory_space<vmem>>[vector<16xi32>, vector<16xi32>, vector<16xi32>], vector<16xf32>,
      %gather3A_2149 = arith.constant 0 : i32
      %gather3A_2150 = arith.constant 0 : i32
      %gather3A_2151 = arith.constant 0 : i32
      %gather3A_2152 = tpu.memref_slice %arg9[%rem3A_1309, %gather3A_2149, %gather3A_2150, %gather3A_2151] : memref<3x16x8x64xf32, #tpu.memory_space<vmem>> -> memref<1x16x8x64xf32, #tpu.memory_space<vmem>>
      %gather3A_2153 = tpu.memref_squeeze %gather3A_2152 : memref<1x16x8x64xf32, #tpu.memory_space<vmem>> -> memref<16x8x64xf32, #tpu.memory_space<vmem>>
      %gather3A_2154 = tpu.vector_load_idx %gather3A_2153[%iota3A, %and3A_1868, %broadcast_in_dim3A_2142] : memref<16x8x64xf32, #tpu.memory_space<vmem>>[vector<16xi32>, vector<16xi32>, vector<16xi32>], vector<16xf32>,
      %mul3A_2155 = arith.mulf %gather3A_2148, %gather3A_2154 : vector<16xf32>
      %add3A_2156 = arith.addf %add3A_2140, %mul3A_2155 : vector<16xf32>
      %broadcast_in_dim3A_2157 = arith.constant 18 : i32
      %broadcast_in_dim3A_2158 = vector.broadcast %broadcast_in_dim3A_2157 : i32 to vector<16xi32>
      %gather3A_2159 = arith.constant 0 : i32
      %gather3A_2160 = arith.constant 0 : i32
      %gather3A_2161 = arith.constant 0 : i32
      %gather3A_2162 = tpu.memref_slice %arg8[%rem3A_1309, %gather3A_2159, %gather3A_2160, %gather3A_2161] : memref<3x16x8x64xf32, #tpu.memory_space<vmem>> -> memref<1x16x8x64xf32, #tpu.memory_space<vmem>>
      %gather3A_2163 = tpu.memref_squeeze %gather3A_2162 : memref<1x16x8x64xf32, #tpu.memory_space<vmem>> -> memref<16x8x64xf32, #tpu.memory_space<vmem>>
      %gather3A_2164 = tpu.vector_load_idx %gather3A_2163[%iota3A, %and3A_1863, %broadcast_in_dim3A_2158] : memref<16x8x64xf32, #tpu.memory_space<vmem>>[vector<16xi32>, vector<16xi32>, vector<16xi32>], vector<16xf32>,
      %gather3A_2165 = arith.constant 0 : i32
      %gather3A_2166 = arith.constant 0 : i32
      %gather3A_2167 = arith.constant 0 : i32
      %gather3A_2168 = tpu.memref_slice %arg9[%rem3A_1309, %gather3A_2165, %gather3A_2166, %gather3A_2167] : memref<3x16x8x64xf32, #tpu.memory_space<vmem>> -> memref<1x16x8x64xf32, #tpu.memory_space<vmem>>
      %gather3A_2169 = tpu.memref_squeeze %gather3A_2168 : memref<1x16x8x64xf32, #tpu.memory_space<vmem>> -> memref<16x8x64xf32, #tpu.memory_space<vmem>>
      %gather3A_2170 = tpu.vector_load_idx %gather3A_2169[%iota3A, %and3A_1868, %broadcast_in_dim3A_2158] : memref<16x8x64xf32, #tpu.memory_space<vmem>>[vector<16xi32>, vector<16xi32>, vector<16xi32>], vector<16xf32>,
      %mul3A_2171 = arith.mulf %gather3A_2164, %gather3A_2170 : vector<16xf32>
      %add3A_2172 = arith.addf %add3A_2156, %mul3A_2171 : vector<16xf32>
      %broadcast_in_dim3A_2173 = arith.constant 19 : i32
      %broadcast_in_dim3A_2174 = vector.broadcast %broadcast_in_dim3A_2173 : i32 to vector<16xi32>
      %gather3A_2175 = arith.constant 0 : i32
      %gather3A_2176 = arith.constant 0 : i32
      %gather3A_2177 = arith.constant 0 : i32
      %gather3A_2178 = tpu.memref_slice %arg8[%rem3A_1309, %gather3A_2175, %gather3A_2176, %gather3A_2177] : memref<3x16x8x64xf32, #tpu.memory_space<vmem>> -> memref<1x16x8x64xf32, #tpu.memory_space<vmem>>
      %gather3A_2179 = tpu.memref_squeeze %gather3A_2178 : memref<1x16x8x64xf32, #tpu.memory_space<vmem>> -> memref<16x8x64xf32, #tpu.memory_space<vmem>>
      %gather3A_2180 = tpu.vector_load_idx %gather3A_2179[%iota3A, %and3A_1863, %broadcast_in_dim3A_2174] : memref<16x8x64xf32, #tpu.memory_space<vmem>>[vector<16xi32>, vector<16xi32>, vector<16xi32>], vector<16xf32>,
      %gather3A_2181 = arith.constant 0 : i32
      %gather3A_2182 = arith.constant 0 : i32
      %gather3A_2183 = arith.constant 0 : i32
      %gather3A_2184 = tpu.memref_slice %arg9[%rem3A_1309, %gather3A_2181, %gather3A_2182, %gather3A_2183] : memref<3x16x8x64xf32, #tpu.memory_space<vmem>> -> memref<1x16x8x64xf32, #tpu.memory_space<vmem>>
      %gather3A_2185 = tpu.memref_squeeze %gather3A_2184 : memref<1x16x8x64xf32, #tpu.memory_space<vmem>> -> memref<16x8x64xf32, #tpu.memory_space<vmem>>
      %gather3A_2186 = tpu.vector_load_idx %gather3A_2185[%iota3A, %and3A_1868, %broadcast_in_dim3A_2174] : memref<16x8x64xf32, #tpu.memory_space<vmem>>[vector<16xi32>, vector<16xi32>, vector<16xi32>], vector<16xf32>,
      %mul3A_2187 = arith.mulf %gather3A_2180, %gather3A_2186 : vector<16xf32>
      %add3A_2188 = arith.addf %add3A_2172, %mul3A_2187 : vector<16xf32>
      %broadcast_in_dim3A_2189 = arith.constant 20 : i32
      %broadcast_in_dim3A_2190 = vector.broadcast %broadcast_in_dim3A_2189 : i32 to vector<16xi32>
      %gather3A_2191 = arith.constant 0 : i32
      %gather3A_2192 = arith.constant 0 : i32
      %gather3A_2193 = arith.constant 0 : i32
      %gather3A_2194 = tpu.memref_slice %arg8[%rem3A_1309, %gather3A_2191, %gather3A_2192, %gather3A_2193] : memref<3x16x8x64xf32, #tpu.memory_space<vmem>> -> memref<1x16x8x64xf32, #tpu.memory_space<vmem>>
      %gather3A_2195 = tpu.memref_squeeze %gather3A_2194 : memref<1x16x8x64xf32, #tpu.memory_space<vmem>> -> memref<16x8x64xf32, #tpu.memory_space<vmem>>
      %gather3A_2196 = tpu.vector_load_idx %gather3A_2195[%iota3A, %and3A_1863, %broadcast_in_dim3A_2190] : memref<16x8x64xf32, #tpu.memory_space<vmem>>[vector<16xi32>, vector<16xi32>, vector<16xi32>], vector<16xf32>,
      %gather3A_2197 = arith.constant 0 : i32
      %gather3A_2198 = arith.constant 0 : i32
      %gather3A_2199 = arith.constant 0 : i32
      %gather3A_2200 = tpu.memref_slice %arg9[%rem3A_1309, %gather3A_2197, %gather3A_2198, %gather3A_2199] : memref<3x16x8x64xf32, #tpu.memory_space<vmem>> -> memref<1x16x8x64xf32, #tpu.memory_space<vmem>>
      %gather3A_2201 = tpu.memref_squeeze %gather3A_2200 : memref<1x16x8x64xf32, #tpu.memory_space<vmem>> -> memref<16x8x64xf32, #tpu.memory_space<vmem>>
      %gather3A_2202 = tpu.vector_load_idx %gather3A_2201[%iota3A, %and3A_1868, %broadcast_in_dim3A_2190] : memref<16x8x64xf32, #tpu.memory_space<vmem>>[vector<16xi32>, vector<16xi32>, vector<16xi32>], vector<16xf32>,
      %mul3A_2203 = arith.mulf %gather3A_2196, %gather3A_2202 : vector<16xf32>
      %add3A_2204 = arith.addf %add3A_2188, %mul3A_2203 : vector<16xf32>
      %broadcast_in_dim3A_2205 = arith.constant 21 : i32
      %broadcast_in_dim3A_2206 = vector.broadcast %broadcast_in_dim3A_2205 : i32 to vector<16xi32>
      %gather3A_2207 = arith.constant 0 : i32
      %gather3A_2208 = arith.constant 0 : i32
      %gather3A_2209 = arith.constant 0 : i32
      %gather3A_2210 = tpu.memref_slice %arg8[%rem3A_1309, %gather3A_2207, %gather3A_2208, %gather3A_2209] : memref<3x16x8x64xf32, #tpu.memory_space<vmem>> -> memref<1x16x8x64xf32, #tpu.memory_space<vmem>>
      %gather3A_2211 = tpu.memref_squeeze %gather3A_2210 : memref<1x16x8x64xf32, #tpu.memory_space<vmem>> -> memref<16x8x64xf32, #tpu.memory_space<vmem>>
      %gather3A_2212 = tpu.vector_load_idx %gather3A_2211[%iota3A, %and3A_1863, %broadcast_in_dim3A_2206] : memref<16x8x64xf32, #tpu.memory_space<vmem>>[vector<16xi32>, vector<16xi32>, vector<16xi32>], vector<16xf32>,
      %gather3A_2213 = arith.constant 0 : i32
      %gather3A_2214 = arith.constant 0 : i32
      %gather3A_2215 = arith.constant 0 : i32
      %gather3A_2216 = tpu.memref_slice %arg9[%rem3A_1309, %gather3A_2213, %gather3A_2214, %gather3A_2215] : memref<3x16x8x64xf32, #tpu.memory_space<vmem>> -> memref<1x16x8x64xf32, #tpu.memory_space<vmem>>
      %gather3A_2217 = tpu.memref_squeeze %gather3A_2216 : memref<1x16x8x64xf32, #tpu.memory_space<vmem>> -> memref<16x8x64xf32, #tpu.memory_space<vmem>>
      %gather3A_2218 = tpu.vector_load_idx %gather3A_2217[%iota3A, %and3A_1868, %broadcast_in_dim3A_2206] : memref<16x8x64xf32, #tpu.memory_space<vmem>>[vector<16xi32>, vector<16xi32>, vector<16xi32>], vector<16xf32>,
      %mul3A_2219 = arith.mulf %gather3A_2212, %gather3A_2218 : vector<16xf32>
      %add3A_2220 = arith.addf %add3A_2204, %mul3A_2219 : vector<16xf32>
      %broadcast_in_dim3A_2221 = arith.constant 22 : i32
      %broadcast_in_dim3A_2222 = vector.broadcast %broadcast_in_dim3A_2221 : i32 to vector<16xi32>
      %gather3A_2223 = arith.constant 0 : i32
      %gather3A_2224 = arith.constant 0 : i32
      %gather3A_2225 = arith.constant 0 : i32
      %gather3A_2226 = tpu.memref_slice %arg8[%rem3A_1309, %gather3A_2223, %gather3A_2224, %gather3A_2225] : memref<3x16x8x64xf32, #tpu.memory_space<vmem>> -> memref<1x16x8x64xf32, #tpu.memory_space<vmem>>
      %gather3A_2227 = tpu.memref_squeeze %gather3A_2226 : memref<1x16x8x64xf32, #tpu.memory_space<vmem>> -> memref<16x8x64xf32, #tpu.memory_space<vmem>>
      %gather3A_2228 = tpu.vector_load_idx %gather3A_2227[%iota3A, %and3A_1863, %broadcast_in_dim3A_2222] : memref<16x8x64xf32, #tpu.memory_space<vmem>>[vector<16xi32>, vector<16xi32>, vector<16xi32>], vector<16xf32>,
      %gather3A_2229 = arith.constant 0 : i32
      %gather3A_2230 = arith.constant 0 : i32
      %gather3A_2231 = arith.constant 0 : i32
      %gather3A_2232 = tpu.memref_slice %arg9[%rem3A_1309, %gather3A_2229, %gather3A_2230, %gather3A_2231] : memref<3x16x8x64xf32, #tpu.memory_space<vmem>> -> memref<1x16x8x64xf32, #tpu.memory_space<vmem>>
      %gather3A_2233 = tpu.memref_squeeze %gather3A_2232 : memref<1x16x8x64xf32, #tpu.memory_space<vmem>> -> memref<16x8x64xf32, #tpu.memory_space<vmem>>
      %gather3A_2234 = tpu.vector_load_idx %gather3A_2233[%iota3A, %and3A_1868, %broadcast_in_dim3A_2222] : memref<16x8x64xf32, #tpu.memory_space<vmem>>[vector<16xi32>, vector<16xi32>, vector<16xi32>], vector<16xf32>,
      %mul3A_2235 = arith.mulf %gather3A_2228, %gather3A_2234 : vector<16xf32>
      %add3A_2236 = arith.addf %add3A_2220, %mul3A_2235 : vector<16xf32>
      %broadcast_in_dim3A_2237 = arith.constant 23 : i32
      %broadcast_in_dim3A_2238 = vector.broadcast %broadcast_in_dim3A_2237 : i32 to vector<16xi32>
      %gather3A_2239 = arith.constant 0 : i32
      %gather3A_2240 = arith.constant 0 : i32
      %gather3A_2241 = arith.constant 0 : i32
      %gather3A_2242 = tpu.memref_slice %arg8[%rem3A_1309, %gather3A_2239, %gather3A_2240, %gather3A_2241] : memref<3x16x8x64xf32, #tpu.memory_space<vmem>> -> memref<1x16x8x64xf32, #tpu.memory_space<vmem>>
      %gather3A_2243 = tpu.memref_squeeze %gather3A_2242 : memref<1x16x8x64xf32, #tpu.memory_space<vmem>> -> memref<16x8x64xf32, #tpu.memory_space<vmem>>
      %gather3A_2244 = tpu.vector_load_idx %gather3A_2243[%iota3A, %and3A_1863, %broadcast_in_dim3A_2238] : memref<16x8x64xf32, #tpu.memory_space<vmem>>[vector<16xi32>, vector<16xi32>, vector<16xi32>], vector<16xf32>,
      %gather3A_2245 = arith.constant 0 : i32
      %gather3A_2246 = arith.constant 0 : i32
      %gather3A_2247 = arith.constant 0 : i32
      %gather3A_2248 = tpu.memref_slice %arg9[%rem3A_1309, %gather3A_2245, %gather3A_2246, %gather3A_2247] : memref<3x16x8x64xf32, #tpu.memory_space<vmem>> -> memref<1x16x8x64xf32, #tpu.memory_space<vmem>>
      %gather3A_2249 = tpu.memref_squeeze %gather3A_2248 : memref<1x16x8x64xf32, #tpu.memory_space<vmem>> -> memref<16x8x64xf32, #tpu.memory_space<vmem>>
      %gather3A_2250 = tpu.vector_load_idx %gather3A_2249[%iota3A, %and3A_1868, %broadcast_in_dim3A_2238] : memref<16x8x64xf32, #tpu.memory_space<vmem>>[vector<16xi32>, vector<16xi32>, vector<16xi32>], vector<16xf32>,
      %mul3A_2251 = arith.mulf %gather3A_2244, %gather3A_2250 : vector<16xf32>
      %add3A_2252 = arith.addf %add3A_2236, %mul3A_2251 : vector<16xf32>
      %broadcast_in_dim3A_2253 = arith.constant 24 : i32
      %broadcast_in_dim3A_2254 = vector.broadcast %broadcast_in_dim3A_2253 : i32 to vector<16xi32>
      %gather3A_2255 = arith.constant 0 : i32
      %gather3A_2256 = arith.constant 0 : i32
      %gather3A_2257 = arith.constant 0 : i32
      %gather3A_2258 = tpu.memref_slice %arg8[%rem3A_1309, %gather3A_2255, %gather3A_2256, %gather3A_2257] : memref<3x16x8x64xf32, #tpu.memory_space<vmem>> -> memref<1x16x8x64xf32, #tpu.memory_space<vmem>>
      %gather3A_2259 = tpu.memref_squeeze %gather3A_2258 : memref<1x16x8x64xf32, #tpu.memory_space<vmem>> -> memref<16x8x64xf32, #tpu.memory_space<vmem>>
      %gather3A_2260 = tpu.vector_load_idx %gather3A_2259[%iota3A, %and3A_1863, %broadcast_in_dim3A_2254] : memref<16x8x64xf32, #tpu.memory_space<vmem>>[vector<16xi32>, vector<16xi32>, vector<16xi32>], vector<16xf32>,
      %gather3A_2261 = arith.constant 0 : i32
      %gather3A_2262 = arith.constant 0 : i32
      %gather3A_2263 = arith.constant 0 : i32
      %gather3A_2264 = tpu.memref_slice %arg9[%rem3A_1309, %gather3A_2261, %gather3A_2262, %gather3A_2263] : memref<3x16x8x64xf32, #tpu.memory_space<vmem>> -> memref<1x16x8x64xf32, #tpu.memory_space<vmem>>
      %gather3A_2265 = tpu.memref_squeeze %gather3A_2264 : memref<1x16x8x64xf32, #tpu.memory_space<vmem>> -> memref<16x8x64xf32, #tpu.memory_space<vmem>>
      %gather3A_2266 = tpu.vector_load_idx %gather3A_2265[%iota3A, %and3A_1868, %broadcast_in_dim3A_2254] : memref<16x8x64xf32, #tpu.memory_space<vmem>>[vector<16xi32>, vector<16xi32>, vector<16xi32>], vector<16xf32>,
      %mul3A_2267 = arith.mulf %gather3A_2260, %gather3A_2266 : vector<16xf32>
      %add3A_2268 = arith.addf %add3A_2252, %mul3A_2267 : vector<16xf32>
      %broadcast_in_dim3A_2269 = arith.constant 25 : i32
      %broadcast_in_dim3A_2270 = vector.broadcast %broadcast_in_dim3A_2269 : i32 to vector<16xi32>
      %gather3A_2271 = arith.constant 0 : i32
      %gather3A_2272 = arith.constant 0 : i32
      %gather3A_2273 = arith.constant 0 : i32
      %gather3A_2274 = tpu.memref_slice %arg8[%rem3A_1309, %gather3A_2271, %gather3A_2272, %gather3A_2273] : memref<3x16x8x64xf32, #tpu.memory_space<vmem>> -> memref<1x16x8x64xf32, #tpu.memory_space<vmem>>
      %gather3A_2275 = tpu.memref_squeeze %gather3A_2274 : memref<1x16x8x64xf32, #tpu.memory_space<vmem>> -> memref<16x8x64xf32, #tpu.memory_space<vmem>>
      %gather3A_2276 = tpu.vector_load_idx %gather3A_2275[%iota3A, %and3A_1863, %broadcast_in_dim3A_2270] : memref<16x8x64xf32, #tpu.memory_space<vmem>>[vector<16xi32>, vector<16xi32>, vector<16xi32>], vector<16xf32>,
      %gather3A_2277 = arith.constant 0 : i32
      %gather3A_2278 = arith.constant 0 : i32
      %gather3A_2279 = arith.constant 0 : i32
      %gather3A_2280 = tpu.memref_slice %arg9[%rem3A_1309, %gather3A_2277, %gather3A_2278, %gather3A_2279] : memref<3x16x8x64xf32, #tpu.memory_space<vmem>> -> memref<1x16x8x64xf32, #tpu.memory_space<vmem>>
      %gather3A_2281 = tpu.memref_squeeze %gather3A_2280 : memref<1x16x8x64xf32, #tpu.memory_space<vmem>> -> memref<16x8x64xf32, #tpu.memory_space<vmem>>
      %gather3A_2282 = tpu.vector_load_idx %gather3A_2281[%iota3A, %and3A_1868, %broadcast_in_dim3A_2270] : memref<16x8x64xf32, #tpu.memory_space<vmem>>[vector<16xi32>, vector<16xi32>, vector<16xi32>], vector<16xf32>,
      %mul3A_2283 = arith.mulf %gather3A_2276, %gather3A_2282 : vector<16xf32>
      %add3A_2284 = arith.addf %add3A_2268, %mul3A_2283 : vector<16xf32>
      %broadcast_in_dim3A_2285 = arith.constant 26 : i32
      %broadcast_in_dim3A_2286 = vector.broadcast %broadcast_in_dim3A_2285 : i32 to vector<16xi32>
      %gather3A_2287 = arith.constant 0 : i32
      %gather3A_2288 = arith.constant 0 : i32
      %gather3A_2289 = arith.constant 0 : i32
      %gather3A_2290 = tpu.memref_slice %arg8[%rem3A_1309, %gather3A_2287, %gather3A_2288, %gather3A_2289] : memref<3x16x8x64xf32, #tpu.memory_space<vmem>> -> memref<1x16x8x64xf32, #tpu.memory_space<vmem>>
      %gather3A_2291 = tpu.memref_squeeze %gather3A_2290 : memref<1x16x8x64xf32, #tpu.memory_space<vmem>> -> memref<16x8x64xf32, #tpu.memory_space<vmem>>
      %gather3A_2292 = tpu.vector_load_idx %gather3A_2291[%iota3A, %and3A_1863, %broadcast_in_dim3A_2286] : memref<16x8x64xf32, #tpu.memory_space<vmem>>[vector<16xi32>, vector<16xi32>, vector<16xi32>], vector<16xf32>,
      %gather3A_2293 = arith.constant 0 : i32
      %gather3A_2294 = arith.constant 0 : i32
      %gather3A_2295 = arith.constant 0 : i32
      %gather3A_2296 = tpu.memref_slice %arg9[%rem3A_1309, %gather3A_2293, %gather3A_2294, %gather3A_2295] : memref<3x16x8x64xf32, #tpu.memory_space<vmem>> -> memref<1x16x8x64xf32, #tpu.memory_space<vmem>>
      %gather3A_2297 = tpu.memref_squeeze %gather3A_2296 : memref<1x16x8x64xf32, #tpu.memory_space<vmem>> -> memref<16x8x64xf32, #tpu.memory_space<vmem>>
      %gather3A_2298 = tpu.vector_load_idx %gather3A_2297[%iota3A, %and3A_1868, %broadcast_in_dim3A_2286] : memref<16x8x64xf32, #tpu.memory_space<vmem>>[vector<16xi32>, vector<16xi32>, vector<16xi32>], vector<16xf32>,
      %mul3A_2299 = arith.mulf %gather3A_2292, %gather3A_2298 : vector<16xf32>
      %add3A_2300 = arith.addf %add3A_2284, %mul3A_2299 : vector<16xf32>
      %broadcast_in_dim3A_2301 = arith.constant 27 : i32
      %broadcast_in_dim3A_2302 = vector.broadcast %broadcast_in_dim3A_2301 : i32 to vector<16xi32>
      %gather3A_2303 = arith.constant 0 : i32
      %gather3A_2304 = arith.constant 0 : i32
      %gather3A_2305 = arith.constant 0 : i32
      %gather3A_2306 = tpu.memref_slice %arg8[%rem3A_1309, %gather3A_2303, %gather3A_2304, %gather3A_2305] : memref<3x16x8x64xf32, #tpu.memory_space<vmem>> -> memref<1x16x8x64xf32, #tpu.memory_space<vmem>>
      %gather3A_2307 = tpu.memref_squeeze %gather3A_2306 : memref<1x16x8x64xf32, #tpu.memory_space<vmem>> -> memref<16x8x64xf32, #tpu.memory_space<vmem>>
      %gather3A_2308 = tpu.vector_load_idx %gather3A_2307[%iota3A, %and3A_1863, %broadcast_in_dim3A_2302] : memref<16x8x64xf32, #tpu.memory_space<vmem>>[vector<16xi32>, vector<16xi32>, vector<16xi32>], vector<16xf32>,
      %gather3A_2309 = arith.constant 0 : i32
      %gather3A_2310 = arith.constant 0 : i32
      %gather3A_2311 = arith.constant 0 : i32
      %gather3A_2312 = tpu.memref_slice %arg9[%rem3A_1309, %gather3A_2309, %gather3A_2310, %gather3A_2311] : memref<3x16x8x64xf32, #tpu.memory_space<vmem>> -> memref<1x16x8x64xf32, #tpu.memory_space<vmem>>
      %gather3A_2313 = tpu.memref_squeeze %gather3A_2312 : memref<1x16x8x64xf32, #tpu.memory_space<vmem>> -> memref<16x8x64xf32, #tpu.memory_space<vmem>>
      %gather3A_2314 = tpu.vector_load_idx %gather3A_2313[%iota3A, %and3A_1868, %broadcast_in_dim3A_2302] : memref<16x8x64xf32, #tpu.memory_space<vmem>>[vector<16xi32>, vector<16xi32>, vector<16xi32>], vector<16xf32>,
      %mul3A_2315 = arith.mulf %gather3A_2308, %gather3A_2314 : vector<16xf32>
      %add3A_2316 = arith.addf %add3A_2300, %mul3A_2315 : vector<16xf32>
      %broadcast_in_dim3A_2317 = arith.constant 28 : i32
      %broadcast_in_dim3A_2318 = vector.broadcast %broadcast_in_dim3A_2317 : i32 to vector<16xi32>
      %gather3A_2319 = arith.constant 0 : i32
      %gather3A_2320 = arith.constant 0 : i32
      %gather3A_2321 = arith.constant 0 : i32
      %gather3A_2322 = tpu.memref_slice %arg8[%rem3A_1309, %gather3A_2319, %gather3A_2320, %gather3A_2321] : memref<3x16x8x64xf32, #tpu.memory_space<vmem>> -> memref<1x16x8x64xf32, #tpu.memory_space<vmem>>
      %gather3A_2323 = tpu.memref_squeeze %gather3A_2322 : memref<1x16x8x64xf32, #tpu.memory_space<vmem>> -> memref<16x8x64xf32, #tpu.memory_space<vmem>>
      %gather3A_2324 = tpu.vector_load_idx %gather3A_2323[%iota3A, %and3A_1863, %broadcast_in_dim3A_2318] : memref<16x8x64xf32, #tpu.memory_space<vmem>>[vector<16xi32>, vector<16xi32>, vector<16xi32>], vector<16xf32>,
      %gather3A_2325 = arith.constant 0 : i32
      %gather3A_2326 = arith.constant 0 : i32
      %gather3A_2327 = arith.constant 0 : i32
      %gather3A_2328 = tpu.memref_slice %arg9[%rem3A_1309, %gather3A_2325, %gather3A_2326, %gather3A_2327] : memref<3x16x8x64xf32, #tpu.memory_space<vmem>> -> memref<1x16x8x64xf32, #tpu.memory_space<vmem>>
      %gather3A_2329 = tpu.memref_squeeze %gather3A_2328 : memref<1x16x8x64xf32, #tpu.memory_space<vmem>> -> memref<16x8x64xf32, #tpu.memory_space<vmem>>
      %gather3A_2330 = tpu.vector_load_idx %gather3A_2329[%iota3A, %and3A_1868, %broadcast_in_dim3A_2318] : memref<16x8x64xf32, #tpu.memory_space<vmem>>[vector<16xi32>, vector<16xi32>, vector<16xi32>], vector<16xf32>,
      %mul3A_2331 = arith.mulf %gather3A_2324, %gather3A_2330 : vector<16xf32>
      %add3A_2332 = arith.addf %add3A_2316, %mul3A_2331 : vector<16xf32>
      %broadcast_in_dim3A_2333 = arith.constant 29 : i32
      %broadcast_in_dim3A_2334 = vector.broadcast %broadcast_in_dim3A_2333 : i32 to vector<16xi32>
      %gather3A_2335 = arith.constant 0 : i32
      %gather3A_2336 = arith.constant 0 : i32
      %gather3A_2337 = arith.constant 0 : i32
      %gather3A_2338 = tpu.memref_slice %arg8[%rem3A_1309, %gather3A_2335, %gather3A_2336, %gather3A_2337] : memref<3x16x8x64xf32, #tpu.memory_space<vmem>> -> memref<1x16x8x64xf32, #tpu.memory_space<vmem>>
      %gather3A_2339 = tpu.memref_squeeze %gather3A_2338 : memref<1x16x8x64xf32, #tpu.memory_space<vmem>> -> memref<16x8x64xf32, #tpu.memory_space<vmem>>
      %gather3A_2340 = tpu.vector_load_idx %gather3A_2339[%iota3A, %and3A_1863, %broadcast_in_dim3A_2334] : memref<16x8x64xf32, #tpu.memory_space<vmem>>[vector<16xi32>, vector<16xi32>, vector<16xi32>], vector<16xf32>,
      %gather3A_2341 = arith.constant 0 : i32
      %gather3A_2342 = arith.constant 0 : i32
      %gather3A_2343 = arith.constant 0 : i32
      %gather3A_2344 = tpu.memref_slice %arg9[%rem3A_1309, %gather3A_2341, %gather3A_2342, %gather3A_2343] : memref<3x16x8x64xf32, #tpu.memory_space<vmem>> -> memref<1x16x8x64xf32, #tpu.memory_space<vmem>>
      %gather3A_2345 = tpu.memref_squeeze %gather3A_2344 : memref<1x16x8x64xf32, #tpu.memory_space<vmem>> -> memref<16x8x64xf32, #tpu.memory_space<vmem>>
      %gather3A_2346 = tpu.vector_load_idx %gather3A_2345[%iota3A, %and3A_1868, %broadcast_in_dim3A_2334] : memref<16x8x64xf32, #tpu.memory_space<vmem>>[vector<16xi32>, vector<16xi32>, vector<16xi32>], vector<16xf32>,
      %mul3A_2347 = arith.mulf %gather3A_2340, %gather3A_2346 : vector<16xf32>
      %add3A_2348 = arith.addf %add3A_2332, %mul3A_2347 : vector<16xf32>
      %broadcast_in_dim3A_2349 = arith.constant 30 : i32
      %broadcast_in_dim3A_2350 = vector.broadcast %broadcast_in_dim3A_2349 : i32 to vector<16xi32>
      %gather3A_2351 = arith.constant 0 : i32
      %gather3A_2352 = arith.constant 0 : i32
      %gather3A_2353 = arith.constant 0 : i32
      %gather3A_2354 = tpu.memref_slice %arg8[%rem3A_1309, %gather3A_2351, %gather3A_2352, %gather3A_2353] : memref<3x16x8x64xf32, #tpu.memory_space<vmem>> -> memref<1x16x8x64xf32, #tpu.memory_space<vmem>>
      %gather3A_2355 = tpu.memref_squeeze %gather3A_2354 : memref<1x16x8x64xf32, #tpu.memory_space<vmem>> -> memref<16x8x64xf32, #tpu.memory_space<vmem>>
      %gather3A_2356 = tpu.vector_load_idx %gather3A_2355[%iota3A, %and3A_1863, %broadcast_in_dim3A_2350] : memref<16x8x64xf32, #tpu.memory_space<vmem>>[vector<16xi32>, vector<16xi32>, vector<16xi32>], vector<16xf32>,
      %gather3A_2357 = arith.constant 0 : i32
      %gather3A_2358 = arith.constant 0 : i32
      %gather3A_2359 = arith.constant 0 : i32
      %gather3A_2360 = tpu.memref_slice %arg9[%rem3A_1309, %gather3A_2357, %gather3A_2358, %gather3A_2359] : memref<3x16x8x64xf32, #tpu.memory_space<vmem>> -> memref<1x16x8x64xf32, #tpu.memory_space<vmem>>
      %gather3A_2361 = tpu.memref_squeeze %gather3A_2360 : memref<1x16x8x64xf32, #tpu.memory_space<vmem>> -> memref<16x8x64xf32, #tpu.memory_space<vmem>>
      %gather3A_2362 = tpu.vector_load_idx %gather3A_2361[%iota3A, %and3A_1868, %broadcast_in_dim3A_2350] : memref<16x8x64xf32, #tpu.memory_space<vmem>>[vector<16xi32>, vector<16xi32>, vector<16xi32>], vector<16xf32>,
      %mul3A_2363 = arith.mulf %gather3A_2356, %gather3A_2362 : vector<16xf32>
      %add3A_2364 = arith.addf %add3A_2348, %mul3A_2363 : vector<16xf32>
      %broadcast_in_dim3A_2365 = arith.constant 31 : i32
      %broadcast_in_dim3A_2366 = vector.broadcast %broadcast_in_dim3A_2365 : i32 to vector<16xi32>
      %gather3A_2367 = arith.constant 0 : i32
      %gather3A_2368 = arith.constant 0 : i32
      %gather3A_2369 = arith.constant 0 : i32
      %gather3A_2370 = tpu.memref_slice %arg8[%rem3A_1309, %gather3A_2367, %gather3A_2368, %gather3A_2369] : memref<3x16x8x64xf32, #tpu.memory_space<vmem>> -> memref<1x16x8x64xf32, #tpu.memory_space<vmem>>
      %gather3A_2371 = tpu.memref_squeeze %gather3A_2370 : memref<1x16x8x64xf32, #tpu.memory_space<vmem>> -> memref<16x8x64xf32, #tpu.memory_space<vmem>>
      %gather3A_2372 = tpu.vector_load_idx %gather3A_2371[%iota3A, %and3A_1863, %broadcast_in_dim3A_2366] : memref<16x8x64xf32, #tpu.memory_space<vmem>>[vector<16xi32>, vector<16xi32>, vector<16xi32>], vector<16xf32>,
      %gather3A_2373 = arith.constant 0 : i32
      %gather3A_2374 = arith.constant 0 : i32
      %gather3A_2375 = arith.constant 0 : i32
      %gather3A_2376 = tpu.memref_slice %arg9[%rem3A_1309, %gather3A_2373, %gather3A_2374, %gather3A_2375] : memref<3x16x8x64xf32, #tpu.memory_space<vmem>> -> memref<1x16x8x64xf32, #tpu.memory_space<vmem>>
      %gather3A_2377 = tpu.memref_squeeze %gather3A_2376 : memref<1x16x8x64xf32, #tpu.memory_space<vmem>> -> memref<16x8x64xf32, #tpu.memory_space<vmem>>
      %gather3A_2378 = tpu.vector_load_idx %gather3A_2377[%iota3A, %and3A_1868, %broadcast_in_dim3A_2366] : memref<16x8x64xf32, #tpu.memory_space<vmem>>[vector<16xi32>, vector<16xi32>, vector<16xi32>], vector<16xf32>,
      %mul3A_2379 = arith.mulf %gather3A_2372, %gather3A_2378 : vector<16xf32>
      %add3A_2380 = arith.addf %add3A_2364, %mul3A_2379 : vector<16xf32>
      %broadcast_in_dim3A_2381 = arith.constant 32 : i32
      %broadcast_in_dim3A_2382 = vector.broadcast %broadcast_in_dim3A_2381 : i32 to vector<16xi32>
      %gather3A_2383 = arith.constant 0 : i32
      %gather3A_2384 = arith.constant 0 : i32
      %gather3A_2385 = arith.constant 0 : i32
      %gather3A_2386 = tpu.memref_slice %arg8[%rem3A_1309, %gather3A_2383, %gather3A_2384, %gather3A_2385] : memref<3x16x8x64xf32, #tpu.memory_space<vmem>> -> memref<1x16x8x64xf32, #tpu.memory_space<vmem>>
      %gather3A_2387 = tpu.memref_squeeze %gather3A_2386 : memref<1x16x8x64xf32, #tpu.memory_space<vmem>> -> memref<16x8x64xf32, #tpu.memory_space<vmem>>
      %gather3A_2388 = tpu.vector_load_idx %gather3A_2387[%iota3A, %and3A_1863, %broadcast_in_dim3A_2382] : memref<16x8x64xf32, #tpu.memory_space<vmem>>[vector<16xi32>, vector<16xi32>, vector<16xi32>], vector<16xf32>,
      %gather3A_2389 = arith.constant 0 : i32
      %gather3A_2390 = arith.constant 0 : i32
      %gather3A_2391 = arith.constant 0 : i32
      %gather3A_2392 = tpu.memref_slice %arg9[%rem3A_1309, %gather3A_2389, %gather3A_2390, %gather3A_2391] : memref<3x16x8x64xf32, #tpu.memory_space<vmem>> -> memref<1x16x8x64xf32, #tpu.memory_space<vmem>>
      %gather3A_2393 = tpu.memref_squeeze %gather3A_2392 : memref<1x16x8x64xf32, #tpu.memory_space<vmem>> -> memref<16x8x64xf32, #tpu.memory_space<vmem>>
      %gather3A_2394 = tpu.vector_load_idx %gather3A_2393[%iota3A, %and3A_1868, %broadcast_in_dim3A_2382] : memref<16x8x64xf32, #tpu.memory_space<vmem>>[vector<16xi32>, vector<16xi32>, vector<16xi32>], vector<16xf32>,
      %mul3A_2395 = arith.mulf %gather3A_2388, %gather3A_2394 : vector<16xf32>
      %add3A_2396 = arith.addf %add3A_2380, %mul3A_2395 : vector<16xf32>
      %broadcast_in_dim3A_2397 = arith.constant 33 : i32
      %broadcast_in_dim3A_2398 = vector.broadcast %broadcast_in_dim3A_2397 : i32 to vector<16xi32>
      %gather3A_2399 = arith.constant 0 : i32
      %gather3A_2400 = arith.constant 0 : i32
      %gather3A_2401 = arith.constant 0 : i32
      %gather3A_2402 = tpu.memref_slice %arg8[%rem3A_1309, %gather3A_2399, %gather3A_2400, %gather3A_2401] : memref<3x16x8x64xf32, #tpu.memory_space<vmem>> -> memref<1x16x8x64xf32, #tpu.memory_space<vmem>>
      %gather3A_2403 = tpu.memref_squeeze %gather3A_2402 : memref<1x16x8x64xf32, #tpu.memory_space<vmem>> -> memref<16x8x64xf32, #tpu.memory_space<vmem>>
      %gather3A_2404 = tpu.vector_load_idx %gather3A_2403[%iota3A, %and3A_1863, %broadcast_in_dim3A_2398] : memref<16x8x64xf32, #tpu.memory_space<vmem>>[vector<16xi32>, vector<16xi32>, vector<16xi32>], vector<16xf32>,
      %gather3A_2405 = arith.constant 0 : i32
      %gather3A_2406 = arith.constant 0 : i32
      %gather3A_2407 = arith.constant 0 : i32
      %gather3A_2408 = tpu.memref_slice %arg9[%rem3A_1309, %gather3A_2405, %gather3A_2406, %gather3A_2407] : memref<3x16x8x64xf32, #tpu.memory_space<vmem>> -> memref<1x16x8x64xf32, #tpu.memory_space<vmem>>
      %gather3A_2409 = tpu.memref_squeeze %gather3A_2408 : memref<1x16x8x64xf32, #tpu.memory_space<vmem>> -> memref<16x8x64xf32, #tpu.memory_space<vmem>>
      %gather3A_2410 = tpu.vector_load_idx %gather3A_2409[%iota3A, %and3A_1868, %broadcast_in_dim3A_2398] : memref<16x8x64xf32, #tpu.memory_space<vmem>>[vector<16xi32>, vector<16xi32>, vector<16xi32>], vector<16xf32>,
      %mul3A_2411 = arith.mulf %gather3A_2404, %gather3A_2410 : vector<16xf32>
      %add3A_2412 = arith.addf %add3A_2396, %mul3A_2411 : vector<16xf32>
      %broadcast_in_dim3A_2413 = arith.constant 34 : i32
      %broadcast_in_dim3A_2414 = vector.broadcast %broadcast_in_dim3A_2413 : i32 to vector<16xi32>
      %gather3A_2415 = arith.constant 0 : i32
      %gather3A_2416 = arith.constant 0 : i32
      %gather3A_2417 = arith.constant 0 : i32
      %gather3A_2418 = tpu.memref_slice %arg8[%rem3A_1309, %gather3A_2415, %gather3A_2416, %gather3A_2417] : memref<3x16x8x64xf32, #tpu.memory_space<vmem>> -> memref<1x16x8x64xf32, #tpu.memory_space<vmem>>
      %gather3A_2419 = tpu.memref_squeeze %gather3A_2418 : memref<1x16x8x64xf32, #tpu.memory_space<vmem>> -> memref<16x8x64xf32, #tpu.memory_space<vmem>>
      %gather3A_2420 = tpu.vector_load_idx %gather3A_2419[%iota3A, %and3A_1863, %broadcast_in_dim3A_2414] : memref<16x8x64xf32, #tpu.memory_space<vmem>>[vector<16xi32>, vector<16xi32>, vector<16xi32>], vector<16xf32>,
      %gather3A_2421 = arith.constant 0 : i32
      %gather3A_2422 = arith.constant 0 : i32
      %gather3A_2423 = arith.constant 0 : i32
      %gather3A_2424 = tpu.memref_slice %arg9[%rem3A_1309, %gather3A_2421, %gather3A_2422, %gather3A_2423] : memref<3x16x8x64xf32, #tpu.memory_space<vmem>> -> memref<1x16x8x64xf32, #tpu.memory_space<vmem>>
      %gather3A_2425 = tpu.memref_squeeze %gather3A_2424 : memref<1x16x8x64xf32, #tpu.memory_space<vmem>> -> memref<16x8x64xf32, #tpu.memory_space<vmem>>
      %gather3A_2426 = tpu.vector_load_idx %gather3A_2425[%iota3A, %and3A_1868, %broadcast_in_dim3A_2414] : memref<16x8x64xf32, #tpu.memory_space<vmem>>[vector<16xi32>, vector<16xi32>, vector<16xi32>], vector<16xf32>,
      %mul3A_2427 = arith.mulf %gather3A_2420, %gather3A_2426 : vector<16xf32>
      %add3A_2428 = arith.addf %add3A_2412, %mul3A_2427 : vector<16xf32>
      %broadcast_in_dim3A_2429 = arith.constant 35 : i32
      %broadcast_in_dim3A_2430 = vector.broadcast %broadcast_in_dim3A_2429 : i32 to vector<16xi32>
      %gather3A_2431 = arith.constant 0 : i32
      %gather3A_2432 = arith.constant 0 : i32
      %gather3A_2433 = arith.constant 0 : i32
      %gather3A_2434 = tpu.memref_slice %arg8[%rem3A_1309, %gather3A_2431, %gather3A_2432, %gather3A_2433] : memref<3x16x8x64xf32, #tpu.memory_space<vmem>> -> memref<1x16x8x64xf32, #tpu.memory_space<vmem>>
      %gather3A_2435 = tpu.memref_squeeze %gather3A_2434 : memref<1x16x8x64xf32, #tpu.memory_space<vmem>> -> memref<16x8x64xf32, #tpu.memory_space<vmem>>
      %gather3A_2436 = tpu.vector_load_idx %gather3A_2435[%iota3A, %and3A_1863, %broadcast_in_dim3A_2430] : memref<16x8x64xf32, #tpu.memory_space<vmem>>[vector<16xi32>, vector<16xi32>, vector<16xi32>], vector<16xf32>,
      %gather3A_2437 = arith.constant 0 : i32
      %gather3A_2438 = arith.constant 0 : i32
      %gather3A_2439 = arith.constant 0 : i32
      %gather3A_2440 = tpu.memref_slice %arg9[%rem3A_1309, %gather3A_2437, %gather3A_2438, %gather3A_2439] : memref<3x16x8x64xf32, #tpu.memory_space<vmem>> -> memref<1x16x8x64xf32, #tpu.memory_space<vmem>>
      %gather3A_2441 = tpu.memref_squeeze %gather3A_2440 : memref<1x16x8x64xf32, #tpu.memory_space<vmem>> -> memref<16x8x64xf32, #tpu.memory_space<vmem>>
      %gather3A_2442 = tpu.vector_load_idx %gather3A_2441[%iota3A, %and3A_1868, %broadcast_in_dim3A_2430] : memref<16x8x64xf32, #tpu.memory_space<vmem>>[vector<16xi32>, vector<16xi32>, vector<16xi32>], vector<16xf32>,
      %mul3A_2443 = arith.mulf %gather3A_2436, %gather3A_2442 : vector<16xf32>
      %add3A_2444 = arith.addf %add3A_2428, %mul3A_2443 : vector<16xf32>
      %broadcast_in_dim3A_2445 = arith.constant 36 : i32
      %broadcast_in_dim3A_2446 = vector.broadcast %broadcast_in_dim3A_2445 : i32 to vector<16xi32>
      %gather3A_2447 = arith.constant 0 : i32
      %gather3A_2448 = arith.constant 0 : i32
      %gather3A_2449 = arith.constant 0 : i32
      %gather3A_2450 = tpu.memref_slice %arg8[%rem3A_1309, %gather3A_2447, %gather3A_2448, %gather3A_2449] : memref<3x16x8x64xf32, #tpu.memory_space<vmem>> -> memref<1x16x8x64xf32, #tpu.memory_space<vmem>>
      %gather3A_2451 = tpu.memref_squeeze %gather3A_2450 : memref<1x16x8x64xf32, #tpu.memory_space<vmem>> -> memref<16x8x64xf32, #tpu.memory_space<vmem>>
      %gather3A_2452 = tpu.vector_load_idx %gather3A_2451[%iota3A, %and3A_1863, %broadcast_in_dim3A_2446] : memref<16x8x64xf32, #tpu.memory_space<vmem>>[vector<16xi32>, vector<16xi32>, vector<16xi32>], vector<16xf32>,
      %gather3A_2453 = arith.constant 0 : i32
      %gather3A_2454 = arith.constant 0 : i32
      %gather3A_2455 = arith.constant 0 : i32
      %gather3A_2456 = tpu.memref_slice %arg9[%rem3A_1309, %gather3A_2453, %gather3A_2454, %gather3A_2455] : memref<3x16x8x64xf32, #tpu.memory_space<vmem>> -> memref<1x16x8x64xf32, #tpu.memory_space<vmem>>
      %gather3A_2457 = tpu.memref_squeeze %gather3A_2456 : memref<1x16x8x64xf32, #tpu.memory_space<vmem>> -> memref<16x8x64xf32, #tpu.memory_space<vmem>>
      %gather3A_2458 = tpu.vector_load_idx %gather3A_2457[%iota3A, %and3A_1868, %broadcast_in_dim3A_2446] : memref<16x8x64xf32, #tpu.memory_space<vmem>>[vector<16xi32>, vector<16xi32>, vector<16xi32>], vector<16xf32>,
      %mul3A_2459 = arith.mulf %gather3A_2452, %gather3A_2458 : vector<16xf32>
      %add3A_2460 = arith.addf %add3A_2444, %mul3A_2459 : vector<16xf32>
      %broadcast_in_dim3A_2461 = arith.constant 37 : i32
      %broadcast_in_dim3A_2462 = vector.broadcast %broadcast_in_dim3A_2461 : i32 to vector<16xi32>
      %gather3A_2463 = arith.constant 0 : i32
      %gather3A_2464 = arith.constant 0 : i32
      %gather3A_2465 = arith.constant 0 : i32
      %gather3A_2466 = tpu.memref_slice %arg8[%rem3A_1309, %gather3A_2463, %gather3A_2464, %gather3A_2465] : memref<3x16x8x64xf32, #tpu.memory_space<vmem>> -> memref<1x16x8x64xf32, #tpu.memory_space<vmem>>
      %gather3A_2467 = tpu.memref_squeeze %gather3A_2466 : memref<1x16x8x64xf32, #tpu.memory_space<vmem>> -> memref<16x8x64xf32, #tpu.memory_space<vmem>>
      %gather3A_2468 = tpu.vector_load_idx %gather3A_2467[%iota3A, %and3A_1863, %broadcast_in_dim3A_2462] : memref<16x8x64xf32, #tpu.memory_space<vmem>>[vector<16xi32>, vector<16xi32>, vector<16xi32>], vector<16xf32>,
      %gather3A_2469 = arith.constant 0 : i32
      %gather3A_2470 = arith.constant 0 : i32
      %gather3A_2471 = arith.constant 0 : i32
      %gather3A_2472 = tpu.memref_slice %arg9[%rem3A_1309, %gather3A_2469, %gather3A_2470, %gather3A_2471] : memref<3x16x8x64xf32, #tpu.memory_space<vmem>> -> memref<1x16x8x64xf32, #tpu.memory_space<vmem>>
      %gather3A_2473 = tpu.memref_squeeze %gather3A_2472 : memref<1x16x8x64xf32, #tpu.memory_space<vmem>> -> memref<16x8x64xf32, #tpu.memory_space<vmem>>
      %gather3A_2474 = tpu.vector_load_idx %gather3A_2473[%iota3A, %and3A_1868, %broadcast_in_dim3A_2462] : memref<16x8x64xf32, #tpu.memory_space<vmem>>[vector<16xi32>, vector<16xi32>, vector<16xi32>], vector<16xf32>,
      %mul3A_2475 = arith.mulf %gather3A_2468, %gather3A_2474 : vector<16xf32>
      %add3A_2476 = arith.addf %add3A_2460, %mul3A_2475 : vector<16xf32>
      %broadcast_in_dim3A_2477 = arith.constant 38 : i32
      %broadcast_in_dim3A_2478 = vector.broadcast %broadcast_in_dim3A_2477 : i32 to vector<16xi32>
      %gather3A_2479 = arith.constant 0 : i32
      %gather3A_2480 = arith.constant 0 : i32
      %gather3A_2481 = arith.constant 0 : i32
      %gather3A_2482 = tpu.memref_slice %arg8[%rem3A_1309, %gather3A_2479, %gather3A_2480, %gather3A_2481] : memref<3x16x8x64xf32, #tpu.memory_space<vmem>> -> memref<1x16x8x64xf32, #tpu.memory_space<vmem>>
      %gather3A_2483 = tpu.memref_squeeze %gather3A_2482 : memref<1x16x8x64xf32, #tpu.memory_space<vmem>> -> memref<16x8x64xf32, #tpu.memory_space<vmem>>
      %gather3A_2484 = tpu.vector_load_idx %gather3A_2483[%iota3A, %and3A_1863, %broadcast_in_dim3A_2478] : memref<16x8x64xf32, #tpu.memory_space<vmem>>[vector<16xi32>, vector<16xi32>, vector<16xi32>], vector<16xf32>,
      %gather3A_2485 = arith.constant 0 : i32
      %gather3A_2486 = arith.constant 0 : i32
      %gather3A_2487 = arith.constant 0 : i32
      %gather3A_2488 = tpu.memref_slice %arg9[%rem3A_1309, %gather3A_2485, %gather3A_2486, %gather3A_2487] : memref<3x16x8x64xf32, #tpu.memory_space<vmem>> -> memref<1x16x8x64xf32, #tpu.memory_space<vmem>>
      %gather3A_2489 = tpu.memref_squeeze %gather3A_2488 : memref<1x16x8x64xf32, #tpu.memory_space<vmem>> -> memref<16x8x64xf32, #tpu.memory_space<vmem>>
      %gather3A_2490 = tpu.vector_load_idx %gather3A_2489[%iota3A, %and3A_1868, %broadcast_in_dim3A_2478] : memref<16x8x64xf32, #tpu.memory_space<vmem>>[vector<16xi32>, vector<16xi32>, vector<16xi32>], vector<16xf32>,
      %mul3A_2491 = arith.mulf %gather3A_2484, %gather3A_2490 : vector<16xf32>
      %add3A_2492 = arith.addf %add3A_2476, %mul3A_2491 : vector<16xf32>
      %broadcast_in_dim3A_2493 = arith.constant 39 : i32
      %broadcast_in_dim3A_2494 = vector.broadcast %broadcast_in_dim3A_2493 : i32 to vector<16xi32>
      %gather3A_2495 = arith.constant 0 : i32
      %gather3A_2496 = arith.constant 0 : i32
      %gather3A_2497 = arith.constant 0 : i32
      %gather3A_2498 = tpu.memref_slice %arg8[%rem3A_1309, %gather3A_2495, %gather3A_2496, %gather3A_2497] : memref<3x16x8x64xf32, #tpu.memory_space<vmem>> -> memref<1x16x8x64xf32, #tpu.memory_space<vmem>>
      %gather3A_2499 = tpu.memref_squeeze %gather3A_2498 : memref<1x16x8x64xf32, #tpu.memory_space<vmem>> -> memref<16x8x64xf32, #tpu.memory_space<vmem>>
      %gather3A_2500 = tpu.vector_load_idx %gather3A_2499[%iota3A, %and3A_1863, %broadcast_in_dim3A_2494] : memref<16x8x64xf32, #tpu.memory_space<vmem>>[vector<16xi32>, vector<16xi32>, vector<16xi32>], vector<16xf32>,
      %gather3A_2501 = arith.constant 0 : i32
      %gather3A_2502 = arith.constant 0 : i32
      %gather3A_2503 = arith.constant 0 : i32
      %gather3A_2504 = tpu.memref_slice %arg9[%rem3A_1309, %gather3A_2501, %gather3A_2502, %gather3A_2503] : memref<3x16x8x64xf32, #tpu.memory_space<vmem>> -> memref<1x16x8x64xf32, #tpu.memory_space<vmem>>
      %gather3A_2505 = tpu.memref_squeeze %gather3A_2504 : memref<1x16x8x64xf32, #tpu.memory_space<vmem>> -> memref<16x8x64xf32, #tpu.memory_space<vmem>>
      %gather3A_2506 = tpu.vector_load_idx %gather3A_2505[%iota3A, %and3A_1868, %broadcast_in_dim3A_2494] : memref<16x8x64xf32, #tpu.memory_space<vmem>>[vector<16xi32>, vector<16xi32>, vector<16xi32>], vector<16xf32>,
      %mul3A_2507 = arith.mulf %gather3A_2500, %gather3A_2506 : vector<16xf32>
      %add3A_2508 = arith.addf %add3A_2492, %mul3A_2507 : vector<16xf32>
      %broadcast_in_dim3A_2509 = arith.constant 40 : i32
      %broadcast_in_dim3A_2510 = vector.broadcast %broadcast_in_dim3A_2509 : i32 to vector<16xi32>
      %gather3A_2511 = arith.constant 0 : i32
      %gather3A_2512 = arith.constant 0 : i32
      %gather3A_2513 = arith.constant 0 : i32
      %gather3A_2514 = tpu.memref_slice %arg8[%rem3A_1309, %gather3A_2511, %gather3A_2512, %gather3A_2513] : memref<3x16x8x64xf32, #tpu.memory_space<vmem>> -> memref<1x16x8x64xf32, #tpu.memory_space<vmem>>
      %gather3A_2515 = tpu.memref_squeeze %gather3A_2514 : memref<1x16x8x64xf32, #tpu.memory_space<vmem>> -> memref<16x8x64xf32, #tpu.memory_space<vmem>>
      %gather3A_2516 = tpu.vector_load_idx %gather3A_2515[%iota3A, %and3A_1863, %broadcast_in_dim3A_2510] : memref<16x8x64xf32, #tpu.memory_space<vmem>>[vector<16xi32>, vector<16xi32>, vector<16xi32>], vector<16xf32>,
      %gather3A_2517 = arith.constant 0 : i32
      %gather3A_2518 = arith.constant 0 : i32
      %gather3A_2519 = arith.constant 0 : i32
      %gather3A_2520 = tpu.memref_slice %arg9[%rem3A_1309, %gather3A_2517, %gather3A_2518, %gather3A_2519] : memref<3x16x8x64xf32, #tpu.memory_space<vmem>> -> memref<1x16x8x64xf32, #tpu.memory_space<vmem>>
      %gather3A_2521 = tpu.memref_squeeze %gather3A_2520 : memref<1x16x8x64xf32, #tpu.memory_space<vmem>> -> memref<16x8x64xf32, #tpu.memory_space<vmem>>
      %gather3A_2522 = tpu.vector_load_idx %gather3A_2521[%iota3A, %and3A_1868, %broadcast_in_dim3A_2510] : memref<16x8x64xf32, #tpu.memory_space<vmem>>[vector<16xi32>, vector<16xi32>, vector<16xi32>], vector<16xf32>,
      %mul3A_2523 = arith.mulf %gather3A_2516, %gather3A_2522 : vector<16xf32>
      %add3A_2524 = arith.addf %add3A_2508, %mul3A_2523 : vector<16xf32>
      %broadcast_in_dim3A_2525 = arith.constant 41 : i32
      %broadcast_in_dim3A_2526 = vector.broadcast %broadcast_in_dim3A_2525 : i32 to vector<16xi32>
      %gather3A_2527 = arith.constant 0 : i32
      %gather3A_2528 = arith.constant 0 : i32
      %gather3A_2529 = arith.constant 0 : i32
      %gather3A_2530 = tpu.memref_slice %arg8[%rem3A_1309, %gather3A_2527, %gather3A_2528, %gather3A_2529] : memref<3x16x8x64xf32, #tpu.memory_space<vmem>> -> memref<1x16x8x64xf32, #tpu.memory_space<vmem>>
      %gather3A_2531 = tpu.memref_squeeze %gather3A_2530 : memref<1x16x8x64xf32, #tpu.memory_space<vmem>> -> memref<16x8x64xf32, #tpu.memory_space<vmem>>
      %gather3A_2532 = tpu.vector_load_idx %gather3A_2531[%iota3A, %and3A_1863, %broadcast_in_dim3A_2526] : memref<16x8x64xf32, #tpu.memory_space<vmem>>[vector<16xi32>, vector<16xi32>, vector<16xi32>], vector<16xf32>,
      %gather3A_2533 = arith.constant 0 : i32
      %gather3A_2534 = arith.constant 0 : i32
      %gather3A_2535 = arith.constant 0 : i32
      %gather3A_2536 = tpu.memref_slice %arg9[%rem3A_1309, %gather3A_2533, %gather3A_2534, %gather3A_2535] : memref<3x16x8x64xf32, #tpu.memory_space<vmem>> -> memref<1x16x8x64xf32, #tpu.memory_space<vmem>>
      %gather3A_2537 = tpu.memref_squeeze %gather3A_2536 : memref<1x16x8x64xf32, #tpu.memory_space<vmem>> -> memref<16x8x64xf32, #tpu.memory_space<vmem>>
      %gather3A_2538 = tpu.vector_load_idx %gather3A_2537[%iota3A, %and3A_1868, %broadcast_in_dim3A_2526] : memref<16x8x64xf32, #tpu.memory_space<vmem>>[vector<16xi32>, vector<16xi32>, vector<16xi32>], vector<16xf32>,
      %mul3A_2539 = arith.mulf %gather3A_2532, %gather3A_2538 : vector<16xf32>
      %add3A_2540 = arith.addf %add3A_2524, %mul3A_2539 : vector<16xf32>
      %broadcast_in_dim3A_2541 = arith.constant 42 : i32
      %broadcast_in_dim3A_2542 = vector.broadcast %broadcast_in_dim3A_2541 : i32 to vector<16xi32>
      %gather3A_2543 = arith.constant 0 : i32
      %gather3A_2544 = arith.constant 0 : i32
      %gather3A_2545 = arith.constant 0 : i32
      %gather3A_2546 = tpu.memref_slice %arg8[%rem3A_1309, %gather3A_2543, %gather3A_2544, %gather3A_2545] : memref<3x16x8x64xf32, #tpu.memory_space<vmem>> -> memref<1x16x8x64xf32, #tpu.memory_space<vmem>>
      %gather3A_2547 = tpu.memref_squeeze %gather3A_2546 : memref<1x16x8x64xf32, #tpu.memory_space<vmem>> -> memref<16x8x64xf32, #tpu.memory_space<vmem>>
      %gather3A_2548 = tpu.vector_load_idx %gather3A_2547[%iota3A, %and3A_1863, %broadcast_in_dim3A_2542] : memref<16x8x64xf32, #tpu.memory_space<vmem>>[vector<16xi32>, vector<16xi32>, vector<16xi32>], vector<16xf32>,
      %gather3A_2549 = arith.constant 0 : i32
      %gather3A_2550 = arith.constant 0 : i32
      %gather3A_2551 = arith.constant 0 : i32
      %gather3A_2552 = tpu.memref_slice %arg9[%rem3A_1309, %gather3A_2549, %gather3A_2550, %gather3A_2551] : memref<3x16x8x64xf32, #tpu.memory_space<vmem>> -> memref<1x16x8x64xf32, #tpu.memory_space<vmem>>
      %gather3A_2553 = tpu.memref_squeeze %gather3A_2552 : memref<1x16x8x64xf32, #tpu.memory_space<vmem>> -> memref<16x8x64xf32, #tpu.memory_space<vmem>>
      %gather3A_2554 = tpu.vector_load_idx %gather3A_2553[%iota3A, %and3A_1868, %broadcast_in_dim3A_2542] : memref<16x8x64xf32, #tpu.memory_space<vmem>>[vector<16xi32>, vector<16xi32>, vector<16xi32>], vector<16xf32>,
      %mul3A_2555 = arith.mulf %gather3A_2548, %gather3A_2554 : vector<16xf32>
      %add3A_2556 = arith.addf %add3A_2540, %mul3A_2555 : vector<16xf32>
      %broadcast_in_dim3A_2557 = arith.constant 43 : i32
      %broadcast_in_dim3A_2558 = vector.broadcast %broadcast_in_dim3A_2557 : i32 to vector<16xi32>
      %gather3A_2559 = arith.constant 0 : i32
      %gather3A_2560 = arith.constant 0 : i32
      %gather3A_2561 = arith.constant 0 : i32
      %gather3A_2562 = tpu.memref_slice %arg8[%rem3A_1309, %gather3A_2559, %gather3A_2560, %gather3A_2561] : memref<3x16x8x64xf32, #tpu.memory_space<vmem>> -> memref<1x16x8x64xf32, #tpu.memory_space<vmem>>
      %gather3A_2563 = tpu.memref_squeeze %gather3A_2562 : memref<1x16x8x64xf32, #tpu.memory_space<vmem>> -> memref<16x8x64xf32, #tpu.memory_space<vmem>>
      %gather3A_2564 = tpu.vector_load_idx %gather3A_2563[%iota3A, %and3A_1863, %broadcast_in_dim3A_2558] : memref<16x8x64xf32, #tpu.memory_space<vmem>>[vector<16xi32>, vector<16xi32>, vector<16xi32>], vector<16xf32>,
      %gather3A_2565 = arith.constant 0 : i32
      %gather3A_2566 = arith.constant 0 : i32
      %gather3A_2567 = arith.constant 0 : i32
      %gather3A_2568 = tpu.memref_slice %arg9[%rem3A_1309, %gather3A_2565, %gather3A_2566, %gather3A_2567] : memref<3x16x8x64xf32, #tpu.memory_space<vmem>> -> memref<1x16x8x64xf32, #tpu.memory_space<vmem>>
      %gather3A_2569 = tpu.memref_squeeze %gather3A_2568 : memref<1x16x8x64xf32, #tpu.memory_space<vmem>> -> memref<16x8x64xf32, #tpu.memory_space<vmem>>
      %gather3A_2570 = tpu.vector_load_idx %gather3A_2569[%iota3A, %and3A_1868, %broadcast_in_dim3A_2558] : memref<16x8x64xf32, #tpu.memory_space<vmem>>[vector<16xi32>, vector<16xi32>, vector<16xi32>], vector<16xf32>,
      %mul3A_2571 = arith.mulf %gather3A_2564, %gather3A_2570 : vector<16xf32>
      %add3A_2572 = arith.addf %add3A_2556, %mul3A_2571 : vector<16xf32>
      %broadcast_in_dim3A_2573 = arith.constant 44 : i32
      %broadcast_in_dim3A_2574 = vector.broadcast %broadcast_in_dim3A_2573 : i32 to vector<16xi32>
      %gather3A_2575 = arith.constant 0 : i32
      %gather3A_2576 = arith.constant 0 : i32
      %gather3A_2577 = arith.constant 0 : i32
      %gather3A_2578 = tpu.memref_slice %arg8[%rem3A_1309, %gather3A_2575, %gather3A_2576, %gather3A_2577] : memref<3x16x8x64xf32, #tpu.memory_space<vmem>> -> memref<1x16x8x64xf32, #tpu.memory_space<vmem>>
      %gather3A_2579 = tpu.memref_squeeze %gather3A_2578 : memref<1x16x8x64xf32, #tpu.memory_space<vmem>> -> memref<16x8x64xf32, #tpu.memory_space<vmem>>
      %gather3A_2580 = tpu.vector_load_idx %gather3A_2579[%iota3A, %and3A_1863, %broadcast_in_dim3A_2574] : memref<16x8x64xf32, #tpu.memory_space<vmem>>[vector<16xi32>, vector<16xi32>, vector<16xi32>], vector<16xf32>,
      %gather3A_2581 = arith.constant 0 : i32
      %gather3A_2582 = arith.constant 0 : i32
      %gather3A_2583 = arith.constant 0 : i32
      %gather3A_2584 = tpu.memref_slice %arg9[%rem3A_1309, %gather3A_2581, %gather3A_2582, %gather3A_2583] : memref<3x16x8x64xf32, #tpu.memory_space<vmem>> -> memref<1x16x8x64xf32, #tpu.memory_space<vmem>>
      %gather3A_2585 = tpu.memref_squeeze %gather3A_2584 : memref<1x16x8x64xf32, #tpu.memory_space<vmem>> -> memref<16x8x64xf32, #tpu.memory_space<vmem>>
      %gather3A_2586 = tpu.vector_load_idx %gather3A_2585[%iota3A, %and3A_1868, %broadcast_in_dim3A_2574] : memref<16x8x64xf32, #tpu.memory_space<vmem>>[vector<16xi32>, vector<16xi32>, vector<16xi32>], vector<16xf32>,
      %mul3A_2587 = arith.mulf %gather3A_2580, %gather3A_2586 : vector<16xf32>
      %add3A_2588 = arith.addf %add3A_2572, %mul3A_2587 : vector<16xf32>
      %broadcast_in_dim3A_2589 = arith.constant 45 : i32
      %broadcast_in_dim3A_2590 = vector.broadcast %broadcast_in_dim3A_2589 : i32 to vector<16xi32>
      %gather3A_2591 = arith.constant 0 : i32
      %gather3A_2592 = arith.constant 0 : i32
      %gather3A_2593 = arith.constant 0 : i32
      %gather3A_2594 = tpu.memref_slice %arg8[%rem3A_1309, %gather3A_2591, %gather3A_2592, %gather3A_2593] : memref<3x16x8x64xf32, #tpu.memory_space<vmem>> -> memref<1x16x8x64xf32, #tpu.memory_space<vmem>>
      %gather3A_2595 = tpu.memref_squeeze %gather3A_2594 : memref<1x16x8x64xf32, #tpu.memory_space<vmem>> -> memref<16x8x64xf32, #tpu.memory_space<vmem>>
      %gather3A_2596 = tpu.vector_load_idx %gather3A_2595[%iota3A, %and3A_1863, %broadcast_in_dim3A_2590] : memref<16x8x64xf32, #tpu.memory_space<vmem>>[vector<16xi32>, vector<16xi32>, vector<16xi32>], vector<16xf32>,
      %gather3A_2597 = arith.constant 0 : i32
      %gather3A_2598 = arith.constant 0 : i32
      %gather3A_2599 = arith.constant 0 : i32
      %gather3A_2600 = tpu.memref_slice %arg9[%rem3A_1309, %gather3A_2597, %gather3A_2598, %gather3A_2599] : memref<3x16x8x64xf32, #tpu.memory_space<vmem>> -> memref<1x16x8x64xf32, #tpu.memory_space<vmem>>
      %gather3A_2601 = tpu.memref_squeeze %gather3A_2600 : memref<1x16x8x64xf32, #tpu.memory_space<vmem>> -> memref<16x8x64xf32, #tpu.memory_space<vmem>>
      %gather3A_2602 = tpu.vector_load_idx %gather3A_2601[%iota3A, %and3A_1868, %broadcast_in_dim3A_2590] : memref<16x8x64xf32, #tpu.memory_space<vmem>>[vector<16xi32>, vector<16xi32>, vector<16xi32>], vector<16xf32>,
      %mul3A_2603 = arith.mulf %gather3A_2596, %gather3A_2602 : vector<16xf32>
      %add3A_2604 = arith.addf %add3A_2588, %mul3A_2603 : vector<16xf32>
      %broadcast_in_dim3A_2605 = arith.constant 46 : i32
      %broadcast_in_dim3A_2606 = vector.broadcast %broadcast_in_dim3A_2605 : i32 to vector<16xi32>
      %gather3A_2607 = arith.constant 0 : i32
      %gather3A_2608 = arith.constant 0 : i32
      %gather3A_2609 = arith.constant 0 : i32
      %gather3A_2610 = tpu.memref_slice %arg8[%rem3A_1309, %gather3A_2607, %gather3A_2608, %gather3A_2609] : memref<3x16x8x64xf32, #tpu.memory_space<vmem>> -> memref<1x16x8x64xf32, #tpu.memory_space<vmem>>
      %gather3A_2611 = tpu.memref_squeeze %gather3A_2610 : memref<1x16x8x64xf32, #tpu.memory_space<vmem>> -> memref<16x8x64xf32, #tpu.memory_space<vmem>>
      %gather3A_2612 = tpu.vector_load_idx %gather3A_2611[%iota3A, %and3A_1863, %broadcast_in_dim3A_2606] : memref<16x8x64xf32, #tpu.memory_space<vmem>>[vector<16xi32>, vector<16xi32>, vector<16xi32>], vector<16xf32>,
      %gather3A_2613 = arith.constant 0 : i32
      %gather3A_2614 = arith.constant 0 : i32
      %gather3A_2615 = arith.constant 0 : i32
      %gather3A_2616 = tpu.memref_slice %arg9[%rem3A_1309, %gather3A_2613, %gather3A_2614, %gather3A_2615] : memref<3x16x8x64xf32, #tpu.memory_space<vmem>> -> memref<1x16x8x64xf32, #tpu.memory_space<vmem>>
      %gather3A_2617 = tpu.memref_squeeze %gather3A_2616 : memref<1x16x8x64xf32, #tpu.memory_space<vmem>> -> memref<16x8x64xf32, #tpu.memory_space<vmem>>
      %gather3A_2618 = tpu.vector_load_idx %gather3A_2617[%iota3A, %and3A_1868, %broadcast_in_dim3A_2606] : memref<16x8x64xf32, #tpu.memory_space<vmem>>[vector<16xi32>, vector<16xi32>, vector<16xi32>], vector<16xf32>,
      %mul3A_2619 = arith.mulf %gather3A_2612, %gather3A_2618 : vector<16xf32>
      %add3A_2620 = arith.addf %add3A_2604, %mul3A_2619 : vector<16xf32>
      %broadcast_in_dim3A_2621 = arith.constant 47 : i32
      %broadcast_in_dim3A_2622 = vector.broadcast %broadcast_in_dim3A_2621 : i32 to vector<16xi32>
      %gather3A_2623 = arith.constant 0 : i32
      %gather3A_2624 = arith.constant 0 : i32
      %gather3A_2625 = arith.constant 0 : i32
      %gather3A_2626 = tpu.memref_slice %arg8[%rem3A_1309, %gather3A_2623, %gather3A_2624, %gather3A_2625] : memref<3x16x8x64xf32, #tpu.memory_space<vmem>> -> memref<1x16x8x64xf32, #tpu.memory_space<vmem>>
      %gather3A_2627 = tpu.memref_squeeze %gather3A_2626 : memref<1x16x8x64xf32, #tpu.memory_space<vmem>> -> memref<16x8x64xf32, #tpu.memory_space<vmem>>
      %gather3A_2628 = tpu.vector_load_idx %gather3A_2627[%iota3A, %and3A_1863, %broadcast_in_dim3A_2622] : memref<16x8x64xf32, #tpu.memory_space<vmem>>[vector<16xi32>, vector<16xi32>, vector<16xi32>], vector<16xf32>,
      %gather3A_2629 = arith.constant 0 : i32
      %gather3A_2630 = arith.constant 0 : i32
      %gather3A_2631 = arith.constant 0 : i32
      %gather3A_2632 = tpu.memref_slice %arg9[%rem3A_1309, %gather3A_2629, %gather3A_2630, %gather3A_2631] : memref<3x16x8x64xf32, #tpu.memory_space<vmem>> -> memref<1x16x8x64xf32, #tpu.memory_space<vmem>>
      %gather3A_2633 = tpu.memref_squeeze %gather3A_2632 : memref<1x16x8x64xf32, #tpu.memory_space<vmem>> -> memref<16x8x64xf32, #tpu.memory_space<vmem>>
      %gather3A_2634 = tpu.vector_load_idx %gather3A_2633[%iota3A, %and3A_1868, %broadcast_in_dim3A_2622] : memref<16x8x64xf32, #tpu.memory_space<vmem>>[vector<16xi32>, vector<16xi32>, vector<16xi32>], vector<16xf32>,
      %mul3A_2635 = arith.mulf %gather3A_2628, %gather3A_2634 : vector<16xf32>
      %add3A_2636 = arith.addf %add3A_2620, %mul3A_2635 : vector<16xf32>
      %broadcast_in_dim3A_2637 = arith.constant 48 : i32
      %broadcast_in_dim3A_2638 = vector.broadcast %broadcast_in_dim3A_2637 : i32 to vector<16xi32>
      %gather3A_2639 = arith.constant 0 : i32
      %gather3A_2640 = arith.constant 0 : i32
      %gather3A_2641 = arith.constant 0 : i32
      %gather3A_2642 = tpu.memref_slice %arg8[%rem3A_1309, %gather3A_2639, %gather3A_2640, %gather3A_2641] : memref<3x16x8x64xf32, #tpu.memory_space<vmem>> -> memref<1x16x8x64xf32, #tpu.memory_space<vmem>>
      %gather3A_2643 = tpu.memref_squeeze %gather3A_2642 : memref<1x16x8x64xf32, #tpu.memory_space<vmem>> -> memref<16x8x64xf32, #tpu.memory_space<vmem>>
      %gather3A_2644 = tpu.vector_load_idx %gather3A_2643[%iota3A, %and3A_1863, %broadcast_in_dim3A_2638] : memref<16x8x64xf32, #tpu.memory_space<vmem>>[vector<16xi32>, vector<16xi32>, vector<16xi32>], vector<16xf32>,
      %gather3A_2645 = arith.constant 0 : i32
      %gather3A_2646 = arith.constant 0 : i32
      %gather3A_2647 = arith.constant 0 : i32
      %gather3A_2648 = tpu.memref_slice %arg9[%rem3A_1309, %gather3A_2645, %gather3A_2646, %gather3A_2647] : memref<3x16x8x64xf32, #tpu.memory_space<vmem>> -> memref<1x16x8x64xf32, #tpu.memory_space<vmem>>
      %gather3A_2649 = tpu.memref_squeeze %gather3A_2648 : memref<1x16x8x64xf32, #tpu.memory_space<vmem>> -> memref<16x8x64xf32, #tpu.memory_space<vmem>>
      %gather3A_2650 = tpu.vector_load_idx %gather3A_2649[%iota3A, %and3A_1868, %broadcast_in_dim3A_2638] : memref<16x8x64xf32, #tpu.memory_space<vmem>>[vector<16xi32>, vector<16xi32>, vector<16xi32>], vector<16xf32>,
      %mul3A_2651 = arith.mulf %gather3A_2644, %gather3A_2650 : vector<16xf32>
      %add3A_2652 = arith.addf %add3A_2636, %mul3A_2651 : vector<16xf32>
      %broadcast_in_dim3A_2653 = arith.constant 49 : i32
      %broadcast_in_dim3A_2654 = vector.broadcast %broadcast_in_dim3A_2653 : i32 to vector<16xi32>
      %gather3A_2655 = arith.constant 0 : i32
      %gather3A_2656 = arith.constant 0 : i32
      %gather3A_2657 = arith.constant 0 : i32
      %gather3A_2658 = tpu.memref_slice %arg8[%rem3A_1309, %gather3A_2655, %gather3A_2656, %gather3A_2657] : memref<3x16x8x64xf32, #tpu.memory_space<vmem>> -> memref<1x16x8x64xf32, #tpu.memory_space<vmem>>
      %gather3A_2659 = tpu.memref_squeeze %gather3A_2658 : memref<1x16x8x64xf32, #tpu.memory_space<vmem>> -> memref<16x8x64xf32, #tpu.memory_space<vmem>>
      %gather3A_2660 = tpu.vector_load_idx %gather3A_2659[%iota3A, %and3A_1863, %broadcast_in_dim3A_2654] : memref<16x8x64xf32, #tpu.memory_space<vmem>>[vector<16xi32>, vector<16xi32>, vector<16xi32>], vector<16xf32>,
      %gather3A_2661 = arith.constant 0 : i32
      %gather3A_2662 = arith.constant 0 : i32
      %gather3A_2663 = arith.constant 0 : i32
      %gather3A_2664 = tpu.memref_slice %arg9[%rem3A_1309, %gather3A_2661, %gather3A_2662, %gather3A_2663] : memref<3x16x8x64xf32, #tpu.memory_space<vmem>> -> memref<1x16x8x64xf32, #tpu.memory_space<vmem>>
      %gather3A_2665 = tpu.memref_squeeze %gather3A_2664 : memref<1x16x8x64xf32, #tpu.memory_space<vmem>> -> memref<16x8x64xf32, #tpu.memory_space<vmem>>
      %gather3A_2666 = tpu.vector_load_idx %gather3A_2665[%iota3A, %and3A_1868, %broadcast_in_dim3A_2654] : memref<16x8x64xf32, #tpu.memory_space<vmem>>[vector<16xi32>, vector<16xi32>, vector<16xi32>], vector<16xf32>,
      %mul3A_2667 = arith.mulf %gather3A_2660, %gather3A_2666 : vector<16xf32>
      %add3A_2668 = arith.addf %add3A_2652, %mul3A_2667 : vector<16xf32>
      %broadcast_in_dim3A_2669 = arith.constant 50 : i32
      %broadcast_in_dim3A_2670 = vector.broadcast %broadcast_in_dim3A_2669 : i32 to vector<16xi32>
      %gather3A_2671 = arith.constant 0 : i32
      %gather3A_2672 = arith.constant 0 : i32
      %gather3A_2673 = arith.constant 0 : i32
      %gather3A_2674 = tpu.memref_slice %arg8[%rem3A_1309, %gather3A_2671, %gather3A_2672, %gather3A_2673] : memref<3x16x8x64xf32, #tpu.memory_space<vmem>> -> memref<1x16x8x64xf32, #tpu.memory_space<vmem>>
      %gather3A_2675 = tpu.memref_squeeze %gather3A_2674 : memref<1x16x8x64xf32, #tpu.memory_space<vmem>> -> memref<16x8x64xf32, #tpu.memory_space<vmem>>
      %gather3A_2676 = tpu.vector_load_idx %gather3A_2675[%iota3A, %and3A_1863, %broadcast_in_dim3A_2670] : memref<16x8x64xf32, #tpu.memory_space<vmem>>[vector<16xi32>, vector<16xi32>, vector<16xi32>], vector<16xf32>,
      %gather3A_2677 = arith.constant 0 : i32
      %gather3A_2678 = arith.constant 0 : i32
      %gather3A_2679 = arith.constant 0 : i32
      %gather3A_2680 = tpu.memref_slice %arg9[%rem3A_1309, %gather3A_2677, %gather3A_2678, %gather3A_2679] : memref<3x16x8x64xf32, #tpu.memory_space<vmem>> -> memref<1x16x8x64xf32, #tpu.memory_space<vmem>>
      %gather3A_2681 = tpu.memref_squeeze %gather3A_2680 : memref<1x16x8x64xf32, #tpu.memory_space<vmem>> -> memref<16x8x64xf32, #tpu.memory_space<vmem>>
      %gather3A_2682 = tpu.vector_load_idx %gather3A_2681[%iota3A, %and3A_1868, %broadcast_in_dim3A_2670] : memref<16x8x64xf32, #tpu.memory_space<vmem>>[vector<16xi32>, vector<16xi32>, vector<16xi32>], vector<16xf32>,
      %mul3A_2683 = arith.mulf %gather3A_2676, %gather3A_2682 : vector<16xf32>
      %add3A_2684 = arith.addf %add3A_2668, %mul3A_2683 : vector<16xf32>
      %broadcast_in_dim3A_2685 = arith.constant 51 : i32
      %broadcast_in_dim3A_2686 = vector.broadcast %broadcast_in_dim3A_2685 : i32 to vector<16xi32>
      %gather3A_2687 = arith.constant 0 : i32
      %gather3A_2688 = arith.constant 0 : i32
      %gather3A_2689 = arith.constant 0 : i32
      %gather3A_2690 = tpu.memref_slice %arg8[%rem3A_1309, %gather3A_2687, %gather3A_2688, %gather3A_2689] : memref<3x16x8x64xf32, #tpu.memory_space<vmem>> -> memref<1x16x8x64xf32, #tpu.memory_space<vmem>>
      %gather3A_2691 = tpu.memref_squeeze %gather3A_2690 : memref<1x16x8x64xf32, #tpu.memory_space<vmem>> -> memref<16x8x64xf32, #tpu.memory_space<vmem>>
      %gather3A_2692 = tpu.vector_load_idx %gather3A_2691[%iota3A, %and3A_1863, %broadcast_in_dim3A_2686] : memref<16x8x64xf32, #tpu.memory_space<vmem>>[vector<16xi32>, vector<16xi32>, vector<16xi32>], vector<16xf32>,
      %gather3A_2693 = arith.constant 0 : i32
      %gather3A_2694 = arith.constant 0 : i32
      %gather3A_2695 = arith.constant 0 : i32
      %gather3A_2696 = tpu.memref_slice %arg9[%rem3A_1309, %gather3A_2693, %gather3A_2694, %gather3A_2695] : memref<3x16x8x64xf32, #tpu.memory_space<vmem>> -> memref<1x16x8x64xf32, #tpu.memory_space<vmem>>
      %gather3A_2697 = tpu.memref_squeeze %gather3A_2696 : memref<1x16x8x64xf32, #tpu.memory_space<vmem>> -> memref<16x8x64xf32, #tpu.memory_space<vmem>>
      %gather3A_2698 = tpu.vector_load_idx %gather3A_2697[%iota3A, %and3A_1868, %broadcast_in_dim3A_2686] : memref<16x8x64xf32, #tpu.memory_space<vmem>>[vector<16xi32>, vector<16xi32>, vector<16xi32>], vector<16xf32>,
      %mul3A_2699 = arith.mulf %gather3A_2692, %gather3A_2698 : vector<16xf32>
      %add3A_2700 = arith.addf %add3A_2684, %mul3A_2699 : vector<16xf32>
      %broadcast_in_dim3A_2701 = arith.constant 52 : i32
      %broadcast_in_dim3A_2702 = vector.broadcast %broadcast_in_dim3A_2701 : i32 to vector<16xi32>
      %gather3A_2703 = arith.constant 0 : i32
      %gather3A_2704 = arith.constant 0 : i32
      %gather3A_2705 = arith.constant 0 : i32
      %gather3A_2706 = tpu.memref_slice %arg8[%rem3A_1309, %gather3A_2703, %gather3A_2704, %gather3A_2705] : memref<3x16x8x64xf32, #tpu.memory_space<vmem>> -> memref<1x16x8x64xf32, #tpu.memory_space<vmem>>
      %gather3A_2707 = tpu.memref_squeeze %gather3A_2706 : memref<1x16x8x64xf32, #tpu.memory_space<vmem>> -> memref<16x8x64xf32, #tpu.memory_space<vmem>>
      %gather3A_2708 = tpu.vector_load_idx %gather3A_2707[%iota3A, %and3A_1863, %broadcast_in_dim3A_2702] : memref<16x8x64xf32, #tpu.memory_space<vmem>>[vector<16xi32>, vector<16xi32>, vector<16xi32>], vector<16xf32>,
      %gather3A_2709 = arith.constant 0 : i32
      %gather3A_2710 = arith.constant 0 : i32
      %gather3A_2711 = arith.constant 0 : i32
      %gather3A_2712 = tpu.memref_slice %arg9[%rem3A_1309, %gather3A_2709, %gather3A_2710, %gather3A_2711] : memref<3x16x8x64xf32, #tpu.memory_space<vmem>> -> memref<1x16x8x64xf32, #tpu.memory_space<vmem>>
      %gather3A_2713 = tpu.memref_squeeze %gather3A_2712 : memref<1x16x8x64xf32, #tpu.memory_space<vmem>> -> memref<16x8x64xf32, #tpu.memory_space<vmem>>
      %gather3A_2714 = tpu.vector_load_idx %gather3A_2713[%iota3A, %and3A_1868, %broadcast_in_dim3A_2702] : memref<16x8x64xf32, #tpu.memory_space<vmem>>[vector<16xi32>, vector<16xi32>, vector<16xi32>], vector<16xf32>,
      %mul3A_2715 = arith.mulf %gather3A_2708, %gather3A_2714 : vector<16xf32>
      %add3A_2716 = arith.addf %add3A_2700, %mul3A_2715 : vector<16xf32>
      %broadcast_in_dim3A_2717 = arith.constant 53 : i32
      %broadcast_in_dim3A_2718 = vector.broadcast %broadcast_in_dim3A_2717 : i32 to vector<16xi32>
      %gather3A_2719 = arith.constant 0 : i32
      %gather3A_2720 = arith.constant 0 : i32
      %gather3A_2721 = arith.constant 0 : i32
      %gather3A_2722 = tpu.memref_slice %arg8[%rem3A_1309, %gather3A_2719, %gather3A_2720, %gather3A_2721] : memref<3x16x8x64xf32, #tpu.memory_space<vmem>> -> memref<1x16x8x64xf32, #tpu.memory_space<vmem>>
      %gather3A_2723 = tpu.memref_squeeze %gather3A_2722 : memref<1x16x8x64xf32, #tpu.memory_space<vmem>> -> memref<16x8x64xf32, #tpu.memory_space<vmem>>
      %gather3A_2724 = tpu.vector_load_idx %gather3A_2723[%iota3A, %and3A_1863, %broadcast_in_dim3A_2718] : memref<16x8x64xf32, #tpu.memory_space<vmem>>[vector<16xi32>, vector<16xi32>, vector<16xi32>], vector<16xf32>,
      %gather3A_2725 = arith.constant 0 : i32
      %gather3A_2726 = arith.constant 0 : i32
      %gather3A_2727 = arith.constant 0 : i32
      %gather3A_2728 = tpu.memref_slice %arg9[%rem3A_1309, %gather3A_2725, %gather3A_2726, %gather3A_2727] : memref<3x16x8x64xf32, #tpu.memory_space<vmem>> -> memref<1x16x8x64xf32, #tpu.memory_space<vmem>>
      %gather3A_2729 = tpu.memref_squeeze %gather3A_2728 : memref<1x16x8x64xf32, #tpu.memory_space<vmem>> -> memref<16x8x64xf32, #tpu.memory_space<vmem>>
      %gather3A_2730 = tpu.vector_load_idx %gather3A_2729[%iota3A, %and3A_1868, %broadcast_in_dim3A_2718] : memref<16x8x64xf32, #tpu.memory_space<vmem>>[vector<16xi32>, vector<16xi32>, vector<16xi32>], vector<16xf32>,
      %mul3A_2731 = arith.mulf %gather3A_2724, %gather3A_2730 : vector<16xf32>
      %add3A_2732 = arith.addf %add3A_2716, %mul3A_2731 : vector<16xf32>
      %broadcast_in_dim3A_2733 = arith.constant 54 : i32
      %broadcast_in_dim3A_2734 = vector.broadcast %broadcast_in_dim3A_2733 : i32 to vector<16xi32>
      %gather3A_2735 = arith.constant 0 : i32
      %gather3A_2736 = arith.constant 0 : i32
      %gather3A_2737 = arith.constant 0 : i32
      %gather3A_2738 = tpu.memref_slice %arg8[%rem3A_1309, %gather3A_2735, %gather3A_2736, %gather3A_2737] : memref<3x16x8x64xf32, #tpu.memory_space<vmem>> -> memref<1x16x8x64xf32, #tpu.memory_space<vmem>>
      %gather3A_2739 = tpu.memref_squeeze %gather3A_2738 : memref<1x16x8x64xf32, #tpu.memory_space<vmem>> -> memref<16x8x64xf32, #tpu.memory_space<vmem>>
      %gather3A_2740 = tpu.vector_load_idx %gather3A_2739[%iota3A, %and3A_1863, %broadcast_in_dim3A_2734] : memref<16x8x64xf32, #tpu.memory_space<vmem>>[vector<16xi32>, vector<16xi32>, vector<16xi32>], vector<16xf32>,
      %gather3A_2741 = arith.constant 0 : i32
      %gather3A_2742 = arith.constant 0 : i32
      %gather3A_2743 = arith.constant 0 : i32
      %gather3A_2744 = tpu.memref_slice %arg9[%rem3A_1309, %gather3A_2741, %gather3A_2742, %gather3A_2743] : memref<3x16x8x64xf32, #tpu.memory_space<vmem>> -> memref<1x16x8x64xf32, #tpu.memory_space<vmem>>
      %gather3A_2745 = tpu.memref_squeeze %gather3A_2744 : memref<1x16x8x64xf32, #tpu.memory_space<vmem>> -> memref<16x8x64xf32, #tpu.memory_space<vmem>>
      %gather3A_2746 = tpu.vector_load_idx %gather3A_2745[%iota3A, %and3A_1868, %broadcast_in_dim3A_2734] : memref<16x8x64xf32, #tpu.memory_space<vmem>>[vector<16xi32>, vector<16xi32>, vector<16xi32>], vector<16xf32>,
      %mul3A_2747 = arith.mulf %gather3A_2740, %gather3A_2746 : vector<16xf32>
      %add3A_2748 = arith.addf %add3A_2732, %mul3A_2747 : vector<16xf32>
      %broadcast_in_dim3A_2749 = arith.constant 55 : i32
      %broadcast_in_dim3A_2750 = vector.broadcast %broadcast_in_dim3A_2749 : i32 to vector<16xi32>
      %gather3A_2751 = arith.constant 0 : i32
      %gather3A_2752 = arith.constant 0 : i32
      %gather3A_2753 = arith.constant 0 : i32
      %gather3A_2754 = tpu.memref_slice %arg8[%rem3A_1309, %gather3A_2751, %gather3A_2752, %gather3A_2753] : memref<3x16x8x64xf32, #tpu.memory_space<vmem>> -> memref<1x16x8x64xf32, #tpu.memory_space<vmem>>
      %gather3A_2755 = tpu.memref_squeeze %gather3A_2754 : memref<1x16x8x64xf32, #tpu.memory_space<vmem>> -> memref<16x8x64xf32, #tpu.memory_space<vmem>>
      %gather3A_2756 = tpu.vector_load_idx %gather3A_2755[%iota3A, %and3A_1863, %broadcast_in_dim3A_2750] : memref<16x8x64xf32, #tpu.memory_space<vmem>>[vector<16xi32>, vector<16xi32>, vector<16xi32>], vector<16xf32>,
      %gather3A_2757 = arith.constant 0 : i32
      %gather3A_2758 = arith.constant 0 : i32
      %gather3A_2759 = arith.constant 0 : i32
      %gather3A_2760 = tpu.memref_slice %arg9[%rem3A_1309, %gather3A_2757, %gather3A_2758, %gather3A_2759] : memref<3x16x8x64xf32, #tpu.memory_space<vmem>> -> memref<1x16x8x64xf32, #tpu.memory_space<vmem>>
      %gather3A_2761 = tpu.memref_squeeze %gather3A_2760 : memref<1x16x8x64xf32, #tpu.memory_space<vmem>> -> memref<16x8x64xf32, #tpu.memory_space<vmem>>
      %gather3A_2762 = tpu.vector_load_idx %gather3A_2761[%iota3A, %and3A_1868, %broadcast_in_dim3A_2750] : memref<16x8x64xf32, #tpu.memory_space<vmem>>[vector<16xi32>, vector<16xi32>, vector<16xi32>], vector<16xf32>,
      %mul3A_2763 = arith.mulf %gather3A_2756, %gather3A_2762 : vector<16xf32>
      %add3A_2764 = arith.addf %add3A_2748, %mul3A_2763 : vector<16xf32>
      %broadcast_in_dim3A_2765 = arith.constant 56 : i32
      %broadcast_in_dim3A_2766 = vector.broadcast %broadcast_in_dim3A_2765 : i32 to vector<16xi32>
      %gather3A_2767 = arith.constant 0 : i32
      %gather3A_2768 = arith.constant 0 : i32
      %gather3A_2769 = arith.constant 0 : i32
      %gather3A_2770 = tpu.memref_slice %arg8[%rem3A_1309, %gather3A_2767, %gather3A_2768, %gather3A_2769] : memref<3x16x8x64xf32, #tpu.memory_space<vmem>> -> memref<1x16x8x64xf32, #tpu.memory_space<vmem>>
      %gather3A_2771 = tpu.memref_squeeze %gather3A_2770 : memref<1x16x8x64xf32, #tpu.memory_space<vmem>> -> memref<16x8x64xf32, #tpu.memory_space<vmem>>
      %gather3A_2772 = tpu.vector_load_idx %gather3A_2771[%iota3A, %and3A_1863, %broadcast_in_dim3A_2766] : memref<16x8x64xf32, #tpu.memory_space<vmem>>[vector<16xi32>, vector<16xi32>, vector<16xi32>], vector<16xf32>,
      %gather3A_2773 = arith.constant 0 : i32
      %gather3A_2774 = arith.constant 0 : i32
      %gather3A_2775 = arith.constant 0 : i32
      %gather3A_2776 = tpu.memref_slice %arg9[%rem3A_1309, %gather3A_2773, %gather3A_2774, %gather3A_2775] : memref<3x16x8x64xf32, #tpu.memory_space<vmem>> -> memref<1x16x8x64xf32, #tpu.memory_space<vmem>>
      %gather3A_2777 = tpu.memref_squeeze %gather3A_2776 : memref<1x16x8x64xf32, #tpu.memory_space<vmem>> -> memref<16x8x64xf32, #tpu.memory_space<vmem>>
      %gather3A_2778 = tpu.vector_load_idx %gather3A_2777[%iota3A, %and3A_1868, %broadcast_in_dim3A_2766] : memref<16x8x64xf32, #tpu.memory_space<vmem>>[vector<16xi32>, vector<16xi32>, vector<16xi32>], vector<16xf32>,
      %mul3A_2779 = arith.mulf %gather3A_2772, %gather3A_2778 : vector<16xf32>
      %add3A_2780 = arith.addf %add3A_2764, %mul3A_2779 : vector<16xf32>
      %broadcast_in_dim3A_2781 = arith.constant 57 : i32
      %broadcast_in_dim3A_2782 = vector.broadcast %broadcast_in_dim3A_2781 : i32 to vector<16xi32>
      %gather3A_2783 = arith.constant 0 : i32
      %gather3A_2784 = arith.constant 0 : i32
      %gather3A_2785 = arith.constant 0 : i32
      %gather3A_2786 = tpu.memref_slice %arg8[%rem3A_1309, %gather3A_2783, %gather3A_2784, %gather3A_2785] : memref<3x16x8x64xf32, #tpu.memory_space<vmem>> -> memref<1x16x8x64xf32, #tpu.memory_space<vmem>>
      %gather3A_2787 = tpu.memref_squeeze %gather3A_2786 : memref<1x16x8x64xf32, #tpu.memory_space<vmem>> -> memref<16x8x64xf32, #tpu.memory_space<vmem>>
      %gather3A_2788 = tpu.vector_load_idx %gather3A_2787[%iota3A, %and3A_1863, %broadcast_in_dim3A_2782] : memref<16x8x64xf32, #tpu.memory_space<vmem>>[vector<16xi32>, vector<16xi32>, vector<16xi32>], vector<16xf32>,
      %gather3A_2789 = arith.constant 0 : i32
      %gather3A_2790 = arith.constant 0 : i32
      %gather3A_2791 = arith.constant 0 : i32
      %gather3A_2792 = tpu.memref_slice %arg9[%rem3A_1309, %gather3A_2789, %gather3A_2790, %gather3A_2791] : memref<3x16x8x64xf32, #tpu.memory_space<vmem>> -> memref<1x16x8x64xf32, #tpu.memory_space<vmem>>
      %gather3A_2793 = tpu.memref_squeeze %gather3A_2792 : memref<1x16x8x64xf32, #tpu.memory_space<vmem>> -> memref<16x8x64xf32, #tpu.memory_space<vmem>>
      %gather3A_2794 = tpu.vector_load_idx %gather3A_2793[%iota3A, %and3A_1868, %broadcast_in_dim3A_2782] : memref<16x8x64xf32, #tpu.memory_space<vmem>>[vector<16xi32>, vector<16xi32>, vector<16xi32>], vector<16xf32>,
      %mul3A_2795 = arith.mulf %gather3A_2788, %gather3A_2794 : vector<16xf32>
      %add3A_2796 = arith.addf %add3A_2780, %mul3A_2795 : vector<16xf32>
      %broadcast_in_dim3A_2797 = arith.constant 58 : i32
      %broadcast_in_dim3A_2798 = vector.broadcast %broadcast_in_dim3A_2797 : i32 to vector<16xi32>
      %gather3A_2799 = arith.constant 0 : i32
      %gather3A_2800 = arith.constant 0 : i32
      %gather3A_2801 = arith.constant 0 : i32
      %gather3A_2802 = tpu.memref_slice %arg8[%rem3A_1309, %gather3A_2799, %gather3A_2800, %gather3A_2801] : memref<3x16x8x64xf32, #tpu.memory_space<vmem>> -> memref<1x16x8x64xf32, #tpu.memory_space<vmem>>
      %gather3A_2803 = tpu.memref_squeeze %gather3A_2802 : memref<1x16x8x64xf32, #tpu.memory_space<vmem>> -> memref<16x8x64xf32, #tpu.memory_space<vmem>>
      %gather3A_2804 = tpu.vector_load_idx %gather3A_2803[%iota3A, %and3A_1863, %broadcast_in_dim3A_2798] : memref<16x8x64xf32, #tpu.memory_space<vmem>>[vector<16xi32>, vector<16xi32>, vector<16xi32>], vector<16xf32>,
      %gather3A_2805 = arith.constant 0 : i32
      %gather3A_2806 = arith.constant 0 : i32
      %gather3A_2807 = arith.constant 0 : i32
      %gather3A_2808 = tpu.memref_slice %arg9[%rem3A_1309, %gather3A_2805, %gather3A_2806, %gather3A_2807] : memref<3x16x8x64xf32, #tpu.memory_space<vmem>> -> memref<1x16x8x64xf32, #tpu.memory_space<vmem>>
      %gather3A_2809 = tpu.memref_squeeze %gather3A_2808 : memref<1x16x8x64xf32, #tpu.memory_space<vmem>> -> memref<16x8x64xf32, #tpu.memory_space<vmem>>
      %gather3A_2810 = tpu.vector_load_idx %gather3A_2809[%iota3A, %and3A_1868, %broadcast_in_dim3A_2798] : memref<16x8x64xf32, #tpu.memory_space<vmem>>[vector<16xi32>, vector<16xi32>, vector<16xi32>], vector<16xf32>,
      %mul3A_2811 = arith.mulf %gather3A_2804, %gather3A_2810 : vector<16xf32>
      %add3A_2812 = arith.addf %add3A_2796, %mul3A_2811 : vector<16xf32>
      %broadcast_in_dim3A_2813 = arith.constant 59 : i32
      %broadcast_in_dim3A_2814 = vector.broadcast %broadcast_in_dim3A_2813 : i32 to vector<16xi32>
      %gather3A_2815 = arith.constant 0 : i32
      %gather3A_2816 = arith.constant 0 : i32
      %gather3A_2817 = arith.constant 0 : i32
      %gather3A_2818 = tpu.memref_slice %arg8[%rem3A_1309, %gather3A_2815, %gather3A_2816, %gather3A_2817] : memref<3x16x8x64xf32, #tpu.memory_space<vmem>> -> memref<1x16x8x64xf32, #tpu.memory_space<vmem>>
      %gather3A_2819 = tpu.memref_squeeze %gather3A_2818 : memref<1x16x8x64xf32, #tpu.memory_space<vmem>> -> memref<16x8x64xf32, #tpu.memory_space<vmem>>
      %gather3A_2820 = tpu.vector_load_idx %gather3A_2819[%iota3A, %and3A_1863, %broadcast_in_dim3A_2814] : memref<16x8x64xf32, #tpu.memory_space<vmem>>[vector<16xi32>, vector<16xi32>, vector<16xi32>], vector<16xf32>,
      %gather3A_2821 = arith.constant 0 : i32
      %gather3A_2822 = arith.constant 0 : i32
      %gather3A_2823 = arith.constant 0 : i32
      %gather3A_2824 = tpu.memref_slice %arg9[%rem3A_1309, %gather3A_2821, %gather3A_2822, %gather3A_2823] : memref<3x16x8x64xf32, #tpu.memory_space<vmem>> -> memref<1x16x8x64xf32, #tpu.memory_space<vmem>>
      %gather3A_2825 = tpu.memref_squeeze %gather3A_2824 : memref<1x16x8x64xf32, #tpu.memory_space<vmem>> -> memref<16x8x64xf32, #tpu.memory_space<vmem>>
      %gather3A_2826 = tpu.vector_load_idx %gather3A_2825[%iota3A, %and3A_1868, %broadcast_in_dim3A_2814] : memref<16x8x64xf32, #tpu.memory_space<vmem>>[vector<16xi32>, vector<16xi32>, vector<16xi32>], vector<16xf32>,
      %mul3A_2827 = arith.mulf %gather3A_2820, %gather3A_2826 : vector<16xf32>
      %add3A_2828 = arith.addf %add3A_2812, %mul3A_2827 : vector<16xf32>
      %broadcast_in_dim3A_2829 = arith.constant 60 : i32
      %broadcast_in_dim3A_2830 = vector.broadcast %broadcast_in_dim3A_2829 : i32 to vector<16xi32>
      %gather3A_2831 = arith.constant 0 : i32
      %gather3A_2832 = arith.constant 0 : i32
      %gather3A_2833 = arith.constant 0 : i32
      %gather3A_2834 = tpu.memref_slice %arg8[%rem3A_1309, %gather3A_2831, %gather3A_2832, %gather3A_2833] : memref<3x16x8x64xf32, #tpu.memory_space<vmem>> -> memref<1x16x8x64xf32, #tpu.memory_space<vmem>>
      %gather3A_2835 = tpu.memref_squeeze %gather3A_2834 : memref<1x16x8x64xf32, #tpu.memory_space<vmem>> -> memref<16x8x64xf32, #tpu.memory_space<vmem>>
      %gather3A_2836 = tpu.vector_load_idx %gather3A_2835[%iota3A, %and3A_1863, %broadcast_in_dim3A_2830] : memref<16x8x64xf32, #tpu.memory_space<vmem>>[vector<16xi32>, vector<16xi32>, vector<16xi32>], vector<16xf32>,
      %gather3A_2837 = arith.constant 0 : i32
      %gather3A_2838 = arith.constant 0 : i32
      %gather3A_2839 = arith.constant 0 : i32
      %gather3A_2840 = tpu.memref_slice %arg9[%rem3A_1309, %gather3A_2837, %gather3A_2838, %gather3A_2839] : memref<3x16x8x64xf32, #tpu.memory_space<vmem>> -> memref<1x16x8x64xf32, #tpu.memory_space<vmem>>
      %gather3A_2841 = tpu.memref_squeeze %gather3A_2840 : memref<1x16x8x64xf32, #tpu.memory_space<vmem>> -> memref<16x8x64xf32, #tpu.memory_space<vmem>>
      %gather3A_2842 = tpu.vector_load_idx %gather3A_2841[%iota3A, %and3A_1868, %broadcast_in_dim3A_2830] : memref<16x8x64xf32, #tpu.memory_space<vmem>>[vector<16xi32>, vector<16xi32>, vector<16xi32>], vector<16xf32>,
      %mul3A_2843 = arith.mulf %gather3A_2836, %gather3A_2842 : vector<16xf32>
      %add3A_2844 = arith.addf %add3A_2828, %mul3A_2843 : vector<16xf32>
      %broadcast_in_dim3A_2845 = arith.constant 61 : i32
      %broadcast_in_dim3A_2846 = vector.broadcast %broadcast_in_dim3A_2845 : i32 to vector<16xi32>
      %gather3A_2847 = arith.constant 0 : i32
      %gather3A_2848 = arith.constant 0 : i32
      %gather3A_2849 = arith.constant 0 : i32
      %gather3A_2850 = tpu.memref_slice %arg8[%rem3A_1309, %gather3A_2847, %gather3A_2848, %gather3A_2849] : memref<3x16x8x64xf32, #tpu.memory_space<vmem>> -> memref<1x16x8x64xf32, #tpu.memory_space<vmem>>
      %gather3A_2851 = tpu.memref_squeeze %gather3A_2850 : memref<1x16x8x64xf32, #tpu.memory_space<vmem>> -> memref<16x8x64xf32, #tpu.memory_space<vmem>>
      %gather3A_2852 = tpu.vector_load_idx %gather3A_2851[%iota3A, %and3A_1863, %broadcast_in_dim3A_2846] : memref<16x8x64xf32, #tpu.memory_space<vmem>>[vector<16xi32>, vector<16xi32>, vector<16xi32>], vector<16xf32>,
      %gather3A_2853 = arith.constant 0 : i32
      %gather3A_2854 = arith.constant 0 : i32
      %gather3A_2855 = arith.constant 0 : i32
      %gather3A_2856 = tpu.memref_slice %arg9[%rem3A_1309, %gather3A_2853, %gather3A_2854, %gather3A_2855] : memref<3x16x8x64xf32, #tpu.memory_space<vmem>> -> memref<1x16x8x64xf32, #tpu.memory_space<vmem>>
      %gather3A_2857 = tpu.memref_squeeze %gather3A_2856 : memref<1x16x8x64xf32, #tpu.memory_space<vmem>> -> memref<16x8x64xf32, #tpu.memory_space<vmem>>
      %gather3A_2858 = tpu.vector_load_idx %gather3A_2857[%iota3A, %and3A_1868, %broadcast_in_dim3A_2846] : memref<16x8x64xf32, #tpu.memory_space<vmem>>[vector<16xi32>, vector<16xi32>, vector<16xi32>], vector<16xf32>,
      %mul3A_2859 = arith.mulf %gather3A_2852, %gather3A_2858 : vector<16xf32>
      %add3A_2860 = arith.addf %add3A_2844, %mul3A_2859 : vector<16xf32>
      %broadcast_in_dim3A_2861 = arith.constant 62 : i32
      %broadcast_in_dim3A_2862 = vector.broadcast %broadcast_in_dim3A_2861 : i32 to vector<16xi32>
      %gather3A_2863 = arith.constant 0 : i32
      %gather3A_2864 = arith.constant 0 : i32
      %gather3A_2865 = arith.constant 0 : i32
      %gather3A_2866 = tpu.memref_slice %arg8[%rem3A_1309, %gather3A_2863, %gather3A_2864, %gather3A_2865] : memref<3x16x8x64xf32, #tpu.memory_space<vmem>> -> memref<1x16x8x64xf32, #tpu.memory_space<vmem>>
      %gather3A_2867 = tpu.memref_squeeze %gather3A_2866 : memref<1x16x8x64xf32, #tpu.memory_space<vmem>> -> memref<16x8x64xf32, #tpu.memory_space<vmem>>
      %gather3A_2868 = tpu.vector_load_idx %gather3A_2867[%iota3A, %and3A_1863, %broadcast_in_dim3A_2862] : memref<16x8x64xf32, #tpu.memory_space<vmem>>[vector<16xi32>, vector<16xi32>, vector<16xi32>], vector<16xf32>,
      %gather3A_2869 = arith.constant 0 : i32
      %gather3A_2870 = arith.constant 0 : i32
      %gather3A_2871 = arith.constant 0 : i32
      %gather3A_2872 = tpu.memref_slice %arg9[%rem3A_1309, %gather3A_2869, %gather3A_2870, %gather3A_2871] : memref<3x16x8x64xf32, #tpu.memory_space<vmem>> -> memref<1x16x8x64xf32, #tpu.memory_space<vmem>>
      %gather3A_2873 = tpu.memref_squeeze %gather3A_2872 : memref<1x16x8x64xf32, #tpu.memory_space<vmem>> -> memref<16x8x64xf32, #tpu.memory_space<vmem>>
      %gather3A_2874 = tpu.vector_load_idx %gather3A_2873[%iota3A, %and3A_1868, %broadcast_in_dim3A_2862] : memref<16x8x64xf32, #tpu.memory_space<vmem>>[vector<16xi32>, vector<16xi32>, vector<16xi32>], vector<16xf32>,
      %mul3A_2875 = arith.mulf %gather3A_2868, %gather3A_2874 : vector<16xf32>
      %add3A_2876 = arith.addf %add3A_2860, %mul3A_2875 : vector<16xf32>
      %broadcast_in_dim3A_2877 = arith.constant 63 : i32
      %broadcast_in_dim3A_2878 = vector.broadcast %broadcast_in_dim3A_2877 : i32 to vector<16xi32>
      %gather3A_2879 = arith.constant 0 : i32
      %gather3A_2880 = arith.constant 0 : i32
      %gather3A_2881 = arith.constant 0 : i32
      %gather3A_2882 = tpu.memref_slice %arg8[%rem3A_1309, %gather3A_2879, %gather3A_2880, %gather3A_2881] : memref<3x16x8x64xf32, #tpu.memory_space<vmem>> -> memref<1x16x8x64xf32, #tpu.memory_space<vmem>>
      %gather3A_2883 = tpu.memref_squeeze %gather3A_2882 : memref<1x16x8x64xf32, #tpu.memory_space<vmem>> -> memref<16x8x64xf32, #tpu.memory_space<vmem>>
      %gather3A_2884 = tpu.vector_load_idx %gather3A_2883[%iota3A, %and3A_1863, %broadcast_in_dim3A_2878] : memref<16x8x64xf32, #tpu.memory_space<vmem>>[vector<16xi32>, vector<16xi32>, vector<16xi32>], vector<16xf32>,
      %gather3A_2885 = arith.constant 0 : i32
      %gather3A_2886 = arith.constant 0 : i32
      %gather3A_2887 = arith.constant 0 : i32
      %gather3A_2888 = tpu.memref_slice %arg9[%rem3A_1309, %gather3A_2885, %gather3A_2886, %gather3A_2887] : memref<3x16x8x64xf32, #tpu.memory_space<vmem>> -> memref<1x16x8x64xf32, #tpu.memory_space<vmem>>
      %gather3A_2889 = tpu.memref_squeeze %gather3A_2888 : memref<1x16x8x64xf32, #tpu.memory_space<vmem>> -> memref<16x8x64xf32, #tpu.memory_space<vmem>>
      %gather3A_2890 = tpu.vector_load_idx %gather3A_2889[%iota3A, %and3A_1868, %broadcast_in_dim3A_2878] : memref<16x8x64xf32, #tpu.memory_space<vmem>>[vector<16xi32>, vector<16xi32>, vector<16xi32>], vector<16xf32>,
      %mul3A_2891 = arith.mulf %gather3A_2884, %gather3A_2890 : vector<16xf32>
      %add3A_2892 = arith.addf %add3A_2876, %mul3A_2891 : vector<16xf32>
      %neg3A = arith.constant 0.000000e+00 : f32
      %neg3A_2893 = vector.broadcast %neg3A : f32 to vector<16xf32>
      %neg3A_2894 = arith.subf %neg3A_2893, %add3A_2892 : vector<16xf32>
      %exp3A = math.exp %neg3A_2894 : vector<16xf32>
      %add3A_2895 = arith.constant 1.000000e+00 : f32
      %add3A_2896 = vector.broadcast %add3A_2895 : f32 to vector<16xf32>
      %add3A_2897 = arith.addf %add3A_2896, %exp3A : vector<16xf32>
      %div3A = arith.constant 1.000000e+00 : f32
      %div3A_2898 = vector.broadcast %div3A : f32 to vector<16xf32>
      %div3A_2899 = arith.divf %div3A_2898, %add3A_2897 : vector<16xf32>
      %swap3A = arith.index_cast %mul3A_1858 : i32 to index
      %swap3A_2900 = tpu.vector_load %arg10[%swap3A] {strides = array<i32>} : memref<512xf32, #tpu.memory_space<vmem>>, vector<16xf32>,
      tpu.vector_store %arg10[%swap3A], %div3A_2899 {strides = array<i32>} : memref<512xf32, #tpu.memory_space<vmem>>, vector<16xf32>,
    }
    %scan3A_1307 = arith.constant 32 : i32
    "tpu.region"() ({
      %run_scoped3A = tpu.sem_alloc : memref<!tpu.dma_semaphore, #tpu.memory_space<semaphore_mem>>
      %dma_start3A_1308 = tpu.memref_slice %arg5[%mul3A_2] : memref<16384xf32, #tpu.memory_space<hbm>> -> memref<512xf32, #tpu.memory_space<hbm>>
      %dma_start3A_1309 = tpu.memref_slice %arg5[%mul3A_2] : memref<16384xf32, #tpu.memory_space<hbm>> -> memref<512xf32, #tpu.memory_space<hbm>>
      tpu.enqueue_dma source(%arg10 : memref<512xf32, #tpu.memory_space<vmem>>) target(%dma_start3A_1309 : memref<512xf32, #tpu.memory_space<hbm>>) target_semaphore(%run_scoped3A : memref<!tpu.dma_semaphore, #tpu.memory_space<semaphore_mem>>)
      %dma_wait3A = tpu.memref_slice %arg5[%mul3A_2] : memref<16384xf32, #tpu.memory_space<hbm>> -> memref<512xf32, #tpu.memory_space<hbm>>
      %dma_wait3A_1310 = tpu.memref_slice %arg5[%mul3A_2] : memref<16384xf32, #tpu.memory_space<hbm>> -> memref<512xf32, #tpu.memory_space<hbm>>
      tpu.wait_dma2 semaphore(%run_scoped3A : memref<!tpu.dma_semaphore, #tpu.memory_space<semaphore_mem>>) src(%arg10 : memref<512xf32, #tpu.memory_space<vmem>>) dst(%dma_wait3A_1310 : memref<512xf32, #tpu.memory_space<hbm>>)
      tpu.yield
    }) : () -> ()
    return
  }
}

</mosaic_0001>

<sc_bundles>
// kernel: _dist_mult.3.cloned.1.call-start
scs
__scs_entry_jumppad:
0x0: {  	(pc) =	sbr.rel $0x88, $3  }
0x1: {  	(tag) =	ssettag $0x0;
	lr =	simm.s32 $0x1  }
0x2: {  	[smem:$0x3F9E] =	sst lr;
	_ =	strace $0xD0000000  }
0x3: {  	_ = 	snop  }
0x4: {  	_ = 	snop  }
0x5: {  	_ = 	snop  }
0x6: {  	_ = 	snop  }
0x7: {  	_ = 	snop  }
__scs_overlays_trampoline_lowered:
0x8: {  	[smem:$0x3FAD] =	sst s0  }
0x9: {  	[smem:$0x3FAE] =	sst s1  }
0xa: {  	[smem:$0x3FAF] =	sst s2  }
0xb: {  	[smem:$0x3FB0] =	sst s3  }
0xc: {  	[smem:$0x3FB1] =	sst s4  }
0xd: {  	[smem:$0x3FB2] =	sst s5  }
0xe: {  	[smem:$0x3FB3] =	sst s6  }
0xf: {  	[smem:$0x3FB4] =	sst s7  }
0x10: {  	[smem:$0x3FB5] =	sst s8  }
0x11: {  	[smem:$0x3FB6] =	sst s9;
	s0 =	simm.s32 @!p0 $0x0  }
0x12: {  	s1 =	sld [smem:$0x3F9C];
	s0 =	simm.s32 @p0 $0x1  }
0x13: {  	[smem:$0x3FB7] =	sst s0;
	s0 =	simm.s32 @!p1 $0x0  }
0x14: {  	s2 =	sld [smem:$0x3F9B];
	s0 =	simm.s32 @p1 $0x1  }
0x15: {  	[smem:$0x3FB8] =	sst s0;
	s0 =	simm.s32 @!p2 $0x0  }
0x16: {  	s3 =	sld [smem:$0x3FDB];
	s0 =	simm.s32 @p2 $0x1  }
0x17: {  	s4 =	simm.s32 $0x1BF5;
	[smem:$0x3FBA] =	sst s0  }
0x18: {  	s0 =	sld [smem:$0x3F9D];
	_ =	swait.ge [sflag:s4], $0x0  }
0x19: {  	s7 =	sld [smem:$0x3F9E]  }
0x1a: {  	s8 =	sadd.s32 $0xFFFFE003, lr  }
0x1b: {  	s9 =	sadd.s32 $0xFFFFFEF7, lr;
	s5 =	simm.s32 $0xFFFFFFFF;
	p2 =	slt.u32 s8, $0xFFFFF086  }
0x1c: {  	p1 =	slt.u32 s9, $0xF7A;
	s5 =	simm.s32 @!p2 $0x0  }
0x1d: {  	s5 =	simm.s32 @p1 $0x1;
	p0 =	seq.s32 s7, s2  }
0x1e: {  	s7 =	smul.u32 @!p0 $0xF7A, s2;
	p2 =	seq.s32 @!p0 s5, $0x0  }
0x1f: {  	s9 =	smul.u32 $0xF7A, s1;
	s8 =	simm.s32 @!p0 $0x1BF5;
	p2 =	por !p2, p0  }
0x20: {  	[sflag:s8] =	ssyncset.s32 @!p0 $0xFFFFF086;
	s6 =	sadd.s32 @!p0 s3, s7;
	s7 =	simm.s32 @!p0 $0x108  }
0x21: {  	s3 =	sadd.s32 s3, s9;
	s6 =	sadd.s32 @!p0 $0x88, s6;
	s7 =	simm.s32 @p2 $0x1082  }
0x22: {  	[simem:s7], [sflag:s8] =	dma.local @!p0 [hbm:s6], $0xF7A  }
0x23: {  	s9 =	sor.u32 $0xD0000000, s2;
	s6 =	simm.s32 $0x108;
	_ =	swait.ge @!p0 [sflag:s8], $0x0  }
0x24: {  	s3 =	sadd.s32 $0x88, s3;
	s6 =	simm.s32 @!p1 $0x1082;
	[sflag:s4] =	ssyncset.s32 $0xFFFFF086  }
0x25: {  	[simem:s6], [sflag:s4] =	dma.local [hbm:s3], $0xF7A  }
0x26: {  	[smem:$0x3F9E] =	sst s1;
	(tag) =	ssettag s2;
	_ =	strace s9  }
0x27: {  	s1 =	sld [smem:$0x3FAE]  }
0x28: {  	s2 =	sld [smem:$0x3FAF]  }
0x29: {  	s4 =	sld [smem:$0x3FB1]  }
0x2a: {  	p0 =	seq.s32 s5, $0x0;
	s5 =	sld [smem:$0x3FB2]  }
0x2b: {  	s6 =	sld [smem:$0x3FB3]  }
0x2c: {  	s7 =	sld [smem:$0x3FB4]  }
0x2d: {  	s3 =	simm.s32 $0x108;
	s8 =	sld [smem:$0x3FB5]  }
0x2e: {  	s3 =	simm.s32 @!p0 $0x1082;
	s9 =	sld [smem:$0x3FB6]  }
0x2f: {  	lr =	sadd.s32 s0, s3;
	s0 =	sld [smem:$0x3FAD]  }
0x30: {  	s3 =	sld [smem:$0x3FB0]  }
0x31: {  	[smem:$0x3FB9] =	sst s10  }
0x32: {  	s10 =	sld [smem:$0x3FB7];
	_ =	sdelay $0x3  }
0x33: {  	p0 =	seq.s32 s10, $0x1;
	s10 =	sld [smem:$0x3FB9];
	_ =	sdelay $0x3  }
0x34: {  	[smem:$0x3FB9] =	sst s10  }
0x35: {  	s10 =	sld [smem:$0x3FB8];
	_ =	sdelay $0x3  }
0x36: {  	p1 =	seq.s32 s10, $0x1;
	s10 =	sld [smem:$0x3FB9];
	_ =	sdelay $0x3  }
0x37: {  	[smem:$0x3FB9] =	sst s10  }
0x38: {  	s10 =	sld [smem:$0x3FBA]  }
0x39: {  	_ = 	snop;
	(pc) =	sbr.ind lr, $3  }
0x3a: {  	_ = 	snop  }
0x3b: {  	_ = 	snop  }
0x3c: {  	p2 =	seq.s32 s10, $0x1;
	s10 =	sld [smem:$0x3FB9]  }
0x3d: {  	_ =	shalt  }
0x3e: {  	_ =	shalt  }
0x3f: {  	_ =	shalt  }
0x40: {  	_ =	shalt  }
0x41: {  	_ =	shalt  }
0x42: {  	_ =	shalt  }
0x43: {  	_ =	shalt  }
0x44: {  	_ =	shalt  }
0x45: {  	_ =	shalt  }
0x46: {  	_ =	shalt  }
0x47: {  	_ =	shalt  }
0x48: {  	_ =	shalt  }
0x49: {  	_ =	shalt  }
0x4a: {  	_ =	shalt  }
0x4b: {  	_ =	shalt  }
0x4c: {  	_ =	shalt  }
0x4d: {  	_ =	shalt  }
0x4e: {  	_ =	shalt  }
0x4f: {  	_ =	shalt  }
0x50: {  	_ =	shalt  }
0x51: {  	_ =	shalt  }
0x52: {  	_ =	shalt  }
0x53: {  	_ =	shalt  }
0x54: {  	_ =	shalt  }
0x55: {  	_ =	shalt  }
0x56: {  	_ =	shalt  }
0x57: {  	_ =	shalt  }
0x58: {  	_ =	shalt  }
0x59: {  	_ =	shalt  }
0x5a: {  	_ =	shalt  }
0x5b: {  	_ =	shalt  }
0x5c: {  	_ =	shalt  }
0x5d: {  	_ =	shalt  }
0x5e: {  	_ =	shalt  }
0x5f: {  	_ =	shalt  }
0x60: {  	_ =	shalt  }
0x61: {  	_ =	shalt  }
0x62: {  	_ =	shalt  }
0x63: {  	_ =	shalt  }
0x64: {  	_ =	shalt  }
0x65: {  	_ =	shalt  }
0x66: {  	_ =	shalt  }
0x67: {  	_ =	shalt  }
0x68: {  	_ =	shalt  }
0x69: {  	_ =	shalt  }
0x6a: {  	_ =	shalt  }
0x6b: {  	_ =	shalt  }
0x6c: {  	_ =	shalt  }
0x6d: {  	_ =	shalt  }
0x6e: {  	_ =	shalt  }
0x6f: {  	_ =	shalt  }
0x70: {  	_ =	shalt  }
0x71: {  	_ =	shalt  }
0x72: {  	_ =	shalt  }
0x73: {  	_ =	shalt  }
0x74: {  	_ =	shalt  }
0x75: {  	_ =	shalt  }
0x76: {  	_ =	shalt  }
0x77: {  	_ =	shalt  }
0x78: {  	_ =	shalt  }
0x79: {  	_ =	shalt  }
0x7a: {  	_ =	shalt  }
0x7b: {  	_ =	shalt  }
0x7c: {  	_ =	shalt  }
0x7d: {  	_ =	shalt  }
0x7e: {  	_ =	shalt  }
0x7f: {  	_ =	shalt  }
0x80: {  	_ =	shalt  }
0x81: {  	_ =	shalt  }
0x82: {  	_ =	shalt  }
0x83: {  	_ =	shalt  }
0x84: {  	_ =	shalt  }
0x85: {  	_ =	shalt  }
0x86: {  	_ =	shalt  }
0x87: {  	_ =	shalt  }
.Lfunc_end0:
.L_simem_size_0:
called_computation_lowered:
.L_overlay_start_0:
0x88: {  	s2 =	sld [smem:$0x3FD9]  }
0x89: {  	s3 =	sld [smem:$0x3FFE];
	_ =	sdelay $0x1  }
0x8a: {  	s1 =	srdreg.scid  }
0x8b: {  	s0 =	sand.u32 $0x1, s1  }
0x8c: {  	s17 =	sshll.u32 s0, $0xA;
	s2 =	sadd.s32 s3, s2  }
0x8d: {  	s2 =	sadd.s32 s2, s17  }
0x8e: {  	[smem:$0x3FC5] =	sst s2  }
0x8f: {  	_ = 	snop  }
0x90: {  	s2 =	sld [smem:$0x3FC9]  }
0x91: {  	s18 =	sld [smem:$0x3FC8]  }
0x92: {  	s4 =	sld [smem:$0x3FD0];
	(tm) =	ssettm $0x1  }
0x93: {  	s5 =	sld [smem:$0x3FFB];
	_ =	sdelay $0x3  }
0x94: {  	_ =	strace s5  }
0x95: {  	s5 =	sld [smem:$0x3FFC];
	_ =	sdelay $0x3  }
0x96: {  	_ =	strace s5  }
0x97: {  	s5 =	sld [smem:$0x3FFD];
	_ =	sdelay $0x3  }
0x98: {  	_ =	strace s5  }
0x99: {  	_ =	strace $0x8FFFFFFF  }
0x9a: {  	s19 =	sld [smem:$0x3FDB];
	_ =	sdelay $0x1  }
0x9b: {  	s6 =	simm.s32 $_scs_section_size  }
0x9c: {  	s7 =	simm.s32 $_size__tile_overlayer_lowered;
	s8 =	simm.s32 $_tile_overlayer_lowered  }
0x9d: {  	s22 =	simm.s32 $0x1BFF;
	s21 =	sshll.u32 s8, $0x1;
	s5 =	sadd.s32 s6, s19  }
0x9e: {  	s9 =	simm.s32 $0x0;
	s20 =	sshll.u32 s7, $0x1;
	s7 =	sadd.s32 s21, s5  }
0x9f: {  	[timem:s9], [sflag:s22] =	dma.local [hbm:s7], s20  }
0xa0: {  	_ =	swait.ge [sflag:s22], s20  }
0xa1: {  	s6 =	ssub.s32 $0x0, s20;
	[sflag:s22] =	ssyncset.done $0x0  }
0xa2: {  	[sflag:s22] =	ssyncadd.s32 s6;
	_ =	sdelay $0x1  }
0xa3: {  	s23 =	simm.s32 $0x1B8B  }
0xa4: {  	_ =	swait.ge [sflag:s23], $0x1  }
0xa5: {  	[sflag:s23] =	ssyncset.done $0x0  }
0xa6: {  	s25 =	simm.s32 $0x1B8E;
	s24 =	sld [smem:$0x3FFE];
	[sflag:s23] =	ssyncadd.s32 $0xFFFFFFFF  }
0xa7: {  	s26 =	simm.s32 $execute0_lowered;
	[smem:$0x3FD2] =	sst s25  }
0xa8: {  	s7 =	sshll.u32 s26, $0x1;
	_ =	strace $0x80000046;
	[dreg:$0x1] =	wrdreg $0xFFFFFFFF  }
0xa9: {  	s28 =	simm.s32 $_size_execute0_lowered;
	s5 =	sadd.s32 s5, s7;
	[dreg:$0x0] =	wrdreg $0x0  }
0xaa: {  	s7 =	sshll.u32 s28, $0x1;
	[dreg:$0x2] =	wrdreg s5  }
0xab: {  	[dreg:$0x3] =	wrdreg s7  }
0xac: {  	[dreg:$0x4] =	wrdreg $0xC0  }
0xad: {  	_ =	task [dreg:s9], $0x5FFFF  }
0xae: {  	[dreg:$0x1] =	wrdreg $0xFFFFFFFF  }
0xaf: {  	[dreg:$0x0] =	wrdreg $0x60  }
0xb0: {  	[dreg:$0x2] =	wrdreg s2  }
0xb1: {  	[dreg:$0x3] =	wrdreg s18  }
0xb2: {  	[dreg:$0x4] =	wrdreg s24  }
0xb3: {  	[dreg:$0x5] =	wrdreg s4  }
0xb4: {  	[dreg:$0x6] =	wrdreg $0x9  }
0xb5: {  	_ =	task.clear_ibuf [dreg:s9], $0x7FFFF;
	_ =	strace $0x90000046  }
0xb6: {  	s29 =	simm.s32 $0x9;
	_ =	strace $0x80000048  }
0xb7: {  	_ =	swait.ge [sflag:s29], $0x1  }
0xb8: {  	[sflag:s29] =	ssyncadd.s32 $0xFFFFFFFF  }
0xb9: {  	_ =	strace $0x90000048  }
0xba: {  	_ =	sfence  }
0xbb: {  	s30 =	sld [smem:$0x0];
	_ =	sdelay $0x2  }
0xbc: {  	s31 =	sshll.u32 s1, $0xD;
	s1 =	sshrl.u32 s1, $0x2  }
0xbd: {  	s3 =	sand.u32 $0x4000, s31;
	s1 =	sadd.s32 s1, s30  }
0xbe: {  	s0 =	sor.u32 s3, s0;
	s1 =	sshll.u32 s1, $0x11  }
0xbf: {  	s0 =	sor.u32 s1, s0  }
0xc0: {  	s0 =	sadd.s32 $0x8F2B, s0  }
0xc1: {  	[sflag:s0] =	ssyncadd.remote.s32 $0x1  }
0xc2: {  	_ =	sfence.sel $0xFFFF  }
0xc3: {  	[dreg:$0x0] =	wrdreg $0xFFFFFFFF;
	(pc) =	sbr.abs _section_cstart, $3  }
0xc4: {  	[dreg:$0x1] =	wrdreg $0xFFFFFFFF  }
0xc5: {  	_ =	task.clear_ibuf [dreg:s9], $0x2FFFF;
	_ =	strace $0x9FFFFFFF  }
0xc6: {  	(tm) =	ssettm $0x7FFFFFFF  }
0xc7: {  	_ =	shalt  }
tec
execute0_lowered:
.L_overlay_start_1:
0x0: {  	(tag) =	ssettag $0x1  }
0x1: {  	v0 =	vlaneseq.u32  }
0x2: {  	v0 =	vmul.u32 $0x400, v0;
	_ =	sdelay $0x1  }
0x3: {  	v1 =	vor.u32 $0x1, v0;
	v11 =	vor.u32 $0xB, v0;
	v12 =	vor.u32 $0xC, v0  }
0x4: {  	v13 =	vor.u32 $0xD, v0;
	v14 =	vor.u32 $0xE, v0;
	v15 =	vor.u32 $0xF, v0  }
0x5: {  	v16 =	vor.u32 $0x10, v0;
	v17 =	vor.u32 $0x11, v0;
	v18 =	vor.u32 $0x12, v0  }
0x6: {  	v19 =	vor.u32 $0x13, v0;
	v20 =	vor.u32 $0x14, v0;
	v21 =	vor.u32 $0x15, v0  }
0x7: {  	s0 =	rddreg [dreg:$0x0];
	v22 =	vor.u32 $0x16, v0;
	v23 =	vor.u32 $0x17, v0;
	v24 =	vor.u32 $0x18, v0  }
0x8: {  	s2 =	rddreg [dreg:$0x1];
	v25 =	vor.u32 $0x19, v0;
	v26 =	vor.u32 $0x1A, v0;
	v27 =	vor.u32 $0x1B, v0  }
0x9: {  	s3 =	rddreg [dreg:$0x2];
	v28 =	vor.u32 $0x1C, v0;
	v29 =	vor.u32 $0x1D, v0;
	v30 =	vor.u32 $0x1E, v0  }
0xa: {  	s6 =	rddreg [dreg:$0x3];
	s1 =	simm.s32 $0x0;
	v31 =	vor.u32 $0x1F, v0;
	v32 =	vor.u32 $0x20, v0;
	v33 =	vor.u32 $0x21, v0  }
0xb: {  	s4 =	srdreg.scid;
	s13 =	simm.s32 $0x12800;
	[smem:$0x7FF] =	sst s1;
	v34 =	vor.u32 $0x22, v0;
	v35 =	vor.u32 $0x23, v0;
	v36 =	vor.u32 $0x24, v0  }
0xc: {  	s8 =	stileid.u32;
	s14 =	simm.s32 $0x6C00;
	_ =	strace $0x80000047;
	v37 =	vor.u32 $0x25, v0;
	v38 =	vor.u32 $0x26, v0;
	[tilespmem:$0x1FF60] =	vst v1;
	v1 =	vor.u32 $0x2, v0  }
0xd: {  	s15 =	simm.s32 $0x12C00;
	s16 =	simm.s32 $0x7000;
	s17 =	simm.s32 $0x13000;
	v39 =	vor.u32 $0x27, v0;
	v40 =	vor.u32 $0x28, v0;
	[tilespmem:$0x1FF70] =	vst v1;
	v1 =	vor.u32 $0x3, v0  }
0xe: {  	s18 =	simm.s32 $0x7400;
	s19 =	simm.s32 $0x13400;
	s20 =	simm.s32 $0x7800;
	v41 =	vor.u32 $0x29, v0;
	v42 =	vor.u32 $0x2A, v0;
	[tilespmem:$0x1FF80] =	vst v1;
	v1 =	vor.u32 $0x4, v0  }
0xf: {  	s21 =	simm.s32 $0x13800;
	s22 =	simm.s32 $0x7C00;
	s23 =	simm.s32 $0x13C00;
	v43 =	vor.u32 $0x2B, v0;
	v44 =	vor.u32 $0x2C, v0;
	[tilespmem:$0x1FF90] =	vst v1;
	v1 =	vor.u32 $0x5, v0  }
0x10: {  	s24 =	simm.s32 $0x8000;
	s25 =	simm.s32 $0x14000;
	s26 =	simm.s32 $0x18400;
	v45 =	vor.u32 $0x2D, v0;
	v46 =	vor.u32 $0x2E, v0;
	[tilespmem:$0x1FFA0] =	vst v1;
	v1 =	vor.u32 $0x6, v0  }
.Ltmp0:
0x11: {  	s28 =	simm.s32 $0x0;
	s4 =	sand.u32 $0x1, s4;
	v47 =	vor.u32 $0x2F, v0;
	v48 =	vor.u32 $0x30, v0;
	[tilespmem:$0x1FFB0] =	vst v1;
	v1 =	vor.u32 $0x7, v0;
	(pc) =	sbr.rel .LBB2_1-.Ltmp0, $4  }
0x12: {  	s8 =	sshll.u32 s8, $0x7;
	s5 =	ssub.s32 $0x2, s4;
	s4 =	sshll.u32 s4, $0x6;
	v49 =	vor.u32 $0x31, v0;
	v50 =	vor.u32 $0x32, v0;
	[tilespmem:$0x1FFC0] =	vst v1;
	v1 =	vor.u32 $0x8, v0  }
0x13: {  	s3 =	sadd.s32 $0x400, s3;
	s7 =	sshrl.u32 s5, $0x1;
	s8 =	sor.u32 s4, s8;
	v51 =	vor.u32 $0x33, v0;
	v52 =	vor.u32 $0x34, v0;
	[tilespmem:$0x1FFD0] =	vst v1;
	v1 =	vor.u32 $0x9, v0  }
0x14: {  	v53 =	vor.u32 $0x35, v0;
	v54 =	vor.u32 $0x36, v0;
	s7 =	ssub.s32 s5, s7;
	s4 =	sadd.s32 s0, s8;
	s5 =	sadd.s32 s2, s8;
	[tilespmem:$0x1FFE0] =	vst v1;
	v1 =	vor.u32 $0xA, v0  }
0x15: {  	v55 =	vor.u32 $0x37, v0;
	v56 =	vor.u32 $0x38, v0;
	v57 =	vor.u32 $0x39, v0;
	s6 =	sadd.s32 s6, s8;
	s8 =	simm.s32 $0x7;
	s7 =	smax.u32 s7, $0x1;
	[tilespmem:$0x1FFF0] =	vst v1  }
.LBB2_5:
0x16: {  	s28 =	sadd.s32 $0x1, s28  }
0x17: {  	p0 =	sne.s32 s28, s7  }
.Ltmp1:
0x18: {  	_ = 	snop;
	(pc) =	sbr.rel @!p0 .LBB2_6-.Ltmp1, $4  }
0x19: {  	[hbm4b:s6+s1] =	stream.linear.scatter [tilespmem:s26], [sflag:$0x7], $0x200, $0x38;
	[tilespmem:$0x18600] =	vst v63  }
0x1a: {  	_ =	swait.ge [sflag:s8], $0x200  }
0x1b: {  	[sflag:s8] =	ssyncset.done $0x0  }
0x1c: {  	[sflag:s8] =	ssyncadd.s32 $0xFFFFFE00  }
.LBB2_1:
0x1d: {  	[tilespmem:s1], [sflag:$0x7] =	stream.linear.gather [hbm4b:s4+s1], $0x200, $0x38;
	[tilespmem:$0x18600] =	vst v63  }
0x1e: {  	_ =	swait.ge [sflag:s8], $0x200  }
0x1f: {  	[sflag:s8] =	ssyncset.done $0x0  }
0x20: {  	s0 =	simm.s32 $0x200;
	[sflag:s8] =	ssyncadd.s32 $0xFFFFFE00  }
0x21: {  	[tilespmem:s0], [sflag:$0x7] =	stream.linear.gather [hbm4b:s5+s1], $0x200, $0x38;
	[tilespmem:$0x18600] =	vst v63  }
0x22: {  	_ =	swait.ge [sflag:s8], $0x200  }
0x23: {  	[sflag:s8] =	ssyncset.done $0x0  }
0x24: {  	[sflag:s8] =	ssyncadd.s32 $0xFFFFFE00  }
0x25: {  	v58 =	vld [tilespmem:$0x0];
	_ =	sdelay $0x1  }
0x26: {  	v59 =	vld [tilespmem:$0x200];
	_ =	sdelay $0x2  }
0x27: {  	v58 =	vand.u32 $0xFFFFFFF8, v58  }
0x28: {  	v58 =	vshll.u32 v58, $0x4  }
0x29: {  	v59 =	vand.u32 $0xFFFFFFF8, v59;
	v58 =	vadd.s32 s3, v58  }
0x2a: {  	v59 =	vshll.u32 v59, $0x4;
	(v2sf) =	vpush v58, $0x0  }
0x2b: {  	v59 =	vadd.s32 s3, v59  }
0x2c: {  	(v2sf) =	vpush v59, $0x0;
	_ =	sdelay $0x1  }
0x2d: {  	(v2sf) =	vpush v58, $0x1;
	_ =	sdelay $0x1  }
0x2e: {  	(v2sf) =	vpush v59, $0x1;
	_ =	sdelay $0x1  }
0x2f: {  	(v2sf) =	vpush v58, $0x2;
	_ =	sdelay $0x1  }
0x30: {  	(v2sf) =	vpush v59, $0x2;
	_ =	sdelay $0x1  }
0x31: {  	(v2sf) =	vpush v58, $0x3;
	_ =	sdelay $0x1  }
0x32: {  	(v2sf) =	vpush v59, $0x3  }
0x33: {  	s2 =	simm.s32 $0x400;
	s10 =	spop (v2sf)  }
0x34: {  	(v2sf) =	vpush v58, $0x4;
	[tilespmem:s2], [sflag:$0x1] =	stream.linear.gather [hbm4b:s10+s1], $0x400, $0x38;
	[tilespmem:$0x18600] =	vst v63  }
0x35: {  	s12 =	simm.s32 $0xC400;
	s11 =	spop (v2sf)  }
0x36: {  	(v2sf) =	vpush v59, $0x4;
	[tilespmem:s12], [sflag:$0x4] =	stream.linear.gather [hbm4b:s11+s1], $0x400, $0x38;
	[tilespmem:$0x18600] =	vst v63  }
0x37: {  	s10 =	simm.s32 $0x800;
	s9 =	spop (v2sf)  }
0x38: {  	(v2sf) =	vpush v58, $0x5;
	[tilespmem:s10], [sflag:$0x1] =	stream.linear.gather [hbm4b:s9+s1], $0x400, $0x38;
	[tilespmem:$0x18600] =	vst v63  }
0x39: {  	s11 =	spop (v2sf);
	s12 =	simm.s32 $0xC800  }
0x3a: {  	(v2sf) =	vpush v59, $0x5;
	[tilespmem:s12], [sflag:$0x4] =	stream.linear.gather [hbm4b:s11+s1], $0x400, $0x38;
	[tilespmem:$0x18600] =	vst v63  }
0x3b: {  	s9 =	spop (v2sf);
	s10 =	simm.s32 $0xC00  }
0x3c: {  	(v2sf) =	vpush v58, $0x6;
	[tilespmem:s10], [sflag:$0x1] =	stream.linear.gather [hbm4b:s9+s1], $0x400, $0x38;
	[tilespmem:$0x18600] =	vst v63  }
0x3d: {  	s11 =	spop (v2sf);
	s12 =	simm.s32 $0xCC00  }
0x3e: {  	(v2sf) =	vpush v59, $0x6;
	[tilespmem:s12], [sflag:$0x4] =	stream.linear.gather [hbm4b:s11+s1], $0x400, $0x38;
	[tilespmem:$0x18600] =	vst v63  }
0x3f: {  	s9 =	spop (v2sf);
	s10 =	simm.s32 $0x1000  }
0x40: {  	(v2sf) =	vpush v58, $0x7;
	[tilespmem:s10], [sflag:$0x1] =	stream.linear.gather [hbm4b:s9+s1], $0x400, $0x38;
	[tilespmem:$0x18600] =	vst v63  }
0x41: {  	s11 =	spop (v2sf);
	s12 =	simm.s32 $0xD000  }
0x42: {  	(v2sf) =	vpush v59, $0x7;
	[tilespmem:s12], [sflag:$0x4] =	stream.linear.gather [hbm4b:s11+s1], $0x400, $0x38;
	[tilespmem:$0x18600] =	vst v63  }
0x43: {  	s10 =	simm.s32 $0x1400;
	s9 =	spop (v2sf)  }
0x44: {  	(v2sf) =	vpush v58, $0x8;
	[tilespmem:s10], [sflag:$0x1] =	stream.linear.gather [hbm4b:s9+s1], $0x400, $0x38;
	[tilespmem:$0x18600] =	vst v63  }
0x45: {  	s12 =	simm.s32 $0xD400;
	s11 =	spop (v2sf)  }
0x46: {  	(v2sf) =	vpush v59, $0x8;
	[tilespmem:s12], [sflag:$0x4] =	stream.linear.gather [hbm4b:s11+s1], $0x400, $0x38;
	[tilespmem:$0x18600] =	vst v63  }
0x47: {  	s9 =	spop (v2sf);
	s10 =	simm.s32 $0x1800  }
0x48: {  	(v2sf) =	vpush v58, $0x9;
	[tilespmem:s10], [sflag:$0x1] =	stream.linear.gather [hbm4b:s9+s1], $0x400, $0x38;
	[tilespmem:$0x18600] =	vst v63  }
0x49: {  	s11 =	spop (v2sf);
	s12 =	simm.s32 $0xD800  }
0x4a: {  	(v2sf) =	vpush v59, $0x9;
	[tilespmem:s12], [sflag:$0x4] =	stream.linear.gather [hbm4b:s11+s1], $0x400, $0x38;
	[tilespmem:$0x18600] =	vst v63  }
0x4b: {  	s9 =	spop (v2sf);
	s10 =	simm.s32 $0x1C00  }
0x4c: {  	(v2sf) =	vpush v58, $0xA;
	[tilespmem:s10], [sflag:$0x1] =	stream.linear.gather [hbm4b:s9+s1], $0x400, $0x38;
	[tilespmem:$0x18600] =	vst v63  }
0x4d: {  	s11 =	spop (v2sf);
	s12 =	simm.s32 $0xDC00  }
0x4e: {  	(v2sf) =	vpush v59, $0xA;
	[tilespmem:s12], [sflag:$0x4] =	stream.linear.gather [hbm4b:s11+s1], $0x400, $0x38;
	[tilespmem:$0x18600] =	vst v63  }
0x4f: {  	s9 =	spop (v2sf);
	s10 =	simm.s32 $0x2000  }
0x50: {  	(v2sf) =	vpush v58, $0xB;
	[tilespmem:s10], [sflag:$0x1] =	stream.linear.gather [hbm4b:s9+s1], $0x400, $0x38;
	[tilespmem:$0x18600] =	vst v63  }
0x51: {  	s11 =	spop (v2sf);
	s12 =	simm.s32 $0xE000  }
0x52: {  	(v2sf) =	vpush v59, $0xB;
	[tilespmem:s12], [sflag:$0x4] =	stream.linear.gather [hbm4b:s11+s1], $0x400, $0x38;
	[tilespmem:$0x18600] =	vst v63  }
0x53: {  	s10 =	simm.s32 $0x2400;
	s9 =	spop (v2sf)  }
0x54: {  	(v2sf) =	vpush v58, $0xC;
	[tilespmem:s10], [sflag:$0x1] =	stream.linear.gather [hbm4b:s9+s1], $0x400, $0x38;
	[tilespmem:$0x18600] =	vst v63  }
0x55: {  	s11 =	spop (v2sf);
	s12 =	simm.s32 $0xE400  }
0x56: {  	(v2sf) =	vpush v59, $0xC;
	[tilespmem:s12], [sflag:$0x4] =	stream.linear.gather [hbm4b:s11+s1], $0x400, $0x38;
	[tilespmem:$0x18600] =	vst v63  }
0x57: {  	s9 =	spop (v2sf);
	s10 =	simm.s32 $0x2800  }
0x58: {  	(v2sf) =	vpush v58, $0xD;
	[tilespmem:s10], [sflag:$0x1] =	stream.linear.gather [hbm4b:s9+s1], $0x400, $0x38;
	[tilespmem:$0x18600] =	vst v63  }
0x59: {  	s11 =	spop (v2sf);
	s12 =	simm.s32 $0xE800  }
0x5a: {  	(v2sf) =	vpush v59, $0xD;
	[tilespmem:s12], [sflag:$0x4] =	stream.linear.gather [hbm4b:s11+s1], $0x400, $0x38;
	[tilespmem:$0x18600] =	vst v63  }
0x5b: {  	s9 =	spop (v2sf);
	s10 =	simm.s32 $0x2C00  }
0x5c: {  	(v2sf) =	vpush v58, $0xE;
	[tilespmem:s10], [sflag:$0x1] =	stream.linear.gather [hbm4b:s9+s1], $0x400, $0x38;
	[tilespmem:$0x18600] =	vst v63  }
0x5d: {  	s11 =	spop (v2sf);
	s12 =	simm.s32 $0xEC00  }
0x5e: {  	(v2sf) =	vpush v59, $0xE;
	[tilespmem:s12], [sflag:$0x4] =	stream.linear.gather [hbm4b:s11+s1], $0x400, $0x38;
	[tilespmem:$0x18600] =	vst v63  }
0x5f: {  	s9 =	spop (v2sf);
	s10 =	simm.s32 $0x3000  }
0x60: {  	(v2sf) =	vpush v58, $0xF;
	[tilespmem:s10], [sflag:$0x1] =	stream.linear.gather [hbm4b:s9+s1], $0x400, $0x38;
	[tilespmem:$0x18600] =	vst v63  }
0x61: {  	s11 =	spop (v2sf);
	s12 =	simm.s32 $0xF000  }
0x62: {  	(v2sf) =	vpush v59, $0xF;
	[tilespmem:s12], [sflag:$0x4] =	stream.linear.gather [hbm4b:s11+s1], $0x400, $0x38;
	[tilespmem:$0x18600] =	vst v63  }
0x63: {  	s9 =	spop (v2sf);
	s10 =	simm.s32 $0x3400  }
0x64: {  	[tilespmem:s10], [sflag:$0x1] =	stream.linear.gather [hbm4b:s9+s1], $0x400, $0x38;
	[tilespmem:$0x18600] =	vst v63  }
0x65: {  	s11 =	spop (v2sf);
	s12 =	simm.s32 $0xF400  }
0x66: {  	[tilespmem:s12], [sflag:$0x4] =	stream.linear.gather [hbm4b:s11+s1], $0x400, $0x38;
	[tilespmem:$0x18600] =	vst v63  }
0x67: {  	s9 =	spop (v2sf);
	s10 =	simm.s32 $0x3800  }
0x68: {  	[tilespmem:s10], [sflag:$0x1] =	stream.linear.gather [hbm4b:s9+s1], $0x400, $0x38;
	[tilespmem:$0x18600] =	vst v63  }
0x69: {  	s11 =	spop (v2sf);
	s12 =	simm.s32 $0xF800  }
0x6a: {  	[tilespmem:s12], [sflag:$0x4] =	stream.linear.gather [hbm4b:s11+s1], $0x400, $0x38;
	[tilespmem:$0x18600] =	vst v63  }
0x6b: {  	s9 =	spop (v2sf);
	s10 =	simm.s32 $0x3C00  }
0x6c: {  	[tilespmem:s10], [sflag:$0x1] =	stream.linear.gather [hbm4b:s9+s1], $0x400, $0x38;
	[tilespmem:$0x18600] =	vst v63  }
0x6d: {  	s11 =	spop (v2sf);
	s12 =	simm.s32 $0xFC00  }
0x6e: {  	[tilespmem:s12], [sflag:$0x4] =	stream.linear.gather [hbm4b:s11+s1], $0x400, $0x38;
	[tilespmem:$0x18600] =	vst v63  }
0x6f: {  	s9 =	spop (v2sf);
	s10 =	simm.s32 $0x4000  }
0x70: {  	[tilespmem:s10], [sflag:$0x1] =	stream.linear.gather [hbm4b:s9+s1], $0x400, $0x38;
	[tilespmem:$0x18600] =	vst v63  }
0x71: {  	s11 =	spop (v2sf);
	s12 =	simm.s32 $0x10000  }
0x72: {  	[tilespmem:s12], [sflag:$0x4] =	stream.linear.gather [hbm4b:s11+s1], $0x400, $0x38;
	[tilespmem:$0x18600] =	vst v63  }
0x73: {  	v62 =	vld [tilespmem:$0x10];
	_ =	sdelay $0x1  }
0x74: {  	v63 =	vld [tilespmem:$0x210];
	_ =	sdelay $0x2  }
0x75: {  	v58 =	vand.u32 $0xFFFFFFF8, v62  }
0x76: {  	v58 =	vshll.u32 v58, $0x4  }
0x77: {  	v59 =	vand.u32 $0xFFFFFFF8, v63;
	v58 =	vadd.s32 s3, v58  }
0x78: {  	v59 =	vshll.u32 v59, $0x4;
	(v2sf) =	vpush v58, $0x0  }
0x79: {  	v59 =	vadd.s32 s3, v59  }
0x7a: {  	(v2sf) =	vpush v59, $0x0;
	_ =	sdelay $0x1  }
0x7b: {  	(v2sf) =	vpush v58, $0x1;
	_ =	sdelay $0x1  }
0x7c: {  	(v2sf) =	vpush v59, $0x1;
	_ =	sdelay $0x1  }
0x7d: {  	(v2sf) =	vpush v58, $0x2;
	_ =	sdelay $0x1  }
0x7e: {  	(v2sf) =	vpush v59, $0x2;
	_ =	sdelay $0x1  }
0x7f: {  	(v2sf) =	vpush v58, $0x3;
	_ =	sdelay $0x1  }
0x80: {  	(v2sf) =	vpush v59, $0x3  }
0x81: {  	s10 =	simm.s32 $0x4400;
	s9 =	spop (v2sf)  }
0x82: {  	(v2sf) =	vpush v58, $0x4;
	[tilespmem:s10], [sflag:$0x2] =	stream.linear.gather [hbm4b:s9+s1], $0x400, $0x38;
	[tilespmem:$0x18600] =	vst v63  }
0x83: {  	s12 =	simm.s32 $0x10400;
	s11 =	spop (v2sf)  }
0x84: {  	(v2sf) =	vpush v59, $0x4;
	[tilespmem:s12], [sflag:$0x5] =	stream.linear.gather [hbm4b:s11+s1], $0x400, $0x38;
	[tilespmem:$0x18600] =	vst v63  }
0x85: {  	s10 =	simm.s32 $0x4800;
	s9 =	spop (v2sf)  }
0x86: {  	(v2sf) =	vpush v58, $0x5;
	[tilespmem:s10], [sflag:$0x2] =	stream.linear.gather [hbm4b:s9+s1], $0x400, $0x38;
	[tilespmem:$0x18600] =	vst v63  }
0x87: {  	s11 =	spop (v2sf);
	s12 =	simm.s32 $0x10800  }
0x88: {  	(v2sf) =	vpush v59, $0x5;
	[tilespmem:s12], [sflag:$0x5] =	stream.linear.gather [hbm4b:s11+s1], $0x400, $0x38;
	[tilespmem:$0x18600] =	vst v63  }
0x89: {  	s9 =	spop (v2sf);
	s10 =	simm.s32 $0x4C00  }
0x8a: {  	(v2sf) =	vpush v58, $0x6;
	[tilespmem:s10], [sflag:$0x2] =	stream.linear.gather [hbm4b:s9+s1], $0x400, $0x38;
	[tilespmem:$0x18600] =	vst v63  }
0x8b: {  	s11 =	spop (v2sf);
	s12 =	simm.s32 $0x10C00  }
0x8c: {  	(v2sf) =	vpush v59, $0x6;
	[tilespmem:s12], [sflag:$0x5] =	stream.linear.gather [hbm4b:s11+s1], $0x400, $0x38;
	[tilespmem:$0x18600] =	vst v63  }
0x8d: {  	s9 =	spop (v2sf);
	s10 =	simm.s32 $0x5000  }
0x8e: {  	(v2sf) =	vpush v58, $0x7;
	[tilespmem:s10], [sflag:$0x2] =	stream.linear.gather [hbm4b:s9+s1], $0x400, $0x38;
	[tilespmem:$0x18600] =	vst v63  }
0x8f: {  	s11 =	spop (v2sf);
	s12 =	simm.s32 $0x11000  }
0x90: {  	(v2sf) =	vpush v59, $0x7;
	[tilespmem:s12], [sflag:$0x5] =	stream.linear.gather [hbm4b:s11+s1], $0x400, $0x38;
	[tilespmem:$0x18600] =	vst v63  }
0x91: {  	s10 =	simm.s32 $0x5400;
	s9 =	spop (v2sf)  }
0x92: {  	(v2sf) =	vpush v58, $0x8;
	[tilespmem:s10], [sflag:$0x2] =	stream.linear.gather [hbm4b:s9+s1], $0x400, $0x38;
	[tilespmem:$0x18600] =	vst v63  }
0x93: {  	s12 =	simm.s32 $0x11400;
	s11 =	spop (v2sf)  }
0x94: {  	(v2sf) =	vpush v59, $0x8;
	[tilespmem:s12], [sflag:$0x5] =	stream.linear.gather [hbm4b:s11+s1], $0x400, $0x38;
	[tilespmem:$0x18600] =	vst v63  }
0x95: {  	s9 =	spop (v2sf);
	s10 =	simm.s32 $0x5800  }
0x96: {  	(v2sf) =	vpush v58, $0x9;
	[tilespmem:s10], [sflag:$0x2] =	stream.linear.gather [hbm4b:s9+s1], $0x400, $0x38;
	[tilespmem:$0x18600] =	vst v63  }
0x97: {  	s11 =	spop (v2sf);
	s12 =	simm.s32 $0x11800  }
0x98: {  	(v2sf) =	vpush v59, $0x9;
	[tilespmem:s12], [sflag:$0x5] =	stream.linear.gather [hbm4b:s11+s1], $0x400, $0x38;
	[tilespmem:$0x18600] =	vst v63  }
0x99: {  	s9 =	spop (v2sf);
	s10 =	simm.s32 $0x5C00  }
0x9a: {  	(v2sf) =	vpush v58, $0xA;
	[tilespmem:s10], [sflag:$0x2] =	stream.linear.gather [hbm4b:s9+s1], $0x400, $0x38;
	[tilespmem:$0x18600] =	vst v63  }
0x9b: {  	s11 =	spop (v2sf);
	s12 =	simm.s32 $0x11C00  }
0x9c: {  	(v2sf) =	vpush v59, $0xA;
	[tilespmem:s12], [sflag:$0x5] =	stream.linear.gather [hbm4b:s11+s1], $0x400, $0x38;
	[tilespmem:$0x18600] =	vst v63  }
0x9d: {  	s9 =	spop (v2sf);
	s10 =	simm.s32 $0x6000  }
0x9e: {  	(v2sf) =	vpush v58, $0xB;
	[tilespmem:s10], [sflag:$0x2] =	stream.linear.gather [hbm4b:s9+s1], $0x400, $0x38;
	[tilespmem:$0x18600] =	vst v63  }
0x9f: {  	s11 =	spop (v2sf);
	s12 =	simm.s32 $0x12000  }
0xa0: {  	(v2sf) =	vpush v59, $0xB;
	[tilespmem:s12], [sflag:$0x5] =	stream.linear.gather [hbm4b:s11+s1], $0x400, $0x38;
	[tilespmem:$0x18600] =	vst v63  }
0xa1: {  	s10 =	simm.s32 $0x6400;
	s9 =	spop (v2sf)  }
0xa2: {  	(v2sf) =	vpush v58, $0xC;
	[tilespmem:s10], [sflag:$0x2] =	stream.linear.gather [hbm4b:s9+s1], $0x400, $0x38;
	[tilespmem:$0x18600] =	vst v63  }
0xa3: {  	s11 =	spop (v2sf);
	s12 =	simm.s32 $0x12400  }
0xa4: {  	(v2sf) =	vpush v59, $0xC;
	[tilespmem:s12], [sflag:$0x5] =	stream.linear.gather [hbm4b:s11+s1], $0x400, $0x38;
	[tilespmem:$0x18600] =	vst v63  }
0xa5: {  	s2 =	spop (v2sf);
	s9 =	simm.s32 $0x6800  }
0xa6: {  	(v2sf) =	vpush v58, $0xD;
	[tilespmem:s9], [sflag:$0x2] =	stream.linear.gather [hbm4b:s2+s1], $0x400, $0x38;
	[tilespmem:$0x18600] =	vst v63  }
0xa7: {  	s10 =	spop (v2sf)  }
0xa8: {  	(v2sf) =	vpush v59, $0xD;
	[tilespmem:s13], [sflag:$0x5] =	stream.linear.gather [hbm4b:s10+s1], $0x400, $0x38;
	[tilespmem:$0x18600] =	vst v63  }
0xa9: {  	s11 =	spop (v2sf)  }
0xaa: {  	(v2sf) =	vpush v58, $0xE;
	[tilespmem:s14], [sflag:$0x2] =	stream.linear.gather [hbm4b:s11+s1], $0x400, $0x38;
	[tilespmem:$0x18600] =	vst v63  }
0xab: {  	s12 =	spop (v2sf)  }
0xac: {  	(v2sf) =	vpush v59, $0xE;
	[tilespmem:s15], [sflag:$0x5] =	stream.linear.gather [hbm4b:s12+s1], $0x400, $0x38;
	[tilespmem:$0x18600] =	vst v63  }
0xad: {  	s2 =	spop (v2sf)  }
0xae: {  	[tilespmem:s16], [sflag:$0x2] =	stream.linear.gather [hbm4b:s2+s1], $0x400, $0x38;
	[tilespmem:$0x18600] =	vst v63  }
0xaf: {  	(v2sf) =	vpush v58, $0xF;
	s9 =	spop (v2sf)  }
0xb0: {  	[tilespmem:s17], [sflag:$0x5] =	stream.linear.gather [hbm4b:s9+s1], $0x400, $0x38;
	[tilespmem:$0x18600] =	vst v63  }
0xb1: {  	(v2sf) =	vpush v59, $0xF;
	s10 =	spop (v2sf)  }
0xb2: {  	[tilespmem:s18], [sflag:$0x2] =	stream.linear.gather [hbm4b:s10+s1], $0x400, $0x38;
	[tilespmem:$0x18600] =	vst v63  }
0xb3: {  	s11 =	spop (v2sf)  }
0xb4: {  	[tilespmem:s19], [sflag:$0x5] =	stream.linear.gather [hbm4b:s11+s1], $0x400, $0x38;
	[tilespmem:$0x18600] =	vst v63  }
0xb5: {  	s12 =	spop (v2sf)  }
0xb6: {  	[tilespmem:s20], [sflag:$0x2] =	stream.linear.gather [hbm4b:s12+s1], $0x400, $0x38;
	[tilespmem:$0x18600] =	vst v63  }
0xb7: {  	s2 =	spop (v2sf)  }
0xb8: {  	[tilespmem:s21], [sflag:$0x5] =	stream.linear.gather [hbm4b:s2+s1], $0x400, $0x38;
	[tilespmem:$0x18600] =	vst v63  }
0xb9: {  	s9 =	spop (v2sf)  }
0xba: {  	[tilespmem:s22], [sflag:$0x2] =	stream.linear.gather [hbm4b:s9+s1], $0x400, $0x38;
	[tilespmem:$0x18600] =	vst v63  }
0xbb: {  	s10 =	spop (v2sf)  }
0xbc: {  	[tilespmem:s23], [sflag:$0x5] =	stream.linear.gather [hbm4b:s10+s1], $0x400, $0x38;
	[tilespmem:$0x18600] =	vst v63  }
.Ltmp2:
0xbd: {  	_ = 	snop;
	(pc) =	sbr.rel .LBB2_2-.Ltmp2, $4  }
0xbe: {  	s29 =	simm.s32 $0x20;
	s30 =	simm.s32 $0x220;
	s11 =	spop (v2sf)  }
0xbf: {  	[tilespmem:s24], [sflag:$0x2] =	stream.linear.gather [hbm4b:s11+s1], $0x400, $0x38;
	[tilespmem:$0x18600] =	vst v63  }
0xc0: {  	s31 =	simm.s32 $0x18400;
	s0 =	simm.s32 $0x0;
	s12 =	spop (v2sf)  }
0xc1: {  	[tilespmem:s25], [sflag:$0x5] =	stream.linear.gather [hbm4b:s12+s1], $0x400, $0x38;
	[tilespmem:$0x18600] =	vst v63  }
.LBB2_4:
0xc2: {  	s2 =	smul.u32 $0xAB, s0;
	_ =	sdelay $0x1  }
0xc3: {  	s2 =	sshrl.u32 s2, $0x9  }
0xc4: {  	s2 =	sand.u32 $0x7F, s2  }
0xc5: {  	s2 =	smul.u32 $0x3, s2;
	_ =	sdelay $0x1  }
0xc6: {  	s2 =	ssub.s32 s0, s2  }
0xc7: {  	s2 =	sand.u32 $0xFF, s2  }
0xc8: {  	s9 =	sadd.s32 $0x1, s2  }
0xc9: {  	_ =	swait.ge [sflag:s9], $0x400  }
0xca: {  	[sflag:s9] =	ssyncset.done $0x0  }
0xcb: {  	s10 =	sadd.s32 $0x4, s2;
	[sflag:s9] =	ssyncadd.s32 $0xFFFFFC00  }
0xcc: {  	_ =	swait.ge [sflag:s10], $0x400  }
0xcd: {  	[sflag:s10] =	ssyncset.done $0x0  }
0xce: {  	[sflag:s10] =	ssyncadd.s32 $0xFFFFFC00  }
0xcf: {  	_ =	swait.ge [sflag:s9], $0x400  }
0xd0: {  	[sflag:s9] =	ssyncset.done $0x0  }
0xd1: {  	[sflag:s9] =	ssyncadd.s32 $0xFFFFFC00  }
0xd2: {  	_ =	swait.ge [sflag:s10], $0x400  }
0xd3: {  	[sflag:s10] =	ssyncset.done $0x0  }
0xd4: {  	[sflag:s10] =	ssyncadd.s32 $0xFFFFFC00  }
0xd5: {  	_ =	swait.ge [sflag:s9], $0x400  }
0xd6: {  	[sflag:s9] =	ssyncset.done $0x0  }
0xd7: {  	[sflag:s9] =	ssyncadd.s32 $0xFFFFFC00  }
0xd8: {  	_ =	swait.ge [sflag:s10], $0x400  }
0xd9: {  	[sflag:s10] =	ssyncset.done $0x0  }
0xda: {  	[sflag:s10] =	ssyncadd.s32 $0xFFFFFC00  }
0xdb: {  	_ =	swait.ge [sflag:s9], $0x400  }
0xdc: {  	[sflag:s9] =	ssyncset.done $0x0  }
0xdd: {  	[sflag:s9] =	ssyncadd.s32 $0xFFFFFC00  }
0xde: {  	_ =	swait.ge [sflag:s10], $0x400  }
0xdf: {  	[sflag:s10] =	ssyncset.done $0x0  }
0xe0: {  	[sflag:s10] =	ssyncadd.s32 $0xFFFFFC00  }
0xe1: {  	_ =	swait.ge [sflag:s9], $0x400  }
0xe2: {  	[sflag:s9] =	ssyncset.done $0x0  }
0xe3: {  	[sflag:s9] =	ssyncadd.s32 $0xFFFFFC00  }
0xe4: {  	_ =	swait.ge [sflag:s10], $0x400  }
0xe5: {  	[sflag:s10] =	ssyncset.done $0x0  }
0xe6: {  	[sflag:s10] =	ssyncadd.s32 $0xFFFFFC00  }
0xe7: {  	_ =	swait.ge [sflag:s9], $0x400  }
0xe8: {  	[sflag:s9] =	ssyncset.done $0x0  }
0xe9: {  	[sflag:s9] =	ssyncadd.s32 $0xFFFFFC00  }
0xea: {  	_ =	swait.ge [sflag:s10], $0x400  }
0xeb: {  	[sflag:s10] =	ssyncset.done $0x0  }
0xec: {  	[sflag:s10] =	ssyncadd.s32 $0xFFFFFC00  }
0xed: {  	_ =	swait.ge [sflag:s9], $0x400  }
0xee: {  	[sflag:s9] =	ssyncset.done $0x0  }
0xef: {  	[sflag:s9] =	ssyncadd.s32 $0xFFFFFC00  }
0xf0: {  	_ =	swait.ge [sflag:s10], $0x400  }
0xf1: {  	[sflag:s10] =	ssyncset.done $0x0  }
0xf2: {  	[sflag:s10] =	ssyncadd.s32 $0xFFFFFC00  }
0xf3: {  	_ =	swait.ge [sflag:s9], $0x400  }
0xf4: {  	[sflag:s9] =	ssyncset.done $0x0  }
0xf5: {  	[sflag:s9] =	ssyncadd.s32 $0xFFFFFC00  }
0xf6: {  	_ =	swait.ge [sflag:s10], $0x400  }
0xf7: {  	[sflag:s10] =	ssyncset.done $0x0  }
0xf8: {  	[sflag:s10] =	ssyncadd.s32 $0xFFFFFC00  }
0xf9: {  	_ =	swait.ge [sflag:s9], $0x400  }
0xfa: {  	[sflag:s9] =	ssyncset.done $0x0  }
0xfb: {  	[sflag:s9] =	ssyncadd.s32 $0xFFFFFC00  }
0xfc: {  	_ =	swait.ge [sflag:s10], $0x400  }
0xfd: {  	[sflag:s10] =	ssyncset.done $0x0  }
0xfe: {  	[sflag:s10] =	ssyncadd.s32 $0xFFFFFC00  }
0xff: {  	_ =	swait.ge [sflag:s9], $0x400  }
0x100: {  	[sflag:s9] =	ssyncset.done $0x0  }
0x101: {  	[sflag:s9] =	ssyncadd.s32 $0xFFFFFC00  }
0x102: {  	_ =	swait.ge [sflag:s10], $0x400  }
0x103: {  	[sflag:s10] =	ssyncset.done $0x0  }
0x104: {  	[sflag:s10] =	ssyncadd.s32 $0xFFFFFC00  }
0x105: {  	_ =	swait.ge [sflag:s9], $0x400  }
0x106: {  	[sflag:s9] =	ssyncset.done $0x0  }
0x107: {  	[sflag:s9] =	ssyncadd.s32 $0xFFFFFC00  }
0x108: {  	_ =	swait.ge [sflag:s10], $0x400  }
0x109: {  	[sflag:s10] =	ssyncset.done $0x0  }
0x10a: {  	[sflag:s10] =	ssyncadd.s32 $0xFFFFFC00  }
0x10b: {  	_ =	swait.ge [sflag:s9], $0x400  }
0x10c: {  	[sflag:s9] =	ssyncset.done $0x0  }
0x10d: {  	[sflag:s9] =	ssyncadd.s32 $0xFFFFFC00  }
0x10e: {  	_ =	swait.ge [sflag:s10], $0x400  }
0x10f: {  	[sflag:s10] =	ssyncset.done $0x0  }
0x110: {  	[sflag:s10] =	ssyncadd.s32 $0xFFFFFC00  }
0x111: {  	_ =	swait.ge [sflag:s9], $0x400  }
0x112: {  	[sflag:s9] =	ssyncset.done $0x0  }
0x113: {  	[sflag:s9] =	ssyncadd.s32 $0xFFFFFC00  }
0x114: {  	_ =	swait.ge [sflag:s10], $0x400  }
0x115: {  	[sflag:s10] =	ssyncset.done $0x0  }
0x116: {  	[sflag:s10] =	ssyncadd.s32 $0xFFFFFC00  }
0x117: {  	_ =	swait.ge [sflag:s9], $0x400  }
0x118: {  	[sflag:s9] =	ssyncset.done $0x0  }
0x119: {  	[sflag:s9] =	ssyncadd.s32 $0xFFFFFC00  }
0x11a: {  	_ =	swait.ge [sflag:s10], $0x400  }
0x11b: {  	[sflag:s10] =	ssyncset.done $0x0  }
0x11c: {  	[sflag:s10] =	ssyncadd.s32 $0xFFFFFC00  }
0x11d: {  	_ =	swait.ge [sflag:s9], $0x400  }
0x11e: {  	[sflag:s9] =	ssyncset.done $0x0  }
0x11f: {  	[sflag:s9] =	ssyncadd.s32 $0xFFFFFC00  }
0x120: {  	_ =	swait.ge [sflag:s10], $0x400  }
0x121: {  	[sflag:s10] =	ssyncset.done $0x0  }
0x122: {  	[sflag:s10] =	ssyncadd.s32 $0xFFFFFC00  }
0x123: {  	_ =	swait.ge [sflag:s9], $0x400  }
0x124: {  	[sflag:s9] =	ssyncset.done $0x0  }
0x125: {  	[sflag:s9] =	ssyncadd.s32 $0xFFFFFC00  }
0x126: {  	_ =	swait.ge [sflag:s10], $0x400  }
0x127: {  	[sflag:s10] =	ssyncset.done $0x0  }
0x128: {  	[sflag:s10] =	ssyncadd.s32 $0xFFFFFC00  }
0x129: {  	v58 =	vld [tilespmem:s29+$0xFFFFFFE0]  }
0x12a: {  	v59 =	vld [tilespmem:s30+$0xFFFFFFE0];
	_ =	sdelay $0x2  }
0x12b: {  	v1 =	vld [tilespmem:$0x1FF60]  }
0x12c: {  	v58 =	vshll.u32 v58, $0x7  }
0x12d: {  	v2 =	vld [tilespmem:$0x1FF70];
	v59 =	vshll.u32 v59, $0x7;
	v58 =	vand.u32 $0x380, v58  }
0x12e: {  	v59 =	vand.u32 $0x380, v59;
	v60 =	vor.u32 v0, v58  }
0x12f: {  	v4 =	vld [tilespmem:$0x1FF80];
	v61 =	vor.u32 v0, v59  }
0x130: {  	v6 =	vld [tilespmem:$0x1FF90];
	v62 =	vor.u32 v1, v58  }
0x131: {  	s2 =	sshll.u32 s2, $0xE;
	v8 =	vld [tilespmem:$0x1FFA0];
	v63 =	vor.u32 v1, v59  }
0x132: {  	s12 =	sor.u32 $0x400, s2;
	v9 =	vld [tilespmem:$0x1FFB0];
	v1 =	vor.u32 v2, v58  }
0x133: {  	v2 =	vor.u32 v2, v59;
	v60 =	vld.idx.msk [tilespmem:v60+s12+$0x0], $0xffff  }
0x134: {  	v61 =	vld.idx.msk [tilespmem:v61+s2+$0xC400], $0xffff  }
0x135: {  	v62 =	vld.idx.msk [tilespmem:v62+s12+$0x0], $0xffff  }
0x136: {  	v3 =	vor.u32 v4, v58;
	v63 =	vld.idx.msk [tilespmem:v63+s2+$0xC400], $0xffff  }
0x137: {  	v4 =	vor.u32 v4, v59;
	v1 =	vld.idx.msk [tilespmem:v1+s12+$0x0], $0xffff  }
0x138: {  	v7 =	vor.u32 v8, v58;
	v2 =	vld.idx.msk [tilespmem:v2+s2+$0xC400], $0xffff  }
0x139: {  	v10 =	vld [tilespmem:$0x1FFC0];
	_ =	sdelay $0x1  }
0x13a: {  	v5 =	vor.u32 v6, v58;
	v3 =	vld.idx.msk [tilespmem:v3+s12+$0x0], $0xffff  }
0x13b: {  	v6 =	vor.u32 v6, v59;
	v4 =	vld.idx.msk [tilespmem:v4+s2+$0xC400], $0xffff;
	v60 =	vmul.f32 v61, v60;
	v61 =	vor.u32 v8, v59  }
0x13c: {  	v8 =	vor.u32 v9, v58;
	v62 =	vmul.f32 v63, v62;
	v1 =	vmul.f32 v2, v1;
	v2 =	vld.idx.msk [tilespmem:v7+s12+$0x0], $0xffff  }
0x13d: {  	v63 =	vor.u32 v9, v59;
	v9 =	vor.u32 v10, v58;
	v7 =	vor.u32 v10, v59;
	v10 =	vld [tilespmem:$0x1FFD0];
	_ =	sdelay $0x1  }
0x13e: {  	v5 =	vld.idx.msk [tilespmem:v5+s12+$0x0], $0xffff  }
0x13f: {  	v6 =	vld.idx.msk [tilespmem:v6+s2+$0xC400], $0xffff;
	v60 =	vadd.f32 $0.0e+00, v60  }
0x140: {  	v3 =	vmul.f32 v4, v3;
	v4 =	vld.idx.msk [tilespmem:v8+s12+$0x0], $0xffff  }
0x141: {  	v60 =	vadd.f32 v62, v60;
	v62 =	vor.u32 v10, v58;
	v8 =	vor.u32 v10, v59;
	v10 =	vld [tilespmem:$0x1FFE0];
	_ =	sdelay $0x1  }
0x142: {  	v1 =	vadd.f32 v1, v60  }
0x143: {  	v61 =	vld.idx.msk [tilespmem:v61+s2+$0xC400], $0xffff  }
0x144: {  	v60 =	vld.idx.msk [tilespmem:v63+s2+$0xC400], $0xffff;
	v1 =	vadd.f32 v3, v1  }
0x145: {  	v3 =	vmul.f32 v6, v5;
	v63 =	vor.u32 v10, v58;
	v6 =	vor.u32 v10, v59;
	v10 =	vld [tilespmem:$0x1FFF0];
	_ =	sdelay $0x2  }
0x146: {  	v7 =	vld.idx.msk [tilespmem:v7+s2+$0xC400], $0xffff  }
0x147: {  	v5 =	vld.idx.msk [tilespmem:v9+s12+$0x0], $0xffff  }
0x148: {  	v1 =	vadd.f32 v3, v1;
	v2 =	vmul.f32 v61, v2;
	v3 =	vld.idx.msk [tilespmem:v62+s12+$0x0], $0xffff;
	v9 =	vor.u32 v10, v58  }
0x149: {  	v8 =	vld.idx.msk [tilespmem:v8+s2+$0xC400], $0xffff;
	v61 =	vor.u32 v10, v59  }
0x14a: {  	v62 =	vor.u32 v11, v58;
	v1 =	vadd.f32 v2, v1;
	v2 =	vmul.f32 v60, v4;
	v4 =	vld.idx.msk [tilespmem:v63+s12+$0x0], $0xffff  }
0x14b: {  	v60 =	vor.u32 v11, v59;
	v6 =	vld.idx.msk [tilespmem:v6+s2+$0xC400], $0xffff  }
0x14c: {  	v1 =	vadd.f32 v2, v1;
	v2 =	vmul.f32 v7, v5;
	v7 =	vor.u32 v12, v59  }
0x14d: {  	v63 =	vor.u32 v12, v58;
	v5 =	vld.idx.msk [tilespmem:v9+s12+$0x0], $0xffff  }
0x14e: {  	v1 =	vadd.f32 v2, v1;
	v2 =	vmul.f32 v8, v3;
	v8 =	vor.u32 v13, v59;
	v9 =	vld.idx.msk [tilespmem:v61+s2+$0xC400], $0xffff  }
0x14f: {  	v3 =	vld.idx.msk [tilespmem:v62+s12+$0x0], $0xffff;
	v61 =	vor.u32 v13, v58  }
0x150: {  	v60 =	vld.idx.msk [tilespmem:v60+s2+$0xC400], $0xffff;
	v1 =	vadd.f32 v2, v1;
	v2 =	vmul.f32 v6, v4;
	v6 =	vor.u32 v14, v59  }
0x151: {  	v62 =	vor.u32 v14, v58;
	v7 =	vld.idx.msk [tilespmem:v7+s2+$0xC400], $0xffff  }
0x152: {  	v4 =	vld.idx.msk [tilespmem:v63+s12+$0x0], $0xffff;
	v63 =	vor.u32 v15, v58  }
0x153: {  	v8 =	vld.idx.msk [tilespmem:v8+s2+$0xC400], $0xffff;
	v1 =	vadd.f32 v2, v1;
	v2 =	vmul.f32 v9, v5;
	v9 =	vor.u32 v15, v59  }
0x154: {  	v5 =	vld.idx.msk [tilespmem:v61+s12+$0x0], $0xffff;
	v61 =	vor.u32 v16, v58  }
0x155: {  	v6 =	vld.idx.msk [tilespmem:v6+s2+$0xC400], $0xffff;
	v1 =	vadd.f32 v2, v1;
	v2 =	vmul.f32 v60, v3;
	v60 =	vor.u32 v16, v59  }
0x156: {  	v3 =	vld.idx.msk [tilespmem:v62+s12+$0x0], $0xffff;
	v62 =	vor.u32 v17, v58  }
0x157: {  	v1 =	vadd.f32 v2, v1;
	v2 =	vmul.f32 v7, v4;
	v4 =	vld.idx.msk [tilespmem:v63+s12+$0x0], $0xffff;
	v7 =	vor.u32 v17, v59  }
0x158: {  	v63 =	vor.u32 v18, v58;
	v9 =	vld.idx.msk [tilespmem:v9+s2+$0xC400], $0xffff  }
0x159: {  	v1 =	vadd.f32 v2, v1;
	v2 =	vmul.f32 v8, v5;
	v5 =	vld.idx.msk [tilespmem:v61+s12+$0x0], $0xffff;
	v8 =	vor.u32 v18, v59  }
0x15a: {  	v61 =	vor.u32 v19, v58;
	v60 =	vld.idx.msk [tilespmem:v60+s2+$0xC400], $0xffff  }
0x15b: {  	v1 =	vadd.f32 v2, v1;
	v2 =	vmul.f32 v6, v3;
	v3 =	vld.idx.msk [tilespmem:v62+s12+$0x0], $0xffff;
	v6 =	vor.u32 v19, v59  }
0x15c: {  	v62 =	vor.u32 v20, v58;
	v7 =	vld.idx.msk [tilespmem:v7+s2+$0xC400], $0xffff  }
0x15d: {  	v1 =	vadd.f32 v2, v1;
	v2 =	vmul.f32 v9, v4;
	v4 =	vld.idx.msk [tilespmem:v63+s12+$0x0], $0xffff;
	v9 =	vor.u32 v20, v59  }
0x15e: {  	v63 =	vor.u32 v21, v58;
	v8 =	vld.idx.msk [tilespmem:v8+s2+$0xC400], $0xffff  }
0x15f: {  	v1 =	vadd.f32 v2, v1;
	v2 =	vmul.f32 v60, v5;
	v5 =	vld.idx.msk [tilespmem:v61+s12+$0x0], $0xffff;
	v60 =	vor.u32 v21, v59  }
0x160: {  	v61 =	vor.u32 v22, v58;
	v6 =	vld.idx.msk [tilespmem:v6+s2+$0xC400], $0xffff  }
0x161: {  	v1 =	vadd.f32 v2, v1;
	v2 =	vmul.f32 v7, v3;
	v3 =	vld.idx.msk [tilespmem:v62+s12+$0x0], $0xffff;
	v7 =	vor.u32 v22, v59  }
0x162: {  	v62 =	vor.u32 v23, v58;
	v9 =	vld.idx.msk [tilespmem:v9+s2+$0xC400], $0xffff  }
0x163: {  	v1 =	vadd.f32 v2, v1;
	v2 =	vmul.f32 v8, v4;
	v4 =	vld.idx.msk [tilespmem:v63+s12+$0x0], $0xffff;
	v8 =	vor.u32 v23, v59  }
0x164: {  	v63 =	vor.u32 v24, v58;
	v60 =	vld.idx.msk [tilespmem:v60+s2+$0xC400], $0xffff  }
0x165: {  	v1 =	vadd.f32 v2, v1;
	v2 =	vmul.f32 v6, v5;
	v5 =	vld.idx.msk [tilespmem:v61+s12+$0x0], $0xffff;
	v6 =	vor.u32 v24, v59  }
0x166: {  	v61 =	vor.u32 v25, v58;
	v7 =	vld.idx.msk [tilespmem:v7+s2+$0xC400], $0xffff  }
0x167: {  	v1 =	vadd.f32 v2, v1;
	v2 =	vmul.f32 v9, v3;
	v3 =	vld.idx.msk [tilespmem:v62+s12+$0x0], $0xffff;
	v9 =	vor.u32 v25, v59  }
0x168: {  	v62 =	vor.u32 v26, v58;
	v8 =	vld.idx.msk [tilespmem:v8+s2+$0xC400], $0xffff  }
0x169: {  	v1 =	vadd.f32 v2, v1;
	v2 =	vmul.f32 v60, v4;
	v4 =	vld.idx.msk [tilespmem:v63+s12+$0x0], $0xffff;
	v60 =	vor.u32 v26, v59  }
0x16a: {  	v63 =	vor.u32 v27, v58;
	v6 =	vld.idx.msk [tilespmem:v6+s2+$0xC400], $0xffff  }
0x16b: {  	v1 =	vadd.f32 v2, v1;
	v2 =	vmul.f32 v7, v5;
	v5 =	vld.idx.msk [tilespmem:v61+s12+$0x0], $0xffff;
	v7 =	vor.u32 v27, v59  }
0x16c: {  	v61 =	vor.u32 v28, v58;
	v9 =	vld.idx.msk [tilespmem:v9+s2+$0xC400], $0xffff  }
0x16d: {  	v1 =	vadd.f32 v2, v1;
	v2 =	vmul.f32 v8, v3;
	v3 =	vld.idx.msk [tilespmem:v62+s12+$0x0], $0xffff;
	v8 =	vor.u32 v28, v59  }
0x16e: {  	v62 =	vor.u32 v29, v58;
	v60 =	vld.idx.msk [tilespmem:v60+s2+$0xC400], $0xffff  }
0x16f: {  	v1 =	vadd.f32 v2, v1;
	v2 =	vmul.f32 v6, v4;
	v4 =	vld.idx.msk [tilespmem:v63+s12+$0x0], $0xffff;
	v6 =	vor.u32 v29, v59  }
0x170: {  	v63 =	vor.u32 v30, v58;
	v7 =	vld.idx.msk [tilespmem:v7+s2+$0xC400], $0xffff  }
0x171: {  	v1 =	vadd.f32 v2, v1;
	v2 =	vmul.f32 v9, v5;
	v5 =	vld.idx.msk [tilespmem:v61+s12+$0x0], $0xffff;
	v9 =	vor.u32 v30, v59  }
0x172: {  	v61 =	vor.u32 v31, v58;
	v8 =	vld.idx.msk [tilespmem:v8+s2+$0xC400], $0xffff  }
0x173: {  	v1 =	vadd.f32 v2, v1;
	v2 =	vmul.f32 v60, v3;
	v3 =	vld.idx.msk [tilespmem:v62+s12+$0x0], $0xffff;
	v60 =	vor.u32 v31, v59  }
0x174: {  	v62 =	vor.u32 v32, v58;
	v6 =	vld.idx.msk [tilespmem:v6+s2+$0xC400], $0xffff  }
0x175: {  	v1 =	vadd.f32 v2, v1;
	v2 =	vmul.f32 v7, v4;
	v4 =	vld.idx.msk [tilespmem:v63+s12+$0x0], $0xffff;
	v7 =	vor.u32 v32, v59  }
0x176: {  	v63 =	vor.u32 v33, v58;
	v9 =	vld.idx.msk [tilespmem:v9+s2+$0xC400], $0xffff  }
0x177: {  	v1 =	vadd.f32 v2, v1;
	v2 =	vmul.f32 v8, v5;
	v5 =	vld.idx.msk [tilespmem:v61+s12+$0x0], $0xffff;
	v8 =	vor.u32 v33, v59  }
0x178: {  	v61 =	vor.u32 v34, v58;
	v60 =	vld.idx.msk [tilespmem:v60+s2+$0xC400], $0xffff  }
0x179: {  	v1 =	vadd.f32 v2, v1;
	v2 =	vmul.f32 v6, v3;
	v3 =	vld.idx.msk [tilespmem:v62+s12+$0x0], $0xffff;
	v6 =	vor.u32 v34, v59  }
0x17a: {  	v62 =	vor.u32 v35, v58;
	v7 =	vld.idx.msk [tilespmem:v7+s2+$0xC400], $0xffff  }
0x17b: {  	v1 =	vadd.f32 v2, v1;
	v2 =	vmul.f32 v9, v4;
	v4 =	vld.idx.msk [tilespmem:v63+s12+$0x0], $0xffff;
	v9 =	vor.u32 v35, v59  }
0x17c: {  	v63 =	vor.u32 v36, v58;
	v8 =	vld.idx.msk [tilespmem:v8+s2+$0xC400], $0xffff  }
0x17d: {  	v1 =	vadd.f32 v2, v1;
	v2 =	vmul.f32 v60, v5;
	v5 =	vld.idx.msk [tilespmem:v61+s12+$0x0], $0xffff;
	v60 =	vor.u32 v36, v59  }
0x17e: {  	v61 =	vor.u32 v37, v58;
	v6 =	vld.idx.msk [tilespmem:v6+s2+$0xC400], $0xffff  }
0x17f: {  	v1 =	vadd.f32 v2, v1;
	v2 =	vmul.f32 v7, v3;
	v3 =	vld.idx.msk [tilespmem:v62+s12+$0x0], $0xffff;
	v7 =	vor.u32 v37, v59  }
0x180: {  	v62 =	vor.u32 v38, v58;
	v9 =	vld.idx.msk [tilespmem:v9+s2+$0xC400], $0xffff  }
0x181: {  	v1 =	vadd.f32 v2, v1;
	v2 =	vmul.f32 v8, v4;
	v4 =	vld.idx.msk [tilespmem:v63+s12+$0x0], $0xffff;
	v8 =	vor.u32 v38, v59  }
0x182: {  	v63 =	vor.u32 v39, v58;
	v60 =	vld.idx.msk [tilespmem:v60+s2+$0xC400], $0xffff  }
0x183: {  	v1 =	vadd.f32 v2, v1;
	v2 =	vmul.f32 v6, v5;
	v5 =	vld.idx.msk [tilespmem:v61+s12+$0x0], $0xffff;
	v6 =	vor.u32 v39, v59  }
0x184: {  	v61 =	vor.u32 v40, v58;
	v7 =	vld.idx.msk [tilespmem:v7+s2+$0xC400], $0xffff  }
0x185: {  	v1 =	vadd.f32 v2, v1;
	v2 =	vmul.f32 v9, v3;
	v3 =	vld.idx.msk [tilespmem:v62+s12+$0x0], $0xffff;
	v9 =	vor.u32 v40, v59  }
0x186: {  	v62 =	vor.u32 v41, v58;
	v8 =	vld.idx.msk [tilespmem:v8+s2+$0xC400], $0xffff  }
0x187: {  	v1 =	vadd.f32 v2, v1;
	v2 =	vmul.f32 v60, v4;
	v4 =	vld.idx.msk [tilespmem:v63+s12+$0x0], $0xffff;
	v60 =	vor.u32 v41, v59  }
0x188: {  	v63 =	vor.u32 v42, v58;
	v6 =	vld.idx.msk [tilespmem:v6+s2+$0xC400], $0xffff  }
0x189: {  	v1 =	vadd.f32 v2, v1;
	v2 =	vmul.f32 v7, v5;
	v5 =	vld.idx.msk [tilespmem:v61+s12+$0x0], $0xffff;
	v7 =	vor.u32 v42, v59  }
0x18a: {  	v61 =	vor.u32 v43, v58;
	v9 =	vld.idx.msk [tilespmem:v9+s2+$0xC400], $0xffff  }
0x18b: {  	v1 =	vadd.f32 v2, v1;
	v2 =	vmul.f32 v8, v3;
	v3 =	vld.idx.msk [tilespmem:v62+s12+$0x0], $0xffff;
	v8 =	vor.u32 v43, v59  }
0x18c: {  	v62 =	vor.u32 v44, v58;
	v60 =	vld.idx.msk [tilespmem:v60+s2+$0xC400], $0xffff  }
0x18d: {  	v1 =	vadd.f32 v2, v1;
	v2 =	vmul.f32 v6, v4;
	v4 =	vld.idx.msk [tilespmem:v63+s12+$0x0], $0xffff;
	v6 =	vor.u32 v44, v59  }
0x18e: {  	v63 =	vor.u32 v45, v58;
	v7 =	vld.idx.msk [tilespmem:v7+s2+$0xC400], $0xffff  }
0x18f: {  	v1 =	vadd.f32 v2, v1;
	v2 =	vmul.f32 v9, v5;
	v5 =	vld.idx.msk [tilespmem:v61+s12+$0x0], $0xffff;
	v9 =	vor.u32 v45, v59  }
0x190: {  	v61 =	vor.u32 v46, v58;
	v8 =	vld.idx.msk [tilespmem:v8+s2+$0xC400], $0xffff  }
0x191: {  	v1 =	vadd.f32 v2, v1;
	v2 =	vmul.f32 v60, v3;
	v3 =	vld.idx.msk [tilespmem:v62+s12+$0x0], $0xffff;
	v60 =	vor.u32 v46, v59  }
0x192: {  	v62 =	vor.u32 v47, v58;
	v6 =	vld.idx.msk [tilespmem:v6+s2+$0xC400], $0xffff  }
0x193: {  	v1 =	vadd.f32 v2, v1;
	v2 =	vmul.f32 v7, v4;
	v4 =	vld.idx.msk [tilespmem:v63+s12+$0x0], $0xffff;
	v7 =	vor.u32 v47, v59  }
0x194: {  	v63 =	vor.u32 v48, v58;
	v9 =	vld.idx.msk [tilespmem:v9+s2+$0xC400], $0xffff  }
0x195: {  	v1 =	vadd.f32 v2, v1;
	v2 =	vmul.f32 v8, v5;
	v5 =	vld.idx.msk [tilespmem:v61+s12+$0x0], $0xffff;
	v8 =	vor.u32 v48, v59  }
0x196: {  	v61 =	vor.u32 v49, v58;
	v60 =	vld.idx.msk [tilespmem:v60+s2+$0xC400], $0xffff  }
0x197: {  	v1 =	vadd.f32 v2, v1;
	v2 =	vmul.f32 v6, v3;
	v3 =	vld.idx.msk [tilespmem:v62+s12+$0x0], $0xffff;
	v6 =	vor.u32 v49, v59  }
0x198: {  	v62 =	vor.u32 v50, v58;
	v7 =	vld.idx.msk [tilespmem:v7+s2+$0xC400], $0xffff  }
0x199: {  	v1 =	vadd.f32 v2, v1;
	v2 =	vmul.f32 v9, v4;
	v4 =	vld.idx.msk [tilespmem:v63+s12+$0x0], $0xffff;
	v9 =	vor.u32 v50, v59  }
0x19a: {  	v63 =	vor.u32 v51, v58;
	v8 =	vld.idx.msk [tilespmem:v8+s2+$0xC400], $0xffff  }
0x19b: {  	v1 =	vadd.f32 v2, v1;
	v2 =	vmul.f32 v60, v5;
	v5 =	vld.idx.msk [tilespmem:v61+s12+$0x0], $0xffff;
	v60 =	vor.u32 v51, v59  }
0x19c: {  	v61 =	vor.u32 v52, v58;
	v6 =	vld.idx.msk [tilespmem:v6+s2+$0xC400], $0xffff  }
0x19d: {  	v1 =	vadd.f32 v2, v1;
	v2 =	vmul.f32 v7, v3;
	v3 =	vld.idx.msk [tilespmem:v62+s12+$0x0], $0xffff;
	v7 =	vor.u32 v52, v59  }
0x19e: {  	v62 =	vor.u32 v53, v58;
	v9 =	vld.idx.msk [tilespmem:v9+s2+$0xC400], $0xffff  }
0x19f: {  	v1 =	vadd.f32 v2, v1;
	v2 =	vmul.f32 v8, v4;
	v4 =	vld.idx.msk [tilespmem:v63+s12+$0x0], $0xffff;
	v8 =	vor.u32 v53, v59  }
0x1a0: {  	v63 =	vor.u32 v54, v58;
	v60 =	vld.idx.msk [tilespmem:v60+s2+$0xC400], $0xffff  }
0x1a1: {  	v1 =	vadd.f32 v2, v1;
	v2 =	vmul.f32 v6, v5;
	v5 =	vld.idx.msk [tilespmem:v61+s12+$0x0], $0xffff;
	v6 =	vor.u32 v54, v59  }
0x1a2: {  	v61 =	vor.u32 v55, v58;
	v7 =	vld.idx.msk [tilespmem:v7+s2+$0xC400], $0xffff  }
0x1a3: {  	v1 =	vadd.f32 v2, v1;
	v2 =	vmul.f32 v9, v3;
	v3 =	vld.idx.msk [tilespmem:v62+s12+$0x0], $0xffff;
	v9 =	vor.u32 v55, v59  }
0x1a4: {  	v62 =	vor.u32 v56, v58;
	v8 =	vld.idx.msk [tilespmem:v8+s2+$0xC400], $0xffff  }
0x1a5: {  	v1 =	vadd.f32 v2, v1;
	v2 =	vmul.f32 v60, v4;
	v4 =	vld.idx.msk [tilespmem:v63+s12+$0x0], $0xffff;
	v60 =	vor.u32 v56, v59  }
0x1a6: {  	v6 =	vld.idx.msk [tilespmem:v6+s2+$0xC400], $0xffff  }
0x1a7: {  	v1 =	vadd.f32 v2, v1;
	v2 =	vmul.f32 v7, v5;
	v5 =	vld.idx.msk [tilespmem:v61+s12+$0x0], $0xffff;
	v7 =	vor.u32 v57, v58  }
0x1a8: {  	v63 =	vor.u32 $0x3A, v0;
	v61 =	vor.u32 v57, v59;
	v9 =	vld.idx.msk [tilespmem:v9+s2+$0xC400], $0xffff  }
0x1a9: {  	v1 =	vadd.f32 v2, v1;
	v2 =	vmul.f32 v8, v3;
	v3 =	vld.idx.msk [tilespmem:v62+s12+$0x0], $0xffff;
	v8 =	vor.u32 v63, v58  }
0x1aa: {  	v62 =	vor.u32 v63, v59;
	v63 =	vor.u32 $0x3B, v0;
	v60 =	vld.idx.msk [tilespmem:v60+s2+$0xC400], $0xffff  }
0x1ab: {  	v1 =	vadd.f32 v2, v1;
	v2 =	vmul.f32 v6, v4;
	v4 =	vor.u32 v63, v58  }
0x1ac: {  	v6 =	vld.idx.msk [tilespmem:v7+s12+$0x0], $0xffff;
	v7 =	vor.u32 v63, v59;
	v63 =	vor.u32 $0x3C, v0  }
0x1ad: {  	v1 =	vadd.f32 v2, v1;
	v2 =	vmul.f32 v9, v5;
	v5 =	vld.idx.msk [tilespmem:v61+s2+$0xC400], $0xffff;
	v9 =	vor.u32 v63, v58  }
0x1ae: {  	v61 =	vor.u32 v63, v59;
	v63 =	vor.u32 $0x3D, v0;
	v8 =	vld.idx.msk [tilespmem:v8+s12+$0x0], $0xffff  }
0x1af: {  	v1 =	vadd.f32 v2, v1;
	v2 =	vmul.f32 v60, v3;
	v3 =	vld.idx.msk [tilespmem:v62+s2+$0xC400], $0xffff;
	v60 =	vor.u32 v63, v58  }
0x1b0: {  	v62 =	vor.u32 v63, v59;
	v63 =	vor.u32 $0x3E, v0;
	v4 =	vld.idx.msk [tilespmem:v4+s12+$0x0], $0xffff  }
0x1b1: {  	v1 =	vadd.f32 v2, v1;
	v2 =	vld.idx.msk [tilespmem:v7+s2+$0xC400], $0xffff;
	v7 =	vor.u32 v63, v58  }
0x1b2: {  	v5 =	vmul.f32 v5, v6;
	v6 =	vld.idx.msk [tilespmem:v9+s12+$0x0], $0xffff;
	v9 =	vor.u32 v63, v59;
	v63 =	vor.u32 $0x3F, v0  }
0x1b3: {  	v61 =	vld.idx.msk [tilespmem:v61+s2+$0xC400], $0xffff;
	v58 =	vor.u32 v63, v58  }
0x1b4: {  	v1 =	vadd.f32 v5, v1;
	v3 =	vmul.f32 v3, v8;
	v5 =	vor.u32 v63, v59;
	v8 =	vld.idx.msk [tilespmem:v60+s12+$0x0], $0xffff  }
0x1b5: {  	v60 =	vld.idx.msk [tilespmem:v62+s2+$0xC400], $0xffff  }
0x1b6: {  	v1 =	vadd.f32 v3, v1;
	v2 =	vmul.f32 v2, v4;
	v3 =	vld.idx.msk [tilespmem:v7+s12+$0x0], $0xffff  }
0x1b7: {  	v62 =	vld.idx.msk [tilespmem:v9+s2+$0xC400], $0xffff  }
0x1b8: {  	v1 =	vadd.f32 v2, v1;
	v2 =	vmul.f32 v61, v6;
	v63 =	vld.idx.msk [tilespmem:v58+s12+$0x0], $0xffff  }
0x1b9: {  	v5 =	vld.idx.msk [tilespmem:v5+s2+$0xC400], $0xffff  }
0x1ba: {  	v1 =	vadd.f32 v2, v1;
	v2 =	vmul.f32 v60, v8;
	_ =	sdelay $0x1  }
0x1bb: {  	v1 =	vadd.f32 v2, v1;
	v2 =	vmul.f32 v62, v3;
	_ =	sdelay $0x1  }
0x1bc: {  	v1 =	vadd.f32 v2, v1;
	v2 =	vmul.f32 v5, v63;
	_ =	sdelay $0x1  }
0x1bd: {  	v1 =	vadd.f32 v2, v1;
	_ =	sdelay $0x1  }
0x1be: {  	v1 =	vsub.f32 $0.0e+00, v1;
	_ =	sdelay $0x1  }
0x1bf: {  	v1 =	vmul.f32 $1.442695020e+00, v1;
	_ =	sdelay $0x1  }
0x1c0: {  	(erf) = vpow2.f32 v1;
	_ =	sdelay $0x8  }
0x1c1: {  	v1 =	vpop (erf)  }
0x1c2: {  	v1 =	vadd.f32 $1.000000000e+00, v1;
	_ =	sdelay $0x1  }
0x1c3: {  	(erf) = vrcp.f32 v1;
	_ =	sdelay $0x3  }
0x1c4: {  	s0 =	sadd.s32 $0x1, s0  }
0x1c5: {  	p0 =	sne.s32 s0, $0x20  }
.Ltmp3:
0x1c6: {  	_ = 	snop;
	(pc) =	sbr.rel @!p0 .LBB2_5-.Ltmp3, $3  }
0x1c7: {  	_ =	sdelay $0x1  }
0x1c8: {  	v1 =	vpop (erf)  }
0x1c9: {  	s29 =	sadd.s32 $0x10, s29;
	s30 =	sadd.s32 $0x10, s30;
	[tilespmem:s31+$0x0] =	vst v1;
	s31 =	sadd.s32 $0x10, s31  }
.LBB2_2:
0x1ca: {  	p0 =	sgt.u32 s0, $0x1D  }
.Ltmp4:
0x1cb: {  	_ = 	snop;
	(pc) =	sbr.rel @p0 .LBB2_4-.Ltmp4, $1  }
0x1cc: {  	_ =	sdelay $0x3  }
0x1cd: {  	v58 =	vld [tilespmem:s29+$0x0];
	_ =	sdelay $0x1  }
0x1ce: {  	v59 =	vld [tilespmem:s30+$0x0];
	_ =	sdelay $0x2  }
0x1cf: {  	v58 =	vand.u32 $0xFFFFFFF8, v58  }
0x1d0: {  	v58 =	vshll.u32 v58, $0x4  }
0x1d1: {  	v59 =	vand.u32 $0xFFFFFFF8, v59;
	v58 =	vadd.s32 s3, v58  }
0x1d2: {  	v59 =	vshll.u32 v59, $0x4;
	(v2sf) =	vpush v58, $0x0  }
0x1d3: {  	v59 =	vadd.s32 s3, v59  }
0x1d4: {  	(v2sf) =	vpush v59, $0x0;
	_ =	sdelay $0x1  }
0x1d5: {  	(v2sf) =	vpush v58, $0x1  }
0x1d6: {  	s2 =	sadd.s32 $0x2, s0  }
0x1d7: {  	s9 =	smul.u32 $0xAB, s2;
	(v2sf) =	vpush v59, $0x1;
	_ =	sdelay $0x1  }
0x1d8: {  	s9 =	sshrl.u32 s9, $0x9;
	(v2sf) =	vpush v58, $0x2  }
0x1d9: {  	s9 =	sand.u32 $0x7F, s9  }
0x1da: {  	s9 =	smul.u32 $0x3, s9;
	(v2sf) =	vpush v59, $0x2;
	_ =	sdelay $0x1  }
0x1db: {  	s2 =	ssub.s32 s2, s9;
	(v2sf) =	vpush v58, $0x3  }
0x1dc: {  	s10 =	sand.u32 $0xFF, s2  }
0x1dd: {  	s2 =	sshll.u32 s10, $0xE;
	(v2sf) =	vpush v59, $0x3  }
0x1de: {  	s9 =	sadd.s32 $0x1, s10;
	s11 =	sor.u32 $0x400, s2;
	s12 =	spop (v2sf)  }
0x1df: {  	(v2sf) =	vpush v58, $0x4;
	[tilespmem:s11], [sflag:s9] =	stream.linear.gather [hbm4b:s12+s1], $0x400, $0x38;
	[tilespmem:$0x18600] =	vst v63  }
0x1e0: {  	s10 =	sor.u32 $0x4, s10;
	s11 =	sadd.s32 $0xC400, s2;
	s12 =	spop (v2sf)  }
0x1e1: {  	(v2sf) =	vpush v59, $0x4;
	[tilespmem:s11], [sflag:s10] =	stream.linear.gather [hbm4b:s12+s1], $0x400, $0x38;
	[tilespmem:$0x18600] =	vst v63  }
0x1e2: {  	s11 =	sor.u32 $0x800, s2;
	s12 =	spop (v2sf)  }
0x1e3: {  	(v2sf) =	vpush v58, $0x5;
	[tilespmem:s11], [sflag:s9] =	stream.linear.gather [hbm4b:s12+s1], $0x400, $0x38;
	[tilespmem:$0x18600] =	vst v63  }
0x1e4: {  	s11 =	sadd.s32 $0xC800, s2;
	s12 =	spop (v2sf)  }
0x1e5: {  	(v2sf) =	vpush v59, $0x5;
	[tilespmem:s11], [sflag:s10] =	stream.linear.gather [hbm4b:s12+s1], $0x400, $0x38;
	[tilespmem:$0x18600] =	vst v63  }
0x1e6: {  	s11 =	sor.u32 $0xC00, s2;
	s12 =	spop (v2sf)  }
0x1e7: {  	(v2sf) =	vpush v58, $0x6;
	[tilespmem:s11], [sflag:s9] =	stream.linear.gather [hbm4b:s12+s1], $0x400, $0x38;
	[tilespmem:$0x18600] =	vst v63  }
0x1e8: {  	s11 =	sadd.s32 $0xCC00, s2;
	s12 =	spop (v2sf)  }
0x1e9: {  	(v2sf) =	vpush v59, $0x6;
	[tilespmem:s11], [sflag:s10] =	stream.linear.gather [hbm4b:s12+s1], $0x400, $0x38;
	[tilespmem:$0x18600] =	vst v63  }
0x1ea: {  	s11 =	sor.u32 $0x1000, s2;
	s12 =	spop (v2sf)  }
0x1eb: {  	(v2sf) =	vpush v58, $0x7;
	[tilespmem:s11], [sflag:s9] =	stream.linear.gather [hbm4b:s12+s1], $0x400, $0x38;
	[tilespmem:$0x18600] =	vst v63  }
0x1ec: {  	s11 =	sadd.s32 $0xD000, s2;
	s12 =	spop (v2sf)  }
0x1ed: {  	(v2sf) =	vpush v59, $0x7;
	[tilespmem:s11], [sflag:s10] =	stream.linear.gather [hbm4b:s12+s1], $0x400, $0x38;
	[tilespmem:$0x18600] =	vst v63  }
0x1ee: {  	s11 =	sor.u32 $0x1400, s2;
	s12 =	spop (v2sf)  }
0x1ef: {  	(v2sf) =	vpush v58, $0x8;
	[tilespmem:s11], [sflag:s9] =	stream.linear.gather [hbm4b:s12+s1], $0x400, $0x38;
	[tilespmem:$0x18600] =	vst v63  }
0x1f0: {  	s11 =	sadd.s32 $0xD400, s2;
	s12 =	spop (v2sf)  }
0x1f1: {  	(v2sf) =	vpush v59, $0x8;
	[tilespmem:s11], [sflag:s10] =	stream.linear.gather [hbm4b:s12+s1], $0x400, $0x38;
	[tilespmem:$0x18600] =	vst v63  }
0x1f2: {  	s11 =	sor.u32 $0x1800, s2;
	s12 =	spop (v2sf)  }
0x1f3: {  	(v2sf) =	vpush v58, $0x9;
	[tilespmem:s11], [sflag:s9] =	stream.linear.gather [hbm4b:s12+s1], $0x400, $0x38;
	[tilespmem:$0x18600] =	vst v63  }
0x1f4: {  	s11 =	sadd.s32 $0xD800, s2;
	s12 =	spop (v2sf)  }
0x1f5: {  	(v2sf) =	vpush v59, $0x9;
	[tilespmem:s11], [sflag:s10] =	stream.linear.gather [hbm4b:s12+s1], $0x400, $0x38;
	[tilespmem:$0x18600] =	vst v63  }
0x1f6: {  	s11 =	sor.u32 $0x1C00, s2;
	s12 =	spop (v2sf)  }
0x1f7: {  	(v2sf) =	vpush v58, $0xA;
	[tilespmem:s11], [sflag:s9] =	stream.linear.gather [hbm4b:s12+s1], $0x400, $0x38;
	[tilespmem:$0x18600] =	vst v63  }
0x1f8: {  	s11 =	sadd.s32 $0xDC00, s2;
	s12 =	spop (v2sf)  }
0x1f9: {  	(v2sf) =	vpush v59, $0xA;
	[tilespmem:s11], [sflag:s10] =	stream.linear.gather [hbm4b:s12+s1], $0x400, $0x38;
	[tilespmem:$0x18600] =	vst v63  }
0x1fa: {  	s11 =	sor.u32 $0x2000, s2;
	s12 =	spop (v2sf)  }
0x1fb: {  	(v2sf) =	vpush v58, $0xB;
	[tilespmem:s11], [sflag:s9] =	stream.linear.gather [hbm4b:s12+s1], $0x400, $0x38;
	[tilespmem:$0x18600] =	vst v63  }
0x1fc: {  	s11 =	sadd.s32 $0xE000, s2;
	s12 =	spop (v2sf)  }
0x1fd: {  	(v2sf) =	vpush v59, $0xB;
	[tilespmem:s11], [sflag:s10] =	stream.linear.gather [hbm4b:s12+s1], $0x400, $0x38;
	[tilespmem:$0x18600] =	vst v63  }
0x1fe: {  	s11 =	sor.u32 $0x2400, s2;
	s12 =	spop (v2sf)  }
0x1ff: {  	(v2sf) =	vpush v58, $0xC;
	[tilespmem:s11], [sflag:s9] =	stream.linear.gather [hbm4b:s12+s1], $0x400, $0x38;
	[tilespmem:$0x18600] =	vst v63  }
0x200: {  	s11 =	sadd.s32 $0xE400, s2;
	s12 =	spop (v2sf)  }
0x201: {  	(v2sf) =	vpush v59, $0xC;
	[tilespmem:s11], [sflag:s10] =	stream.linear.gather [hbm4b:s12+s1], $0x400, $0x38;
	[tilespmem:$0x18600] =	vst v63  }
0x202: {  	s11 =	sor.u32 $0x2800, s2;
	s12 =	spop (v2sf)  }
0x203: {  	(v2sf) =	vpush v58, $0xD;
	[tilespmem:s11], [sflag:s9] =	stream.linear.gather [hbm4b:s12+s1], $0x400, $0x38;
	[tilespmem:$0x18600] =	vst v63  }
0x204: {  	s11 =	sadd.s32 $0xE800, s2;
	s12 =	spop (v2sf)  }
0x205: {  	(v2sf) =	vpush v59, $0xD;
	[tilespmem:s11], [sflag:s10] =	stream.linear.gather [hbm4b:s12+s1], $0x400, $0x38;
	[tilespmem:$0x18600] =	vst v63  }
0x206: {  	s11 =	sor.u32 $0x2C00, s2;
	s12 =	spop (v2sf)  }
0x207: {  	(v2sf) =	vpush v58, $0xE;
	[tilespmem:s11], [sflag:s9] =	stream.linear.gather [hbm4b:s12+s1], $0x400, $0x38;
	[tilespmem:$0x18600] =	vst v63  }
0x208: {  	s11 =	sadd.s32 $0xEC00, s2;
	s12 =	spop (v2sf)  }
0x209: {  	(v2sf) =	vpush v59, $0xE;
	[tilespmem:s11], [sflag:s10] =	stream.linear.gather [hbm4b:s12+s1], $0x400, $0x38;
	[tilespmem:$0x18600] =	vst v63  }
0x20a: {  	s11 =	sor.u32 $0x3000, s2;
	s12 =	spop (v2sf)  }
0x20b: {  	[tilespmem:s11], [sflag:s9] =	stream.linear.gather [hbm4b:s12+s1], $0x400, $0x38;
	[tilespmem:$0x18600] =	vst v63  }
0x20c: {  	(v2sf) =	vpush v58, $0xF;
	s11 =	sadd.s32 $0xF000, s2;
	s12 =	spop (v2sf)  }
0x20d: {  	[tilespmem:s11], [sflag:s10] =	stream.linear.gather [hbm4b:s12+s1], $0x400, $0x38;
	[tilespmem:$0x18600] =	vst v63  }
0x20e: {  	(v2sf) =	vpush v59, $0xF;
	s11 =	spop (v2sf);
	s12 =	sor.u32 $0x3400, s2  }
0x20f: {  	[tilespmem:s12], [sflag:s9] =	stream.linear.gather [hbm4b:s11+s1], $0x400, $0x38;
	[tilespmem:$0x18600] =	vst v63  }
0x210: {  	s11 =	spop (v2sf);
	s12 =	sadd.s32 $0xF400, s2  }
0x211: {  	[tilespmem:s12], [sflag:s10] =	stream.linear.gather [hbm4b:s11+s1], $0x400, $0x38;
	[tilespmem:$0x18600] =	vst v63  }
0x212: {  	s11 =	spop (v2sf);
	s12 =	sor.u32 $0x3800, s2  }
0x213: {  	[tilespmem:s12], [sflag:s9] =	stream.linear.gather [hbm4b:s11+s1], $0x400, $0x38;
	[tilespmem:$0x18600] =	vst v63  }
0x214: {  	s11 =	spop (v2sf);
	s12 =	sadd.s32 $0xF800, s2  }
0x215: {  	[tilespmem:s12], [sflag:s10] =	stream.linear.gather [hbm4b:s11+s1], $0x400, $0x38;
	[tilespmem:$0x18600] =	vst v63  }
0x216: {  	s11 =	spop (v2sf);
	s12 =	sor.u32 $0x3C00, s2  }
0x217: {  	[tilespmem:s12], [sflag:s9] =	stream.linear.gather [hbm4b:s11+s1], $0x400, $0x38;
	[tilespmem:$0x18600] =	vst v63  }
0x218: {  	s11 =	spop (v2sf);
	s12 =	sadd.s32 $0xFC00, s2  }
0x219: {  	[tilespmem:s12], [sflag:s10] =	stream.linear.gather [hbm4b:s11+s1], $0x400, $0x38;
	[tilespmem:$0x18600] =	vst v63  }
.Ltmp5:
0x21a: {  	_ = 	snop;
	(pc) =	sbr.rel .LBB2_4-.Ltmp5, $4  }
0x21b: {  	s11 =	spop (v2sf);
	s12 =	sadd.s32 $0x4000, s2  }
0x21c: {  	[tilespmem:s12], [sflag:s9] =	stream.linear.gather [hbm4b:s11+s1], $0x400, $0x38;
	[tilespmem:$0x18600] =	vst v63  }
0x21d: {  	s2 =	sor.u32 $0x10000, s2;
	s12 =	spop (v2sf)  }
0x21e: {  	[tilespmem:s2], [sflag:s10] =	stream.linear.gather [hbm4b:s12+s1], $0x400, $0x38;
	[tilespmem:$0x18600] =	vst v63  }
.LBB2_6:
0x21f: {  	_ =	sfence.sel $0x180000  }
0x220: {  	[bflag:$0x0] =	sbarrier.arrive $0xFFFF  }
0x221: {  	_ =	strace $0x90000047  }
0x222: {  	s0 =	stileid.u32;
	[bflag:$0x2] =	sbarrier.arrive $0xFFFF  }
0x223: {  	p0 =	sne.s32 s0, $0x0;
	s0 =	rddreg [dreg:$0x4]  }
0x224: {  	s0 =	sadd.s32 @!p0 $0x100000, s0  }
0x225: {  	[sflag:s0] =	ssyncadd.tile.s32 @!p0 $0x1;
	_ =	shalt  }
.Lfunc_end2:
_tile_overlayer_lowered:
.L_overlay_start_2:
0x226: {  	(tag) =	ssettag $0x2  }
0x227: {  	s0 =	rddreg [dreg:$0x0];
	s2 =	stileid.u32  }
0x228: {  	s1 =	rddreg [dreg:$0x1];
	p0 =	sne.s32 s2, $0x0  }
0x229: {  	s3 =	rddreg [dreg:$0x2];
	[bflag:$0x3] =	sbarrier.arrive $0xFFFF;
	s2 =	simm.s32 @!p0 $0x1C07  }
0x22a: {  	[timem:s3], [sflag:s2] =	dma.local @!p0 [hbm:s0], s1  }
0x22b: {  	s0 =	simm.s32 @!p0 $0x7  }
0x22c: {  	_ =	swait.ge @!p0 [sflag:s0], s1  }
0x22d: {  	s1 =	ssub.s32 @!p0 $0x0, s1;
	[sflag:s0] =	ssyncset.done @!p0 $0x0  }
0x22e: {  	[sflag:s0] =	ssyncadd.s32 @!p0 s1  }
0x22f: {  	[bflag:$0x3] =	sbarrier.arrive $0xFFFF  }
0x230: {  	_ =	shalt  }

</sc_bundles>
